<compile_context>
chip_gen: v7x
topology: tpu7x:2x2x1
jax: 0.10.2.dev20260603
libtpu: 0.0.44.dev20260713+nightly
codegen_flags: <defaults>
</compile_context>

<pallas_src>
import functools

import jax
import jax.numpy as jnp
from jax import lax
from jax.experimental import pallas as pl
from jax.experimental.pallas import tpu as pltpu
from jax.experimental.pallas import tpu_sc as plsc

N = 10000
E = 160000
D = 256
DE = 16
G = 64

_P = jax.lax.Precision.HIGHEST
_F32 = jnp.float32

_BE = 2000


def _edge_mlp_body(ea_ref, w_ref, b_ref, out_ref):
    e = jnp.dot(ea_ref[...], w_ref[...],
                preferred_element_type=_F32) + b_ref[...]
    e = e * jax.nn.sigmoid(e)
    out_ref[0] = e[:, :128]
    out_ref[1] = e[:, 128:]


def _edge_mlp(ea, w, b):
    return pl.pallas_call(
        _edge_mlp_body,
        grid=(E // _BE,),
        in_specs=[
            pl.BlockSpec((_BE, DE), lambda i: (i, 0)),
            pl.BlockSpec((DE, D), lambda i: (0, 0)),
            pl.BlockSpec((1, D), lambda i: (0, 0)),
        ],
        out_specs=pl.BlockSpec((2, _BE, 128), lambda i: (0, i, 0)),
        out_shape=jax.ShapeDtypeStruct((2, E, 128), _F32),
    )(ea, w, b)


_CH = 40
_EPT = E // 16
_NCHUNK = _EPT // _CH
_NPT = 624


def _sc_gather_scatter(x2, e2, src3, dst3):
    mesh = plsc.VectorSubcoreMesh(core_axis_name="c", subcore_axis_name="s")

    @functools.partial(
        pl.kernel,
        out_type=jax.ShapeDtypeStruct((2 * N, 128), _F32),
        mesh=mesh,
        scratch_types=[
            pltpu.VMEM((_CH,), jnp.int32),
            pltpu.VMEM((_CH,), jnp.int32),
            pltpu.VMEM((_CH,), jnp.int32),
            pltpu.VMEM((_CH,), jnp.int32),
            pltpu.VMEM((_CH,), jnp.int32),
            pltpu.VMEM((_CH,), jnp.int32),
            pltpu.VMEM((_CH, 128), _F32),
            pltpu.VMEM((_CH, 128), _F32),
            pltpu.VMEM((_CH, 128), _F32),
            pltpu.VMEM((_CH, 128), _F32),
            pltpu.VMEM((_CH, 128), _F32),
            pltpu.VMEM((_CH, 128), _F32),
            pltpu.VMEM_SHARED((N, 128), _F32),
            pltpu.SemaphoreType.DMA,
            pltpu.SemaphoreType.DMA,
            pltpu.SemaphoreType.DMA,
            pltpu.SemaphoreType.DMA,
            pltpu.SemaphoreType.DMA,
            pltpu.SemaphoreType.DMA,
            pltpu.SemaphoreType.DMA,
            pltpu.SemaphoreType.DMA,
            pltpu.SemaphoreType.DMA,
        ],
    )
    def body(x2_hbm, e2_hbm, src_hbm, dst_hbm, out_hbm,
             sidx0, sidx1, sidx2, didx0, didx1, didx2,
             xbuf0, xbuf1, ebuf0, ebuf1, mbuf0, mbuf1, agg_sh,
             isem0, isem1, isem2, gsem0, gsem1, esem0, esem1, ssem0, ssem1):
        c = lax.axis_index("c")
        s = lax.axis_index("s")
        sidx = [sidx0, sidx1, sidx2]
        didx = [didx0, didx1, didx2]
        isem = [isem0, isem1, isem2]
        xbuf = [xbuf0, xbuf1]
        ebuf = [ebuf0, ebuf1]
        mbuf = [mbuf0, mbuf1]
        gsem = [gsem0, gsem1]
        esem = [esem0, esem1]
        ssem = [ssem0, ssem1]

        srow = (c * 16 + s) * _NCHUNK
        drow = s * _NCHUNK

        def idx_issue(i, r):
            pltpu.async_copy(src_hbm.at[srow + i], sidx[r], isem[r])
            pltpu.async_copy(dst_hbm.at[drow + i], didx[r], isem[r])

        def idx_wait(i, r):
            pltpu.make_async_copy(src_hbm.at[srow + i], sidx[r],
                                  isem[r]).wait()
            pltpu.make_async_copy(dst_hbm.at[drow + i], didx[r],
                                  isem[r]).wait()

        idx_issue(0, 0)
        idx_issue(1, 1)

        def zrow(j, carry):
            for k in range(8):
                mbuf0[j, pl.ds(k * 16, 16)] = jnp.zeros((16,), _F32)
            return carry

        lax.fori_loop(0, _CH, zrow, 0)
        for m in range(15):
            pltpu.sync_copy(mbuf0, agg_sh.at[pl.ds(s * _NPT + m * _CH,
                                                   _CH)])
        pltpu.sync_copy(mbuf0.at[pl.ds(0, 24)],
                        agg_sh.at[pl.ds(s * _NPT + 15 * _CH, 24)])

        @pl.when(s == 15)
        def _():
            pltpu.sync_copy(mbuf0.at[pl.ds(0, 16)],
                            agg_sh.at[pl.ds(16 * _NPT, 16)])

        plsc.subcore_barrier()

        def issue(i, p, r):
            pltpu.async_copy(x2_hbm.at[sidx[r]], xbuf[p], gsem[p])
            pltpu.async_copy(
                e2_hbm.at[pl.ds(c * E + s * _EPT + i * _CH, _CH)],
                ebuf[p], esem[p])

        idx_wait(0, 0)
        issue(0, 0, 0)

        def step(i, p, r):
            q = 1 - p
            r1 = (r + 1) % 3
            r2 = (r + 2) % 3

            @pl.when(i >= 1)
            def _():
                pltpu.make_async_copy(
                    mbuf[q], agg_sh.at[didx[r2]], ssem[q]).wait()

            @pl.when(i + 2 < _NCHUNK)
            def _():
                idx_issue(i + 2, r2)

            @pl.when(i + 1 < _NCHUNK)
            def _():
                idx_wait(i + 1, r1)
                issue(i + 1, q, r1)

            pltpu.make_async_copy(x2_hbm.at[sidx[r]], xbuf[p],
                                  gsem[p]).wait()
            pltpu.make_async_copy(
                e2_hbm.at[pl.ds(c * E + s * _EPT + i * _CH, _CH)],
                ebuf[p], esem[p]).wait()

            def row(j, rc):
                for k in range(8):
                    sl = pl.ds(k * 16, 16)
                    mbuf[p][j, sl] = jnp.maximum(
                        xbuf[p][j, sl] + ebuf[p][j, sl], 0.0)
                return rc

            lax.fori_loop(0, _CH, row, 0)
            pltpu.async_copy(mbuf[p], agg_sh.at[didx[r]], ssem[p],
                             add=True)

        def chunk(i, carry):
            for pp in range(2):
                for rr in range(3):
                    @pl.when(jnp.logical_and(i % 2 == pp, i % 3 == rr))
                    def _():
                        step(i, pp, rr)

            return carry

        lax.fori_loop(0, _NCHUNK, chunk, 0)
        pltpu.make_async_copy(
            mbuf[1], agg_sh.at[didx[(_NCHUNK - 1) % 3]], ssem[1]).wait()
        plsc.subcore_barrier()
        pltpu.sync_copy(agg_sh.at[pl.ds(s * _NPT, _NPT)],
                        out_hbm.at[pl.ds(c * N + s * _NPT, _NPT)])

        @pl.when(s == 15)
        def _():
            pltpu.sync_copy(agg_sh.at[pl.ds(16 * _NPT, 16)],
                            out_hbm.at[pl.ds(c * N + 16 * _NPT, 16)])

    return body(x2, e2, src3, dst3)


_BN = 2000
_NB = N // _BN


def _silu(v):
    return v * jax.nn.sigmoid(v)


def _xsplit_body(x_ref, out_ref):
    xv = x_ref[...]
    out_ref[0] = xv[:, :128]
    out_ref[1] = xv[:, 128:]


def _xsplit(x):
    return pl.pallas_call(
        _xsplit_body,
        grid=(_NB,),
        in_specs=[pl.BlockSpec((_BN, D), lambda i: (i, 0))],
        out_specs=pl.BlockSpec((2, _BN, 128), lambda i: (0, i, 0)),
        out_shape=jax.ShapeDtypeStruct((2, N, 128), _F32),
    )(x)


def _oht(n2g_ref):
    n2g = n2g_ref[0, 0, :]
    lanes = jax.lax.broadcasted_iota(jnp.int32, (_BN, 128), 1)
    return (n2g[:, None] == lanes).astype(_F32)


def _node_body(lo_ref, hi_ref, x_ref, scale_ref, w1_ref, b1_ref, w2_ref,
               b2_ref, n2g_ref, gw_ref, gb_ref, out_ref, h2_s, st_s):
    i = pl.program_id(0)

    @pl.when(i < _NB)
    def _():
        ib = i
        h0 = jnp.concatenate([lo_ref[...], hi_ref[...]], axis=1)
        h0 = h0 + scale_ref[0, 0] * x_ref[...]
        h1 = _silu(jnp.dot(h0, w1_ref[...],
                           preferred_element_type=_F32) + b1_ref[...])
        h2 = _silu(jnp.dot(h1, w2_ref[...],
                           preferred_element_type=_F32) + b2_ref[...])
        h2_s[pl.ds(ib * _BN, _BN), :] = h2
        out_ref[...] = h2
        rs = jnp.sum(h2, axis=1)
        rs2 = jnp.sum(h2 * h2, axis=1)
        stacked = jnp.concatenate(
            [rs[None, :], rs2[None, :], jnp.ones((1, _BN), _F32),
             jnp.zeros((5, _BN), _F32)], axis=0)
        part = jnp.dot(stacked, _oht(n2g_ref), preferred_element_type=_F32,
                       precision=_P)

        @pl.when(i == 0)
        def _():
            st_s[...] = part

        @pl.when(i > 0)
        def _():
            st_s[...] = st_s[...] + part

    @pl.when(i >= _NB)
    def _():
        ib = i - _NB
        st = st_s[...]
        cnt = jnp.maximum(st[2:3, :], 1.0)
        norm = cnt * float(D)
        mean = st[0:1, :] / norm
        var = st[1:2, :] / norm - mean * mean
        rstd = lax.rsqrt(var + 1e-5)
        oht = _oht(n2g_ref)
        dn = (((1,), (1,)), ((), ()))
        m_n = lax.dot_general(oht, mean, dn, precision=_P,
                              preferred_element_type=_F32)
        r_n = lax.dot_general(oht, rstd, dn, precision=_P,
                              preferred_element_type=_F32)
        h2v = h2_s[pl.ds(ib * _BN, _BN), :]
        out = (h2v - m_n) * r_n * gw_ref[...] + gb_ref[...]
        out = (out + x_ref[...]) * 0.5
        out_ref[...] = jnp.maximum(out, 0.0)


def _node_stage(agg2, x, scale, w1, b1, w2, b2, n2g3, gw, gb):
    return pl.pallas_call(
        _node_body,
        grid=(2 * _NB,),
        in_specs=[
            pl.BlockSpec((_BN, 128), lambda i: (i % _NB, 0)),
            pl.BlockSpec((_BN, 128), lambda i: (_NB + i % _NB, 0)),
            pl.BlockSpec((_BN, D), lambda i: (i % _NB, 0)),
            pl.BlockSpec((1, 1), lambda i: (0, 0)),
            pl.BlockSpec((D, D), lambda i: (0, 0)),
            pl.BlockSpec((1, D), lambda i: (0, 0)),
            pl.BlockSpec((D, D), lambda i: (0, 0)),
            pl.BlockSpec((1, D), lambda i: (0, 0)),
            pl.BlockSpec((1, 1, _BN), lambda i: (i % _NB, 0, 0)),
            pl.BlockSpec((1, D), lambda i: (0, 0)),
            pl.BlockSpec((1, D), lambda i: (0, 0)),
        ],
        out_specs=pl.BlockSpec((_BN, D), lambda i: (i % _NB, 0)),
        out_shape=jax.ShapeDtypeStruct((N, D), _F32),
        scratch_shapes=[
            pltpu.VMEM((N, D), _F32),
            pltpu.VMEM((8, 128), _F32),
        ],
    )(agg2, agg2, x, scale, w1, b1, w2, b2, n2g3, gw, gb)


def kernel(x, edge_index, edge_attr, node2graph,
           c1_edge_W, c1_edge_b, c1_W1, c1_b1, c1_W2, c1_b2, c1_eps,
           c2_edge_W, c2_edge_b, c2_W1, c2_b1, c2_W2, c2_b2, c2_eps,
           gn1_w, gn1_b, gn2_w, gn2_b):
    srcr = edge_index[0].reshape(16 * _NCHUNK, _CH)
    src3 = jnp.concatenate([srcr, srcr + N], axis=0)
    dst3 = edge_index[1].reshape(16 * _NCHUNK, _CH)

    e2 = _edge_mlp(edge_attr, c2_edge_W, c2_edge_b.reshape(1, D))
    e2 = e2.reshape(2 * E, 128)
    x2 = _xsplit(x).reshape(2 * N, 128)

    agg2 = _sc_gather_scatter(x2, e2, src3, dst3)

    n2g3 = node2graph.reshape(_NB, 1, _BN)
    scale = (1.0 + c2_eps).reshape(1, 1)

    return _node_stage(agg2, x, scale, c2_W1, c2_b1.reshape(1, D),
                       c2_W2, c2_b2.reshape(1, D), n2g3,
                       gn2_w.reshape(1, D), gn2_b.reshape(1, D))

# --- scband reference (transcript-rebuilt; emitter-appended) ---
"""Pipeline reference for scband-residual-block-1786706395623 (READ-ONLY COPY).

The authoritative reference and input builder live on the scoring server;
editing this copy changes nothing except your own understanding.
"""

import jax, jax.numpy as jnp
import numpy as np

N = 10000
E = 160000
D = 256
DE = 16
G = 64


def _silu(v):
    return v * jax.nn.sigmoid(v)


def setup_inputs(seed: int = 0):
    key = jax.random.key(seed)
    ks = jax.random.split(key, 16)

    def lin(k, fin, fout):
        lim = 1.0 / np.sqrt(fin)
        return jax.random.uniform(k, (fin, fout), jnp.float32, -lim, lim)

    inp = {}
    inp["x"] = jax.random.normal(ks[0], (N, D), dtype=jnp.float32)
    inp["edge_index"] = jax.random.randint(ks[1], (2, E), 0, N)
    inp["edge_attr"] = jax.random.normal(ks[2], (E, DE), dtype=jnp.float32)
    inp["node2graph"] = jnp.sort(jax.random.randint(ks[3], (N,), 0, G))
    inp["c1_edge_W"] = lin(ks[4], DE, D)
    inp["c1_edge_b"] = jnp.zeros((D,), jnp.float32)
    inp["c1_W1"] = lin(ks[5], D, D)
    inp["c1_b1"] = jnp.zeros((D,), jnp.float32)
    inp["c1_W2"] = lin(ks[6], D, D)
    inp["c1_b2"] = jnp.zeros((D,), jnp.float32)
    inp["c1_eps"] = jnp.array([0.1], jnp.float32)
    inp["c2_edge_W"] = lin(ks[7], DE, D)
    inp["c2_edge_b"] = jnp.zeros((D,), jnp.float32)
    inp["c2_W1"] = lin(ks[8], D, D)
    inp["c2_b1"] = jnp.zeros((D,), jnp.float32)
    inp["c2_W2"] = lin(ks[9], D, D)
    inp["c2_b2"] = jnp.zeros((D,), jnp.float32)
    inp["c2_eps"] = jnp.array([0.1], jnp.float32)
    inp["gn1_w"] = jnp.ones((D,), jnp.float32)
    inp["gn1_b"] = jnp.zeros((D,), jnp.float32)
    inp["gn2_w"] = jnp.ones((D,), jnp.float32)
    inp["gn2_b"] = jnp.zeros((D,), jnp.float32)
    return inp


def _gine(x, src, dst, ea, eW, eb, W1, b1, W2, b2, eps):
    # edge_layer: Linear(edge_dim, node_dim) + SiLU activation (dropout=0)
    e = _silu(ea @ eW + eb)
    # message: relu(x_j + edge_proj), aggregate: sum over dst
    m = jax.nn.relu(x[src] + e)
    agg = jax.ops.segment_sum(m, dst, num_segments=N)
    out = agg + (1.0 + eps[0]) * x
    # nn: two Linear(node_dim, node_dim) each followed by SiLU
    out = _silu(out @ W1 + b1)
    out = _silu(out @ W2 + b2)
    return out


def _graph_norm(x, batch, w, b):
    # pyg_nn.LayerNorm(mode='graph'): normalize over nodes+channels per graph
    cnt = jnp.clip(jax.ops.segment_sum(jnp.ones((N,), x.dtype), batch, num_segments=G), 1.0)
    norm = cnt * D
    mean = jax.ops.segment_sum(x, batch, num_segments=G).sum(axis=-1) / norm
    xc = x - mean[batch][:, None]
    var = jax.ops.segment_sum(xc * xc, batch, num_segments=G).sum(axis=-1) / norm
    out = xc / jnp.sqrt(var + 1e-5)[batch][:, None]
    return out * w + b


def reference(x, edge_index, edge_attr, node2graph,
              c1_edge_W, c1_edge_b, c1_W1, c1_b1, c1_W2, c1_b2, c1_eps,
              c2_edge_W, c2_edge_b, c2_W1, c2_b1, c2_W2, c2_b2, c2_eps,
              gn1_w, gn1_b, gn2_w, gn2_b):
    src, dst = edge_index[0], edge_index[1]
    identity = x
    out = _gine(x, src, dst, edge_attr, c1_edge_W, c1_edge_b, c1_W1, c1_b1, c1_W2, c1_b2, c1_eps)
    out = _graph_norm(out, node2graph, gn1_w, gn1_b)
    out = jax.nn.relu(out)
    # NOTE: faithful to original forward, conv2 takes x (not out)
    out = _gine(x, src, dst, edge_attr, c2_edge_W, c2_edge_b, c2_W1, c2_b1, c2_W2, c2_b2, c2_eps)
    out = _graph_norm(out, node2graph, gn2_w, gn2_b)
    out = (out + identity) / 2.0
    out = jax.nn.relu(out)
    return out

if __name__ == "__main__":
    import jax
    _d = setup_inputs()
    print(jax.jit(kernel)(*tuple(_d.values())))

</pallas_src>

<mosaic_0001>
#map = affine_map<(d0, d1) -> (0, 0)>
module attributes {stable_mosaic.version = 14 : i64} {
  func.func @body(%arg0: i32, %arg1: i32, %arg2: memref<20000x128xf32, #tpu.memory_space<hbm>>, %arg3: memref<320000x128xf32, #tpu.memory_space<hbm>>, %arg4: memref<8000x40xi32, #tpu.memory_space<hbm>>, %arg5: memref<4000x40xi32, #tpu.memory_space<hbm>>, %arg6: memref<20000x128xf32, #tpu.memory_space<hbm>>, %arg7: memref<40xi32, #tpu.memory_space<vmem>>, %arg8: memref<40xi32, #tpu.memory_space<vmem>>, %arg9: memref<40xi32, #tpu.memory_space<vmem>>, %arg10: memref<40xi32, #tpu.memory_space<vmem>>, %arg11: memref<40xi32, #tpu.memory_space<vmem>>, %arg12: memref<40xi32, #tpu.memory_space<vmem>>, %arg13: memref<40x128xf32, #tpu.memory_space<vmem>>, %arg14: memref<40x128xf32, #tpu.memory_space<vmem>>, %arg15: memref<40x128xf32, #tpu.memory_space<vmem>>, %arg16: memref<40x128xf32, #tpu.memory_space<vmem>>, %arg17: memref<40x128xf32, #tpu.memory_space<vmem>>, %arg18: memref<40x128xf32, #tpu.memory_space<vmem>>, %arg19: memref<10000x128xf32, #tpu.memory_space<vmem_shared>>, %arg20: memref<!tpu.dma_semaphore, #tpu.memory_space<semaphore_mem>>, %arg21: memref<!tpu.dma_semaphore, #tpu.memory_space<semaphore_mem>>, %arg22: memref<!tpu.dma_semaphore, #tpu.memory_space<semaphore_mem>>, %arg23: memref<!tpu.dma_semaphore, #tpu.memory_space<semaphore_mem>>, %arg24: memref<!tpu.dma_semaphore, #tpu.memory_space<semaphore_mem>>, %arg25: memref<!tpu.dma_semaphore, #tpu.memory_space<semaphore_mem>>, %arg26: memref<!tpu.dma_semaphore, #tpu.memory_space<semaphore_mem>>, %arg27: memref<!tpu.dma_semaphore, #tpu.memory_space<semaphore_mem>>, %arg28: memref<!tpu.dma_semaphore, #tpu.memory_space<semaphore_mem>>) attributes {dimension_semantics = [#tpu.dimension_semantics<core_parallel>, #tpu.dimension_semantics<subcore_parallel>], iteration_bounds = array<i64: 2, 16>, scalar_prefetch = 0 : i64, scratch_operands = 22 : i64, tpu.core_type = #tpu.core_type<sc_vector_subcore>, window_params = [{transform_indices = #map}, {transform_indices = #map}, {transform_indices = #map}, {transform_indices = #map}, {transform_indices = #map}]} {
    %mul3A = arith.constant 16 : i32
    %mul3A_0 = arith.muli %arg0, %mul3A : i32
    %add3A = arith.addi %mul3A_0, %arg1 : i32
    %mul3A_1 = arith.constant 250 : i32
    %mul3A_2 = arith.muli %add3A, %mul3A_1 : i32
    %mul3A_3 = arith.constant 250 : i32
    %mul3A_4 = arith.muli %arg1, %mul3A_3 : i32
    %add3A_5 = arith.constant 0 : i32
    %add3A_6 = arith.addi %mul3A_2, %add3A_5 : i32
    %dma_start3A = arith.constant 0 : i32
    %dma_start3A_7 = tpu.memref_slice %arg4[%add3A_6, %dma_start3A] : memref<8000x40xi32, #tpu.memory_space<hbm>> -> memref<1x40xi32, #tpu.memory_space<hbm>>
    %dma_start3A_8 = tpu.memref_squeeze %dma_start3A_7 : memref<1x40xi32, #tpu.memory_space<hbm>> -> memref<40xi32, #tpu.memory_space<hbm>>
    %dma_start3A_9 = arith.constant 0 : i32
    %dma_start3A_10 = tpu.memref_slice %arg4[%add3A_6, %dma_start3A_9] : memref<8000x40xi32, #tpu.memory_space<hbm>> -> memref<1x40xi32, #tpu.memory_space<hbm>>
    %dma_start3A_11 = tpu.memref_squeeze %dma_start3A_10 : memref<1x40xi32, #tpu.memory_space<hbm>> -> memref<40xi32, #tpu.memory_space<hbm>>
    tpu.enqueue_dma source(%dma_start3A_11 : memref<40xi32, #tpu.memory_space<hbm>>) target(%arg7 : memref<40xi32, #tpu.memory_space<vmem>>) target_semaphore(%arg20 : memref<!tpu.dma_semaphore, #tpu.memory_space<semaphore_mem>>)
    %add3A_12 = arith.constant 0 : i32
    %add3A_13 = arith.addi %mul3A_4, %add3A_12 : i32
    %dma_start3A_14 = arith.constant 0 : i32
    %dma_start3A_15 = tpu.memref_slice %arg5[%add3A_13, %dma_start3A_14] : memref<4000x40xi32, #tpu.memory_space<hbm>> -> memref<1x40xi32, #tpu.memory_space<hbm>>
    %dma_start3A_16 = tpu.memref_squeeze %dma_start3A_15 : memref<1x40xi32, #tpu.memory_space<hbm>> -> memref<40xi32, #tpu.memory_space<hbm>>
    %dma_start3A_17 = arith.constant 0 : i32
    %dma_start3A_18 = tpu.memref_slice %arg5[%add3A_13, %dma_start3A_17] : memref<4000x40xi32, #tpu.memory_space<hbm>> -> memref<1x40xi32, #tpu.memory_space<hbm>>
    %dma_start3A_19 = tpu.memref_squeeze %dma_start3A_18 : memref<1x40xi32, #tpu.memory_space<hbm>> -> memref<40xi32, #tpu.memory_space<hbm>>
    tpu.enqueue_dma source(%dma_start3A_19 : memref<40xi32, #tpu.memory_space<hbm>>) target(%arg10 : memref<40xi32, #tpu.memory_space<vmem>>) target_semaphore(%arg20 : memref<!tpu.dma_semaphore, #tpu.memory_space<semaphore_mem>>)
    %add3A_20 = arith.constant 1 : i32
    %add3A_21 = arith.addi %mul3A_2, %add3A_20 : i32
    %dma_start3A_22 = arith.constant 0 : i32
    %dma_start3A_23 = tpu.memref_slice %arg4[%add3A_21, %dma_start3A_22] : memref<8000x40xi32, #tpu.memory_space<hbm>> -> memref<1x40xi32, #tpu.memory_space<hbm>>
    %dma_start3A_24 = tpu.memref_squeeze %dma_start3A_23 : memref<1x40xi32, #tpu.memory_space<hbm>> -> memref<40xi32, #tpu.memory_space<hbm>>
    %dma_start3A_25 = arith.constant 0 : i32
    %dma_start3A_26 = tpu.memref_slice %arg4[%add3A_21, %dma_start3A_25] : memref<8000x40xi32, #tpu.memory_space<hbm>> -> memref<1x40xi32, #tpu.memory_space<hbm>>
    %dma_start3A_27 = tpu.memref_squeeze %dma_start3A_26 : memref<1x40xi32, #tpu.memory_space<hbm>> -> memref<40xi32, #tpu.memory_space<hbm>>
    tpu.enqueue_dma source(%dma_start3A_27 : memref<40xi32, #tpu.memory_space<hbm>>) target(%arg8 : memref<40xi32, #tpu.memory_space<vmem>>) target_semaphore(%arg21 : memref<!tpu.dma_semaphore, #tpu.memory_space<semaphore_mem>>)
    %add3A_28 = arith.constant 1 : i32
    %add3A_29 = arith.addi %mul3A_4, %add3A_28 : i32
    %dma_start3A_30 = arith.constant 0 : i32
    %dma_start3A_31 = tpu.memref_slice %arg5[%add3A_29, %dma_start3A_30] : memref<4000x40xi32, #tpu.memory_space<hbm>> -> memref<1x40xi32, #tpu.memory_space<hbm>>
    %dma_start3A_32 = tpu.memref_squeeze %dma_start3A_31 : memref<1x40xi32, #tpu.memory_space<hbm>> -> memref<40xi32, #tpu.memory_space<hbm>>
    %dma_start3A_33 = arith.constant 0 : i32
    %dma_start3A_34 = tpu.memref_slice %arg5[%add3A_29, %dma_start3A_33] : memref<4000x40xi32, #tpu.memory_space<hbm>> -> memref<1x40xi32, #tpu.memory_space<hbm>>
    %dma_start3A_35 = tpu.memref_squeeze %dma_start3A_34 : memref<1x40xi32, #tpu.memory_space<hbm>> -> memref<40xi32, #tpu.memory_space<hbm>>
    tpu.enqueue_dma source(%dma_start3A_35 : memref<40xi32, #tpu.memory_space<hbm>>) target(%arg11 : memref<40xi32, #tpu.memory_space<vmem>>) target_semaphore(%arg21 : memref<!tpu.dma_semaphore, #tpu.memory_space<semaphore_mem>>)
    %scan3A = arith.constant 0 : i32
    %scan3A_36 = arith.constant 0 : i32
    %scan3A_37 = arith.constant 40 : i32
    %scan3A_38 = arith.addi %scan3A_36, %scan3A_37 : i32
    %scan3A_39 = arith.constant 1 : i32
    scf.for %scan3A_158 = %scan3A_36 to %scan3A_38 step %scan3A_39  : i32 {
      %broadcast_in_dim3A = arith.constant 0.000000e+00 : f32
      %broadcast_in_dim3A_159 = vector.broadcast %broadcast_in_dim3A : f32 to vector<16xf32>
      %swap3A = arith.index_cast %scan3A_158 : i32 to index
      %swap3A_160 = arith.constant 0 : index
      %swap3A_161 = tpu.vector_load %arg17[%swap3A, %swap3A_160] {strides = array<i32>} : memref<40x128xf32, #tpu.memory_space<vmem>>, vector<1x16xf32>,
      %swap3A_162 = vector.shape_cast %swap3A_161 : vector<1x16xf32> to vector<16xf32>
      %swap3A_163 = vector.shape_cast %broadcast_in_dim3A_159 : vector<16xf32> to vector<1x16xf32>
      tpu.vector_store %arg17[%swap3A, %swap3A_160], %swap3A_163 {strides = array<i32>} : memref<40x128xf32, #tpu.memory_space<vmem>>, vector<1x16xf32>,
      %broadcast_in_dim3A_164 = arith.constant 0.000000e+00 : f32
      %broadcast_in_dim3A_165 = vector.broadcast %broadcast_in_dim3A_164 : f32 to vector<16xf32>
      %swap3A_166 = arith.index_cast %scan3A_158 : i32 to index
      %swap3A_167 = arith.constant 16 : index
      %swap3A_168 = tpu.vector_load %arg17[%swap3A_166, %swap3A_167] {strides = array<i32>} : memref<40x128xf32, #tpu.memory_space<vmem>>, vector<1x16xf32>,
      %swap3A_169 = vector.shape_cast %swap3A_168 : vector<1x16xf32> to vector<16xf32>
      %swap3A_170 = vector.shape_cast %broadcast_in_dim3A_165 : vector<16xf32> to vector<1x16xf32>
      tpu.vector_store %arg17[%swap3A_166, %swap3A_167], %swap3A_170 {strides = array<i32>} : memref<40x128xf32, #tpu.memory_space<vmem>>, vector<1x16xf32>,
      %broadcast_in_dim3A_171 = arith.constant 0.000000e+00 : f32
      %broadcast_in_dim3A_172 = vector.broadcast %broadcast_in_dim3A_171 : f32 to vector<16xf32>
      %swap3A_173 = arith.index_cast %scan3A_158 : i32 to index
      %swap3A_174 = arith.constant 32 : index
      %swap3A_175 = tpu.vector_load %arg17[%swap3A_173, %swap3A_174] {strides = array<i32>} : memref<40x128xf32, #tpu.memory_space<vmem>>, vector<1x16xf32>,
      %swap3A_176 = vector.shape_cast %swap3A_175 : vector<1x16xf32> to vector<16xf32>
      %swap3A_177 = vector.shape_cast %broadcast_in_dim3A_172 : vector<16xf32> to vector<1x16xf32>
      tpu.vector_store %arg17[%swap3A_173, %swap3A_174], %swap3A_177 {strides = array<i32>} : memref<40x128xf32, #tpu.memory_space<vmem>>, vector<1x16xf32>,
      %broadcast_in_dim3A_178 = arith.constant 0.000000e+00 : f32
      %broadcast_in_dim3A_179 = vector.broadcast %broadcast_in_dim3A_178 : f32 to vector<16xf32>
      %swap3A_180 = arith.index_cast %scan3A_158 : i32 to index
      %swap3A_181 = arith.constant 48 : index
      %swap3A_182 = tpu.vector_load %arg17[%swap3A_180, %swap3A_181] {strides = array<i32>} : memref<40x128xf32, #tpu.memory_space<vmem>>, vector<1x16xf32>,
      %swap3A_183 = vector.shape_cast %swap3A_182 : vector<1x16xf32> to vector<16xf32>
      %swap3A_184 = vector.shape_cast %broadcast_in_dim3A_179 : vector<16xf32> to vector<1x16xf32>
      tpu.vector_store %arg17[%swap3A_180, %swap3A_181], %swap3A_184 {strides = array<i32>} : memref<40x128xf32, #tpu.memory_space<vmem>>, vector<1x16xf32>,
      %broadcast_in_dim3A_185 = arith.constant 0.000000e+00 : f32
      %broadcast_in_dim3A_186 = vector.broadcast %broadcast_in_dim3A_185 : f32 to vector<16xf32>
      %swap3A_187 = arith.index_cast %scan3A_158 : i32 to index
      %swap3A_188 = arith.constant 64 : index
      %swap3A_189 = tpu.vector_load %arg17[%swap3A_187, %swap3A_188] {strides = array<i32>} : memref<40x128xf32, #tpu.memory_space<vmem>>, vector<1x16xf32>,
      %swap3A_190 = vector.shape_cast %swap3A_189 : vector<1x16xf32> to vector<16xf32>
      %swap3A_191 = vector.shape_cast %broadcast_in_dim3A_186 : vector<16xf32> to vector<1x16xf32>
      tpu.vector_store %arg17[%swap3A_187, %swap3A_188], %swap3A_191 {strides = array<i32>} : memref<40x128xf32, #tpu.memory_space<vmem>>, vector<1x16xf32>,
      %broadcast_in_dim3A_192 = arith.constant 0.000000e+00 : f32
      %broadcast_in_dim3A_193 = vector.broadcast %broadcast_in_dim3A_192 : f32 to vector<16xf32>
      %swap3A_194 = arith.index_cast %scan3A_158 : i32 to index
      %swap3A_195 = arith.constant 80 : index
      %swap3A_196 = tpu.vector_load %arg17[%swap3A_194, %swap3A_195] {strides = array<i32>} : memref<40x128xf32, #tpu.memory_space<vmem>>, vector<1x16xf32>,
      %swap3A_197 = vector.shape_cast %swap3A_196 : vector<1x16xf32> to vector<16xf32>
      %swap3A_198 = vector.shape_cast %broadcast_in_dim3A_193 : vector<16xf32> to vector<1x16xf32>
      tpu.vector_store %arg17[%swap3A_194, %swap3A_195], %swap3A_198 {strides = array<i32>} : memref<40x128xf32, #tpu.memory_space<vmem>>, vector<1x16xf32>,
      %broadcast_in_dim3A_199 = arith.constant 0.000000e+00 : f32
      %broadcast_in_dim3A_200 = vector.broadcast %broadcast_in_dim3A_199 : f32 to vector<16xf32>
      %swap3A_201 = arith.index_cast %scan3A_158 : i32 to index
      %swap3A_202 = arith.constant 96 : index
      %swap3A_203 = tpu.vector_load %arg17[%swap3A_201, %swap3A_202] {strides = array<i32>} : memref<40x128xf32, #tpu.memory_space<vmem>>, vector<1x16xf32>,
      %swap3A_204 = vector.shape_cast %swap3A_203 : vector<1x16xf32> to vector<16xf32>
      %swap3A_205 = vector.shape_cast %broadcast_in_dim3A_200 : vector<16xf32> to vector<1x16xf32>
      tpu.vector_store %arg17[%swap3A_201, %swap3A_202], %swap3A_205 {strides = array<i32>} : memref<40x128xf32, #tpu.memory_space<vmem>>, vector<1x16xf32>,
      %broadcast_in_dim3A_206 = arith.constant 0.000000e+00 : f32
      %broadcast_in_dim3A_207 = vector.broadcast %broadcast_in_dim3A_206 : f32 to vector<16xf32>
      %swap3A_208 = arith.index_cast %scan3A_158 : i32 to index
      %swap3A_209 = arith.constant 112 : index
      %swap3A_210 = tpu.vector_load %arg17[%swap3A_208, %swap3A_209] {strides = array<i32>} : memref<40x128xf32, #tpu.memory_space<vmem>>, vector<1x16xf32>,
      %swap3A_211 = vector.shape_cast %swap3A_210 : vector<1x16xf32> to vector<16xf32>
      %swap3A_212 = vector.shape_cast %broadcast_in_dim3A_207 : vector<16xf32> to vector<1x16xf32>
      tpu.vector_store %arg17[%swap3A_208, %swap3A_209], %swap3A_212 {strides = array<i32>} : memref<40x128xf32, #tpu.memory_space<vmem>>, vector<1x16xf32>,
    }
    %scan3A_40 = arith.constant 40 : i32
    %mul3A_41 = arith.constant 624 : i32
    %mul3A_42 = arith.muli %arg1, %mul3A_41 : i32
    %add3A_43 = arith.constant 0 : i32
    %add3A_44 = arith.addi %mul3A_42, %add3A_43 : i32
    "tpu.region"() ({
      %run_scoped3A = tpu.sem_alloc : memref<!tpu.dma_semaphore, #tpu.memory_space<semaphore_mem>>
      %dma_start3A_158 = arith.constant 0 : i32
      %dma_start3A_159 = tpu.memref_slice %arg19[%add3A_44, %dma_start3A_158] : memref<10000x128xf32, #tpu.memory_space<vmem_shared>> -> memref<40x128xf32, #tpu.memory_space<vmem_shared>>
      %dma_start3A_160 = arith.constant 0 : i32
      %dma_start3A_161 = tpu.memref_slice %arg19[%add3A_44, %dma_start3A_160] : memref<10000x128xf32, #tpu.memory_space<vmem_shared>> -> memref<40x128xf32, #tpu.memory_space<vmem_shared>>
      tpu.enqueue_dma source(%arg17 : memref<40x128xf32, #tpu.memory_space<vmem>>) target(%dma_start3A_161 : memref<40x128xf32, #tpu.memory_space<vmem_shared>>) target_semaphore(%run_scoped3A : memref<!tpu.dma_semaphore, #tpu.memory_space<semaphore_mem>>)
      %dma_wait3A_162 = arith.constant 0 : i32
      %dma_wait3A_163 = tpu.memref_slice %arg19[%add3A_44, %dma_wait3A_162] : memref<10000x128xf32, #tpu.memory_space<vmem_shared>> -> memref<40x128xf32, #tpu.memory_space<vmem_shared>>
      %dma_wait3A_164 = arith.constant 0 : i32
      %dma_wait3A_165 = tpu.memref_slice %arg19[%add3A_44, %dma_wait3A_164] : memref<10000x128xf32, #tpu.memory_space<vmem_shared>> -> memref<40x128xf32, #tpu.memory_space<vmem_shared>>
      tpu.wait_dma2 semaphore(%run_scoped3A : memref<!tpu.dma_semaphore, #tpu.memory_space<semaphore_mem>>) src(%arg17 : memref<40x128xf32, #tpu.memory_space<vmem>>) dst(%dma_wait3A_165 : memref<40x128xf32, #tpu.memory_space<vmem_shared>>)
      tpu.yield
    }) : () -> ()
    %mul3A_45 = arith.constant 624 : i32
    %mul3A_46 = arith.muli %arg1, %mul3A_45 : i32
    %add3A_47 = arith.constant 40 : i32
    %add3A_48 = arith.addi %mul3A_46, %add3A_47 : i32
    "tpu.region"() ({
      %run_scoped3A = tpu.sem_alloc : memref<!tpu.dma_semaphore, #tpu.memory_space<semaphore_mem>>
      %dma_start3A_158 = arith.constant 0 : i32
      %dma_start3A_159 = tpu.memref_slice %arg19[%add3A_48, %dma_start3A_158] : memref<10000x128xf32, #tpu.memory_space<vmem_shared>> -> memref<40x128xf32, #tpu.memory_space<vmem_shared>>
      %dma_start3A_160 = arith.constant 0 : i32
      %dma_start3A_161 = tpu.memref_slice %arg19[%add3A_48, %dma_start3A_160] : memref<10000x128xf32, #tpu.memory_space<vmem_shared>> -> memref<40x128xf32, #tpu.memory_space<vmem_shared>>
      tpu.enqueue_dma source(%arg17 : memref<40x128xf32, #tpu.memory_space<vmem>>) target(%dma_start3A_161 : memref<40x128xf32, #tpu.memory_space<vmem_shared>>) target_semaphore(%run_scoped3A : memref<!tpu.dma_semaphore, #tpu.memory_space<semaphore_mem>>)
      %dma_wait3A_162 = arith.constant 0 : i32
      %dma_wait3A_163 = tpu.memref_slice %arg19[%add3A_48, %dma_wait3A_162] : memref<10000x128xf32, #tpu.memory_space<vmem_shared>> -> memref<40x128xf32, #tpu.memory_space<vmem_shared>>
      %dma_wait3A_164 = arith.constant 0 : i32
      %dma_wait3A_165 = tpu.memref_slice %arg19[%add3A_48, %dma_wait3A_164] : memref<10000x128xf32, #tpu.memory_space<vmem_shared>> -> memref<40x128xf32, #tpu.memory_space<vmem_shared>>
      tpu.wait_dma2 semaphore(%run_scoped3A : memref<!tpu.dma_semaphore, #tpu.memory_space<semaphore_mem>>) src(%arg17 : memref<40x128xf32, #tpu.memory_space<vmem>>) dst(%dma_wait3A_165 : memref<40x128xf32, #tpu.memory_space<vmem_shared>>)
      tpu.yield
    }) : () -> ()
    %mul3A_49 = arith.constant 624 : i32
    %mul3A_50 = arith.muli %arg1, %mul3A_49 : i32
    %add3A_51 = arith.constant 80 : i32
    %add3A_52 = arith.addi %mul3A_50, %add3A_51 : i32
    "tpu.region"() ({
      %run_scoped3A = tpu.sem_alloc : memref<!tpu.dma_semaphore, #tpu.memory_space<semaphore_mem>>
      %dma_start3A_158 = arith.constant 0 : i32
      %dma_start3A_159 = tpu.memref_slice %arg19[%add3A_52, %dma_start3A_158] : memref<10000x128xf32, #tpu.memory_space<vmem_shared>> -> memref<40x128xf32, #tpu.memory_space<vmem_shared>>
      %dma_start3A_160 = arith.constant 0 : i32
      %dma_start3A_161 = tpu.memref_slice %arg19[%add3A_52, %dma_start3A_160] : memref<10000x128xf32, #tpu.memory_space<vmem_shared>> -> memref<40x128xf32, #tpu.memory_space<vmem_shared>>
      tpu.enqueue_dma source(%arg17 : memref<40x128xf32, #tpu.memory_space<vmem>>) target(%dma_start3A_161 : memref<40x128xf32, #tpu.memory_space<vmem_shared>>) target_semaphore(%run_scoped3A : memref<!tpu.dma_semaphore, #tpu.memory_space<semaphore_mem>>)
      %dma_wait3A_162 = arith.constant 0 : i32
      %dma_wait3A_163 = tpu.memref_slice %arg19[%add3A_52, %dma_wait3A_162] : memref<10000x128xf32, #tpu.memory_space<vmem_shared>> -> memref<40x128xf32, #tpu.memory_space<vmem_shared>>
      %dma_wait3A_164 = arith.constant 0 : i32
      %dma_wait3A_165 = tpu.memref_slice %arg19[%add3A_52, %dma_wait3A_164] : memref<10000x128xf32, #tpu.memory_space<vmem_shared>> -> memref<40x128xf32, #tpu.memory_space<vmem_shared>>
      tpu.wait_dma2 semaphore(%run_scoped3A : memref<!tpu.dma_semaphore, #tpu.memory_space<semaphore_mem>>) src(%arg17 : memref<40x128xf32, #tpu.memory_space<vmem>>) dst(%dma_wait3A_165 : memref<40x128xf32, #tpu.memory_space<vmem_shared>>)
      tpu.yield
    }) : () -> ()
    %mul3A_53 = arith.constant 624 : i32
    %mul3A_54 = arith.muli %arg1, %mul3A_53 : i32
    %add3A_55 = arith.constant 120 : i32
    %add3A_56 = arith.addi %mul3A_54, %add3A_55 : i32
    "tpu.region"() ({
      %run_scoped3A = tpu.sem_alloc : memref<!tpu.dma_semaphore, #tpu.memory_space<semaphore_mem>>
      %dma_start3A_158 = arith.constant 0 : i32
      %dma_start3A_159 = tpu.memref_slice %arg19[%add3A_56, %dma_start3A_158] : memref<10000x128xf32, #tpu.memory_space<vmem_shared>> -> memref<40x128xf32, #tpu.memory_space<vmem_shared>>
      %dma_start3A_160 = arith.constant 0 : i32
      %dma_start3A_161 = tpu.memref_slice %arg19[%add3A_56, %dma_start3A_160] : memref<10000x128xf32, #tpu.memory_space<vmem_shared>> -> memref<40x128xf32, #tpu.memory_space<vmem_shared>>
      tpu.enqueue_dma source(%arg17 : memref<40x128xf32, #tpu.memory_space<vmem>>) target(%dma_start3A_161 : memref<40x128xf32, #tpu.memory_space<vmem_shared>>) target_semaphore(%run_scoped3A : memref<!tpu.dma_semaphore, #tpu.memory_space<semaphore_mem>>)
      %dma_wait3A_162 = arith.constant 0 : i32
      %dma_wait3A_163 = tpu.memref_slice %arg19[%add3A_56, %dma_wait3A_162] : memref<10000x128xf32, #tpu.memory_space<vmem_shared>> -> memref<40x128xf32, #tpu.memory_space<vmem_shared>>
      %dma_wait3A_164 = arith.constant 0 : i32
      %dma_wait3A_165 = tpu.memref_slice %arg19[%add3A_56, %dma_wait3A_164] : memref<10000x128xf32, #tpu.memory_space<vmem_shared>> -> memref<40x128xf32, #tpu.memory_space<vmem_shared>>
      tpu.wait_dma2 semaphore(%run_scoped3A : memref<!tpu.dma_semaphore, #tpu.memory_space<semaphore_mem>>) src(%arg17 : memref<40x128xf32, #tpu.memory_space<vmem>>) dst(%dma_wait3A_165 : memref<40x128xf32, #tpu.memory_space<vmem_shared>>)
      tpu.yield
    }) : () -> ()
    %mul3A_57 = arith.constant 624 : i32
    %mul3A_58 = arith.muli %arg1, %mul3A_57 : i32
    %add3A_59 = arith.constant 160 : i32
    %add3A_60 = arith.addi %mul3A_58, %add3A_59 : i32
    "tpu.region"() ({
      %run_scoped3A = tpu.sem_alloc : memref<!tpu.dma_semaphore, #tpu.memory_space<semaphore_mem>>
      %dma_start3A_158 = arith.constant 0 : i32
      %dma_start3A_159 = tpu.memref_slice %arg19[%add3A_60, %dma_start3A_158] : memref<10000x128xf32, #tpu.memory_space<vmem_shared>> -> memref<40x128xf32, #tpu.memory_space<vmem_shared>>
      %dma_start3A_160 = arith.constant 0 : i32
      %dma_start3A_161 = tpu.memref_slice %arg19[%add3A_60, %dma_start3A_160] : memref<10000x128xf32, #tpu.memory_space<vmem_shared>> -> memref<40x128xf32, #tpu.memory_space<vmem_shared>>
      tpu.enqueue_dma source(%arg17 : memref<40x128xf32, #tpu.memory_space<vmem>>) target(%dma_start3A_161 : memref<40x128xf32, #tpu.memory_space<vmem_shared>>) target_semaphore(%run_scoped3A : memref<!tpu.dma_semaphore, #tpu.memory_space<semaphore_mem>>)
      %dma_wait3A_162 = arith.constant 0 : i32
      %dma_wait3A_163 = tpu.memref_slice %arg19[%add3A_60, %dma_wait3A_162] : memref<10000x128xf32, #tpu.memory_space<vmem_shared>> -> memref<40x128xf32, #tpu.memory_space<vmem_shared>>
      %dma_wait3A_164 = arith.constant 0 : i32
      %dma_wait3A_165 = tpu.memref_slice %arg19[%add3A_60, %dma_wait3A_164] : memref<10000x128xf32, #tpu.memory_space<vmem_shared>> -> memref<40x128xf32, #tpu.memory_space<vmem_shared>>
      tpu.wait_dma2 semaphore(%run_scoped3A : memref<!tpu.dma_semaphore, #tpu.memory_space<semaphore_mem>>) src(%arg17 : memref<40x128xf32, #tpu.memory_space<vmem>>) dst(%dma_wait3A_165 : memref<40x128xf32, #tpu.memory_space<vmem_shared>>)
      tpu.yield
    }) : () -> ()
    %mul3A_61 = arith.constant 624 : i32
    %mul3A_62 = arith.muli %arg1, %mul3A_61 : i32
    %add3A_63 = arith.constant 200 : i32
    %add3A_64 = arith.addi %mul3A_62, %add3A_63 : i32
    "tpu.region"() ({
      %run_scoped3A = tpu.sem_alloc : memref<!tpu.dma_semaphore, #tpu.memory_space<semaphore_mem>>
      %dma_start3A_158 = arith.constant 0 : i32
      %dma_start3A_159 = tpu.memref_slice %arg19[%add3A_64, %dma_start3A_158] : memref<10000x128xf32, #tpu.memory_space<vmem_shared>> -> memref<40x128xf32, #tpu.memory_space<vmem_shared>>
      %dma_start3A_160 = arith.constant 0 : i32
      %dma_start3A_161 = tpu.memref_slice %arg19[%add3A_64, %dma_start3A_160] : memref<10000x128xf32, #tpu.memory_space<vmem_shared>> -> memref<40x128xf32, #tpu.memory_space<vmem_shared>>
      tpu.enqueue_dma source(%arg17 : memref<40x128xf32, #tpu.memory_space<vmem>>) target(%dma_start3A_161 : memref<40x128xf32, #tpu.memory_space<vmem_shared>>) target_semaphore(%run_scoped3A : memref<!tpu.dma_semaphore, #tpu.memory_space<semaphore_mem>>)
      %dma_wait3A_162 = arith.constant 0 : i32
      %dma_wait3A_163 = tpu.memref_slice %arg19[%add3A_64, %dma_wait3A_162] : memref<10000x128xf32, #tpu.memory_space<vmem_shared>> -> memref<40x128xf32, #tpu.memory_space<vmem_shared>>
      %dma_wait3A_164 = arith.constant 0 : i32
      %dma_wait3A_165 = tpu.memref_slice %arg19[%add3A_64, %dma_wait3A_164] : memref<10000x128xf32, #tpu.memory_space<vmem_shared>> -> memref<40x128xf32, #tpu.memory_space<vmem_shared>>
      tpu.wait_dma2 semaphore(%run_scoped3A : memref<!tpu.dma_semaphore, #tpu.memory_space<semaphore_mem>>) src(%arg17 : memref<40x128xf32, #tpu.memory_space<vmem>>) dst(%dma_wait3A_165 : memref<40x128xf32, #tpu.memory_space<vmem_shared>>)
      tpu.yield
    }) : () -> ()
    %mul3A_65 = arith.constant 624 : i32
    %mul3A_66 = arith.muli %arg1, %mul3A_65 : i32
    %add3A_67 = arith.constant 240 : i32
    %add3A_68 = arith.addi %mul3A_66, %add3A_67 : i32
    "tpu.region"() ({
      %run_scoped3A = tpu.sem_alloc : memref<!tpu.dma_semaphore, #tpu.memory_space<semaphore_mem>>
      %dma_start3A_158 = arith.constant 0 : i32
      %dma_start3A_159 = tpu.memref_slice %arg19[%add3A_68, %dma_start3A_158] : memref<10000x128xf32, #tpu.memory_space<vmem_shared>> -> memref<40x128xf32, #tpu.memory_space<vmem_shared>>
      %dma_start3A_160 = arith.constant 0 : i32
      %dma_start3A_161 = tpu.memref_slice %arg19[%add3A_68, %dma_start3A_160] : memref<10000x128xf32, #tpu.memory_space<vmem_shared>> -> memref<40x128xf32, #tpu.memory_space<vmem_shared>>
      tpu.enqueue_dma source(%arg17 : memref<40x128xf32, #tpu.memory_space<vmem>>) target(%dma_start3A_161 : memref<40x128xf32, #tpu.memory_space<vmem_shared>>) target_semaphore(%run_scoped3A : memref<!tpu.dma_semaphore, #tpu.memory_space<semaphore_mem>>)
      %dma_wait3A_162 = arith.constant 0 : i32
      %dma_wait3A_163 = tpu.memref_slice %arg19[%add3A_68, %dma_wait3A_162] : memref<10000x128xf32, #tpu.memory_space<vmem_shared>> -> memref<40x128xf32, #tpu.memory_space<vmem_shared>>
      %dma_wait3A_164 = arith.constant 0 : i32
      %dma_wait3A_165 = tpu.memref_slice %arg19[%add3A_68, %dma_wait3A_164] : memref<10000x128xf32, #tpu.memory_space<vmem_shared>> -> memref<40x128xf32, #tpu.memory_space<vmem_shared>>
      tpu.wait_dma2 semaphore(%run_scoped3A : memref<!tpu.dma_semaphore, #tpu.memory_space<semaphore_mem>>) src(%arg17 : memref<40x128xf32, #tpu.memory_space<vmem>>) dst(%dma_wait3A_165 : memref<40x128xf32, #tpu.memory_space<vmem_shared>>)
      tpu.yield
    }) : () -> ()
    %mul3A_69 = arith.constant 624 : i32
    %mul3A_70 = arith.muli %arg1, %mul3A_69 : i32
    %add3A_71 = arith.constant 280 : i32
    %add3A_72 = arith.addi %mul3A_70, %add3A_71 : i32
    "tpu.region"() ({
      %run_scoped3A = tpu.sem_alloc : memref<!tpu.dma_semaphore, #tpu.memory_space<semaphore_mem>>
      %dma_start3A_158 = arith.constant 0 : i32
      %dma_start3A_159 = tpu.memref_slice %arg19[%add3A_72, %dma_start3A_158] : memref<10000x128xf32, #tpu.memory_space<vmem_shared>> -> memref<40x128xf32, #tpu.memory_space<vmem_shared>>
      %dma_start3A_160 = arith.constant 0 : i32
      %dma_start3A_161 = tpu.memref_slice %arg19[%add3A_72, %dma_start3A_160] : memref<10000x128xf32, #tpu.memory_space<vmem_shared>> -> memref<40x128xf32, #tpu.memory_space<vmem_shared>>
      tpu.enqueue_dma source(%arg17 : memref<40x128xf32, #tpu.memory_space<vmem>>) target(%dma_start3A_161 : memref<40x128xf32, #tpu.memory_space<vmem_shared>>) target_semaphore(%run_scoped3A : memref<!tpu.dma_semaphore, #tpu.memory_space<semaphore_mem>>)
      %dma_wait3A_162 = arith.constant 0 : i32
      %dma_wait3A_163 = tpu.memref_slice %arg19[%add3A_72, %dma_wait3A_162] : memref<10000x128xf32, #tpu.memory_space<vmem_shared>> -> memref<40x128xf32, #tpu.memory_space<vmem_shared>>
      %dma_wait3A_164 = arith.constant 0 : i32
      %dma_wait3A_165 = tpu.memref_slice %arg19[%add3A_72, %dma_wait3A_164] : memref<10000x128xf32, #tpu.memory_space<vmem_shared>> -> memref<40x128xf32, #tpu.memory_space<vmem_shared>>
      tpu.wait_dma2 semaphore(%run_scoped3A : memref<!tpu.dma_semaphore, #tpu.memory_space<semaphore_mem>>) src(%arg17 : memref<40x128xf32, #tpu.memory_space<vmem>>) dst(%dma_wait3A_165 : memref<40x128xf32, #tpu.memory_space<vmem_shared>>)
      tpu.yield
    }) : () -> ()
    %mul3A_73 = arith.constant 624 : i32
    %mul3A_74 = arith.muli %arg1, %mul3A_73 : i32
    %add3A_75 = arith.constant 320 : i32
    %add3A_76 = arith.addi %mul3A_74, %add3A_75 : i32
    "tpu.region"() ({
      %run_scoped3A = tpu.sem_alloc : memref<!tpu.dma_semaphore, #tpu.memory_space<semaphore_mem>>
      %dma_start3A_158 = arith.constant 0 : i32
      %dma_start3A_159 = tpu.memref_slice %arg19[%add3A_76, %dma_start3A_158] : memref<10000x128xf32, #tpu.memory_space<vmem_shared>> -> memref<40x128xf32, #tpu.memory_space<vmem_shared>>
      %dma_start3A_160 = arith.constant 0 : i32
      %dma_start3A_161 = tpu.memref_slice %arg19[%add3A_76, %dma_start3A_160] : memref<10000x128xf32, #tpu.memory_space<vmem_shared>> -> memref<40x128xf32, #tpu.memory_space<vmem_shared>>
      tpu.enqueue_dma source(%arg17 : memref<40x128xf32, #tpu.memory_space<vmem>>) target(%dma_start3A_161 : memref<40x128xf32, #tpu.memory_space<vmem_shared>>) target_semaphore(%run_scoped3A : memref<!tpu.dma_semaphore, #tpu.memory_space<semaphore_mem>>)
      %dma_wait3A_162 = arith.constant 0 : i32
      %dma_wait3A_163 = tpu.memref_slice %arg19[%add3A_76, %dma_wait3A_162] : memref<10000x128xf32, #tpu.memory_space<vmem_shared>> -> memref<40x128xf32, #tpu.memory_space<vmem_shared>>
      %dma_wait3A_164 = arith.constant 0 : i32
      %dma_wait3A_165 = tpu.memref_slice %arg19[%add3A_76, %dma_wait3A_164] : memref<10000x128xf32, #tpu.memory_space<vmem_shared>> -> memref<40x128xf32, #tpu.memory_space<vmem_shared>>
      tpu.wait_dma2 semaphore(%run_scoped3A : memref<!tpu.dma_semaphore, #tpu.memory_space<semaphore_mem>>) src(%arg17 : memref<40x128xf32, #tpu.memory_space<vmem>>) dst(%dma_wait3A_165 : memref<40x128xf32, #tpu.memory_space<vmem_shared>>)
      tpu.yield
    }) : () -> ()
    %mul3A_77 = arith.constant 624 : i32
    %mul3A_78 = arith.muli %arg1, %mul3A_77 : i32
    %add3A_79 = arith.constant 360 : i32
    %add3A_80 = arith.addi %mul3A_78, %add3A_79 : i32
    "tpu.region"() ({
      %run_scoped3A = tpu.sem_alloc : memref<!tpu.dma_semaphore, #tpu.memory_space<semaphore_mem>>
      %dma_start3A_158 = arith.constant 0 : i32
      %dma_start3A_159 = tpu.memref_slice %arg19[%add3A_80, %dma_start3A_158] : memref<10000x128xf32, #tpu.memory_space<vmem_shared>> -> memref<40x128xf32, #tpu.memory_space<vmem_shared>>
      %dma_start3A_160 = arith.constant 0 : i32
      %dma_start3A_161 = tpu.memref_slice %arg19[%add3A_80, %dma_start3A_160] : memref<10000x128xf32, #tpu.memory_space<vmem_shared>> -> memref<40x128xf32, #tpu.memory_space<vmem_shared>>
      tpu.enqueue_dma source(%arg17 : memref<40x128xf32, #tpu.memory_space<vmem>>) target(%dma_start3A_161 : memref<40x128xf32, #tpu.memory_space<vmem_shared>>) target_semaphore(%run_scoped3A : memref<!tpu.dma_semaphore, #tpu.memory_space<semaphore_mem>>)
      %dma_wait3A_162 = arith.constant 0 : i32
      %dma_wait3A_163 = tpu.memref_slice %arg19[%add3A_80, %dma_wait3A_162] : memref<10000x128xf32, #tpu.memory_space<vmem_shared>> -> memref<40x128xf32, #tpu.memory_space<vmem_shared>>
      %dma_wait3A_164 = arith.constant 0 : i32
      %dma_wait3A_165 = tpu.memref_slice %arg19[%add3A_80, %dma_wait3A_164] : memref<10000x128xf32, #tpu.memory_space<vmem_shared>> -> memref<40x128xf32, #tpu.memory_space<vmem_shared>>
      tpu.wait_dma2 semaphore(%run_scoped3A : memref<!tpu.dma_semaphore, #tpu.memory_space<semaphore_mem>>) src(%arg17 : memref<40x128xf32, #tpu.memory_space<vmem>>) dst(%dma_wait3A_165 : memref<40x128xf32, #tpu.memory_space<vmem_shared>>)
      tpu.yield
    }) : () -> ()
    %mul3A_81 = arith.constant 624 : i32
    %mul3A_82 = arith.muli %arg1, %mul3A_81 : i32
    %add3A_83 = arith.constant 400 : i32
    %add3A_84 = arith.addi %mul3A_82, %add3A_83 : i32
    "tpu.region"() ({
      %run_scoped3A = tpu.sem_alloc : memref<!tpu.dma_semaphore, #tpu.memory_space<semaphore_mem>>
      %dma_start3A_158 = arith.constant 0 : i32
      %dma_start3A_159 = tpu.memref_slice %arg19[%add3A_84, %dma_start3A_158] : memref<10000x128xf32, #tpu.memory_space<vmem_shared>> -> memref<40x128xf32, #tpu.memory_space<vmem_shared>>
      %dma_start3A_160 = arith.constant 0 : i32
      %dma_start3A_161 = tpu.memref_slice %arg19[%add3A_84, %dma_start3A_160] : memref<10000x128xf32, #tpu.memory_space<vmem_shared>> -> memref<40x128xf32, #tpu.memory_space<vmem_shared>>
      tpu.enqueue_dma source(%arg17 : memref<40x128xf32, #tpu.memory_space<vmem>>) target(%dma_start3A_161 : memref<40x128xf32, #tpu.memory_space<vmem_shared>>) target_semaphore(%run_scoped3A : memref<!tpu.dma_semaphore, #tpu.memory_space<semaphore_mem>>)
      %dma_wait3A_162 = arith.constant 0 : i32
      %dma_wait3A_163 = tpu.memref_slice %arg19[%add3A_84, %dma_wait3A_162] : memref<10000x128xf32, #tpu.memory_space<vmem_shared>> -> memref<40x128xf32, #tpu.memory_space<vmem_shared>>
      %dma_wait3A_164 = arith.constant 0 : i32
      %dma_wait3A_165 = tpu.memref_slice %arg19[%add3A_84, %dma_wait3A_164] : memref<10000x128xf32, #tpu.memory_space<vmem_shared>> -> memref<40x128xf32, #tpu.memory_space<vmem_shared>>
      tpu.wait_dma2 semaphore(%run_scoped3A : memref<!tpu.dma_semaphore, #tpu.memory_space<semaphore_mem>>) src(%arg17 : memref<40x128xf32, #tpu.memory_space<vmem>>) dst(%dma_wait3A_165 : memref<40x128xf32, #tpu.memory_space<vmem_shared>>)
      tpu.yield
    }) : () -> ()
    %mul3A_85 = arith.constant 624 : i32
    %mul3A_86 = arith.muli %arg1, %mul3A_85 : i32
    %add3A_87 = arith.constant 440 : i32
    %add3A_88 = arith.addi %mul3A_86, %add3A_87 : i32
    "tpu.region"() ({
      %run_scoped3A = tpu.sem_alloc : memref<!tpu.dma_semaphore, #tpu.memory_space<semaphore_mem>>
      %dma_start3A_158 = arith.constant 0 : i32
      %dma_start3A_159 = tpu.memref_slice %arg19[%add3A_88, %dma_start3A_158] : memref<10000x128xf32, #tpu.memory_space<vmem_shared>> -> memref<40x128xf32, #tpu.memory_space<vmem_shared>>
      %dma_start3A_160 = arith.constant 0 : i32
      %dma_start3A_161 = tpu.memref_slice %arg19[%add3A_88, %dma_start3A_160] : memref<10000x128xf32, #tpu.memory_space<vmem_shared>> -> memref<40x128xf32, #tpu.memory_space<vmem_shared>>
      tpu.enqueue_dma source(%arg17 : memref<40x128xf32, #tpu.memory_space<vmem>>) target(%dma_start3A_161 : memref<40x128xf32, #tpu.memory_space<vmem_shared>>) target_semaphore(%run_scoped3A : memref<!tpu.dma_semaphore, #tpu.memory_space<semaphore_mem>>)
      %dma_wait3A_162 = arith.constant 0 : i32
      %dma_wait3A_163 = tpu.memref_slice %arg19[%add3A_88, %dma_wait3A_162] : memref<10000x128xf32, #tpu.memory_space<vmem_shared>> -> memref<40x128xf32, #tpu.memory_space<vmem_shared>>
      %dma_wait3A_164 = arith.constant 0 : i32
      %dma_wait3A_165 = tpu.memref_slice %arg19[%add3A_88, %dma_wait3A_164] : memref<10000x128xf32, #tpu.memory_space<vmem_shared>> -> memref<40x128xf32, #tpu.memory_space<vmem_shared>>
      tpu.wait_dma2 semaphore(%run_scoped3A : memref<!tpu.dma_semaphore, #tpu.memory_space<semaphore_mem>>) src(%arg17 : memref<40x128xf32, #tpu.memory_space<vmem>>) dst(%dma_wait3A_165 : memref<40x128xf32, #tpu.memory_space<vmem_shared>>)
      tpu.yield
    }) : () -> ()
    %mul3A_89 = arith.constant 624 : i32
    %mul3A_90 = arith.muli %arg1, %mul3A_89 : i32
    %add3A_91 = arith.constant 480 : i32
    %add3A_92 = arith.addi %mul3A_90, %add3A_91 : i32
    "tpu.region"() ({
      %run_scoped3A = tpu.sem_alloc : memref<!tpu.dma_semaphore, #tpu.memory_space<semaphore_mem>>
      %dma_start3A_158 = arith.constant 0 : i32
      %dma_start3A_159 = tpu.memref_slice %arg19[%add3A_92, %dma_start3A_158] : memref<10000x128xf32, #tpu.memory_space<vmem_shared>> -> memref<40x128xf32, #tpu.memory_space<vmem_shared>>
      %dma_start3A_160 = arith.constant 0 : i32
      %dma_start3A_161 = tpu.memref_slice %arg19[%add3A_92, %dma_start3A_160] : memref<10000x128xf32, #tpu.memory_space<vmem_shared>> -> memref<40x128xf32, #tpu.memory_space<vmem_shared>>
      tpu.enqueue_dma source(%arg17 : memref<40x128xf32, #tpu.memory_space<vmem>>) target(%dma_start3A_161 : memref<40x128xf32, #tpu.memory_space<vmem_shared>>) target_semaphore(%run_scoped3A : memref<!tpu.dma_semaphore, #tpu.memory_space<semaphore_mem>>)
      %dma_wait3A_162 = arith.constant 0 : i32
      %dma_wait3A_163 = tpu.memref_slice %arg19[%add3A_92, %dma_wait3A_162] : memref<10000x128xf32, #tpu.memory_space<vmem_shared>> -> memref<40x128xf32, #tpu.memory_space<vmem_shared>>
      %dma_wait3A_164 = arith.constant 0 : i32
      %dma_wait3A_165 = tpu.memref_slice %arg19[%add3A_92, %dma_wait3A_164] : memref<10000x128xf32, #tpu.memory_space<vmem_shared>> -> memref<40x128xf32, #tpu.memory_space<vmem_shared>>
      tpu.wait_dma2 semaphore(%run_scoped3A : memref<!tpu.dma_semaphore, #tpu.memory_space<semaphore_mem>>) src(%arg17 : memref<40x128xf32, #tpu.memory_space<vmem>>) dst(%dma_wait3A_165 : memref<40x128xf32, #tpu.memory_space<vmem_shared>>)
      tpu.yield
    }) : () -> ()
    %mul3A_93 = arith.constant 624 : i32
    %mul3A_94 = arith.muli %arg1, %mul3A_93 : i32
    %add3A_95 = arith.constant 520 : i32
    %add3A_96 = arith.addi %mul3A_94, %add3A_95 : i32
    "tpu.region"() ({
      %run_scoped3A = tpu.sem_alloc : memref<!tpu.dma_semaphore, #tpu.memory_space<semaphore_mem>>
      %dma_start3A_158 = arith.constant 0 : i32
      %dma_start3A_159 = tpu.memref_slice %arg19[%add3A_96, %dma_start3A_158] : memref<10000x128xf32, #tpu.memory_space<vmem_shared>> -> memref<40x128xf32, #tpu.memory_space<vmem_shared>>
      %dma_start3A_160 = arith.constant 0 : i32
      %dma_start3A_161 = tpu.memref_slice %arg19[%add3A_96, %dma_start3A_160] : memref<10000x128xf32, #tpu.memory_space<vmem_shared>> -> memref<40x128xf32, #tpu.memory_space<vmem_shared>>
      tpu.enqueue_dma source(%arg17 : memref<40x128xf32, #tpu.memory_space<vmem>>) target(%dma_start3A_161 : memref<40x128xf32, #tpu.memory_space<vmem_shared>>) target_semaphore(%run_scoped3A : memref<!tpu.dma_semaphore, #tpu.memory_space<semaphore_mem>>)
      %dma_wait3A_162 = arith.constant 0 : i32
      %dma_wait3A_163 = tpu.memref_slice %arg19[%add3A_96, %dma_wait3A_162] : memref<10000x128xf32, #tpu.memory_space<vmem_shared>> -> memref<40x128xf32, #tpu.memory_space<vmem_shared>>
      %dma_wait3A_164 = arith.constant 0 : i32
      %dma_wait3A_165 = tpu.memref_slice %arg19[%add3A_96, %dma_wait3A_164] : memref<10000x128xf32, #tpu.memory_space<vmem_shared>> -> memref<40x128xf32, #tpu.memory_space<vmem_shared>>
      tpu.wait_dma2 semaphore(%run_scoped3A : memref<!tpu.dma_semaphore, #tpu.memory_space<semaphore_mem>>) src(%arg17 : memref<40x128xf32, #tpu.memory_space<vmem>>) dst(%dma_wait3A_165 : memref<40x128xf32, #tpu.memory_space<vmem_shared>>)
      tpu.yield
    }) : () -> ()
    %mul3A_97 = arith.constant 624 : i32
    %mul3A_98 = arith.muli %arg1, %mul3A_97 : i32
    %add3A_99 = arith.constant 560 : i32
    %add3A_100 = arith.addi %mul3A_98, %add3A_99 : i32
    "tpu.region"() ({
      %run_scoped3A = tpu.sem_alloc : memref<!tpu.dma_semaphore, #tpu.memory_space<semaphore_mem>>
      %dma_start3A_158 = arith.constant 0 : i32
      %dma_start3A_159 = tpu.memref_slice %arg19[%add3A_100, %dma_start3A_158] : memref<10000x128xf32, #tpu.memory_space<vmem_shared>> -> memref<40x128xf32, #tpu.memory_space<vmem_shared>>
      %dma_start3A_160 = arith.constant 0 : i32
      %dma_start3A_161 = tpu.memref_slice %arg19[%add3A_100, %dma_start3A_160] : memref<10000x128xf32, #tpu.memory_space<vmem_shared>> -> memref<40x128xf32, #tpu.memory_space<vmem_shared>>
      tpu.enqueue_dma source(%arg17 : memref<40x128xf32, #tpu.memory_space<vmem>>) target(%dma_start3A_161 : memref<40x128xf32, #tpu.memory_space<vmem_shared>>) target_semaphore(%run_scoped3A : memref<!tpu.dma_semaphore, #tpu.memory_space<semaphore_mem>>)
      %dma_wait3A_162 = arith.constant 0 : i32
      %dma_wait3A_163 = tpu.memref_slice %arg19[%add3A_100, %dma_wait3A_162] : memref<10000x128xf32, #tpu.memory_space<vmem_shared>> -> memref<40x128xf32, #tpu.memory_space<vmem_shared>>
      %dma_wait3A_164 = arith.constant 0 : i32
      %dma_wait3A_165 = tpu.memref_slice %arg19[%add3A_100, %dma_wait3A_164] : memref<10000x128xf32, #tpu.memory_space<vmem_shared>> -> memref<40x128xf32, #tpu.memory_space<vmem_shared>>
      tpu.wait_dma2 semaphore(%run_scoped3A : memref<!tpu.dma_semaphore, #tpu.memory_space<semaphore_mem>>) src(%arg17 : memref<40x128xf32, #tpu.memory_space<vmem>>) dst(%dma_wait3A_165 : memref<40x128xf32, #tpu.memory_space<vmem_shared>>)
      tpu.yield
    }) : () -> ()
    %mul3A_101 = arith.constant 624 : i32
    %mul3A_102 = arith.muli %arg1, %mul3A_101 : i32
    %add3A_103 = arith.constant 600 : i32
    %add3A_104 = arith.addi %mul3A_102, %add3A_103 : i32
    "tpu.region"() ({
      %run_scoped3A = tpu.sem_alloc : memref<!tpu.dma_semaphore, #tpu.memory_space<semaphore_mem>>
      %dma_start3A_158 = arith.constant 0 : i32
      %dma_start3A_159 = arith.constant 0 : i32
      %dma_start3A_160 = tpu.memref_slice %arg17[%dma_start3A_158, %dma_start3A_159] : memref<40x128xf32, #tpu.memory_space<vmem>> -> memref<24x128xf32, #tpu.memory_space<vmem>>
      %dma_start3A_161 = arith.constant 0 : i32
      %dma_start3A_162 = tpu.memref_slice %arg19[%add3A_104, %dma_start3A_161] : memref<10000x128xf32, #tpu.memory_space<vmem_shared>> -> memref<24x128xf32, #tpu.memory_space<vmem_shared>>
      %dma_start3A_163 = arith.constant 0 : i32
      %dma_start3A_164 = tpu.memref_slice %arg19[%add3A_104, %dma_start3A_163] : memref<10000x128xf32, #tpu.memory_space<vmem_shared>> -> memref<24x128xf32, #tpu.memory_space<vmem_shared>>
      %dma_start3A_165 = arith.constant 0 : i32
      %dma_start3A_166 = arith.constant 0 : i32
      %dma_start3A_167 = tpu.memref_slice %arg17[%dma_start3A_165, %dma_start3A_166] : memref<40x128xf32, #tpu.memory_space<vmem>> -> memref<24x128xf32, #tpu.memory_space<vmem>>
      tpu.enqueue_dma source(%dma_start3A_167 : memref<24x128xf32, #tpu.memory_space<vmem>>) target(%dma_start3A_164 : memref<24x128xf32, #tpu.memory_space<vmem_shared>>) target_semaphore(%run_scoped3A : memref<!tpu.dma_semaphore, #tpu.memory_space<semaphore_mem>>)
      %dma_wait3A_168 = arith.constant 0 : i32
      %dma_wait3A_169 = arith.constant 0 : i32
      %dma_wait3A_170 = tpu.memref_slice %arg17[%dma_wait3A_168, %dma_wait3A_169] : memref<40x128xf32, #tpu.memory_space<vmem>> -> memref<24x128xf32, #tpu.memory_space<vmem>>
      %dma_wait3A_171 = arith.constant 0 : i32
      %dma_wait3A_172 = tpu.memref_slice %arg19[%add3A_104, %dma_wait3A_171] : memref<10000x128xf32, #tpu.memory_space<vmem_shared>> -> memref<24x128xf32, #tpu.memory_space<vmem_shared>>
      %dma_wait3A_173 = arith.constant 0 : i32
      %dma_wait3A_174 = tpu.memref_slice %arg19[%add3A_104, %dma_wait3A_173] : memref<10000x128xf32, #tpu.memory_space<vmem_shared>> -> memref<24x128xf32, #tpu.memory_space<vmem_shared>>
      %dma_wait3A_175 = arith.constant 0 : i32
      %dma_wait3A_176 = arith.constant 0 : i32
      %dma_wait3A_177 = tpu.memref_slice %arg17[%dma_wait3A_175, %dma_wait3A_176] : memref<40x128xf32, #tpu.memory_space<vmem>> -> memref<24x128xf32, #tpu.memory_space<vmem>>
      tpu.wait_dma2 semaphore(%run_scoped3A : memref<!tpu.dma_semaphore, #tpu.memory_space<semaphore_mem>>) src(%dma_wait3A_177 : memref<24x128xf32, #tpu.memory_space<vmem>>) dst(%dma_wait3A_174 : memref<24x128xf32, #tpu.memory_space<vmem_shared>>)
      tpu.yield
    }) : () -> ()
    %eq3A = arith.constant 15 : i32
    %eq3A_105 = arith.cmpi eq, %arg1, %eq3A : i32
    %convert_element_type3A = arith.extui %eq3A_105 : i1 to i32
    %cond3A = arith.constant 0 : i32
    %cond3A_106 = arith.cmpi ne, %convert_element_type3A, %cond3A : i32
    scf.if %cond3A_106 {
      "tpu.region"() ({
        %run_scoped3A = tpu.sem_alloc : memref<!tpu.dma_semaphore, #tpu.memory_space<semaphore_mem>>
        %dma_start3A_158 = arith.constant 0 : i32
        %dma_start3A_159 = arith.constant 0 : i32
        %dma_start3A_160 = tpu.memref_slice %arg17[%dma_start3A_158, %dma_start3A_159] : memref<40x128xf32, #tpu.memory_space<vmem>> -> memref<16x128xf32, #tpu.memory_space<vmem>>
        %dma_start3A_161 = arith.constant 9984 : i32
        %dma_start3A_162 = arith.constant 0 : i32
        %dma_start3A_163 = tpu.memref_slice %arg19[%dma_start3A_161, %dma_start3A_162] : memref<10000x128xf32, #tpu.memory_space<vmem_shared>> -> memref<16x128xf32, #tpu.memory_space<vmem_shared>>
        %dma_start3A_164 = arith.constant 9984 : i32
        %dma_start3A_165 = arith.constant 0 : i32
        %dma_start3A_166 = tpu.memref_slice %arg19[%dma_start3A_164, %dma_start3A_165] : memref<10000x128xf32, #tpu.memory_space<vmem_shared>> -> memref<16x128xf32, #tpu.memory_space<vmem_shared>>
        %dma_start3A_167 = arith.constant 0 : i32
        %dma_start3A_168 = arith.constant 0 : i32
        %dma_start3A_169 = tpu.memref_slice %arg17[%dma_start3A_167, %dma_start3A_168] : memref<40x128xf32, #tpu.memory_space<vmem>> -> memref<16x128xf32, #tpu.memory_space<vmem>>
        tpu.enqueue_dma source(%dma_start3A_169 : memref<16x128xf32, #tpu.memory_space<vmem>>) target(%dma_start3A_166 : memref<16x128xf32, #tpu.memory_space<vmem_shared>>) target_semaphore(%run_scoped3A : memref<!tpu.dma_semaphore, #tpu.memory_space<semaphore_mem>>)
        %dma_wait3A_170 = arith.constant 0 : i32
        %dma_wait3A_171 = arith.constant 0 : i32
        %dma_wait3A_172 = tpu.memref_slice %arg17[%dma_wait3A_170, %dma_wait3A_171] : memref<40x128xf32, #tpu.memory_space<vmem>> -> memref<16x128xf32, #tpu.memory_space<vmem>>
        %dma_wait3A_173 = arith.constant 9984 : i32
        %dma_wait3A_174 = arith.constant 0 : i32
        %dma_wait3A_175 = tpu.memref_slice %arg19[%dma_wait3A_173, %dma_wait3A_174] : memref<10000x128xf32, #tpu.memory_space<vmem_shared>> -> memref<16x128xf32, #tpu.memory_space<vmem_shared>>
        %dma_wait3A_176 = arith.constant 9984 : i32
        %dma_wait3A_177 = arith.constant 0 : i32
        %dma_wait3A_178 = tpu.memref_slice %arg19[%dma_wait3A_176, %dma_wait3A_177] : memref<10000x128xf32, #tpu.memory_space<vmem_shared>> -> memref<16x128xf32, #tpu.memory_space<vmem_shared>>
        %dma_wait3A_179 = arith.constant 0 : i32
        %dma_wait3A_180 = arith.constant 0 : i32
        %dma_wait3A_181 = tpu.memref_slice %arg17[%dma_wait3A_179, %dma_wait3A_180] : memref<40x128xf32, #tpu.memory_space<vmem>> -> memref<16x128xf32, #tpu.memory_space<vmem>>
        tpu.wait_dma2 semaphore(%run_scoped3A : memref<!tpu.dma_semaphore, #tpu.memory_space<semaphore_mem>>) src(%dma_wait3A_181 : memref<16x128xf32, #tpu.memory_space<vmem>>) dst(%dma_wait3A_178 : memref<16x128xf32, #tpu.memory_space<vmem_shared>>)
        tpu.yield
      }) : () -> ()
    } else {
    }
    %barrier3A = arith.constant 0 : index
    tpu.barrier barrier_id(%barrier3A)
    %add3A_107 = arith.constant 0 : i32
    %add3A_108 = arith.addi %mul3A_2, %add3A_107 : i32
    %dma_wait3A = arith.constant 0 : i32
    %dma_wait3A_109 = tpu.memref_slice %arg4[%add3A_108, %dma_wait3A] : memref<8000x40xi32, #tpu.memory_space<hbm>> -> memref<1x40xi32, #tpu.memory_space<hbm>>
    %dma_wait3A_110 = tpu.memref_squeeze %dma_wait3A_109 : memref<1x40xi32, #tpu.memory_space<hbm>> -> memref<40xi32, #tpu.memory_space<hbm>>
    %dma_wait3A_111 = arith.constant 0 : i32
    %dma_wait3A_112 = tpu.memref_slice %arg4[%add3A_108, %dma_wait3A_111] : memref<8000x40xi32, #tpu.memory_space<hbm>> -> memref<1x40xi32, #tpu.memory_space<hbm>>
    %dma_wait3A_113 = tpu.memref_squeeze %dma_wait3A_112 : memref<1x40xi32, #tpu.memory_space<hbm>> -> memref<40xi32, #tpu.memory_space<hbm>>
    tpu.wait_dma2 semaphore(%arg20 : memref<!tpu.dma_semaphore, #tpu.memory_space<semaphore_mem>>) src(%dma_wait3A_113 : memref<40xi32, #tpu.memory_space<hbm>>) dst(%arg7 : memref<40xi32, #tpu.memory_space<vmem>>)
    %add3A_114 = arith.constant 0 : i32
    %add3A_115 = arith.addi %mul3A_4, %add3A_114 : i32
    %dma_wait3A_116 = arith.constant 0 : i32
    %dma_wait3A_117 = tpu.memref_slice %arg5[%add3A_115, %dma_wait3A_116] : memref<4000x40xi32, #tpu.memory_space<hbm>> -> memref<1x40xi32, #tpu.memory_space<hbm>>
    %dma_wait3A_118 = tpu.memref_squeeze %dma_wait3A_117 : memref<1x40xi32, #tpu.memory_space<hbm>> -> memref<40xi32, #tpu.memory_space<hbm>>
    %dma_wait3A_119 = arith.constant 0 : i32
    %dma_wait3A_120 = tpu.memref_slice %arg5[%add3A_115, %dma_wait3A_119] : memref<4000x40xi32, #tpu.memory_space<hbm>> -> memref<1x40xi32, #tpu.memory_space<hbm>>
    %dma_wait3A_121 = tpu.memref_squeeze %dma_wait3A_120 : memref<1x40xi32, #tpu.memory_space<hbm>> -> memref<40xi32, #tpu.memory_space<hbm>>
    tpu.wait_dma2 semaphore(%arg20 : memref<!tpu.dma_semaphore, #tpu.memory_space<semaphore_mem>>) src(%dma_wait3A_121 : memref<40xi32, #tpu.memory_space<hbm>>) dst(%arg10 : memref<40xi32, #tpu.memory_space<vmem>>)
    %dma_start3A_122 = arith.constant 0 : i32
    %dma_start3A_123 = arith.constant 0 : i32
    %dma_start3A_124 = tpu.memref_slice %arg2[%dma_start3A_122, %dma_start3A_123] : memref<20000x128xf32, #tpu.memory_space<hbm>> -> memref<20000x128xf32, #tpu.memory_space<hbm>>
    tpu.enqueue_indirect_dma source(%dma_start3A_124 : memref<20000x128xf32, #tpu.memory_space<hbm>>) target(%arg13 : memref<40x128xf32, #tpu.memory_space<vmem>>) offsets(%arg7 : memref<40xi32, #tpu.memory_space<vmem>>) semaphore(%arg23 : memref<!tpu.dma_semaphore, #tpu.memory_space<semaphore_mem>>)
    %mul3A_125 = arith.constant 160000 : i32
    %mul3A_126 = arith.muli %arg0, %mul3A_125 : i32
    %mul3A_127 = arith.constant 10000 : i32
    %mul3A_128 = arith.muli %arg1, %mul3A_127 : i32
    %add3A_129 = arith.addi %mul3A_126, %mul3A_128 : i32
    %add3A_130 = arith.constant 0 : i32
    %add3A_131 = arith.addi %add3A_129, %add3A_130 : i32
    %dma_start3A_132 = arith.constant 0 : i32
    %dma_start3A_133 = tpu.memref_slice %arg3[%add3A_131, %dma_start3A_132] : memref<320000x128xf32, #tpu.memory_space<hbm>> -> memref<40x128xf32, #tpu.memory_space<hbm>>
    %dma_start3A_134 = arith.constant 0 : i32
    %dma_start3A_135 = tpu.memref_slice %arg3[%add3A_131, %dma_start3A_134] : memref<320000x128xf32, #tpu.memory_space<hbm>> -> memref<40x128xf32, #tpu.memory_space<hbm>>
    tpu.enqueue_dma source(%dma_start3A_135 : memref<40x128xf32, #tpu.memory_space<hbm>>) target(%arg15 : memref<40x128xf32, #tpu.memory_space<vmem>>) target_semaphore(%arg25 : memref<!tpu.dma_semaphore, #tpu.memory_space<semaphore_mem>>)
    %scan3A_136 = arith.constant 0 : i32
    %scan3A_137 = arith.constant 0 : i32
    %scan3A_138 = arith.constant 250 : i32
    %scan3A_139 = arith.addi %scan3A_137, %scan3A_138 : i32
    %scan3A_140 = arith.constant 1 : i32
    scf.for %scan3A_158 = %scan3A_137 to %scan3A_139 step %scan3A_140  : i32 {
      %jit3A = arith.constant 2 : i32
      %eq3A_159 = arith.constant 0 : i32
      %eq3A_160 = arith.cmpi eq, %jit3A, %eq3A_159 : i32
      %jit3A_161 = arith.constant 1 : i32
      %select_n3A = arith.select %eq3A_160, %jit3A_161, %jit3A : i32
      %rem3A = arith.remsi %scan3A_158, %select_n3A : i32
      %ne3A = arith.constant 0 : i32
      %ne3A_162 = arith.cmpi ne, %rem3A, %ne3A : i32
      %lt3A = arith.constant 0 : i32
      %lt3A_163 = arith.cmpi slt, %rem3A, %lt3A : i32
      %lt3A_164 = arith.constant 0 : i32
      %lt3A_165 = arith.cmpi slt, %select_n3A, %lt3A_164 : i32
      %ne3A_166 = arith.xori %lt3A_163, %lt3A_165 : i1
      %and3A = arith.andi %ne3A_166, %ne3A_162 : i1
      %add3A_167 = arith.addi %rem3A, %select_n3A : i32
      %select_n3A_168 = arith.select %and3A, %add3A_167, %rem3A : i32
      %eq3A_169 = arith.constant 0 : i32
      %eq3A_170 = arith.cmpi eq, %select_n3A_168, %eq3A_169 : i32
      %jit3A_171 = arith.constant 3 : i32
      %eq3A_172 = arith.constant 0 : i32
      %eq3A_173 = arith.cmpi eq, %jit3A_171, %eq3A_172 : i32
      %jit3A_174 = arith.constant 1 : i32
      %select_n3A_175 = arith.select %eq3A_173, %jit3A_174, %jit3A_171 : i32
      %rem3A_176 = arith.remsi %scan3A_158, %select_n3A_175 : i32
      %ne3A_177 = arith.constant 0 : i32
      %ne3A_178 = arith.cmpi ne, %rem3A_176, %ne3A_177 : i32
      %lt3A_179 = arith.constant 0 : i32
      %lt3A_180 = arith.cmpi slt, %rem3A_176, %lt3A_179 : i32
      %lt3A_181 = arith.constant 0 : i32
      %lt3A_182 = arith.cmpi slt, %select_n3A_175, %lt3A_181 : i32
      %ne3A_183 = arith.xori %lt3A_180, %lt3A_182 : i1
      %and3A_184 = arith.andi %ne3A_183, %ne3A_178 : i1
      %add3A_185 = arith.addi %rem3A_176, %select_n3A_175 : i32
      %select_n3A_186 = arith.select %and3A_184, %add3A_185, %rem3A_176 : i32
      %eq3A_187 = arith.constant 0 : i32
      %eq3A_188 = arith.cmpi eq, %select_n3A_186, %eq3A_187 : i32
      %and3A_189 = arith.andi %eq3A_170, %eq3A_188 : i1
      %convert_element_type3A_190 = arith.extui %and3A_189 : i1 to i32
      %cond3A_191 = arith.constant 0 : i32
      %cond3A_192 = arith.cmpi ne, %convert_element_type3A_190, %cond3A_191 : i32
      scf.if %cond3A_192 {
        %ge3A = arith.constant 1 : i32
        %ge3A_393 = arith.cmpi sge, %scan3A_158, %ge3A : i32
        %convert_element_type3A_394 = arith.extui %ge3A_393 : i1 to i32
        %cond3A_395 = arith.constant 0 : i32
        %cond3A_396 = arith.cmpi ne, %convert_element_type3A_394, %cond3A_395 : i32
        scf.if %cond3A_396 {
          %dma_wait3A_435 = arith.constant 0 : i32
          %dma_wait3A_436 = arith.constant 0 : i32
          %dma_wait3A_437 = tpu.memref_slice %arg19[%dma_wait3A_435, %dma_wait3A_436] : memref<10000x128xf32, #tpu.memory_space<vmem_shared>> -> memref<10000x128xf32, #tpu.memory_space<vmem_shared>>
          tpu.wait_indirect_dma semaphore(%arg28 : memref<!tpu.dma_semaphore, #tpu.memory_space<semaphore_mem>>) src(%arg18 : memref<40x128xf32, #tpu.memory_space<vmem>>) dst(%dma_wait3A_437 : memref<10000x128xf32, #tpu.memory_space<vmem_shared>>)
        } else {
        }
        %add3A_397 = arith.constant 2 : i32
        %add3A_398 = arith.addi %scan3A_158, %add3A_397 : i32
        %lt3A_399 = arith.constant 250 : i32
        %lt3A_400 = arith.cmpi slt, %add3A_398, %lt3A_399 : i32
        %convert_element_type3A_401 = arith.extui %lt3A_400 : i1 to i32
        %cond3A_402 = arith.constant 0 : i32
        %cond3A_403 = arith.cmpi ne, %convert_element_type3A_401, %cond3A_402 : i32
        scf.if %cond3A_403 {
          %add3A_435 = arith.constant 2 : i32
          %add3A_436 = arith.addi %scan3A_158, %add3A_435 : i32
          %add3A_437 = arith.addi %mul3A_2, %add3A_436 : i32
          %dma_start3A_438 = arith.constant 0 : i32
          %dma_start3A_439 = tpu.memref_slice %arg4[%add3A_437, %dma_start3A_438] : memref<8000x40xi32, #tpu.memory_space<hbm>> -> memref<1x40xi32, #tpu.memory_space<hbm>>
          %dma_start3A_440 = tpu.memref_squeeze %dma_start3A_439 : memref<1x40xi32, #tpu.memory_space<hbm>> -> memref<40xi32, #tpu.memory_space<hbm>>
          %dma_start3A_441 = arith.constant 0 : i32
          %dma_start3A_442 = tpu.memref_slice %arg4[%add3A_437, %dma_start3A_441] : memref<8000x40xi32, #tpu.memory_space<hbm>> -> memref<1x40xi32, #tpu.memory_space<hbm>>
          %dma_start3A_443 = tpu.memref_squeeze %dma_start3A_442 : memref<1x40xi32, #tpu.memory_space<hbm>> -> memref<40xi32, #tpu.memory_space<hbm>>
          tpu.enqueue_dma source(%dma_start3A_443 : memref<40xi32, #tpu.memory_space<hbm>>) target(%arg9 : memref<40xi32, #tpu.memory_space<vmem>>) target_semaphore(%arg22 : memref<!tpu.dma_semaphore, #tpu.memory_space<semaphore_mem>>)
          %add3A_444 = arith.addi %mul3A_4, %add3A_436 : i32
          %dma_start3A_445 = arith.constant 0 : i32
          %dma_start3A_446 = tpu.memref_slice %arg5[%add3A_444, %dma_start3A_445] : memref<4000x40xi32, #tpu.memory_space<hbm>> -> memref<1x40xi32, #tpu.memory_space<hbm>>
          %dma_start3A_447 = tpu.memref_squeeze %dma_start3A_446 : memref<1x40xi32, #tpu.memory_space<hbm>> -> memref<40xi32, #tpu.memory_space<hbm>>
          %dma_start3A_448 = arith.constant 0 : i32
          %dma_start3A_449 = tpu.memref_slice %arg5[%add3A_444, %dma_start3A_448] : memref<4000x40xi32, #tpu.memory_space<hbm>> -> memref<1x40xi32, #tpu.memory_space<hbm>>
          %dma_start3A_450 = tpu.memref_squeeze %dma_start3A_449 : memref<1x40xi32, #tpu.memory_space<hbm>> -> memref<40xi32, #tpu.memory_space<hbm>>
          tpu.enqueue_dma source(%dma_start3A_450 : memref<40xi32, #tpu.memory_space<hbm>>) target(%arg12 : memref<40xi32, #tpu.memory_space<vmem>>) target_semaphore(%arg22 : memref<!tpu.dma_semaphore, #tpu.memory_space<semaphore_mem>>)
        } else {
        }
        %add3A_404 = arith.constant 1 : i32
        %add3A_405 = arith.addi %scan3A_158, %add3A_404 : i32
        %lt3A_406 = arith.constant 250 : i32
        %lt3A_407 = arith.cmpi slt, %add3A_405, %lt3A_406 : i32
        %convert_element_type3A_408 = arith.extui %lt3A_407 : i1 to i32
        %cond3A_409 = arith.constant 0 : i32
        %cond3A_410 = arith.cmpi ne, %convert_element_type3A_408, %cond3A_409 : i32
        scf.if %cond3A_410 {
          %add3A_435 = arith.constant 1 : i32
          %add3A_436 = arith.addi %scan3A_158, %add3A_435 : i32
          %add3A_437 = arith.addi %mul3A_2, %add3A_436 : i32
          %dma_wait3A_438 = arith.constant 0 : i32
          %dma_wait3A_439 = tpu.memref_slice %arg4[%add3A_437, %dma_wait3A_438] : memref<8000x40xi32, #tpu.memory_space<hbm>> -> memref<1x40xi32, #tpu.memory_space<hbm>>
          %dma_wait3A_440 = tpu.memref_squeeze %dma_wait3A_439 : memref<1x40xi32, #tpu.memory_space<hbm>> -> memref<40xi32, #tpu.memory_space<hbm>>
          %dma_wait3A_441 = arith.constant 0 : i32
          %dma_wait3A_442 = tpu.memref_slice %arg4[%add3A_437, %dma_wait3A_441] : memref<8000x40xi32, #tpu.memory_space<hbm>> -> memref<1x40xi32, #tpu.memory_space<hbm>>
          %dma_wait3A_443 = tpu.memref_squeeze %dma_wait3A_442 : memref<1x40xi32, #tpu.memory_space<hbm>> -> memref<40xi32, #tpu.memory_space<hbm>>
          tpu.wait_dma2 semaphore(%arg21 : memref<!tpu.dma_semaphore, #tpu.memory_space<semaphore_mem>>) src(%dma_wait3A_443 : memref<40xi32, #tpu.memory_space<hbm>>) dst(%arg8 : memref<40xi32, #tpu.memory_space<vmem>>)
          %add3A_444 = arith.addi %mul3A_4, %add3A_436 : i32
          %dma_wait3A_445 = arith.constant 0 : i32
          %dma_wait3A_446 = tpu.memref_slice %arg5[%add3A_444, %dma_wait3A_445] : memref<4000x40xi32, #tpu.memory_space<hbm>> -> memref<1x40xi32, #tpu.memory_space<hbm>>
          %dma_wait3A_447 = tpu.memref_squeeze %dma_wait3A_446 : memref<1x40xi32, #tpu.memory_space<hbm>> -> memref<40xi32, #tpu.memory_space<hbm>>
          %dma_wait3A_448 = arith.constant 0 : i32
          %dma_wait3A_449 = tpu.memref_slice %arg5[%add3A_444, %dma_wait3A_448] : memref<4000x40xi32, #tpu.memory_space<hbm>> -> memref<1x40xi32, #tpu.memory_space<hbm>>
          %dma_wait3A_450 = tpu.memref_squeeze %dma_wait3A_449 : memref<1x40xi32, #tpu.memory_space<hbm>> -> memref<40xi32, #tpu.memory_space<hbm>>
          tpu.wait_dma2 semaphore(%arg21 : memref<!tpu.dma_semaphore, #tpu.memory_space<semaphore_mem>>) src(%dma_wait3A_450 : memref<40xi32, #tpu.memory_space<hbm>>) dst(%arg11 : memref<40xi32, #tpu.memory_space<vmem>>)
          %add3A_451 = arith.constant 1 : i32
          %add3A_452 = arith.addi %scan3A_158, %add3A_451 : i32
          %dma_start3A_453 = arith.constant 0 : i32
          %dma_start3A_454 = arith.constant 0 : i32
          %dma_start3A_455 = tpu.memref_slice %arg2[%dma_start3A_453, %dma_start3A_454] : memref<20000x128xf32, #tpu.memory_space<hbm>> -> memref<20000x128xf32, #tpu.memory_space<hbm>>
          tpu.enqueue_indirect_dma source(%dma_start3A_455 : memref<20000x128xf32, #tpu.memory_space<hbm>>) target(%arg14 : memref<40x128xf32, #tpu.memory_space<vmem>>) offsets(%arg8 : memref<40xi32, #tpu.memory_space<vmem>>) semaphore(%arg24 : memref<!tpu.dma_semaphore, #tpu.memory_space<semaphore_mem>>)
          %mul3A_456 = arith.constant 160000 : i32
          %mul3A_457 = arith.muli %arg0, %mul3A_456 : i32
          %mul3A_458 = arith.constant 10000 : i32
          %mul3A_459 = arith.muli %arg1, %mul3A_458 : i32
          %add3A_460 = arith.addi %mul3A_457, %mul3A_459 : i32
          %mul3A_461 = arith.constant 40 : i32
          %mul3A_462 = arith.muli %add3A_452, %mul3A_461 : i32
          %add3A_463 = arith.addi %add3A_460, %mul3A_462 : i32
          %dma_start3A_464 = arith.constant 0 : i32
          %dma_start3A_465 = tpu.memref_slice %arg3[%add3A_463, %dma_start3A_464] : memref<320000x128xf32, #tpu.memory_space<hbm>> -> memref<40x128xf32, #tpu.memory_space<hbm>>
          %dma_start3A_466 = arith.constant 0 : i32
          %dma_start3A_467 = tpu.memref_slice %arg3[%add3A_463, %dma_start3A_466] : memref<320000x128xf32, #tpu.memory_space<hbm>> -> memref<40x128xf32, #tpu.memory_space<hbm>>
          tpu.enqueue_dma source(%dma_start3A_467 : memref<40x128xf32, #tpu.memory_space<hbm>>) target(%arg16 : memref<40x128xf32, #tpu.memory_space<vmem>>) target_semaphore(%arg26 : memref<!tpu.dma_semaphore, #tpu.memory_space<semaphore_mem>>)
        } else {
        }
        %dma_wait3A_411 = arith.constant 0 : i32
        %dma_wait3A_412 = arith.constant 0 : i32
        %dma_wait3A_413 = tpu.memref_slice %arg2[%dma_wait3A_411, %dma_wait3A_412] : memref<20000x128xf32, #tpu.memory_space<hbm>> -> memref<20000x128xf32, #tpu.memory_space<hbm>>
        tpu.wait_indirect_dma semaphore(%arg23 : memref<!tpu.dma_semaphore, #tpu.memory_space<semaphore_mem>>) src(%dma_wait3A_413 : memref<20000x128xf32, #tpu.memory_space<hbm>>) dst(%arg13 : memref<40x128xf32, #tpu.memory_space<vmem>>)
        %mul3A_414 = arith.constant 160000 : i32
        %mul3A_415 = arith.muli %arg0, %mul3A_414 : i32
        %mul3A_416 = arith.constant 10000 : i32
        %mul3A_417 = arith.muli %arg1, %mul3A_416 : i32
        %add3A_418 = arith.addi %mul3A_415, %mul3A_417 : i32
        %mul3A_419 = arith.constant 40 : i32
        %mul3A_420 = arith.muli %scan3A_158, %mul3A_419 : i32
        %add3A_421 = arith.addi %add3A_418, %mul3A_420 : i32
        %dma_wait3A_422 = arith.constant 0 : i32
        %dma_wait3A_423 = tpu.memref_slice %arg3[%add3A_421, %dma_wait3A_422] : memref<320000x128xf32, #tpu.memory_space<hbm>> -> memref<40x128xf32, #tpu.memory_space<hbm>>
        %dma_wait3A_424 = arith.constant 0 : i32
        %dma_wait3A_425 = tpu.memref_slice %arg3[%add3A_421, %dma_wait3A_424] : memref<320000x128xf32, #tpu.memory_space<hbm>> -> memref<40x128xf32, #tpu.memory_space<hbm>>
        tpu.wait_dma2 semaphore(%arg25 : memref<!tpu.dma_semaphore, #tpu.memory_space<semaphore_mem>>) src(%dma_wait3A_425 : memref<40x128xf32, #tpu.memory_space<hbm>>) dst(%arg15 : memref<40x128xf32, #tpu.memory_space<vmem>>)
        %scan3A_426 = arith.constant 0 : i32
        %scan3A_427 = arith.constant 0 : i32
        %scan3A_428 = arith.constant 40 : i32
        %scan3A_429 = arith.addi %scan3A_427, %scan3A_428 : i32
        %scan3A_430 = arith.constant 1 : i32
        scf.for %scan3A_435 = %scan3A_427 to %scan3A_429 step %scan3A_430  : i32 {
          %get3A = arith.index_cast %scan3A_435 : i32 to index
          %get3A_436 = arith.constant 0 : index
          %get3A_437 = tpu.vector_load %arg13[%get3A, %get3A_436] {strides = array<i32>} : memref<40x128xf32, #tpu.memory_space<vmem>>, vector<1x16xf32>,
          %get3A_438 = vector.shape_cast %get3A_437 : vector<1x16xf32> to vector<16xf32>
          %get3A_439 = arith.index_cast %scan3A_435 : i32 to index
          %get3A_440 = arith.constant 0 : index
          %get3A_441 = tpu.vector_load %arg15[%get3A_439, %get3A_440] {strides = array<i32>} : memref<40x128xf32, #tpu.memory_space<vmem>>, vector<1x16xf32>,
          %get3A_442 = vector.shape_cast %get3A_441 : vector<1x16xf32> to vector<16xf32>
          %add3A_443 = arith.addf %get3A_438, %get3A_442 : vector<16xf32>
          %max3A = arith.constant 0.000000e+00 : f32
          %max3A_444 = vector.broadcast %max3A : f32 to vector<16xf32>
          %max3A_445 = arith.maximumf %add3A_443, %max3A_444 : vector<16xf32>
          %swap3A = arith.index_cast %scan3A_435 : i32 to index
          %swap3A_446 = arith.constant 0 : index
          %swap3A_447 = tpu.vector_load %arg17[%swap3A, %swap3A_446] {strides = array<i32>} : memref<40x128xf32, #tpu.memory_space<vmem>>, vector<1x16xf32>,
          %swap3A_448 = vector.shape_cast %swap3A_447 : vector<1x16xf32> to vector<16xf32>
          %swap3A_449 = vector.shape_cast %max3A_445 : vector<16xf32> to vector<1x16xf32>
          tpu.vector_store %arg17[%swap3A, %swap3A_446], %swap3A_449 {strides = array<i32>} : memref<40x128xf32, #tpu.memory_space<vmem>>, vector<1x16xf32>,
          %get3A_450 = arith.index_cast %scan3A_435 : i32 to index
          %get3A_451 = arith.constant 16 : index
          %get3A_452 = tpu.vector_load %arg13[%get3A_450, %get3A_451] {strides = array<i32>} : memref<40x128xf32, #tpu.memory_space<vmem>>, vector<1x16xf32>,
          %get3A_453 = vector.shape_cast %get3A_452 : vector<1x16xf32> to vector<16xf32>
          %get3A_454 = arith.index_cast %scan3A_435 : i32 to index
          %get3A_455 = arith.constant 16 : index
          %get3A_456 = tpu.vector_load %arg15[%get3A_454, %get3A_455] {strides = array<i32>} : memref<40x128xf32, #tpu.memory_space<vmem>>, vector<1x16xf32>,
          %get3A_457 = vector.shape_cast %get3A_456 : vector<1x16xf32> to vector<16xf32>
          %add3A_458 = arith.addf %get3A_453, %get3A_457 : vector<16xf32>
          %max3A_459 = arith.constant 0.000000e+00 : f32
          %max3A_460 = vector.broadcast %max3A_459 : f32 to vector<16xf32>
          %max3A_461 = arith.maximumf %add3A_458, %max3A_460 : vector<16xf32>
          %swap3A_462 = arith.index_cast %scan3A_435 : i32 to index
          %swap3A_463 = arith.constant 16 : index
          %swap3A_464 = tpu.vector_load %arg17[%swap3A_462, %swap3A_463] {strides = array<i32>} : memref<40x128xf32, #tpu.memory_space<vmem>>, vector<1x16xf32>,
          %swap3A_465 = vector.shape_cast %swap3A_464 : vector<1x16xf32> to vector<16xf32>
          %swap3A_466 = vector.shape_cast %max3A_461 : vector<16xf32> to vector<1x16xf32>
          tpu.vector_store %arg17[%swap3A_462, %swap3A_463], %swap3A_466 {strides = array<i32>} : memref<40x128xf32, #tpu.memory_space<vmem>>, vector<1x16xf32>,
          %get3A_467 = arith.index_cast %scan3A_435 : i32 to index
          %get3A_468 = arith.constant 32 : index
          %get3A_469 = tpu.vector_load %arg13[%get3A_467, %get3A_468] {strides = array<i32>} : memref<40x128xf32, #tpu.memory_space<vmem>>, vector<1x16xf32>,
          %get3A_470 = vector.shape_cast %get3A_469 : vector<1x16xf32> to vector<16xf32>
          %get3A_471 = arith.index_cast %scan3A_435 : i32 to index
          %get3A_472 = arith.constant 32 : index
          %get3A_473 = tpu.vector_load %arg15[%get3A_471, %get3A_472] {strides = array<i32>} : memref<40x128xf32, #tpu.memory_space<vmem>>, vector<1x16xf32>,
          %get3A_474 = vector.shape_cast %get3A_473 : vector<1x16xf32> to vector<16xf32>
          %add3A_475 = arith.addf %get3A_470, %get3A_474 : vector<16xf32>
          %max3A_476 = arith.constant 0.000000e+00 : f32
          %max3A_477 = vector.broadcast %max3A_476 : f32 to vector<16xf32>
          %max3A_478 = arith.maximumf %add3A_475, %max3A_477 : vector<16xf32>
          %swap3A_479 = arith.index_cast %scan3A_435 : i32 to index
          %swap3A_480 = arith.constant 32 : index
          %swap3A_481 = tpu.vector_load %arg17[%swap3A_479, %swap3A_480] {strides = array<i32>} : memref<40x128xf32, #tpu.memory_space<vmem>>, vector<1x16xf32>,
          %swap3A_482 = vector.shape_cast %swap3A_481 : vector<1x16xf32> to vector<16xf32>
          %swap3A_483 = vector.shape_cast %max3A_478 : vector<16xf32> to vector<1x16xf32>
          tpu.vector_store %arg17[%swap3A_479, %swap3A_480], %swap3A_483 {strides = array<i32>} : memref<40x128xf32, #tpu.memory_space<vmem>>, vector<1x16xf32>,
          %get3A_484 = arith.index_cast %scan3A_435 : i32 to index
          %get3A_485 = arith.constant 48 : index
          %get3A_486 = tpu.vector_load %arg13[%get3A_484, %get3A_485] {strides = array<i32>} : memref<40x128xf32, #tpu.memory_space<vmem>>, vector<1x16xf32>,
          %get3A_487 = vector.shape_cast %get3A_486 : vector<1x16xf32> to vector<16xf32>
          %get3A_488 = arith.index_cast %scan3A_435 : i32 to index
          %get3A_489 = arith.constant 48 : index
          %get3A_490 = tpu.vector_load %arg15[%get3A_488, %get3A_489] {strides = array<i32>} : memref<40x128xf32, #tpu.memory_space<vmem>>, vector<1x16xf32>,
          %get3A_491 = vector.shape_cast %get3A_490 : vector<1x16xf32> to vector<16xf32>
          %add3A_492 = arith.addf %get3A_487, %get3A_491 : vector<16xf32>
          %max3A_493 = arith.constant 0.000000e+00 : f32
          %max3A_494 = vector.broadcast %max3A_493 : f32 to vector<16xf32>
          %max3A_495 = arith.maximumf %add3A_492, %max3A_494 : vector<16xf32>
          %swap3A_496 = arith.index_cast %scan3A_435 : i32 to index
          %swap3A_497 = arith.constant 48 : index
          %swap3A_498 = tpu.vector_load %arg17[%swap3A_496, %swap3A_497] {strides = array<i32>} : memref<40x128xf32, #tpu.memory_space<vmem>>, vector<1x16xf32>,
          %swap3A_499 = vector.shape_cast %swap3A_498 : vector<1x16xf32> to vector<16xf32>
          %swap3A_500 = vector.shape_cast %max3A_495 : vector<16xf32> to vector<1x16xf32>
          tpu.vector_store %arg17[%swap3A_496, %swap3A_497], %swap3A_500 {strides = array<i32>} : memref<40x128xf32, #tpu.memory_space<vmem>>, vector<1x16xf32>,
          %get3A_501 = arith.index_cast %scan3A_435 : i32 to index
          %get3A_502 = arith.constant 64 : index
          %get3A_503 = tpu.vector_load %arg13[%get3A_501, %get3A_502] {strides = array<i32>} : memref<40x128xf32, #tpu.memory_space<vmem>>, vector<1x16xf32>,
          %get3A_504 = vector.shape_cast %get3A_503 : vector<1x16xf32> to vector<16xf32>
          %get3A_505 = arith.index_cast %scan3A_435 : i32 to index
          %get3A_506 = arith.constant 64 : index
          %get3A_507 = tpu.vector_load %arg15[%get3A_505, %get3A_506] {strides = array<i32>} : memref<40x128xf32, #tpu.memory_space<vmem>>, vector<1x16xf32>,
          %get3A_508 = vector.shape_cast %get3A_507 : vector<1x16xf32> to vector<16xf32>
          %add3A_509 = arith.addf %get3A_504, %get3A_508 : vector<16xf32>
          %max3A_510 = arith.constant 0.000000e+00 : f32
          %max3A_511 = vector.broadcast %max3A_510 : f32 to vector<16xf32>
          %max3A_512 = arith.maximumf %add3A_509, %max3A_511 : vector<16xf32>
          %swap3A_513 = arith.index_cast %scan3A_435 : i32 to index
          %swap3A_514 = arith.constant 64 : index
          %swap3A_515 = tpu.vector_load %arg17[%swap3A_513, %swap3A_514] {strides = array<i32>} : memref<40x128xf32, #tpu.memory_space<vmem>>, vector<1x16xf32>,
          %swap3A_516 = vector.shape_cast %swap3A_515 : vector<1x16xf32> to vector<16xf32>
          %swap3A_517 = vector.shape_cast %max3A_512 : vector<16xf32> to vector<1x16xf32>
          tpu.vector_store %arg17[%swap3A_513, %swap3A_514], %swap3A_517 {strides = array<i32>} : memref<40x128xf32, #tpu.memory_space<vmem>>, vector<1x16xf32>,
          %get3A_518 = arith.index_cast %scan3A_435 : i32 to index
          %get3A_519 = arith.constant 80 : index
          %get3A_520 = tpu.vector_load %arg13[%get3A_518, %get3A_519] {strides = array<i32>} : memref<40x128xf32, #tpu.memory_space<vmem>>, vector<1x16xf32>,
          %get3A_521 = vector.shape_cast %get3A_520 : vector<1x16xf32> to vector<16xf32>
          %get3A_522 = arith.index_cast %scan3A_435 : i32 to index
          %get3A_523 = arith.constant 80 : index
          %get3A_524 = tpu.vector_load %arg15[%get3A_522, %get3A_523] {strides = array<i32>} : memref<40x128xf32, #tpu.memory_space<vmem>>, vector<1x16xf32>,
          %get3A_525 = vector.shape_cast %get3A_524 : vector<1x16xf32> to vector<16xf32>
          %add3A_526 = arith.addf %get3A_521, %get3A_525 : vector<16xf32>
          %max3A_527 = arith.constant 0.000000e+00 : f32
          %max3A_528 = vector.broadcast %max3A_527 : f32 to vector<16xf32>
          %max3A_529 = arith.maximumf %add3A_526, %max3A_528 : vector<16xf32>
          %swap3A_530 = arith.index_cast %scan3A_435 : i32 to index
          %swap3A_531 = arith.constant 80 : index
          %swap3A_532 = tpu.vector_load %arg17[%swap3A_530, %swap3A_531] {strides = array<i32>} : memref<40x128xf32, #tpu.memory_space<vmem>>, vector<1x16xf32>,
          %swap3A_533 = vector.shape_cast %swap3A_532 : vector<1x16xf32> to vector<16xf32>
          %swap3A_534 = vector.shape_cast %max3A_529 : vector<16xf32> to vector<1x16xf32>
          tpu.vector_store %arg17[%swap3A_530, %swap3A_531], %swap3A_534 {strides = array<i32>} : memref<40x128xf32, #tpu.memory_space<vmem>>, vector<1x16xf32>,
          %get3A_535 = arith.index_cast %scan3A_435 : i32 to index
          %get3A_536 = arith.constant 96 : index
          %get3A_537 = tpu.vector_load %arg13[%get3A_535, %get3A_536] {strides = array<i32>} : memref<40x128xf32, #tpu.memory_space<vmem>>, vector<1x16xf32>,
          %get3A_538 = vector.shape_cast %get3A_537 : vector<1x16xf32> to vector<16xf32>
          %get3A_539 = arith.index_cast %scan3A_435 : i32 to index
          %get3A_540 = arith.constant 96 : index
          %get3A_541 = tpu.vector_load %arg15[%get3A_539, %get3A_540] {strides = array<i32>} : memref<40x128xf32, #tpu.memory_space<vmem>>, vector<1x16xf32>,
          %get3A_542 = vector.shape_cast %get3A_541 : vector<1x16xf32> to vector<16xf32>
          %add3A_543 = arith.addf %get3A_538, %get3A_542 : vector<16xf32>
          %max3A_544 = arith.constant 0.000000e+00 : f32
          %max3A_545 = vector.broadcast %max3A_544 : f32 to vector<16xf32>
          %max3A_546 = arith.maximumf %add3A_543, %max3A_545 : vector<16xf32>
          %swap3A_547 = arith.index_cast %scan3A_435 : i32 to index
          %swap3A_548 = arith.constant 96 : index
          %swap3A_549 = tpu.vector_load %arg17[%swap3A_547, %swap3A_548] {strides = array<i32>} : memref<40x128xf32, #tpu.memory_space<vmem>>, vector<1x16xf32>,
          %swap3A_550 = vector.shape_cast %swap3A_549 : vector<1x16xf32> to vector<16xf32>
          %swap3A_551 = vector.shape_cast %max3A_546 : vector<16xf32> to vector<1x16xf32>
          tpu.vector_store %arg17[%swap3A_547, %swap3A_548], %swap3A_551 {strides = array<i32>} : memref<40x128xf32, #tpu.memory_space<vmem>>, vector<1x16xf32>,
          %get3A_552 = arith.index_cast %scan3A_435 : i32 to index
          %get3A_553 = arith.constant 112 : index
          %get3A_554 = tpu.vector_load %arg13[%get3A_552, %get3A_553] {strides = array<i32>} : memref<40x128xf32, #tpu.memory_space<vmem>>, vector<1x16xf32>,
          %get3A_555 = vector.shape_cast %get3A_554 : vector<1x16xf32> to vector<16xf32>
          %get3A_556 = arith.index_cast %scan3A_435 : i32 to index
          %get3A_557 = arith.constant 112 : index
          %get3A_558 = tpu.vector_load %arg15[%get3A_556, %get3A_557] {strides = array<i32>} : memref<40x128xf32, #tpu.memory_space<vmem>>, vector<1x16xf32>,
          %get3A_559 = vector.shape_cast %get3A_558 : vector<1x16xf32> to vector<16xf32>
          %add3A_560 = arith.addf %get3A_555, %get3A_559 : vector<16xf32>
          %max3A_561 = arith.constant 0.000000e+00 : f32
          %max3A_562 = vector.broadcast %max3A_561 : f32 to vector<16xf32>
          %max3A_563 = arith.maximumf %add3A_560, %max3A_562 : vector<16xf32>
          %swap3A_564 = arith.index_cast %scan3A_435 : i32 to index
          %swap3A_565 = arith.constant 112 : index
          %swap3A_566 = tpu.vector_load %arg17[%swap3A_564, %swap3A_565] {strides = array<i32>} : memref<40x128xf32, #tpu.memory_space<vmem>>, vector<1x16xf32>,
          %swap3A_567 = vector.shape_cast %swap3A_566 : vector<1x16xf32> to vector<16xf32>
          %swap3A_568 = vector.shape_cast %max3A_563 : vector<16xf32> to vector<1x16xf32>
          tpu.vector_store %arg17[%swap3A_564, %swap3A_565], %swap3A_568 {strides = array<i32>} : memref<40x128xf32, #tpu.memory_space<vmem>>, vector<1x16xf32>,
        }
        %scan3A_431 = arith.constant 40 : i32
        %dma_start3A_432 = arith.constant 0 : i32
        %dma_start3A_433 = arith.constant 0 : i32
        %dma_start3A_434 = tpu.memref_slice %arg19[%dma_start3A_432, %dma_start3A_433] : memref<10000x128xf32, #tpu.memory_space<vmem_shared>> -> memref<10000x128xf32, #tpu.memory_space<vmem_shared>>
        tpu.enqueue_indirect_dma source(%arg17 : memref<40x128xf32, #tpu.memory_space<vmem>>) target(%dma_start3A_434 : memref<10000x128xf32, #tpu.memory_space<vmem_shared>>) offsets(%arg10 : memref<40xi32, #tpu.memory_space<vmem>>) semaphore(%arg27 : memref<!tpu.dma_semaphore, #tpu.memory_space<semaphore_mem>>) {add = true}
      } else {
      }
      %jit3A_193 = arith.constant 2 : i32
      %eq3A_194 = arith.constant 0 : i32
      %eq3A_195 = arith.cmpi eq, %jit3A_193, %eq3A_194 : i32
      %jit3A_196 = arith.constant 1 : i32
      %select_n3A_197 = arith.select %eq3A_195, %jit3A_196, %jit3A_193 : i32
      %rem3A_198 = arith.remsi %scan3A_158, %select_n3A_197 : i32
      %ne3A_199 = arith.constant 0 : i32
      %ne3A_200 = arith.cmpi ne, %rem3A_198, %ne3A_199 : i32
      %lt3A_201 = arith.constant 0 : i32
      %lt3A_202 = arith.cmpi slt, %rem3A_198, %lt3A_201 : i32
      %lt3A_203 = arith.constant 0 : i32
      %lt3A_204 = arith.cmpi slt, %select_n3A_197, %lt3A_203 : i32
      %ne3A_205 = arith.xori %lt3A_202, %lt3A_204 : i1
      %and3A_206 = arith.andi %ne3A_205, %ne3A_200 : i1
      %add3A_207 = arith.addi %rem3A_198, %select_n3A_197 : i32
      %select_n3A_208 = arith.select %and3A_206, %add3A_207, %rem3A_198 : i32
      %eq3A_209 = arith.constant 0 : i32
      %eq3A_210 = arith.cmpi eq, %select_n3A_208, %eq3A_209 : i32
      %jit3A_211 = arith.constant 3 : i32
      %eq3A_212 = arith.constant 0 : i32
      %eq3A_213 = arith.cmpi eq, %jit3A_211, %eq3A_212 : i32
      %jit3A_214 = arith.constant 1 : i32
      %select_n3A_215 = arith.select %eq3A_213, %jit3A_214, %jit3A_211 : i32
      %rem3A_216 = arith.remsi %scan3A_158, %select_n3A_215 : i32
      %ne3A_217 = arith.constant 0 : i32
      %ne3A_218 = arith.cmpi ne, %rem3A_216, %ne3A_217 : i32
      %lt3A_219 = arith.constant 0 : i32
      %lt3A_220 = arith.cmpi slt, %rem3A_216, %lt3A_219 : i32
      %lt3A_221 = arith.constant 0 : i32
      %lt3A_222 = arith.cmpi slt, %select_n3A_215, %lt3A_221 : i32
      %ne3A_223 = arith.xori %lt3A_220, %lt3A_222 : i1
      %and3A_224 = arith.andi %ne3A_223, %ne3A_218 : i1
      %add3A_225 = arith.addi %rem3A_216, %select_n3A_215 : i32
      %select_n3A_226 = arith.select %and3A_224, %add3A_225, %rem3A_216 : i32
      %eq3A_227 = arith.constant 1 : i32
      %eq3A_228 = arith.cmpi eq, %select_n3A_226, %eq3A_227 : i32
      %and3A_229 = arith.andi %eq3A_210, %eq3A_228 : i1
      %convert_element_type3A_230 = arith.extui %and3A_229 : i1 to i32
      %cond3A_231 = arith.constant 0 : i32
      %cond3A_232 = arith.cmpi ne, %convert_element_type3A_230, %cond3A_231 : i32
      scf.if %cond3A_232 {
        %ge3A = arith.constant 1 : i32
        %ge3A_393 = arith.cmpi sge, %scan3A_158, %ge3A : i32
        %convert_element_type3A_394 = arith.extui %ge3A_393 : i1 to i32
        %cond3A_395 = arith.constant 0 : i32
        %cond3A_396 = arith.cmpi ne, %convert_element_type3A_394, %cond3A_395 : i32
        scf.if %cond3A_396 {
          %dma_wait3A_435 = arith.constant 0 : i32
          %dma_wait3A_436 = arith.constant 0 : i32
          %dma_wait3A_437 = tpu.memref_slice %arg19[%dma_wait3A_435, %dma_wait3A_436] : memref<10000x128xf32, #tpu.memory_space<vmem_shared>> -> memref<10000x128xf32, #tpu.memory_space<vmem_shared>>
          tpu.wait_indirect_dma semaphore(%arg28 : memref<!tpu.dma_semaphore, #tpu.memory_space<semaphore_mem>>) src(%arg18 : memref<40x128xf32, #tpu.memory_space<vmem>>) dst(%dma_wait3A_437 : memref<10000x128xf32, #tpu.memory_space<vmem_shared>>)
        } else {
        }
        %add3A_397 = arith.constant 2 : i32
        %add3A_398 = arith.addi %scan3A_158, %add3A_397 : i32
        %lt3A_399 = arith.constant 250 : i32
        %lt3A_400 = arith.cmpi slt, %add3A_398, %lt3A_399 : i32
        %convert_element_type3A_401 = arith.extui %lt3A_400 : i1 to i32
        %cond3A_402 = arith.constant 0 : i32
        %cond3A_403 = arith.cmpi ne, %convert_element_type3A_401, %cond3A_402 : i32
        scf.if %cond3A_403 {
          %add3A_435 = arith.constant 2 : i32
          %add3A_436 = arith.addi %scan3A_158, %add3A_435 : i32
          %add3A_437 = arith.addi %mul3A_2, %add3A_436 : i32
          %dma_start3A_438 = arith.constant 0 : i32
          %dma_start3A_439 = tpu.memref_slice %arg4[%add3A_437, %dma_start3A_438] : memref<8000x40xi32, #tpu.memory_space<hbm>> -> memref<1x40xi32, #tpu.memory_space<hbm>>
          %dma_start3A_440 = tpu.memref_squeeze %dma_start3A_439 : memref<1x40xi32, #tpu.memory_space<hbm>> -> memref<40xi32, #tpu.memory_space<hbm>>
          %dma_start3A_441 = arith.constant 0 : i32
          %dma_start3A_442 = tpu.memref_slice %arg4[%add3A_437, %dma_start3A_441] : memref<8000x40xi32, #tpu.memory_space<hbm>> -> memref<1x40xi32, #tpu.memory_space<hbm>>
          %dma_start3A_443 = tpu.memref_squeeze %dma_start3A_442 : memref<1x40xi32, #tpu.memory_space<hbm>> -> memref<40xi32, #tpu.memory_space<hbm>>
          tpu.enqueue_dma source(%dma_start3A_443 : memref<40xi32, #tpu.memory_space<hbm>>) target(%arg7 : memref<40xi32, #tpu.memory_space<vmem>>) target_semaphore(%arg20 : memref<!tpu.dma_semaphore, #tpu.memory_space<semaphore_mem>>)
          %add3A_444 = arith.addi %mul3A_4, %add3A_436 : i32
          %dma_start3A_445 = arith.constant 0 : i32
          %dma_start3A_446 = tpu.memref_slice %arg5[%add3A_444, %dma_start3A_445] : memref<4000x40xi32, #tpu.memory_space<hbm>> -> memref<1x40xi32, #tpu.memory_space<hbm>>
          %dma_start3A_447 = tpu.memref_squeeze %dma_start3A_446 : memref<1x40xi32, #tpu.memory_space<hbm>> -> memref<40xi32, #tpu.memory_space<hbm>>
          %dma_start3A_448 = arith.constant 0 : i32
          %dma_start3A_449 = tpu.memref_slice %arg5[%add3A_444, %dma_start3A_448] : memref<4000x40xi32, #tpu.memory_space<hbm>> -> memref<1x40xi32, #tpu.memory_space<hbm>>
          %dma_start3A_450 = tpu.memref_squeeze %dma_start3A_449 : memref<1x40xi32, #tpu.memory_space<hbm>> -> memref<40xi32, #tpu.memory_space<hbm>>
          tpu.enqueue_dma source(%dma_start3A_450 : memref<40xi32, #tpu.memory_space<hbm>>) target(%arg10 : memref<40xi32, #tpu.memory_space<vmem>>) target_semaphore(%arg20 : memref<!tpu.dma_semaphore, #tpu.memory_space<semaphore_mem>>)
        } else {
        }
        %add3A_404 = arith.constant 1 : i32
        %add3A_405 = arith.addi %scan3A_158, %add3A_404 : i32
        %lt3A_406 = arith.constant 250 : i32
        %lt3A_407 = arith.cmpi slt, %add3A_405, %lt3A_406 : i32
        %convert_element_type3A_408 = arith.extui %lt3A_407 : i1 to i32
        %cond3A_409 = arith.constant 0 : i32
        %cond3A_410 = arith.cmpi ne, %convert_element_type3A_408, %cond3A_409 : i32
        scf.if %cond3A_410 {
          %add3A_435 = arith.constant 1 : i32
          %add3A_436 = arith.addi %scan3A_158, %add3A_435 : i32
          %add3A_437 = arith.addi %mul3A_2, %add3A_436 : i32
          %dma_wait3A_438 = arith.constant 0 : i32
          %dma_wait3A_439 = tpu.memref_slice %arg4[%add3A_437, %dma_wait3A_438] : memref<8000x40xi32, #tpu.memory_space<hbm>> -> memref<1x40xi32, #tpu.memory_space<hbm>>
          %dma_wait3A_440 = tpu.memref_squeeze %dma_wait3A_439 : memref<1x40xi32, #tpu.memory_space<hbm>> -> memref<40xi32, #tpu.memory_space<hbm>>
          %dma_wait3A_441 = arith.constant 0 : i32
          %dma_wait3A_442 = tpu.memref_slice %arg4[%add3A_437, %dma_wait3A_441] : memref<8000x40xi32, #tpu.memory_space<hbm>> -> memref<1x40xi32, #tpu.memory_space<hbm>>
          %dma_wait3A_443 = tpu.memref_squeeze %dma_wait3A_442 : memref<1x40xi32, #tpu.memory_space<hbm>> -> memref<40xi32, #tpu.memory_space<hbm>>
          tpu.wait_dma2 semaphore(%arg22 : memref<!tpu.dma_semaphore, #tpu.memory_space<semaphore_mem>>) src(%dma_wait3A_443 : memref<40xi32, #tpu.memory_space<hbm>>) dst(%arg9 : memref<40xi32, #tpu.memory_space<vmem>>)
          %add3A_444 = arith.addi %mul3A_4, %add3A_436 : i32
          %dma_wait3A_445 = arith.constant 0 : i32
          %dma_wait3A_446 = tpu.memref_slice %arg5[%add3A_444, %dma_wait3A_445] : memref<4000x40xi32, #tpu.memory_space<hbm>> -> memref<1x40xi32, #tpu.memory_space<hbm>>
          %dma_wait3A_447 = tpu.memref_squeeze %dma_wait3A_446 : memref<1x40xi32, #tpu.memory_space<hbm>> -> memref<40xi32, #tpu.memory_space<hbm>>
          %dma_wait3A_448 = arith.constant 0 : i32
          %dma_wait3A_449 = tpu.memref_slice %arg5[%add3A_444, %dma_wait3A_448] : memref<4000x40xi32, #tpu.memory_space<hbm>> -> memref<1x40xi32, #tpu.memory_space<hbm>>
          %dma_wait3A_450 = tpu.memref_squeeze %dma_wait3A_449 : memref<1x40xi32, #tpu.memory_space<hbm>> -> memref<40xi32, #tpu.memory_space<hbm>>
          tpu.wait_dma2 semaphore(%arg22 : memref<!tpu.dma_semaphore, #tpu.memory_space<semaphore_mem>>) src(%dma_wait3A_450 : memref<40xi32, #tpu.memory_space<hbm>>) dst(%arg12 : memref<40xi32, #tpu.memory_space<vmem>>)
          %add3A_451 = arith.constant 1 : i32
          %add3A_452 = arith.addi %scan3A_158, %add3A_451 : i32
          %dma_start3A_453 = arith.constant 0 : i32
          %dma_start3A_454 = arith.constant 0 : i32
          %dma_start3A_455 = tpu.memref_slice %arg2[%dma_start3A_453, %dma_start3A_454] : memref<20000x128xf32, #tpu.memory_space<hbm>> -> memref<20000x128xf32, #tpu.memory_space<hbm>>
          tpu.enqueue_indirect_dma source(%dma_start3A_455 : memref<20000x128xf32, #tpu.memory_space<hbm>>) target(%arg14 : memref<40x128xf32, #tpu.memory_space<vmem>>) offsets(%arg9 : memref<40xi32, #tpu.memory_space<vmem>>) semaphore(%arg24 : memref<!tpu.dma_semaphore, #tpu.memory_space<semaphore_mem>>)
          %mul3A_456 = arith.constant 160000 : i32
          %mul3A_457 = arith.muli %arg0, %mul3A_456 : i32
          %mul3A_458 = arith.constant 10000 : i32
          %mul3A_459 = arith.muli %arg1, %mul3A_458 : i32
          %add3A_460 = arith.addi %mul3A_457, %mul3A_459 : i32
          %mul3A_461 = arith.constant 40 : i32
          %mul3A_462 = arith.muli %add3A_452, %mul3A_461 : i32
          %add3A_463 = arith.addi %add3A_460, %mul3A_462 : i32
          %dma_start3A_464 = arith.constant 0 : i32
          %dma_start3A_465 = tpu.memref_slice %arg3[%add3A_463, %dma_start3A_464] : memref<320000x128xf32, #tpu.memory_space<hbm>> -> memref<40x128xf32, #tpu.memory_space<hbm>>
          %dma_start3A_466 = arith.constant 0 : i32
          %dma_start3A_467 = tpu.memref_slice %arg3[%add3A_463, %dma_start3A_466] : memref<320000x128xf32, #tpu.memory_space<hbm>> -> memref<40x128xf32, #tpu.memory_space<hbm>>
          tpu.enqueue_dma source(%dma_start3A_467 : memref<40x128xf32, #tpu.memory_space<hbm>>) target(%arg16 : memref<40x128xf32, #tpu.memory_space<vmem>>) target_semaphore(%arg26 : memref<!tpu.dma_semaphore, #tpu.memory_space<semaphore_mem>>)
        } else {
        }
        %dma_wait3A_411 = arith.constant 0 : i32
        %dma_wait3A_412 = arith.constant 0 : i32
        %dma_wait3A_413 = tpu.memref_slice %arg2[%dma_wait3A_411, %dma_wait3A_412] : memref<20000x128xf32, #tpu.memory_space<hbm>> -> memref<20000x128xf32, #tpu.memory_space<hbm>>
        tpu.wait_indirect_dma semaphore(%arg23 : memref<!tpu.dma_semaphore, #tpu.memory_space<semaphore_mem>>) src(%dma_wait3A_413 : memref<20000x128xf32, #tpu.memory_space<hbm>>) dst(%arg13 : memref<40x128xf32, #tpu.memory_space<vmem>>)
        %mul3A_414 = arith.constant 160000 : i32
        %mul3A_415 = arith.muli %arg0, %mul3A_414 : i32
        %mul3A_416 = arith.constant 10000 : i32
        %mul3A_417 = arith.muli %arg1, %mul3A_416 : i32
        %add3A_418 = arith.addi %mul3A_415, %mul3A_417 : i32
        %mul3A_419 = arith.constant 40 : i32
        %mul3A_420 = arith.muli %scan3A_158, %mul3A_419 : i32
        %add3A_421 = arith.addi %add3A_418, %mul3A_420 : i32
        %dma_wait3A_422 = arith.constant 0 : i32
        %dma_wait3A_423 = tpu.memref_slice %arg3[%add3A_421, %dma_wait3A_422] : memref<320000x128xf32, #tpu.memory_space<hbm>> -> memref<40x128xf32, #tpu.memory_space<hbm>>
        %dma_wait3A_424 = arith.constant 0 : i32
        %dma_wait3A_425 = tpu.memref_slice %arg3[%add3A_421, %dma_wait3A_424] : memref<320000x128xf32, #tpu.memory_space<hbm>> -> memref<40x128xf32, #tpu.memory_space<hbm>>
        tpu.wait_dma2 semaphore(%arg25 : memref<!tpu.dma_semaphore, #tpu.memory_space<semaphore_mem>>) src(%dma_wait3A_425 : memref<40x128xf32, #tpu.memory_space<hbm>>) dst(%arg15 : memref<40x128xf32, #tpu.memory_space<vmem>>)
        %scan3A_426 = arith.constant 0 : i32
        %scan3A_427 = arith.constant 0 : i32
        %scan3A_428 = arith.constant 40 : i32
        %scan3A_429 = arith.addi %scan3A_427, %scan3A_428 : i32
        %scan3A_430 = arith.constant 1 : i32
        scf.for %scan3A_435 = %scan3A_427 to %scan3A_429 step %scan3A_430  : i32 {
          %get3A = arith.index_cast %scan3A_435 : i32 to index
          %get3A_436 = arith.constant 0 : index
          %get3A_437 = tpu.vector_load %arg13[%get3A, %get3A_436] {strides = array<i32>} : memref<40x128xf32, #tpu.memory_space<vmem>>, vector<1x16xf32>,
          %get3A_438 = vector.shape_cast %get3A_437 : vector<1x16xf32> to vector<16xf32>
          %get3A_439 = arith.index_cast %scan3A_435 : i32 to index
          %get3A_440 = arith.constant 0 : index
          %get3A_441 = tpu.vector_load %arg15[%get3A_439, %get3A_440] {strides = array<i32>} : memref<40x128xf32, #tpu.memory_space<vmem>>, vector<1x16xf32>,
          %get3A_442 = vector.shape_cast %get3A_441 : vector<1x16xf32> to vector<16xf32>
          %add3A_443 = arith.addf %get3A_438, %get3A_442 : vector<16xf32>
          %max3A = arith.constant 0.000000e+00 : f32
          %max3A_444 = vector.broadcast %max3A : f32 to vector<16xf32>
          %max3A_445 = arith.maximumf %add3A_443, %max3A_444 : vector<16xf32>
          %swap3A = arith.index_cast %scan3A_435 : i32 to index
          %swap3A_446 = arith.constant 0 : index
          %swap3A_447 = tpu.vector_load %arg17[%swap3A, %swap3A_446] {strides = array<i32>} : memref<40x128xf32, #tpu.memory_space<vmem>>, vector<1x16xf32>,
          %swap3A_448 = vector.shape_cast %swap3A_447 : vector<1x16xf32> to vector<16xf32>
          %swap3A_449 = vector.shape_cast %max3A_445 : vector<16xf32> to vector<1x16xf32>
          tpu.vector_store %arg17[%swap3A, %swap3A_446], %swap3A_449 {strides = array<i32>} : memref<40x128xf32, #tpu.memory_space<vmem>>, vector<1x16xf32>,
          %get3A_450 = arith.index_cast %scan3A_435 : i32 to index
          %get3A_451 = arith.constant 16 : index
          %get3A_452 = tpu.vector_load %arg13[%get3A_450, %get3A_451] {strides = array<i32>} : memref<40x128xf32, #tpu.memory_space<vmem>>, vector<1x16xf32>,
          %get3A_453 = vector.shape_cast %get3A_452 : vector<1x16xf32> to vector<16xf32>
          %get3A_454 = arith.index_cast %scan3A_435 : i32 to index
          %get3A_455 = arith.constant 16 : index
          %get3A_456 = tpu.vector_load %arg15[%get3A_454, %get3A_455] {strides = array<i32>} : memref<40x128xf32, #tpu.memory_space<vmem>>, vector<1x16xf32>,
          %get3A_457 = vector.shape_cast %get3A_456 : vector<1x16xf32> to vector<16xf32>
          %add3A_458 = arith.addf %get3A_453, %get3A_457 : vector<16xf32>
          %max3A_459 = arith.constant 0.000000e+00 : f32
          %max3A_460 = vector.broadcast %max3A_459 : f32 to vector<16xf32>
          %max3A_461 = arith.maximumf %add3A_458, %max3A_460 : vector<16xf32>
          %swap3A_462 = arith.index_cast %scan3A_435 : i32 to index
          %swap3A_463 = arith.constant 16 : index
          %swap3A_464 = tpu.vector_load %arg17[%swap3A_462, %swap3A_463] {strides = array<i32>} : memref<40x128xf32, #tpu.memory_space<vmem>>, vector<1x16xf32>,
          %swap3A_465 = vector.shape_cast %swap3A_464 : vector<1x16xf32> to vector<16xf32>
          %swap3A_466 = vector.shape_cast %max3A_461 : vector<16xf32> to vector<1x16xf32>
          tpu.vector_store %arg17[%swap3A_462, %swap3A_463], %swap3A_466 {strides = array<i32>} : memref<40x128xf32, #tpu.memory_space<vmem>>, vector<1x16xf32>,
          %get3A_467 = arith.index_cast %scan3A_435 : i32 to index
          %get3A_468 = arith.constant 32 : index
          %get3A_469 = tpu.vector_load %arg13[%get3A_467, %get3A_468] {strides = array<i32>} : memref<40x128xf32, #tpu.memory_space<vmem>>, vector<1x16xf32>,
          %get3A_470 = vector.shape_cast %get3A_469 : vector<1x16xf32> to vector<16xf32>
          %get3A_471 = arith.index_cast %scan3A_435 : i32 to index
          %get3A_472 = arith.constant 32 : index
          %get3A_473 = tpu.vector_load %arg15[%get3A_471, %get3A_472] {strides = array<i32>} : memref<40x128xf32, #tpu.memory_space<vmem>>, vector<1x16xf32>,
          %get3A_474 = vector.shape_cast %get3A_473 : vector<1x16xf32> to vector<16xf32>
          %add3A_475 = arith.addf %get3A_470, %get3A_474 : vector<16xf32>
          %max3A_476 = arith.constant 0.000000e+00 : f32
          %max3A_477 = vector.broadcast %max3A_476 : f32 to vector<16xf32>
          %max3A_478 = arith.maximumf %add3A_475, %max3A_477 : vector<16xf32>
          %swap3A_479 = arith.index_cast %scan3A_435 : i32 to index
          %swap3A_480 = arith.constant 32 : index
          %swap3A_481 = tpu.vector_load %arg17[%swap3A_479, %swap3A_480] {strides = array<i32>} : memref<40x128xf32, #tpu.memory_space<vmem>>, vector<1x16xf32>,
          %swap3A_482 = vector.shape_cast %swap3A_481 : vector<1x16xf32> to vector<16xf32>
          %swap3A_483 = vector.shape_cast %max3A_478 : vector<16xf32> to vector<1x16xf32>
          tpu.vector_store %arg17[%swap3A_479, %swap3A_480], %swap3A_483 {strides = array<i32>} : memref<40x128xf32, #tpu.memory_space<vmem>>, vector<1x16xf32>,
          %get3A_484 = arith.index_cast %scan3A_435 : i32 to index
          %get3A_485 = arith.constant 48 : index
          %get3A_486 = tpu.vector_load %arg13[%get3A_484, %get3A_485] {strides = array<i32>} : memref<40x128xf32, #tpu.memory_space<vmem>>, vector<1x16xf32>,
          %get3A_487 = vector.shape_cast %get3A_486 : vector<1x16xf32> to vector<16xf32>
          %get3A_488 = arith.index_cast %scan3A_435 : i32 to index
          %get3A_489 = arith.constant 48 : index
          %get3A_490 = tpu.vector_load %arg15[%get3A_488, %get3A_489] {strides = array<i32>} : memref<40x128xf32, #tpu.memory_space<vmem>>, vector<1x16xf32>,
          %get3A_491 = vector.shape_cast %get3A_490 : vector<1x16xf32> to vector<16xf32>
          %add3A_492 = arith.addf %get3A_487, %get3A_491 : vector<16xf32>
          %max3A_493 = arith.constant 0.000000e+00 : f32
          %max3A_494 = vector.broadcast %max3A_493 : f32 to vector<16xf32>
          %max3A_495 = arith.maximumf %add3A_492, %max3A_494 : vector<16xf32>
          %swap3A_496 = arith.index_cast %scan3A_435 : i32 to index
          %swap3A_497 = arith.constant 48 : index
          %swap3A_498 = tpu.vector_load %arg17[%swap3A_496, %swap3A_497] {strides = array<i32>} : memref<40x128xf32, #tpu.memory_space<vmem>>, vector<1x16xf32>,
          %swap3A_499 = vector.shape_cast %swap3A_498 : vector<1x16xf32> to vector<16xf32>
          %swap3A_500 = vector.shape_cast %max3A_495 : vector<16xf32> to vector<1x16xf32>
          tpu.vector_store %arg17[%swap3A_496, %swap3A_497], %swap3A_500 {strides = array<i32>} : memref<40x128xf32, #tpu.memory_space<vmem>>, vector<1x16xf32>,
          %get3A_501 = arith.index_cast %scan3A_435 : i32 to index
          %get3A_502 = arith.constant 64 : index
          %get3A_503 = tpu.vector_load %arg13[%get3A_501, %get3A_502] {strides = array<i32>} : memref<40x128xf32, #tpu.memory_space<vmem>>, vector<1x16xf32>,
          %get3A_504 = vector.shape_cast %get3A_503 : vector<1x16xf32> to vector<16xf32>
          %get3A_505 = arith.index_cast %scan3A_435 : i32 to index
          %get3A_506 = arith.constant 64 : index
          %get3A_507 = tpu.vector_load %arg15[%get3A_505, %get3A_506] {strides = array<i32>} : memref<40x128xf32, #tpu.memory_space<vmem>>, vector<1x16xf32>,
          %get3A_508 = vector.shape_cast %get3A_507 : vector<1x16xf32> to vector<16xf32>
          %add3A_509 = arith.addf %get3A_504, %get3A_508 : vector<16xf32>
          %max3A_510 = arith.constant 0.000000e+00 : f32
          %max3A_511 = vector.broadcast %max3A_510 : f32 to vector<16xf32>
          %max3A_512 = arith.maximumf %add3A_509, %max3A_511 : vector<16xf32>
          %swap3A_513 = arith.index_cast %scan3A_435 : i32 to index
          %swap3A_514 = arith.constant 64 : index
          %swap3A_515 = tpu.vector_load %arg17[%swap3A_513, %swap3A_514] {strides = array<i32>} : memref<40x128xf32, #tpu.memory_space<vmem>>, vector<1x16xf32>,
          %swap3A_516 = vector.shape_cast %swap3A_515 : vector<1x16xf32> to vector<16xf32>
          %swap3A_517 = vector.shape_cast %max3A_512 : vector<16xf32> to vector<1x16xf32>
          tpu.vector_store %arg17[%swap3A_513, %swap3A_514], %swap3A_517 {strides = array<i32>} : memref<40x128xf32, #tpu.memory_space<vmem>>, vector<1x16xf32>,
          %get3A_518 = arith.index_cast %scan3A_435 : i32 to index
          %get3A_519 = arith.constant 80 : index
          %get3A_520 = tpu.vector_load %arg13[%get3A_518, %get3A_519] {strides = array<i32>} : memref<40x128xf32, #tpu.memory_space<vmem>>, vector<1x16xf32>,
          %get3A_521 = vector.shape_cast %get3A_520 : vector<1x16xf32> to vector<16xf32>
          %get3A_522 = arith.index_cast %scan3A_435 : i32 to index
          %get3A_523 = arith.constant 80 : index
          %get3A_524 = tpu.vector_load %arg15[%get3A_522, %get3A_523] {strides = array<i32>} : memref<40x128xf32, #tpu.memory_space<vmem>>, vector<1x16xf32>,
          %get3A_525 = vector.shape_cast %get3A_524 : vector<1x16xf32> to vector<16xf32>
          %add3A_526 = arith.addf %get3A_521, %get3A_525 : vector<16xf32>
          %max3A_527 = arith.constant 0.000000e+00 : f32
          %max3A_528 = vector.broadcast %max3A_527 : f32 to vector<16xf32>
          %max3A_529 = arith.maximumf %add3A_526, %max3A_528 : vector<16xf32>
          %swap3A_530 = arith.index_cast %scan3A_435 : i32 to index
          %swap3A_531 = arith.constant 80 : index
          %swap3A_532 = tpu.vector_load %arg17[%swap3A_530, %swap3A_531] {strides = array<i32>} : memref<40x128xf32, #tpu.memory_space<vmem>>, vector<1x16xf32>,
          %swap3A_533 = vector.shape_cast %swap3A_532 : vector<1x16xf32> to vector<16xf32>
          %swap3A_534 = vector.shape_cast %max3A_529 : vector<16xf32> to vector<1x16xf32>
          tpu.vector_store %arg17[%swap3A_530, %swap3A_531], %swap3A_534 {strides = array<i32>} : memref<40x128xf32, #tpu.memory_space<vmem>>, vector<1x16xf32>,
          %get3A_535 = arith.index_cast %scan3A_435 : i32 to index
          %get3A_536 = arith.constant 96 : index
          %get3A_537 = tpu.vector_load %arg13[%get3A_535, %get3A_536] {strides = array<i32>} : memref<40x128xf32, #tpu.memory_space<vmem>>, vector<1x16xf32>,
          %get3A_538 = vector.shape_cast %get3A_537 : vector<1x16xf32> to vector<16xf32>
          %get3A_539 = arith.index_cast %scan3A_435 : i32 to index
          %get3A_540 = arith.constant 96 : index
          %get3A_541 = tpu.vector_load %arg15[%get3A_539, %get3A_540] {strides = array<i32>} : memref<40x128xf32, #tpu.memory_space<vmem>>, vector<1x16xf32>,
          %get3A_542 = vector.shape_cast %get3A_541 : vector<1x16xf32> to vector<16xf32>
          %add3A_543 = arith.addf %get3A_538, %get3A_542 : vector<16xf32>
          %max3A_544 = arith.constant 0.000000e+00 : f32
          %max3A_545 = vector.broadcast %max3A_544 : f32 to vector<16xf32>
          %max3A_546 = arith.maximumf %add3A_543, %max3A_545 : vector<16xf32>
          %swap3A_547 = arith.index_cast %scan3A_435 : i32 to index
          %swap3A_548 = arith.constant 96 : index
          %swap3A_549 = tpu.vector_load %arg17[%swap3A_547, %swap3A_548] {strides = array<i32>} : memref<40x128xf32, #tpu.memory_space<vmem>>, vector<1x16xf32>,
          %swap3A_550 = vector.shape_cast %swap3A_549 : vector<1x16xf32> to vector<16xf32>
          %swap3A_551 = vector.shape_cast %max3A_546 : vector<16xf32> to vector<1x16xf32>
          tpu.vector_store %arg17[%swap3A_547, %swap3A_548], %swap3A_551 {strides = array<i32>} : memref<40x128xf32, #tpu.memory_space<vmem>>, vector<1x16xf32>,
          %get3A_552 = arith.index_cast %scan3A_435 : i32 to index
          %get3A_553 = arith.constant 112 : index
          %get3A_554 = tpu.vector_load %arg13[%get3A_552, %get3A_553] {strides = array<i32>} : memref<40x128xf32, #tpu.memory_space<vmem>>, vector<1x16xf32>,
          %get3A_555 = vector.shape_cast %get3A_554 : vector<1x16xf32> to vector<16xf32>
          %get3A_556 = arith.index_cast %scan3A_435 : i32 to index
          %get3A_557 = arith.constant 112 : index
          %get3A_558 = tpu.vector_load %arg15[%get3A_556, %get3A_557] {strides = array<i32>} : memref<40x128xf32, #tpu.memory_space<vmem>>, vector<1x16xf32>,
          %get3A_559 = vector.shape_cast %get3A_558 : vector<1x16xf32> to vector<16xf32>
          %add3A_560 = arith.addf %get3A_555, %get3A_559 : vector<16xf32>
          %max3A_561 = arith.constant 0.000000e+00 : f32
          %max3A_562 = vector.broadcast %max3A_561 : f32 to vector<16xf32>
          %max3A_563 = arith.maximumf %add3A_560, %max3A_562 : vector<16xf32>
          %swap3A_564 = arith.index_cast %scan3A_435 : i32 to index
          %swap3A_565 = arith.constant 112 : index
          %swap3A_566 = tpu.vector_load %arg17[%swap3A_564, %swap3A_565] {strides = array<i32>} : memref<40x128xf32, #tpu.memory_space<vmem>>, vector<1x16xf32>,
          %swap3A_567 = vector.shape_cast %swap3A_566 : vector<1x16xf32> to vector<16xf32>
          %swap3A_568 = vector.shape_cast %max3A_563 : vector<16xf32> to vector<1x16xf32>
          tpu.vector_store %arg17[%swap3A_564, %swap3A_565], %swap3A_568 {strides = array<i32>} : memref<40x128xf32, #tpu.memory_space<vmem>>, vector<1x16xf32>,
        }
        %scan3A_431 = arith.constant 40 : i32
        %dma_start3A_432 = arith.constant 0 : i32
        %dma_start3A_433 = arith.constant 0 : i32
        %dma_start3A_434 = tpu.memref_slice %arg19[%dma_start3A_432, %dma_start3A_433] : memref<10000x128xf32, #tpu.memory_space<vmem_shared>> -> memref<10000x128xf32, #tpu.memory_space<vmem_shared>>
        tpu.enqueue_indirect_dma source(%arg17 : memref<40x128xf32, #tpu.memory_space<vmem>>) target(%dma_start3A_434 : memref<10000x128xf32, #tpu.memory_space<vmem_shared>>) offsets(%arg11 : memref<40xi32, #tpu.memory_space<vmem>>) semaphore(%arg27 : memref<!tpu.dma_semaphore, #tpu.memory_space<semaphore_mem>>) {add = true}
      } else {
      }
      %jit3A_233 = arith.constant 2 : i32
      %eq3A_234 = arith.constant 0 : i32
      %eq3A_235 = arith.cmpi eq, %jit3A_233, %eq3A_234 : i32
      %jit3A_236 = arith.constant 1 : i32
      %select_n3A_237 = arith.select %eq3A_235, %jit3A_236, %jit3A_233 : i32
      %rem3A_238 = arith.remsi %scan3A_158, %select_n3A_237 : i32
      %ne3A_239 = arith.constant 0 : i32
      %ne3A_240 = arith.cmpi ne, %rem3A_238, %ne3A_239 : i32
      %lt3A_241 = arith.constant 0 : i32
      %lt3A_242 = arith.cmpi slt, %rem3A_238, %lt3A_241 : i32
      %lt3A_243 = arith.constant 0 : i32
      %lt3A_244 = arith.cmpi slt, %select_n3A_237, %lt3A_243 : i32
      %ne3A_245 = arith.xori %lt3A_242, %lt3A_244 : i1
      %and3A_246 = arith.andi %ne3A_245, %ne3A_240 : i1
      %add3A_247 = arith.addi %rem3A_238, %select_n3A_237 : i32
      %select_n3A_248 = arith.select %and3A_246, %add3A_247, %rem3A_238 : i32
      %eq3A_249 = arith.constant 0 : i32
      %eq3A_250 = arith.cmpi eq, %select_n3A_248, %eq3A_249 : i32
      %jit3A_251 = arith.constant 3 : i32
      %eq3A_252 = arith.constant 0 : i32
      %eq3A_253 = arith.cmpi eq, %jit3A_251, %eq3A_252 : i32
      %jit3A_254 = arith.constant 1 : i32
      %select_n3A_255 = arith.select %eq3A_253, %jit3A_254, %jit3A_251 : i32
      %rem3A_256 = arith.remsi %scan3A_158, %select_n3A_255 : i32
      %ne3A_257 = arith.constant 0 : i32
      %ne3A_258 = arith.cmpi ne, %rem3A_256, %ne3A_257 : i32
      %lt3A_259 = arith.constant 0 : i32
      %lt3A_260 = arith.cmpi slt, %rem3A_256, %lt3A_259 : i32
      %lt3A_261 = arith.constant 0 : i32
      %lt3A_262 = arith.cmpi slt, %select_n3A_255, %lt3A_261 : i32
      %ne3A_263 = arith.xori %lt3A_260, %lt3A_262 : i1
      %and3A_264 = arith.andi %ne3A_263, %ne3A_258 : i1
      %add3A_265 = arith.addi %rem3A_256, %select_n3A_255 : i32
      %select_n3A_266 = arith.select %and3A_264, %add3A_265, %rem3A_256 : i32
      %eq3A_267 = arith.constant 2 : i32
      %eq3A_268 = arith.cmpi eq, %select_n3A_266, %eq3A_267 : i32
      %and3A_269 = arith.andi %eq3A_250, %eq3A_268 : i1
      %convert_element_type3A_270 = arith.extui %and3A_269 : i1 to i32
      %cond3A_271 = arith.constant 0 : i32
      %cond3A_272 = arith.cmpi ne, %convert_element_type3A_270, %cond3A_271 : i32
      scf.if %cond3A_272 {
        %ge3A = arith.constant 1 : i32
        %ge3A_393 = arith.cmpi sge, %scan3A_158, %ge3A : i32
        %convert_element_type3A_394 = arith.extui %ge3A_393 : i1 to i32
        %cond3A_395 = arith.constant 0 : i32
        %cond3A_396 = arith.cmpi ne, %convert_element_type3A_394, %cond3A_395 : i32
        scf.if %cond3A_396 {
          %dma_wait3A_435 = arith.constant 0 : i32
          %dma_wait3A_436 = arith.constant 0 : i32
          %dma_wait3A_437 = tpu.memref_slice %arg19[%dma_wait3A_435, %dma_wait3A_436] : memref<10000x128xf32, #tpu.memory_space<vmem_shared>> -> memref<10000x128xf32, #tpu.memory_space<vmem_shared>>
          tpu.wait_indirect_dma semaphore(%arg28 : memref<!tpu.dma_semaphore, #tpu.memory_space<semaphore_mem>>) src(%arg18 : memref<40x128xf32, #tpu.memory_space<vmem>>) dst(%dma_wait3A_437 : memref<10000x128xf32, #tpu.memory_space<vmem_shared>>)
        } else {
        }
        %add3A_397 = arith.constant 2 : i32
        %add3A_398 = arith.addi %scan3A_158, %add3A_397 : i32
        %lt3A_399 = arith.constant 250 : i32
        %lt3A_400 = arith.cmpi slt, %add3A_398, %lt3A_399 : i32
        %convert_element_type3A_401 = arith.extui %lt3A_400 : i1 to i32
        %cond3A_402 = arith.constant 0 : i32
        %cond3A_403 = arith.cmpi ne, %convert_element_type3A_401, %cond3A_402 : i32
        scf.if %cond3A_403 {
          %add3A_435 = arith.constant 2 : i32
          %add3A_436 = arith.addi %scan3A_158, %add3A_435 : i32
          %add3A_437 = arith.addi %mul3A_2, %add3A_436 : i32
          %dma_start3A_438 = arith.constant 0 : i32
          %dma_start3A_439 = tpu.memref_slice %arg4[%add3A_437, %dma_start3A_438] : memref<8000x40xi32, #tpu.memory_space<hbm>> -> memref<1x40xi32, #tpu.memory_space<hbm>>
          %dma_start3A_440 = tpu.memref_squeeze %dma_start3A_439 : memref<1x40xi32, #tpu.memory_space<hbm>> -> memref<40xi32, #tpu.memory_space<hbm>>
          %dma_start3A_441 = arith.constant 0 : i32
          %dma_start3A_442 = tpu.memref_slice %arg4[%add3A_437, %dma_start3A_441] : memref<8000x40xi32, #tpu.memory_space<hbm>> -> memref<1x40xi32, #tpu.memory_space<hbm>>
          %dma_start3A_443 = tpu.memref_squeeze %dma_start3A_442 : memref<1x40xi32, #tpu.memory_space<hbm>> -> memref<40xi32, #tpu.memory_space<hbm>>
          tpu.enqueue_dma source(%dma_start3A_443 : memref<40xi32, #tpu.memory_space<hbm>>) target(%arg8 : memref<40xi32, #tpu.memory_space<vmem>>) target_semaphore(%arg21 : memref<!tpu.dma_semaphore, #tpu.memory_space<semaphore_mem>>)
          %add3A_444 = arith.addi %mul3A_4, %add3A_436 : i32
          %dma_start3A_445 = arith.constant 0 : i32
          %dma_start3A_446 = tpu.memref_slice %arg5[%add3A_444, %dma_start3A_445] : memref<4000x40xi32, #tpu.memory_space<hbm>> -> memref<1x40xi32, #tpu.memory_space<hbm>>
          %dma_start3A_447 = tpu.memref_squeeze %dma_start3A_446 : memref<1x40xi32, #tpu.memory_space<hbm>> -> memref<40xi32, #tpu.memory_space<hbm>>
          %dma_start3A_448 = arith.constant 0 : i32
          %dma_start3A_449 = tpu.memref_slice %arg5[%add3A_444, %dma_start3A_448] : memref<4000x40xi32, #tpu.memory_space<hbm>> -> memref<1x40xi32, #tpu.memory_space<hbm>>
          %dma_start3A_450 = tpu.memref_squeeze %dma_start3A_449 : memref<1x40xi32, #tpu.memory_space<hbm>> -> memref<40xi32, #tpu.memory_space<hbm>>
          tpu.enqueue_dma source(%dma_start3A_450 : memref<40xi32, #tpu.memory_space<hbm>>) target(%arg11 : memref<40xi32, #tpu.memory_space<vmem>>) target_semaphore(%arg21 : memref<!tpu.dma_semaphore, #tpu.memory_space<semaphore_mem>>)
        } else {
        }
        %add3A_404 = arith.constant 1 : i32
        %add3A_405 = arith.addi %scan3A_158, %add3A_404 : i32
        %lt3A_406 = arith.constant 250 : i32
        %lt3A_407 = arith.cmpi slt, %add3A_405, %lt3A_406 : i32
        %convert_element_type3A_408 = arith.extui %lt3A_407 : i1 to i32
        %cond3A_409 = arith.constant 0 : i32
        %cond3A_410 = arith.cmpi ne, %convert_element_type3A_408, %cond3A_409 : i32
        scf.if %cond3A_410 {
          %add3A_435 = arith.constant 1 : i32
          %add3A_436 = arith.addi %scan3A_158, %add3A_435 : i32
          %add3A_437 = arith.addi %mul3A_2, %add3A_436 : i32
          %dma_wait3A_438 = arith.constant 0 : i32
          %dma_wait3A_439 = tpu.memref_slice %arg4[%add3A_437, %dma_wait3A_438] : memref<8000x40xi32, #tpu.memory_space<hbm>> -> memref<1x40xi32, #tpu.memory_space<hbm>>
          %dma_wait3A_440 = tpu.memref_squeeze %dma_wait3A_439 : memref<1x40xi32, #tpu.memory_space<hbm>> -> memref<40xi32, #tpu.memory_space<hbm>>
          %dma_wait3A_441 = arith.constant 0 : i32
          %dma_wait3A_442 = tpu.memref_slice %arg4[%add3A_437, %dma_wait3A_441] : memref<8000x40xi32, #tpu.memory_space<hbm>> -> memref<1x40xi32, #tpu.memory_space<hbm>>
          %dma_wait3A_443 = tpu.memref_squeeze %dma_wait3A_442 : memref<1x40xi32, #tpu.memory_space<hbm>> -> memref<40xi32, #tpu.memory_space<hbm>>
          tpu.wait_dma2 semaphore(%arg20 : memref<!tpu.dma_semaphore, #tpu.memory_space<semaphore_mem>>) src(%dma_wait3A_443 : memref<40xi32, #tpu.memory_space<hbm>>) dst(%arg7 : memref<40xi32, #tpu.memory_space<vmem>>)
          %add3A_444 = arith.addi %mul3A_4, %add3A_436 : i32
          %dma_wait3A_445 = arith.constant 0 : i32
          %dma_wait3A_446 = tpu.memref_slice %arg5[%add3A_444, %dma_wait3A_445] : memref<4000x40xi32, #tpu.memory_space<hbm>> -> memref<1x40xi32, #tpu.memory_space<hbm>>
          %dma_wait3A_447 = tpu.memref_squeeze %dma_wait3A_446 : memref<1x40xi32, #tpu.memory_space<hbm>> -> memref<40xi32, #tpu.memory_space<hbm>>
          %dma_wait3A_448 = arith.constant 0 : i32
          %dma_wait3A_449 = tpu.memref_slice %arg5[%add3A_444, %dma_wait3A_448] : memref<4000x40xi32, #tpu.memory_space<hbm>> -> memref<1x40xi32, #tpu.memory_space<hbm>>
          %dma_wait3A_450 = tpu.memref_squeeze %dma_wait3A_449 : memref<1x40xi32, #tpu.memory_space<hbm>> -> memref<40xi32, #tpu.memory_space<hbm>>
          tpu.wait_dma2 semaphore(%arg20 : memref<!tpu.dma_semaphore, #tpu.memory_space<semaphore_mem>>) src(%dma_wait3A_450 : memref<40xi32, #tpu.memory_space<hbm>>) dst(%arg10 : memref<40xi32, #tpu.memory_space<vmem>>)
          %add3A_451 = arith.constant 1 : i32
          %add3A_452 = arith.addi %scan3A_158, %add3A_451 : i32
          %dma_start3A_453 = arith.constant 0 : i32
          %dma_start3A_454 = arith.constant 0 : i32
          %dma_start3A_455 = tpu.memref_slice %arg2[%dma_start3A_453, %dma_start3A_454] : memref<20000x128xf32, #tpu.memory_space<hbm>> -> memref<20000x128xf32, #tpu.memory_space<hbm>>
          tpu.enqueue_indirect_dma source(%dma_start3A_455 : memref<20000x128xf32, #tpu.memory_space<hbm>>) target(%arg14 : memref<40x128xf32, #tpu.memory_space<vmem>>) offsets(%arg7 : memref<40xi32, #tpu.memory_space<vmem>>) semaphore(%arg24 : memref<!tpu.dma_semaphore, #tpu.memory_space<semaphore_mem>>)
          %mul3A_456 = arith.constant 160000 : i32
          %mul3A_457 = arith.muli %arg0, %mul3A_456 : i32
          %mul3A_458 = arith.constant 10000 : i32
          %mul3A_459 = arith.muli %arg1, %mul3A_458 : i32
          %add3A_460 = arith.addi %mul3A_457, %mul3A_459 : i32
          %mul3A_461 = arith.constant 40 : i32
          %mul3A_462 = arith.muli %add3A_452, %mul3A_461 : i32
          %add3A_463 = arith.addi %add3A_460, %mul3A_462 : i32
          %dma_start3A_464 = arith.constant 0 : i32
          %dma_start3A_465 = tpu.memref_slice %arg3[%add3A_463, %dma_start3A_464] : memref<320000x128xf32, #tpu.memory_space<hbm>> -> memref<40x128xf32, #tpu.memory_space<hbm>>
          %dma_start3A_466 = arith.constant 0 : i32
          %dma_start3A_467 = tpu.memref_slice %arg3[%add3A_463, %dma_start3A_466] : memref<320000x128xf32, #tpu.memory_space<hbm>> -> memref<40x128xf32, #tpu.memory_space<hbm>>
          tpu.enqueue_dma source(%dma_start3A_467 : memref<40x128xf32, #tpu.memory_space<hbm>>) target(%arg16 : memref<40x128xf32, #tpu.memory_space<vmem>>) target_semaphore(%arg26 : memref<!tpu.dma_semaphore, #tpu.memory_space<semaphore_mem>>)
        } else {
        }
        %dma_wait3A_411 = arith.constant 0 : i32
        %dma_wait3A_412 = arith.constant 0 : i32
        %dma_wait3A_413 = tpu.memref_slice %arg2[%dma_wait3A_411, %dma_wait3A_412] : memref<20000x128xf32, #tpu.memory_space<hbm>> -> memref<20000x128xf32, #tpu.memory_space<hbm>>
        tpu.wait_indirect_dma semaphore(%arg23 : memref<!tpu.dma_semaphore, #tpu.memory_space<semaphore_mem>>) src(%dma_wait3A_413 : memref<20000x128xf32, #tpu.memory_space<hbm>>) dst(%arg13 : memref<40x128xf32, #tpu.memory_space<vmem>>)
        %mul3A_414 = arith.constant 160000 : i32
        %mul3A_415 = arith.muli %arg0, %mul3A_414 : i32
        %mul3A_416 = arith.constant 10000 : i32
        %mul3A_417 = arith.muli %arg1, %mul3A_416 : i32
        %add3A_418 = arith.addi %mul3A_415, %mul3A_417 : i32
        %mul3A_419 = arith.constant 40 : i32
        %mul3A_420 = arith.muli %scan3A_158, %mul3A_419 : i32
        %add3A_421 = arith.addi %add3A_418, %mul3A_420 : i32
        %dma_wait3A_422 = arith.constant 0 : i32
        %dma_wait3A_423 = tpu.memref_slice %arg3[%add3A_421, %dma_wait3A_422] : memref<320000x128xf32, #tpu.memory_space<hbm>> -> memref<40x128xf32, #tpu.memory_space<hbm>>
        %dma_wait3A_424 = arith.constant 0 : i32
        %dma_wait3A_425 = tpu.memref_slice %arg3[%add3A_421, %dma_wait3A_424] : memref<320000x128xf32, #tpu.memory_space<hbm>> -> memref<40x128xf32, #tpu.memory_space<hbm>>
        tpu.wait_dma2 semaphore(%arg25 : memref<!tpu.dma_semaphore, #tpu.memory_space<semaphore_mem>>) src(%dma_wait3A_425 : memref<40x128xf32, #tpu.memory_space<hbm>>) dst(%arg15 : memref<40x128xf32, #tpu.memory_space<vmem>>)
        %scan3A_426 = arith.constant 0 : i32
        %scan3A_427 = arith.constant 0 : i32
        %scan3A_428 = arith.constant 40 : i32
        %scan3A_429 = arith.addi %scan3A_427, %scan3A_428 : i32
        %scan3A_430 = arith.constant 1 : i32
        scf.for %scan3A_435 = %scan3A_427 to %scan3A_429 step %scan3A_430  : i32 {
          %get3A = arith.index_cast %scan3A_435 : i32 to index
          %get3A_436 = arith.constant 0 : index
          %get3A_437 = tpu.vector_load %arg13[%get3A, %get3A_436] {strides = array<i32>} : memref<40x128xf32, #tpu.memory_space<vmem>>, vector<1x16xf32>,
          %get3A_438 = vector.shape_cast %get3A_437 : vector<1x16xf32> to vector<16xf32>
          %get3A_439 = arith.index_cast %scan3A_435 : i32 to index
          %get3A_440 = arith.constant 0 : index
          %get3A_441 = tpu.vector_load %arg15[%get3A_439, %get3A_440] {strides = array<i32>} : memref<40x128xf32, #tpu.memory_space<vmem>>, vector<1x16xf32>,
          %get3A_442 = vector.shape_cast %get3A_441 : vector<1x16xf32> to vector<16xf32>
          %add3A_443 = arith.addf %get3A_438, %get3A_442 : vector<16xf32>
          %max3A = arith.constant 0.000000e+00 : f32
          %max3A_444 = vector.broadcast %max3A : f32 to vector<16xf32>
          %max3A_445 = arith.maximumf %add3A_443, %max3A_444 : vector<16xf32>
          %swap3A = arith.index_cast %scan3A_435 : i32 to index
          %swap3A_446 = arith.constant 0 : index
          %swap3A_447 = tpu.vector_load %arg17[%swap3A, %swap3A_446] {strides = array<i32>} : memref<40x128xf32, #tpu.memory_space<vmem>>, vector<1x16xf32>,
          %swap3A_448 = vector.shape_cast %swap3A_447 : vector<1x16xf32> to vector<16xf32>
          %swap3A_449 = vector.shape_cast %max3A_445 : vector<16xf32> to vector<1x16xf32>
          tpu.vector_store %arg17[%swap3A, %swap3A_446], %swap3A_449 {strides = array<i32>} : memref<40x128xf32, #tpu.memory_space<vmem>>, vector<1x16xf32>,
          %get3A_450 = arith.index_cast %scan3A_435 : i32 to index
          %get3A_451 = arith.constant 16 : index
          %get3A_452 = tpu.vector_load %arg13[%get3A_450, %get3A_451] {strides = array<i32>} : memref<40x128xf32, #tpu.memory_space<vmem>>, vector<1x16xf32>,
          %get3A_453 = vector.shape_cast %get3A_452 : vector<1x16xf32> to vector<16xf32>
          %get3A_454 = arith.index_cast %scan3A_435 : i32 to index
          %get3A_455 = arith.constant 16 : index
          %get3A_456 = tpu.vector_load %arg15[%get3A_454, %get3A_455] {strides = array<i32>} : memref<40x128xf32, #tpu.memory_space<vmem>>, vector<1x16xf32>,
          %get3A_457 = vector.shape_cast %get3A_456 : vector<1x16xf32> to vector<16xf32>
          %add3A_458 = arith.addf %get3A_453, %get3A_457 : vector<16xf32>
          %max3A_459 = arith.constant 0.000000e+00 : f32
          %max3A_460 = vector.broadcast %max3A_459 : f32 to vector<16xf32>
          %max3A_461 = arith.maximumf %add3A_458, %max3A_460 : vector<16xf32>
          %swap3A_462 = arith.index_cast %scan3A_435 : i32 to index
          %swap3A_463 = arith.constant 16 : index
          %swap3A_464 = tpu.vector_load %arg17[%swap3A_462, %swap3A_463] {strides = array<i32>} : memref<40x128xf32, #tpu.memory_space<vmem>>, vector<1x16xf32>,
          %swap3A_465 = vector.shape_cast %swap3A_464 : vector<1x16xf32> to vector<16xf32>
          %swap3A_466 = vector.shape_cast %max3A_461 : vector<16xf32> to vector<1x16xf32>
          tpu.vector_store %arg17[%swap3A_462, %swap3A_463], %swap3A_466 {strides = array<i32>} : memref<40x128xf32, #tpu.memory_space<vmem>>, vector<1x16xf32>,
          %get3A_467 = arith.index_cast %scan3A_435 : i32 to index
          %get3A_468 = arith.constant 32 : index
          %get3A_469 = tpu.vector_load %arg13[%get3A_467, %get3A_468] {strides = array<i32>} : memref<40x128xf32, #tpu.memory_space<vmem>>, vector<1x16xf32>,
          %get3A_470 = vector.shape_cast %get3A_469 : vector<1x16xf32> to vector<16xf32>
          %get3A_471 = arith.index_cast %scan3A_435 : i32 to index
          %get3A_472 = arith.constant 32 : index
          %get3A_473 = tpu.vector_load %arg15[%get3A_471, %get3A_472] {strides = array<i32>} : memref<40x128xf32, #tpu.memory_space<vmem>>, vector<1x16xf32>,
          %get3A_474 = vector.shape_cast %get3A_473 : vector<1x16xf32> to vector<16xf32>
          %add3A_475 = arith.addf %get3A_470, %get3A_474 : vector<16xf32>
          %max3A_476 = arith.constant 0.000000e+00 : f32
          %max3A_477 = vector.broadcast %max3A_476 : f32 to vector<16xf32>
          %max3A_478 = arith.maximumf %add3A_475, %max3A_477 : vector<16xf32>
          %swap3A_479 = arith.index_cast %scan3A_435 : i32 to index
          %swap3A_480 = arith.constant 32 : index
          %swap3A_481 = tpu.vector_load %arg17[%swap3A_479, %swap3A_480] {strides = array<i32>} : memref<40x128xf32, #tpu.memory_space<vmem>>, vector<1x16xf32>,
          %swap3A_482 = vector.shape_cast %swap3A_481 : vector<1x16xf32> to vector<16xf32>
          %swap3A_483 = vector.shape_cast %max3A_478 : vector<16xf32> to vector<1x16xf32>
          tpu.vector_store %arg17[%swap3A_479, %swap3A_480], %swap3A_483 {strides = array<i32>} : memref<40x128xf32, #tpu.memory_space<vmem>>, vector<1x16xf32>,
          %get3A_484 = arith.index_cast %scan3A_435 : i32 to index
          %get3A_485 = arith.constant 48 : index
          %get3A_486 = tpu.vector_load %arg13[%get3A_484, %get3A_485] {strides = array<i32>} : memref<40x128xf32, #tpu.memory_space<vmem>>, vector<1x16xf32>,
          %get3A_487 = vector.shape_cast %get3A_486 : vector<1x16xf32> to vector<16xf32>
          %get3A_488 = arith.index_cast %scan3A_435 : i32 to index
          %get3A_489 = arith.constant 48 : index
          %get3A_490 = tpu.vector_load %arg15[%get3A_488, %get3A_489] {strides = array<i32>} : memref<40x128xf32, #tpu.memory_space<vmem>>, vector<1x16xf32>,
          %get3A_491 = vector.shape_cast %get3A_490 : vector<1x16xf32> to vector<16xf32>
          %add3A_492 = arith.addf %get3A_487, %get3A_491 : vector<16xf32>
          %max3A_493 = arith.constant 0.000000e+00 : f32
          %max3A_494 = vector.broadcast %max3A_493 : f32 to vector<16xf32>
          %max3A_495 = arith.maximumf %add3A_492, %max3A_494 : vector<16xf32>
          %swap3A_496 = arith.index_cast %scan3A_435 : i32 to index
          %swap3A_497 = arith.constant 48 : index
          %swap3A_498 = tpu.vector_load %arg17[%swap3A_496, %swap3A_497] {strides = array<i32>} : memref<40x128xf32, #tpu.memory_space<vmem>>, vector<1x16xf32>,
          %swap3A_499 = vector.shape_cast %swap3A_498 : vector<1x16xf32> to vector<16xf32>
          %swap3A_500 = vector.shape_cast %max3A_495 : vector<16xf32> to vector<1x16xf32>
          tpu.vector_store %arg17[%swap3A_496, %swap3A_497], %swap3A_500 {strides = array<i32>} : memref<40x128xf32, #tpu.memory_space<vmem>>, vector<1x16xf32>,
          %get3A_501 = arith.index_cast %scan3A_435 : i32 to index
          %get3A_502 = arith.constant 64 : index
          %get3A_503 = tpu.vector_load %arg13[%get3A_501, %get3A_502] {strides = array<i32>} : memref<40x128xf32, #tpu.memory_space<vmem>>, vector<1x16xf32>,
          %get3A_504 = vector.shape_cast %get3A_503 : vector<1x16xf32> to vector<16xf32>
          %get3A_505 = arith.index_cast %scan3A_435 : i32 to index
          %get3A_506 = arith.constant 64 : index
          %get3A_507 = tpu.vector_load %arg15[%get3A_505, %get3A_506] {strides = array<i32>} : memref<40x128xf32, #tpu.memory_space<vmem>>, vector<1x16xf32>,
          %get3A_508 = vector.shape_cast %get3A_507 : vector<1x16xf32> to vector<16xf32>
          %add3A_509 = arith.addf %get3A_504, %get3A_508 : vector<16xf32>
          %max3A_510 = arith.constant 0.000000e+00 : f32
          %max3A_511 = vector.broadcast %max3A_510 : f32 to vector<16xf32>
          %max3A_512 = arith.maximumf %add3A_509, %max3A_511 : vector<16xf32>
          %swap3A_513 = arith.index_cast %scan3A_435 : i32 to index
          %swap3A_514 = arith.constant 64 : index
          %swap3A_515 = tpu.vector_load %arg17[%swap3A_513, %swap3A_514] {strides = array<i32>} : memref<40x128xf32, #tpu.memory_space<vmem>>, vector<1x16xf32>,
          %swap3A_516 = vector.shape_cast %swap3A_515 : vector<1x16xf32> to vector<16xf32>
          %swap3A_517 = vector.shape_cast %max3A_512 : vector<16xf32> to vector<1x16xf32>
          tpu.vector_store %arg17[%swap3A_513, %swap3A_514], %swap3A_517 {strides = array<i32>} : memref<40x128xf32, #tpu.memory_space<vmem>>, vector<1x16xf32>,
          %get3A_518 = arith.index_cast %scan3A_435 : i32 to index
          %get3A_519 = arith.constant 80 : index
          %get3A_520 = tpu.vector_load %arg13[%get3A_518, %get3A_519] {strides = array<i32>} : memref<40x128xf32, #tpu.memory_space<vmem>>, vector<1x16xf32>,
          %get3A_521 = vector.shape_cast %get3A_520 : vector<1x16xf32> to vector<16xf32>
          %get3A_522 = arith.index_cast %scan3A_435 : i32 to index
          %get3A_523 = arith.constant 80 : index
          %get3A_524 = tpu.vector_load %arg15[%get3A_522, %get3A_523] {strides = array<i32>} : memref<40x128xf32, #tpu.memory_space<vmem>>, vector<1x16xf32>,
          %get3A_525 = vector.shape_cast %get3A_524 : vector<1x16xf32> to vector<16xf32>
          %add3A_526 = arith.addf %get3A_521, %get3A_525 : vector<16xf32>
          %max3A_527 = arith.constant 0.000000e+00 : f32
          %max3A_528 = vector.broadcast %max3A_527 : f32 to vector<16xf32>
          %max3A_529 = arith.maximumf %add3A_526, %max3A_528 : vector<16xf32>
          %swap3A_530 = arith.index_cast %scan3A_435 : i32 to index
          %swap3A_531 = arith.constant 80 : index
          %swap3A_532 = tpu.vector_load %arg17[%swap3A_530, %swap3A_531] {strides = array<i32>} : memref<40x128xf32, #tpu.memory_space<vmem>>, vector<1x16xf32>,
          %swap3A_533 = vector.shape_cast %swap3A_532 : vector<1x16xf32> to vector<16xf32>
          %swap3A_534 = vector.shape_cast %max3A_529 : vector<16xf32> to vector<1x16xf32>
          tpu.vector_store %arg17[%swap3A_530, %swap3A_531], %swap3A_534 {strides = array<i32>} : memref<40x128xf32, #tpu.memory_space<vmem>>, vector<1x16xf32>,
          %get3A_535 = arith.index_cast %scan3A_435 : i32 to index
          %get3A_536 = arith.constant 96 : index
          %get3A_537 = tpu.vector_load %arg13[%get3A_535, %get3A_536] {strides = array<i32>} : memref<40x128xf32, #tpu.memory_space<vmem>>, vector<1x16xf32>,
          %get3A_538 = vector.shape_cast %get3A_537 : vector<1x16xf32> to vector<16xf32>
          %get3A_539 = arith.index_cast %scan3A_435 : i32 to index
          %get3A_540 = arith.constant 96 : index
          %get3A_541 = tpu.vector_load %arg15[%get3A_539, %get3A_540] {strides = array<i32>} : memref<40x128xf32, #tpu.memory_space<vmem>>, vector<1x16xf32>,
          %get3A_542 = vector.shape_cast %get3A_541 : vector<1x16xf32> to vector<16xf32>
          %add3A_543 = arith.addf %get3A_538, %get3A_542 : vector<16xf32>
          %max3A_544 = arith.constant 0.000000e+00 : f32
          %max3A_545 = vector.broadcast %max3A_544 : f32 to vector<16xf32>
          %max3A_546 = arith.maximumf %add3A_543, %max3A_545 : vector<16xf32>
          %swap3A_547 = arith.index_cast %scan3A_435 : i32 to index
          %swap3A_548 = arith.constant 96 : index
          %swap3A_549 = tpu.vector_load %arg17[%swap3A_547, %swap3A_548] {strides = array<i32>} : memref<40x128xf32, #tpu.memory_space<vmem>>, vector<1x16xf32>,
          %swap3A_550 = vector.shape_cast %swap3A_549 : vector<1x16xf32> to vector<16xf32>
          %swap3A_551 = vector.shape_cast %max3A_546 : vector<16xf32> to vector<1x16xf32>
          tpu.vector_store %arg17[%swap3A_547, %swap3A_548], %swap3A_551 {strides = array<i32>} : memref<40x128xf32, #tpu.memory_space<vmem>>, vector<1x16xf32>,
          %get3A_552 = arith.index_cast %scan3A_435 : i32 to index
          %get3A_553 = arith.constant 112 : index
          %get3A_554 = tpu.vector_load %arg13[%get3A_552, %get3A_553] {strides = array<i32>} : memref<40x128xf32, #tpu.memory_space<vmem>>, vector<1x16xf32>,
          %get3A_555 = vector.shape_cast %get3A_554 : vector<1x16xf32> to vector<16xf32>
          %get3A_556 = arith.index_cast %scan3A_435 : i32 to index
          %get3A_557 = arith.constant 112 : index
          %get3A_558 = tpu.vector_load %arg15[%get3A_556, %get3A_557] {strides = array<i32>} : memref<40x128xf32, #tpu.memory_space<vmem>>, vector<1x16xf32>,
          %get3A_559 = vector.shape_cast %get3A_558 : vector<1x16xf32> to vector<16xf32>
          %add3A_560 = arith.addf %get3A_555, %get3A_559 : vector<16xf32>
          %max3A_561 = arith.constant 0.000000e+00 : f32
          %max3A_562 = vector.broadcast %max3A_561 : f32 to vector<16xf32>
          %max3A_563 = arith.maximumf %add3A_560, %max3A_562 : vector<16xf32>
          %swap3A_564 = arith.index_cast %scan3A_435 : i32 to index
          %swap3A_565 = arith.constant 112 : index
          %swap3A_566 = tpu.vector_load %arg17[%swap3A_564, %swap3A_565] {strides = array<i32>} : memref<40x128xf32, #tpu.memory_space<vmem>>, vector<1x16xf32>,
          %swap3A_567 = vector.shape_cast %swap3A_566 : vector<1x16xf32> to vector<16xf32>
          %swap3A_568 = vector.shape_cast %max3A_563 : vector<16xf32> to vector<1x16xf32>
          tpu.vector_store %arg17[%swap3A_564, %swap3A_565], %swap3A_568 {strides = array<i32>} : memref<40x128xf32, #tpu.memory_space<vmem>>, vector<1x16xf32>,
        }
        %scan3A_431 = arith.constant 40 : i32
        %dma_start3A_432 = arith.constant 0 : i32
        %dma_start3A_433 = arith.constant 0 : i32
        %dma_start3A_434 = tpu.memref_slice %arg19[%dma_start3A_432, %dma_start3A_433] : memref<10000x128xf32, #tpu.memory_space<vmem_shared>> -> memref<10000x128xf32, #tpu.memory_space<vmem_shared>>
        tpu.enqueue_indirect_dma source(%arg17 : memref<40x128xf32, #tpu.memory_space<vmem>>) target(%dma_start3A_434 : memref<10000x128xf32, #tpu.memory_space<vmem_shared>>) offsets(%arg12 : memref<40xi32, #tpu.memory_space<vmem>>) semaphore(%arg27 : memref<!tpu.dma_semaphore, #tpu.memory_space<semaphore_mem>>) {add = true}
      } else {
      }
      %jit3A_273 = arith.constant 2 : i32
      %eq3A_274 = arith.constant 0 : i32
      %eq3A_275 = arith.cmpi eq, %jit3A_273, %eq3A_274 : i32
      %jit3A_276 = arith.constant 1 : i32
      %select_n3A_277 = arith.select %eq3A_275, %jit3A_276, %jit3A_273 : i32
      %rem3A_278 = arith.remsi %scan3A_158, %select_n3A_277 : i32
      %ne3A_279 = arith.constant 0 : i32
      %ne3A_280 = arith.cmpi ne, %rem3A_278, %ne3A_279 : i32
      %lt3A_281 = arith.constant 0 : i32
      %lt3A_282 = arith.cmpi slt, %rem3A_278, %lt3A_281 : i32
      %lt3A_283 = arith.constant 0 : i32
      %lt3A_284 = arith.cmpi slt, %select_n3A_277, %lt3A_283 : i32
      %ne3A_285 = arith.xori %lt3A_282, %lt3A_284 : i1
      %and3A_286 = arith.andi %ne3A_285, %ne3A_280 : i1
      %add3A_287 = arith.addi %rem3A_278, %select_n3A_277 : i32
      %select_n3A_288 = arith.select %and3A_286, %add3A_287, %rem3A_278 : i32
      %eq3A_289 = arith.constant 1 : i32
      %eq3A_290 = arith.cmpi eq, %select_n3A_288, %eq3A_289 : i32
      %jit3A_291 = arith.constant 3 : i32
      %eq3A_292 = arith.constant 0 : i32
      %eq3A_293 = arith.cmpi eq, %jit3A_291, %eq3A_292 : i32
      %jit3A_294 = arith.constant 1 : i32
      %select_n3A_295 = arith.select %eq3A_293, %jit3A_294, %jit3A_291 : i32
      %rem3A_296 = arith.remsi %scan3A_158, %select_n3A_295 : i32
      %ne3A_297 = arith.constant 0 : i32
      %ne3A_298 = arith.cmpi ne, %rem3A_296, %ne3A_297 : i32
      %lt3A_299 = arith.constant 0 : i32
      %lt3A_300 = arith.cmpi slt, %rem3A_296, %lt3A_299 : i32
      %lt3A_301 = arith.constant 0 : i32
      %lt3A_302 = arith.cmpi slt, %select_n3A_295, %lt3A_301 : i32
      %ne3A_303 = arith.xori %lt3A_300, %lt3A_302 : i1
      %and3A_304 = arith.andi %ne3A_303, %ne3A_298 : i1
      %add3A_305 = arith.addi %rem3A_296, %select_n3A_295 : i32
      %select_n3A_306 = arith.select %and3A_304, %add3A_305, %rem3A_296 : i32
      %eq3A_307 = arith.constant 0 : i32
      %eq3A_308 = arith.cmpi eq, %select_n3A_306, %eq3A_307 : i32
      %and3A_309 = arith.andi %eq3A_290, %eq3A_308 : i1
      %convert_element_type3A_310 = arith.extui %and3A_309 : i1 to i32
      %cond3A_311 = arith.constant 0 : i32
      %cond3A_312 = arith.cmpi ne, %convert_element_type3A_310, %cond3A_311 : i32
      scf.if %cond3A_312 {
        %ge3A = arith.constant 1 : i32
        %ge3A_393 = arith.cmpi sge, %scan3A_158, %ge3A : i32
        %convert_element_type3A_394 = arith.extui %ge3A_393 : i1 to i32
        %cond3A_395 = arith.constant 0 : i32
        %cond3A_396 = arith.cmpi ne, %convert_element_type3A_394, %cond3A_395 : i32
        scf.if %cond3A_396 {
          %dma_wait3A_435 = arith.constant 0 : i32
          %dma_wait3A_436 = arith.constant 0 : i32
          %dma_wait3A_437 = tpu.memref_slice %arg19[%dma_wait3A_435, %dma_wait3A_436] : memref<10000x128xf32, #tpu.memory_space<vmem_shared>> -> memref<10000x128xf32, #tpu.memory_space<vmem_shared>>
          tpu.wait_indirect_dma semaphore(%arg27 : memref<!tpu.dma_semaphore, #tpu.memory_space<semaphore_mem>>) src(%arg17 : memref<40x128xf32, #tpu.memory_space<vmem>>) dst(%dma_wait3A_437 : memref<10000x128xf32, #tpu.memory_space<vmem_shared>>)
        } else {
        }
        %add3A_397 = arith.constant 2 : i32
        %add3A_398 = arith.addi %scan3A_158, %add3A_397 : i32
        %lt3A_399 = arith.constant 250 : i32
        %lt3A_400 = arith.cmpi slt, %add3A_398, %lt3A_399 : i32
        %convert_element_type3A_401 = arith.extui %lt3A_400 : i1 to i32
        %cond3A_402 = arith.constant 0 : i32
        %cond3A_403 = arith.cmpi ne, %convert_element_type3A_401, %cond3A_402 : i32
        scf.if %cond3A_403 {
          %add3A_435 = arith.constant 2 : i32
          %add3A_436 = arith.addi %scan3A_158, %add3A_435 : i32
          %add3A_437 = arith.addi %mul3A_2, %add3A_436 : i32
          %dma_start3A_438 = arith.constant 0 : i32
          %dma_start3A_439 = tpu.memref_slice %arg4[%add3A_437, %dma_start3A_438] : memref<8000x40xi32, #tpu.memory_space<hbm>> -> memref<1x40xi32, #tpu.memory_space<hbm>>
          %dma_start3A_440 = tpu.memref_squeeze %dma_start3A_439 : memref<1x40xi32, #tpu.memory_space<hbm>> -> memref<40xi32, #tpu.memory_space<hbm>>
          %dma_start3A_441 = arith.constant 0 : i32
          %dma_start3A_442 = tpu.memref_slice %arg4[%add3A_437, %dma_start3A_441] : memref<8000x40xi32, #tpu.memory_space<hbm>> -> memref<1x40xi32, #tpu.memory_space<hbm>>
          %dma_start3A_443 = tpu.memref_squeeze %dma_start3A_442 : memref<1x40xi32, #tpu.memory_space<hbm>> -> memref<40xi32, #tpu.memory_space<hbm>>
          tpu.enqueue_dma source(%dma_start3A_443 : memref<40xi32, #tpu.memory_space<hbm>>) target(%arg9 : memref<40xi32, #tpu.memory_space<vmem>>) target_semaphore(%arg22 : memref<!tpu.dma_semaphore, #tpu.memory_space<semaphore_mem>>)
          %add3A_444 = arith.addi %mul3A_4, %add3A_436 : i32
          %dma_start3A_445 = arith.constant 0 : i32
          %dma_start3A_446 = tpu.memref_slice %arg5[%add3A_444, %dma_start3A_445] : memref<4000x40xi32, #tpu.memory_space<hbm>> -> memref<1x40xi32, #tpu.memory_space<hbm>>
          %dma_start3A_447 = tpu.memref_squeeze %dma_start3A_446 : memref<1x40xi32, #tpu.memory_space<hbm>> -> memref<40xi32, #tpu.memory_space<hbm>>
          %dma_start3A_448 = arith.constant 0 : i32
          %dma_start3A_449 = tpu.memref_slice %arg5[%add3A_444, %dma_start3A_448] : memref<4000x40xi32, #tpu.memory_space<hbm>> -> memref<1x40xi32, #tpu.memory_space<hbm>>
          %dma_start3A_450 = tpu.memref_squeeze %dma_start3A_449 : memref<1x40xi32, #tpu.memory_space<hbm>> -> memref<40xi32, #tpu.memory_space<hbm>>
          tpu.enqueue_dma source(%dma_start3A_450 : memref<40xi32, #tpu.memory_space<hbm>>) target(%arg12 : memref<40xi32, #tpu.memory_space<vmem>>) target_semaphore(%arg22 : memref<!tpu.dma_semaphore, #tpu.memory_space<semaphore_mem>>)
        } else {
        }
        %add3A_404 = arith.constant 1 : i32
        %add3A_405 = arith.addi %scan3A_158, %add3A_404 : i32
        %lt3A_406 = arith.constant 250 : i32
        %lt3A_407 = arith.cmpi slt, %add3A_405, %lt3A_406 : i32
        %convert_element_type3A_408 = arith.extui %lt3A_407 : i1 to i32
        %cond3A_409 = arith.constant 0 : i32
        %cond3A_410 = arith.cmpi ne, %convert_element_type3A_408, %cond3A_409 : i32
        scf.if %cond3A_410 {
          %add3A_435 = arith.constant 1 : i32
          %add3A_436 = arith.addi %scan3A_158, %add3A_435 : i32
          %add3A_437 = arith.addi %mul3A_2, %add3A_436 : i32
          %dma_wait3A_438 = arith.constant 0 : i32
          %dma_wait3A_439 = tpu.memref_slice %arg4[%add3A_437, %dma_wait3A_438] : memref<8000x40xi32, #tpu.memory_space<hbm>> -> memref<1x40xi32, #tpu.memory_space<hbm>>
          %dma_wait3A_440 = tpu.memref_squeeze %dma_wait3A_439 : memref<1x40xi32, #tpu.memory_space<hbm>> -> memref<40xi32, #tpu.memory_space<hbm>>
          %dma_wait3A_441 = arith.constant 0 : i32
          %dma_wait3A_442 = tpu.memref_slice %arg4[%add3A_437, %dma_wait3A_441] : memref<8000x40xi32, #tpu.memory_space<hbm>> -> memref<1x40xi32, #tpu.memory_space<hbm>>
          %dma_wait3A_443 = tpu.memref_squeeze %dma_wait3A_442 : memref<1x40xi32, #tpu.memory_space<hbm>> -> memref<40xi32, #tpu.memory_space<hbm>>
          tpu.wait_dma2 semaphore(%arg21 : memref<!tpu.dma_semaphore, #tpu.memory_space<semaphore_mem>>) src(%dma_wait3A_443 : memref<40xi32, #tpu.memory_space<hbm>>) dst(%arg8 : memref<40xi32, #tpu.memory_space<vmem>>)
          %add3A_444 = arith.addi %mul3A_4, %add3A_436 : i32
          %dma_wait3A_445 = arith.constant 0 : i32
          %dma_wait3A_446 = tpu.memref_slice %arg5[%add3A_444, %dma_wait3A_445] : memref<4000x40xi32, #tpu.memory_space<hbm>> -> memref<1x40xi32, #tpu.memory_space<hbm>>
          %dma_wait3A_447 = tpu.memref_squeeze %dma_wait3A_446 : memref<1x40xi32, #tpu.memory_space<hbm>> -> memref<40xi32, #tpu.memory_space<hbm>>
          %dma_wait3A_448 = arith.constant 0 : i32
          %dma_wait3A_449 = tpu.memref_slice %arg5[%add3A_444, %dma_wait3A_448] : memref<4000x40xi32, #tpu.memory_space<hbm>> -> memref<1x40xi32, #tpu.memory_space<hbm>>
          %dma_wait3A_450 = tpu.memref_squeeze %dma_wait3A_449 : memref<1x40xi32, #tpu.memory_space<hbm>> -> memref<40xi32, #tpu.memory_space<hbm>>
          tpu.wait_dma2 semaphore(%arg21 : memref<!tpu.dma_semaphore, #tpu.memory_space<semaphore_mem>>) src(%dma_wait3A_450 : memref<40xi32, #tpu.memory_space<hbm>>) dst(%arg11 : memref<40xi32, #tpu.memory_space<vmem>>)
          %add3A_451 = arith.constant 1 : i32
          %add3A_452 = arith.addi %scan3A_158, %add3A_451 : i32
          %dma_start3A_453 = arith.constant 0 : i32
          %dma_start3A_454 = arith.constant 0 : i32
          %dma_start3A_455 = tpu.memref_slice %arg2[%dma_start3A_453, %dma_start3A_454] : memref<20000x128xf32, #tpu.memory_space<hbm>> -> memref<20000x128xf32, #tpu.memory_space<hbm>>
          tpu.enqueue_indirect_dma source(%dma_start3A_455 : memref<20000x128xf32, #tpu.memory_space<hbm>>) target(%arg13 : memref<40x128xf32, #tpu.memory_space<vmem>>) offsets(%arg8 : memref<40xi32, #tpu.memory_space<vmem>>) semaphore(%arg23 : memref<!tpu.dma_semaphore, #tpu.memory_space<semaphore_mem>>)
          %mul3A_456 = arith.constant 160000 : i32
          %mul3A_457 = arith.muli %arg0, %mul3A_456 : i32
          %mul3A_458 = arith.constant 10000 : i32
          %mul3A_459 = arith.muli %arg1, %mul3A_458 : i32
          %add3A_460 = arith.addi %mul3A_457, %mul3A_459 : i32
          %mul3A_461 = arith.constant 40 : i32
          %mul3A_462 = arith.muli %add3A_452, %mul3A_461 : i32
          %add3A_463 = arith.addi %add3A_460, %mul3A_462 : i32
          %dma_start3A_464 = arith.constant 0 : i32
          %dma_start3A_465 = tpu.memref_slice %arg3[%add3A_463, %dma_start3A_464] : memref<320000x128xf32, #tpu.memory_space<hbm>> -> memref<40x128xf32, #tpu.memory_space<hbm>>
          %dma_start3A_466 = arith.constant 0 : i32
          %dma_start3A_467 = tpu.memref_slice %arg3[%add3A_463, %dma_start3A_466] : memref<320000x128xf32, #tpu.memory_space<hbm>> -> memref<40x128xf32, #tpu.memory_space<hbm>>
          tpu.enqueue_dma source(%dma_start3A_467 : memref<40x128xf32, #tpu.memory_space<hbm>>) target(%arg15 : memref<40x128xf32, #tpu.memory_space<vmem>>) target_semaphore(%arg25 : memref<!tpu.dma_semaphore, #tpu.memory_space<semaphore_mem>>)
        } else {
        }
        %dma_wait3A_411 = arith.constant 0 : i32
        %dma_wait3A_412 = arith.constant 0 : i32
        %dma_wait3A_413 = tpu.memref_slice %arg2[%dma_wait3A_411, %dma_wait3A_412] : memref<20000x128xf32, #tpu.memory_space<hbm>> -> memref<20000x128xf32, #tpu.memory_space<hbm>>
        tpu.wait_indirect_dma semaphore(%arg24 : memref<!tpu.dma_semaphore, #tpu.memory_space<semaphore_mem>>) src(%dma_wait3A_413 : memref<20000x128xf32, #tpu.memory_space<hbm>>) dst(%arg14 : memref<40x128xf32, #tpu.memory_space<vmem>>)
        %mul3A_414 = arith.constant 160000 : i32
        %mul3A_415 = arith.muli %arg0, %mul3A_414 : i32
        %mul3A_416 = arith.constant 10000 : i32
        %mul3A_417 = arith.muli %arg1, %mul3A_416 : i32
        %add3A_418 = arith.addi %mul3A_415, %mul3A_417 : i32
        %mul3A_419 = arith.constant 40 : i32
        %mul3A_420 = arith.muli %scan3A_158, %mul3A_419 : i32
        %add3A_421 = arith.addi %add3A_418, %mul3A_420 : i32
        %dma_wait3A_422 = arith.constant 0 : i32
        %dma_wait3A_423 = tpu.memref_slice %arg3[%add3A_421, %dma_wait3A_422] : memref<320000x128xf32, #tpu.memory_space<hbm>> -> memref<40x128xf32, #tpu.memory_space<hbm>>
        %dma_wait3A_424 = arith.constant 0 : i32
        %dma_wait3A_425 = tpu.memref_slice %arg3[%add3A_421, %dma_wait3A_424] : memref<320000x128xf32, #tpu.memory_space<hbm>> -> memref<40x128xf32, #tpu.memory_space<hbm>>
        tpu.wait_dma2 semaphore(%arg26 : memref<!tpu.dma_semaphore, #tpu.memory_space<semaphore_mem>>) src(%dma_wait3A_425 : memref<40x128xf32, #tpu.memory_space<hbm>>) dst(%arg16 : memref<40x128xf32, #tpu.memory_space<vmem>>)
        %scan3A_426 = arith.constant 0 : i32
        %scan3A_427 = arith.constant 0 : i32
        %scan3A_428 = arith.constant 40 : i32
        %scan3A_429 = arith.addi %scan3A_427, %scan3A_428 : i32
        %scan3A_430 = arith.constant 1 : i32
        scf.for %scan3A_435 = %scan3A_427 to %scan3A_429 step %scan3A_430  : i32 {
          %get3A = arith.index_cast %scan3A_435 : i32 to index
          %get3A_436 = arith.constant 0 : index
          %get3A_437 = tpu.vector_load %arg14[%get3A, %get3A_436] {strides = array<i32>} : memref<40x128xf32, #tpu.memory_space<vmem>>, vector<1x16xf32>,
          %get3A_438 = vector.shape_cast %get3A_437 : vector<1x16xf32> to vector<16xf32>
          %get3A_439 = arith.index_cast %scan3A_435 : i32 to index
          %get3A_440 = arith.constant 0 : index
          %get3A_441 = tpu.vector_load %arg16[%get3A_439, %get3A_440] {strides = array<i32>} : memref<40x128xf32, #tpu.memory_space<vmem>>, vector<1x16xf32>,
          %get3A_442 = vector.shape_cast %get3A_441 : vector<1x16xf32> to vector<16xf32>
          %add3A_443 = arith.addf %get3A_438, %get3A_442 : vector<16xf32>
          %max3A = arith.constant 0.000000e+00 : f32
          %max3A_444 = vector.broadcast %max3A : f32 to vector<16xf32>
          %max3A_445 = arith.maximumf %add3A_443, %max3A_444 : vector<16xf32>
          %swap3A = arith.index_cast %scan3A_435 : i32 to index
          %swap3A_446 = arith.constant 0 : index
          %swap3A_447 = tpu.vector_load %arg18[%swap3A, %swap3A_446] {strides = array<i32>} : memref<40x128xf32, #tpu.memory_space<vmem>>, vector<1x16xf32>,
          %swap3A_448 = vector.shape_cast %swap3A_447 : vector<1x16xf32> to vector<16xf32>
          %swap3A_449 = vector.shape_cast %max3A_445 : vector<16xf32> to vector<1x16xf32>
          tpu.vector_store %arg18[%swap3A, %swap3A_446], %swap3A_449 {strides = array<i32>} : memref<40x128xf32, #tpu.memory_space<vmem>>, vector<1x16xf32>,
          %get3A_450 = arith.index_cast %scan3A_435 : i32 to index
          %get3A_451 = arith.constant 16 : index
          %get3A_452 = tpu.vector_load %arg14[%get3A_450, %get3A_451] {strides = array<i32>} : memref<40x128xf32, #tpu.memory_space<vmem>>, vector<1x16xf32>,
          %get3A_453 = vector.shape_cast %get3A_452 : vector<1x16xf32> to vector<16xf32>
          %get3A_454 = arith.index_cast %scan3A_435 : i32 to index
          %get3A_455 = arith.constant 16 : index
          %get3A_456 = tpu.vector_load %arg16[%get3A_454, %get3A_455] {strides = array<i32>} : memref<40x128xf32, #tpu.memory_space<vmem>>, vector<1x16xf32>,
          %get3A_457 = vector.shape_cast %get3A_456 : vector<1x16xf32> to vector<16xf32>
          %add3A_458 = arith.addf %get3A_453, %get3A_457 : vector<16xf32>
          %max3A_459 = arith.constant 0.000000e+00 : f32
          %max3A_460 = vector.broadcast %max3A_459 : f32 to vector<16xf32>
          %max3A_461 = arith.maximumf %add3A_458, %max3A_460 : vector<16xf32>
          %swap3A_462 = arith.index_cast %scan3A_435 : i32 to index
          %swap3A_463 = arith.constant 16 : index
          %swap3A_464 = tpu.vector_load %arg18[%swap3A_462, %swap3A_463] {strides = array<i32>} : memref<40x128xf32, #tpu.memory_space<vmem>>, vector<1x16xf32>,
          %swap3A_465 = vector.shape_cast %swap3A_464 : vector<1x16xf32> to vector<16xf32>
          %swap3A_466 = vector.shape_cast %max3A_461 : vector<16xf32> to vector<1x16xf32>
          tpu.vector_store %arg18[%swap3A_462, %swap3A_463], %swap3A_466 {strides = array<i32>} : memref<40x128xf32, #tpu.memory_space<vmem>>, vector<1x16xf32>,
          %get3A_467 = arith.index_cast %scan3A_435 : i32 to index
          %get3A_468 = arith.constant 32 : index
          %get3A_469 = tpu.vector_load %arg14[%get3A_467, %get3A_468] {strides = array<i32>} : memref<40x128xf32, #tpu.memory_space<vmem>>, vector<1x16xf32>,
          %get3A_470 = vector.shape_cast %get3A_469 : vector<1x16xf32> to vector<16xf32>
          %get3A_471 = arith.index_cast %scan3A_435 : i32 to index
          %get3A_472 = arith.constant 32 : index
          %get3A_473 = tpu.vector_load %arg16[%get3A_471, %get3A_472] {strides = array<i32>} : memref<40x128xf32, #tpu.memory_space<vmem>>, vector<1x16xf32>,
          %get3A_474 = vector.shape_cast %get3A_473 : vector<1x16xf32> to vector<16xf32>
          %add3A_475 = arith.addf %get3A_470, %get3A_474 : vector<16xf32>
          %max3A_476 = arith.constant 0.000000e+00 : f32
          %max3A_477 = vector.broadcast %max3A_476 : f32 to vector<16xf32>
          %max3A_478 = arith.maximumf %add3A_475, %max3A_477 : vector<16xf32>
          %swap3A_479 = arith.index_cast %scan3A_435 : i32 to index
          %swap3A_480 = arith.constant 32 : index
          %swap3A_481 = tpu.vector_load %arg18[%swap3A_479, %swap3A_480] {strides = array<i32>} : memref<40x128xf32, #tpu.memory_space<vmem>>, vector<1x16xf32>,
          %swap3A_482 = vector.shape_cast %swap3A_481 : vector<1x16xf32> to vector<16xf32>
          %swap3A_483 = vector.shape_cast %max3A_478 : vector<16xf32> to vector<1x16xf32>
          tpu.vector_store %arg18[%swap3A_479, %swap3A_480], %swap3A_483 {strides = array<i32>} : memref<40x128xf32, #tpu.memory_space<vmem>>, vector<1x16xf32>,
          %get3A_484 = arith.index_cast %scan3A_435 : i32 to index
          %get3A_485 = arith.constant 48 : index
          %get3A_486 = tpu.vector_load %arg14[%get3A_484, %get3A_485] {strides = array<i32>} : memref<40x128xf32, #tpu.memory_space<vmem>>, vector<1x16xf32>,
          %get3A_487 = vector.shape_cast %get3A_486 : vector<1x16xf32> to vector<16xf32>
          %get3A_488 = arith.index_cast %scan3A_435 : i32 to index
          %get3A_489 = arith.constant 48 : index
          %get3A_490 = tpu.vector_load %arg16[%get3A_488, %get3A_489] {strides = array<i32>} : memref<40x128xf32, #tpu.memory_space<vmem>>, vector<1x16xf32>,
          %get3A_491 = vector.shape_cast %get3A_490 : vector<1x16xf32> to vector<16xf32>
          %add3A_492 = arith.addf %get3A_487, %get3A_491 : vector<16xf32>
          %max3A_493 = arith.constant 0.000000e+00 : f32
          %max3A_494 = vector.broadcast %max3A_493 : f32 to vector<16xf32>
          %max3A_495 = arith.maximumf %add3A_492, %max3A_494 : vector<16xf32>
          %swap3A_496 = arith.index_cast %scan3A_435 : i32 to index
          %swap3A_497 = arith.constant 48 : index
          %swap3A_498 = tpu.vector_load %arg18[%swap3A_496, %swap3A_497] {strides = array<i32>} : memref<40x128xf32, #tpu.memory_space<vmem>>, vector<1x16xf32>,
          %swap3A_499 = vector.shape_cast %swap3A_498 : vector<1x16xf32> to vector<16xf32>
          %swap3A_500 = vector.shape_cast %max3A_495 : vector<16xf32> to vector<1x16xf32>
          tpu.vector_store %arg18[%swap3A_496, %swap3A_497], %swap3A_500 {strides = array<i32>} : memref<40x128xf32, #tpu.memory_space<vmem>>, vector<1x16xf32>,
          %get3A_501 = arith.index_cast %scan3A_435 : i32 to index
          %get3A_502 = arith.constant 64 : index
          %get3A_503 = tpu.vector_load %arg14[%get3A_501, %get3A_502] {strides = array<i32>} : memref<40x128xf32, #tpu.memory_space<vmem>>, vector<1x16xf32>,
          %get3A_504 = vector.shape_cast %get3A_503 : vector<1x16xf32> to vector<16xf32>
          %get3A_505 = arith.index_cast %scan3A_435 : i32 to index
          %get3A_506 = arith.constant 64 : index
          %get3A_507 = tpu.vector_load %arg16[%get3A_505, %get3A_506] {strides = array<i32>} : memref<40x128xf32, #tpu.memory_space<vmem>>, vector<1x16xf32>,
          %get3A_508 = vector.shape_cast %get3A_507 : vector<1x16xf32> to vector<16xf32>
          %add3A_509 = arith.addf %get3A_504, %get3A_508 : vector<16xf32>
          %max3A_510 = arith.constant 0.000000e+00 : f32
          %max3A_511 = vector.broadcast %max3A_510 : f32 to vector<16xf32>
          %max3A_512 = arith.maximumf %add3A_509, %max3A_511 : vector<16xf32>
          %swap3A_513 = arith.index_cast %scan3A_435 : i32 to index
          %swap3A_514 = arith.constant 64 : index
          %swap3A_515 = tpu.vector_load %arg18[%swap3A_513, %swap3A_514] {strides = array<i32>} : memref<40x128xf32, #tpu.memory_space<vmem>>, vector<1x16xf32>,
          %swap3A_516 = vector.shape_cast %swap3A_515 : vector<1x16xf32> to vector<16xf32>
          %swap3A_517 = vector.shape_cast %max3A_512 : vector<16xf32> to vector<1x16xf32>
          tpu.vector_store %arg18[%swap3A_513, %swap3A_514], %swap3A_517 {strides = array<i32>} : memref<40x128xf32, #tpu.memory_space<vmem>>, vector<1x16xf32>,
          %get3A_518 = arith.index_cast %scan3A_435 : i32 to index
          %get3A_519 = arith.constant 80 : index
          %get3A_520 = tpu.vector_load %arg14[%get3A_518, %get3A_519] {strides = array<i32>} : memref<40x128xf32, #tpu.memory_space<vmem>>, vector<1x16xf32>,
          %get3A_521 = vector.shape_cast %get3A_520 : vector<1x16xf32> to vector<16xf32>
          %get3A_522 = arith.index_cast %scan3A_435 : i32 to index
          %get3A_523 = arith.constant 80 : index
          %get3A_524 = tpu.vector_load %arg16[%get3A_522, %get3A_523] {strides = array<i32>} : memref<40x128xf32, #tpu.memory_space<vmem>>, vector<1x16xf32>,
          %get3A_525 = vector.shape_cast %get3A_524 : vector<1x16xf32> to vector<16xf32>
          %add3A_526 = arith.addf %get3A_521, %get3A_525 : vector<16xf32>
          %max3A_527 = arith.constant 0.000000e+00 : f32
          %max3A_528 = vector.broadcast %max3A_527 : f32 to vector<16xf32>
          %max3A_529 = arith.maximumf %add3A_526, %max3A_528 : vector<16xf32>
          %swap3A_530 = arith.index_cast %scan3A_435 : i32 to index
          %swap3A_531 = arith.constant 80 : index
          %swap3A_532 = tpu.vector_load %arg18[%swap3A_530, %swap3A_531] {strides = array<i32>} : memref<40x128xf32, #tpu.memory_space<vmem>>, vector<1x16xf32>,
          %swap3A_533 = vector.shape_cast %swap3A_532 : vector<1x16xf32> to vector<16xf32>
          %swap3A_534 = vector.shape_cast %max3A_529 : vector<16xf32> to vector<1x16xf32>
          tpu.vector_store %arg18[%swap3A_530, %swap3A_531], %swap3A_534 {strides = array<i32>} : memref<40x128xf32, #tpu.memory_space<vmem>>, vector<1x16xf32>,
          %get3A_535 = arith.index_cast %scan3A_435 : i32 to index
          %get3A_536 = arith.constant 96 : index
          %get3A_537 = tpu.vector_load %arg14[%get3A_535, %get3A_536] {strides = array<i32>} : memref<40x128xf32, #tpu.memory_space<vmem>>, vector<1x16xf32>,
          %get3A_538 = vector.shape_cast %get3A_537 : vector<1x16xf32> to vector<16xf32>
          %get3A_539 = arith.index_cast %scan3A_435 : i32 to index
          %get3A_540 = arith.constant 96 : index
          %get3A_541 = tpu.vector_load %arg16[%get3A_539, %get3A_540] {strides = array<i32>} : memref<40x128xf32, #tpu.memory_space<vmem>>, vector<1x16xf32>,
          %get3A_542 = vector.shape_cast %get3A_541 : vector<1x16xf32> to vector<16xf32>
          %add3A_543 = arith.addf %get3A_538, %get3A_542 : vector<16xf32>
          %max3A_544 = arith.constant 0.000000e+00 : f32
          %max3A_545 = vector.broadcast %max3A_544 : f32 to vector<16xf32>
          %max3A_546 = arith.maximumf %add3A_543, %max3A_545 : vector<16xf32>
          %swap3A_547 = arith.index_cast %scan3A_435 : i32 to index
          %swap3A_548 = arith.constant 96 : index
          %swap3A_549 = tpu.vector_load %arg18[%swap3A_547, %swap3A_548] {strides = array<i32>} : memref<40x128xf32, #tpu.memory_space<vmem>>, vector<1x16xf32>,
          %swap3A_550 = vector.shape_cast %swap3A_549 : vector<1x16xf32> to vector<16xf32>
          %swap3A_551 = vector.shape_cast %max3A_546 : vector<16xf32> to vector<1x16xf32>
          tpu.vector_store %arg18[%swap3A_547, %swap3A_548], %swap3A_551 {strides = array<i32>} : memref<40x128xf32, #tpu.memory_space<vmem>>, vector<1x16xf32>,
          %get3A_552 = arith.index_cast %scan3A_435 : i32 to index
          %get3A_553 = arith.constant 112 : index
          %get3A_554 = tpu.vector_load %arg14[%get3A_552, %get3A_553] {strides = array<i32>} : memref<40x128xf32, #tpu.memory_space<vmem>>, vector<1x16xf32>,
          %get3A_555 = vector.shape_cast %get3A_554 : vector<1x16xf32> to vector<16xf32>
          %get3A_556 = arith.index_cast %scan3A_435 : i32 to index
          %get3A_557 = arith.constant 112 : index
          %get3A_558 = tpu.vector_load %arg16[%get3A_556, %get3A_557] {strides = array<i32>} : memref<40x128xf32, #tpu.memory_space<vmem>>, vector<1x16xf32>,
          %get3A_559 = vector.shape_cast %get3A_558 : vector<1x16xf32> to vector<16xf32>
          %add3A_560 = arith.addf %get3A_555, %get3A_559 : vector<16xf32>
          %max3A_561 = arith.constant 0.000000e+00 : f32
          %max3A_562 = vector.broadcast %max3A_561 : f32 to vector<16xf32>
          %max3A_563 = arith.maximumf %add3A_560, %max3A_562 : vector<16xf32>
          %swap3A_564 = arith.index_cast %scan3A_435 : i32 to index
          %swap3A_565 = arith.constant 112 : index
          %swap3A_566 = tpu.vector_load %arg18[%swap3A_564, %swap3A_565] {strides = array<i32>} : memref<40x128xf32, #tpu.memory_space<vmem>>, vector<1x16xf32>,
          %swap3A_567 = vector.shape_cast %swap3A_566 : vector<1x16xf32> to vector<16xf32>
          %swap3A_568 = vector.shape_cast %max3A_563 : vector<16xf32> to vector<1x16xf32>
          tpu.vector_store %arg18[%swap3A_564, %swap3A_565], %swap3A_568 {strides = array<i32>} : memref<40x128xf32, #tpu.memory_space<vmem>>, vector<1x16xf32>,
        }
        %scan3A_431 = arith.constant 40 : i32
        %dma_start3A_432 = arith.constant 0 : i32
        %dma_start3A_433 = arith.constant 0 : i32
        %dma_start3A_434 = tpu.memref_slice %arg19[%dma_start3A_432, %dma_start3A_433] : memref<10000x128xf32, #tpu.memory_space<vmem_shared>> -> memref<10000x128xf32, #tpu.memory_space<vmem_shared>>
        tpu.enqueue_indirect_dma source(%arg18 : memref<40x128xf32, #tpu.memory_space<vmem>>) target(%dma_start3A_434 : memref<10000x128xf32, #tpu.memory_space<vmem_shared>>) offsets(%arg10 : memref<40xi32, #tpu.memory_space<vmem>>) semaphore(%arg28 : memref<!tpu.dma_semaphore, #tpu.memory_space<semaphore_mem>>) {add = true}
      } else {
      }
      %jit3A_313 = arith.constant 2 : i32
      %eq3A_314 = arith.constant 0 : i32
      %eq3A_315 = arith.cmpi eq, %jit3A_313, %eq3A_314 : i32
      %jit3A_316 = arith.constant 1 : i32
      %select_n3A_317 = arith.select %eq3A_315, %jit3A_316, %jit3A_313 : i32
      %rem3A_318 = arith.remsi %scan3A_158, %select_n3A_317 : i32
      %ne3A_319 = arith.constant 0 : i32
      %ne3A_320 = arith.cmpi ne, %rem3A_318, %ne3A_319 : i32
      %lt3A_321 = arith.constant 0 : i32
      %lt3A_322 = arith.cmpi slt, %rem3A_318, %lt3A_321 : i32
      %lt3A_323 = arith.constant 0 : i32
      %lt3A_324 = arith.cmpi slt, %select_n3A_317, %lt3A_323 : i32
      %ne3A_325 = arith.xori %lt3A_322, %lt3A_324 : i1
      %and3A_326 = arith.andi %ne3A_325, %ne3A_320 : i1
      %add3A_327 = arith.addi %rem3A_318, %select_n3A_317 : i32
      %select_n3A_328 = arith.select %and3A_326, %add3A_327, %rem3A_318 : i32
      %eq3A_329 = arith.constant 1 : i32
      %eq3A_330 = arith.cmpi eq, %select_n3A_328, %eq3A_329 : i32
      %jit3A_331 = arith.constant 3 : i32
      %eq3A_332 = arith.constant 0 : i32
      %eq3A_333 = arith.cmpi eq, %jit3A_331, %eq3A_332 : i32
      %jit3A_334 = arith.constant 1 : i32
      %select_n3A_335 = arith.select %eq3A_333, %jit3A_334, %jit3A_331 : i32
      %rem3A_336 = arith.remsi %scan3A_158, %select_n3A_335 : i32
      %ne3A_337 = arith.constant 0 : i32
      %ne3A_338 = arith.cmpi ne, %rem3A_336, %ne3A_337 : i32
      %lt3A_339 = arith.constant 0 : i32
      %lt3A_340 = arith.cmpi slt, %rem3A_336, %lt3A_339 : i32
      %lt3A_341 = arith.constant 0 : i32
      %lt3A_342 = arith.cmpi slt, %select_n3A_335, %lt3A_341 : i32
      %ne3A_343 = arith.xori %lt3A_340, %lt3A_342 : i1
      %and3A_344 = arith.andi %ne3A_343, %ne3A_338 : i1
      %add3A_345 = arith.addi %rem3A_336, %select_n3A_335 : i32
      %select_n3A_346 = arith.select %and3A_344, %add3A_345, %rem3A_336 : i32
      %eq3A_347 = arith.constant 1 : i32
      %eq3A_348 = arith.cmpi eq, %select_n3A_346, %eq3A_347 : i32
      %and3A_349 = arith.andi %eq3A_330, %eq3A_348 : i1
      %convert_element_type3A_350 = arith.extui %and3A_349 : i1 to i32
      %cond3A_351 = arith.constant 0 : i32
      %cond3A_352 = arith.cmpi ne, %convert_element_type3A_350, %cond3A_351 : i32
      scf.if %cond3A_352 {
        %ge3A = arith.constant 1 : i32
        %ge3A_393 = arith.cmpi sge, %scan3A_158, %ge3A : i32
        %convert_element_type3A_394 = arith.extui %ge3A_393 : i1 to i32
        %cond3A_395 = arith.constant 0 : i32
        %cond3A_396 = arith.cmpi ne, %convert_element_type3A_394, %cond3A_395 : i32
        scf.if %cond3A_396 {
          %dma_wait3A_435 = arith.constant 0 : i32
          %dma_wait3A_436 = arith.constant 0 : i32
          %dma_wait3A_437 = tpu.memref_slice %arg19[%dma_wait3A_435, %dma_wait3A_436] : memref<10000x128xf32, #tpu.memory_space<vmem_shared>> -> memref<10000x128xf32, #tpu.memory_space<vmem_shared>>
          tpu.wait_indirect_dma semaphore(%arg27 : memref<!tpu.dma_semaphore, #tpu.memory_space<semaphore_mem>>) src(%arg17 : memref<40x128xf32, #tpu.memory_space<vmem>>) dst(%dma_wait3A_437 : memref<10000x128xf32, #tpu.memory_space<vmem_shared>>)
        } else {
        }
        %add3A_397 = arith.constant 2 : i32
        %add3A_398 = arith.addi %scan3A_158, %add3A_397 : i32
        %lt3A_399 = arith.constant 250 : i32
        %lt3A_400 = arith.cmpi slt, %add3A_398, %lt3A_399 : i32
        %convert_element_type3A_401 = arith.extui %lt3A_400 : i1 to i32
        %cond3A_402 = arith.constant 0 : i32
        %cond3A_403 = arith.cmpi ne, %convert_element_type3A_401, %cond3A_402 : i32
        scf.if %cond3A_403 {
          %add3A_435 = arith.constant 2 : i32
          %add3A_436 = arith.addi %scan3A_158, %add3A_435 : i32
          %add3A_437 = arith.addi %mul3A_2, %add3A_436 : i32
          %dma_start3A_438 = arith.constant 0 : i32
          %dma_start3A_439 = tpu.memref_slice %arg4[%add3A_437, %dma_start3A_438] : memref<8000x40xi32, #tpu.memory_space<hbm>> -> memref<1x40xi32, #tpu.memory_space<hbm>>
          %dma_start3A_440 = tpu.memref_squeeze %dma_start3A_439 : memref<1x40xi32, #tpu.memory_space<hbm>> -> memref<40xi32, #tpu.memory_space<hbm>>
          %dma_start3A_441 = arith.constant 0 : i32
          %dma_start3A_442 = tpu.memref_slice %arg4[%add3A_437, %dma_start3A_441] : memref<8000x40xi32, #tpu.memory_space<hbm>> -> memref<1x40xi32, #tpu.memory_space<hbm>>
          %dma_start3A_443 = tpu.memref_squeeze %dma_start3A_442 : memref<1x40xi32, #tpu.memory_space<hbm>> -> memref<40xi32, #tpu.memory_space<hbm>>
          tpu.enqueue_dma source(%dma_start3A_443 : memref<40xi32, #tpu.memory_space<hbm>>) target(%arg7 : memref<40xi32, #tpu.memory_space<vmem>>) target_semaphore(%arg20 : memref<!tpu.dma_semaphore, #tpu.memory_space<semaphore_mem>>)
          %add3A_444 = arith.addi %mul3A_4, %add3A_436 : i32
          %dma_start3A_445 = arith.constant 0 : i32
          %dma_start3A_446 = tpu.memref_slice %arg5[%add3A_444, %dma_start3A_445] : memref<4000x40xi32, #tpu.memory_space<hbm>> -> memref<1x40xi32, #tpu.memory_space<hbm>>
          %dma_start3A_447 = tpu.memref_squeeze %dma_start3A_446 : memref<1x40xi32, #tpu.memory_space<hbm>> -> memref<40xi32, #tpu.memory_space<hbm>>
          %dma_start3A_448 = arith.constant 0 : i32
          %dma_start3A_449 = tpu.memref_slice %arg5[%add3A_444, %dma_start3A_448] : memref<4000x40xi32, #tpu.memory_space<hbm>> -> memref<1x40xi32, #tpu.memory_space<hbm>>
          %dma_start3A_450 = tpu.memref_squeeze %dma_start3A_449 : memref<1x40xi32, #tpu.memory_space<hbm>> -> memref<40xi32, #tpu.memory_space<hbm>>
          tpu.enqueue_dma source(%dma_start3A_450 : memref<40xi32, #tpu.memory_space<hbm>>) target(%arg10 : memref<40xi32, #tpu.memory_space<vmem>>) target_semaphore(%arg20 : memref<!tpu.dma_semaphore, #tpu.memory_space<semaphore_mem>>)
        } else {
        }
        %add3A_404 = arith.constant 1 : i32
        %add3A_405 = arith.addi %scan3A_158, %add3A_404 : i32
        %lt3A_406 = arith.constant 250 : i32
        %lt3A_407 = arith.cmpi slt, %add3A_405, %lt3A_406 : i32
        %convert_element_type3A_408 = arith.extui %lt3A_407 : i1 to i32
        %cond3A_409 = arith.constant 0 : i32
        %cond3A_410 = arith.cmpi ne, %convert_element_type3A_408, %cond3A_409 : i32
        scf.if %cond3A_410 {
          %add3A_435 = arith.constant 1 : i32
          %add3A_436 = arith.addi %scan3A_158, %add3A_435 : i32
          %add3A_437 = arith.addi %mul3A_2, %add3A_436 : i32
          %dma_wait3A_438 = arith.constant 0 : i32
          %dma_wait3A_439 = tpu.memref_slice %arg4[%add3A_437, %dma_wait3A_438] : memref<8000x40xi32, #tpu.memory_space<hbm>> -> memref<1x40xi32, #tpu.memory_space<hbm>>
          %dma_wait3A_440 = tpu.memref_squeeze %dma_wait3A_439 : memref<1x40xi32, #tpu.memory_space<hbm>> -> memref<40xi32, #tpu.memory_space<hbm>>
          %dma_wait3A_441 = arith.constant 0 : i32
          %dma_wait3A_442 = tpu.memref_slice %arg4[%add3A_437, %dma_wait3A_441] : memref<8000x40xi32, #tpu.memory_space<hbm>> -> memref<1x40xi32, #tpu.memory_space<hbm>>
          %dma_wait3A_443 = tpu.memref_squeeze %dma_wait3A_442 : memref<1x40xi32, #tpu.memory_space<hbm>> -> memref<40xi32, #tpu.memory_space<hbm>>
          tpu.wait_dma2 semaphore(%arg22 : memref<!tpu.dma_semaphore, #tpu.memory_space<semaphore_mem>>) src(%dma_wait3A_443 : memref<40xi32, #tpu.memory_space<hbm>>) dst(%arg9 : memref<40xi32, #tpu.memory_space<vmem>>)
          %add3A_444 = arith.addi %mul3A_4, %add3A_436 : i32
          %dma_wait3A_445 = arith.constant 0 : i32
          %dma_wait3A_446 = tpu.memref_slice %arg5[%add3A_444, %dma_wait3A_445] : memref<4000x40xi32, #tpu.memory_space<hbm>> -> memref<1x40xi32, #tpu.memory_space<hbm>>
          %dma_wait3A_447 = tpu.memref_squeeze %dma_wait3A_446 : memref<1x40xi32, #tpu.memory_space<hbm>> -> memref<40xi32, #tpu.memory_space<hbm>>
          %dma_wait3A_448 = arith.constant 0 : i32
          %dma_wait3A_449 = tpu.memref_slice %arg5[%add3A_444, %dma_wait3A_448] : memref<4000x40xi32, #tpu.memory_space<hbm>> -> memref<1x40xi32, #tpu.memory_space<hbm>>
          %dma_wait3A_450 = tpu.memref_squeeze %dma_wait3A_449 : memref<1x40xi32, #tpu.memory_space<hbm>> -> memref<40xi32, #tpu.memory_space<hbm>>
          tpu.wait_dma2 semaphore(%arg22 : memref<!tpu.dma_semaphore, #tpu.memory_space<semaphore_mem>>) src(%dma_wait3A_450 : memref<40xi32, #tpu.memory_space<hbm>>) dst(%arg12 : memref<40xi32, #tpu.memory_space<vmem>>)
          %add3A_451 = arith.constant 1 : i32
          %add3A_452 = arith.addi %scan3A_158, %add3A_451 : i32
          %dma_start3A_453 = arith.constant 0 : i32
          %dma_start3A_454 = arith.constant 0 : i32
          %dma_start3A_455 = tpu.memref_slice %arg2[%dma_start3A_453, %dma_start3A_454] : memref<20000x128xf32, #tpu.memory_space<hbm>> -> memref<20000x128xf32, #tpu.memory_space<hbm>>
          tpu.enqueue_indirect_dma source(%dma_start3A_455 : memref<20000x128xf32, #tpu.memory_space<hbm>>) target(%arg13 : memref<40x128xf32, #tpu.memory_space<vmem>>) offsets(%arg9 : memref<40xi32, #tpu.memory_space<vmem>>) semaphore(%arg23 : memref<!tpu.dma_semaphore, #tpu.memory_space<semaphore_mem>>)
          %mul3A_456 = arith.constant 160000 : i32
          %mul3A_457 = arith.muli %arg0, %mul3A_456 : i32
          %mul3A_458 = arith.constant 10000 : i32
          %mul3A_459 = arith.muli %arg1, %mul3A_458 : i32
          %add3A_460 = arith.addi %mul3A_457, %mul3A_459 : i32
          %mul3A_461 = arith.constant 40 : i32
          %mul3A_462 = arith.muli %add3A_452, %mul3A_461 : i32
          %add3A_463 = arith.addi %add3A_460, %mul3A_462 : i32
          %dma_start3A_464 = arith.constant 0 : i32
          %dma_start3A_465 = tpu.memref_slice %arg3[%add3A_463, %dma_start3A_464] : memref<320000x128xf32, #tpu.memory_space<hbm>> -> memref<40x128xf32, #tpu.memory_space<hbm>>
          %dma_start3A_466 = arith.constant 0 : i32
          %dma_start3A_467 = tpu.memref_slice %arg3[%add3A_463, %dma_start3A_466] : memref<320000x128xf32, #tpu.memory_space<hbm>> -> memref<40x128xf32, #tpu.memory_space<hbm>>
          tpu.enqueue_dma source(%dma_start3A_467 : memref<40x128xf32, #tpu.memory_space<hbm>>) target(%arg15 : memref<40x128xf32, #tpu.memory_space<vmem>>) target_semaphore(%arg25 : memref<!tpu.dma_semaphore, #tpu.memory_space<semaphore_mem>>)
        } else {
        }
        %dma_wait3A_411 = arith.constant 0 : i32
        %dma_wait3A_412 = arith.constant 0 : i32
        %dma_wait3A_413 = tpu.memref_slice %arg2[%dma_wait3A_411, %dma_wait3A_412] : memref<20000x128xf32, #tpu.memory_space<hbm>> -> memref<20000x128xf32, #tpu.memory_space<hbm>>
        tpu.wait_indirect_dma semaphore(%arg24 : memref<!tpu.dma_semaphore, #tpu.memory_space<semaphore_mem>>) src(%dma_wait3A_413 : memref<20000x128xf32, #tpu.memory_space<hbm>>) dst(%arg14 : memref<40x128xf32, #tpu.memory_space<vmem>>)
        %mul3A_414 = arith.constant 160000 : i32
        %mul3A_415 = arith.muli %arg0, %mul3A_414 : i32
        %mul3A_416 = arith.constant 10000 : i32
        %mul3A_417 = arith.muli %arg1, %mul3A_416 : i32
        %add3A_418 = arith.addi %mul3A_415, %mul3A_417 : i32
        %mul3A_419 = arith.constant 40 : i32
        %mul3A_420 = arith.muli %scan3A_158, %mul3A_419 : i32
        %add3A_421 = arith.addi %add3A_418, %mul3A_420 : i32
        %dma_wait3A_422 = arith.constant 0 : i32
        %dma_wait3A_423 = tpu.memref_slice %arg3[%add3A_421, %dma_wait3A_422] : memref<320000x128xf32, #tpu.memory_space<hbm>> -> memref<40x128xf32, #tpu.memory_space<hbm>>
        %dma_wait3A_424 = arith.constant 0 : i32
        %dma_wait3A_425 = tpu.memref_slice %arg3[%add3A_421, %dma_wait3A_424] : memref<320000x128xf32, #tpu.memory_space<hbm>> -> memref<40x128xf32, #tpu.memory_space<hbm>>
        tpu.wait_dma2 semaphore(%arg26 : memref<!tpu.dma_semaphore, #tpu.memory_space<semaphore_mem>>) src(%dma_wait3A_425 : memref<40x128xf32, #tpu.memory_space<hbm>>) dst(%arg16 : memref<40x128xf32, #tpu.memory_space<vmem>>)
        %scan3A_426 = arith.constant 0 : i32
        %scan3A_427 = arith.constant 0 : i32
        %scan3A_428 = arith.constant 40 : i32
        %scan3A_429 = arith.addi %scan3A_427, %scan3A_428 : i32
        %scan3A_430 = arith.constant 1 : i32
        scf.for %scan3A_435 = %scan3A_427 to %scan3A_429 step %scan3A_430  : i32 {
          %get3A = arith.index_cast %scan3A_435 : i32 to index
          %get3A_436 = arith.constant 0 : index
          %get3A_437 = tpu.vector_load %arg14[%get3A, %get3A_436] {strides = array<i32>} : memref<40x128xf32, #tpu.memory_space<vmem>>, vector<1x16xf32>,
          %get3A_438 = vector.shape_cast %get3A_437 : vector<1x16xf32> to vector<16xf32>
          %get3A_439 = arith.index_cast %scan3A_435 : i32 to index
          %get3A_440 = arith.constant 0 : index
          %get3A_441 = tpu.vector_load %arg16[%get3A_439, %get3A_440] {strides = array<i32>} : memref<40x128xf32, #tpu.memory_space<vmem>>, vector<1x16xf32>,
          %get3A_442 = vector.shape_cast %get3A_441 : vector<1x16xf32> to vector<16xf32>
          %add3A_443 = arith.addf %get3A_438, %get3A_442 : vector<16xf32>
          %max3A = arith.constant 0.000000e+00 : f32
          %max3A_444 = vector.broadcast %max3A : f32 to vector<16xf32>
          %max3A_445 = arith.maximumf %add3A_443, %max3A_444 : vector<16xf32>
          %swap3A = arith.index_cast %scan3A_435 : i32 to index
          %swap3A_446 = arith.constant 0 : index
          %swap3A_447 = tpu.vector_load %arg18[%swap3A, %swap3A_446] {strides = array<i32>} : memref<40x128xf32, #tpu.memory_space<vmem>>, vector<1x16xf32>,
          %swap3A_448 = vector.shape_cast %swap3A_447 : vector<1x16xf32> to vector<16xf32>
          %swap3A_449 = vector.shape_cast %max3A_445 : vector<16xf32> to vector<1x16xf32>
          tpu.vector_store %arg18[%swap3A, %swap3A_446], %swap3A_449 {strides = array<i32>} : memref<40x128xf32, #tpu.memory_space<vmem>>, vector<1x16xf32>,
          %get3A_450 = arith.index_cast %scan3A_435 : i32 to index
          %get3A_451 = arith.constant 16 : index
          %get3A_452 = tpu.vector_load %arg14[%get3A_450, %get3A_451] {strides = array<i32>} : memref<40x128xf32, #tpu.memory_space<vmem>>, vector<1x16xf32>,
          %get3A_453 = vector.shape_cast %get3A_452 : vector<1x16xf32> to vector<16xf32>
          %get3A_454 = arith.index_cast %scan3A_435 : i32 to index
          %get3A_455 = arith.constant 16 : index
          %get3A_456 = tpu.vector_load %arg16[%get3A_454, %get3A_455] {strides = array<i32>} : memref<40x128xf32, #tpu.memory_space<vmem>>, vector<1x16xf32>,
          %get3A_457 = vector.shape_cast %get3A_456 : vector<1x16xf32> to vector<16xf32>
          %add3A_458 = arith.addf %get3A_453, %get3A_457 : vector<16xf32>
          %max3A_459 = arith.constant 0.000000e+00 : f32
          %max3A_460 = vector.broadcast %max3A_459 : f32 to vector<16xf32>
          %max3A_461 = arith.maximumf %add3A_458, %max3A_460 : vector<16xf32>
          %swap3A_462 = arith.index_cast %scan3A_435 : i32 to index
          %swap3A_463 = arith.constant 16 : index
          %swap3A_464 = tpu.vector_load %arg18[%swap3A_462, %swap3A_463] {strides = array<i32>} : memref<40x128xf32, #tpu.memory_space<vmem>>, vector<1x16xf32>,
          %swap3A_465 = vector.shape_cast %swap3A_464 : vector<1x16xf32> to vector<16xf32>
          %swap3A_466 = vector.shape_cast %max3A_461 : vector<16xf32> to vector<1x16xf32>
          tpu.vector_store %arg18[%swap3A_462, %swap3A_463], %swap3A_466 {strides = array<i32>} : memref<40x128xf32, #tpu.memory_space<vmem>>, vector<1x16xf32>,
          %get3A_467 = arith.index_cast %scan3A_435 : i32 to index
          %get3A_468 = arith.constant 32 : index
          %get3A_469 = tpu.vector_load %arg14[%get3A_467, %get3A_468] {strides = array<i32>} : memref<40x128xf32, #tpu.memory_space<vmem>>, vector<1x16xf32>,
          %get3A_470 = vector.shape_cast %get3A_469 : vector<1x16xf32> to vector<16xf32>
          %get3A_471 = arith.index_cast %scan3A_435 : i32 to index
          %get3A_472 = arith.constant 32 : index
          %get3A_473 = tpu.vector_load %arg16[%get3A_471, %get3A_472] {strides = array<i32>} : memref<40x128xf32, #tpu.memory_space<vmem>>, vector<1x16xf32>,
          %get3A_474 = vector.shape_cast %get3A_473 : vector<1x16xf32> to vector<16xf32>
          %add3A_475 = arith.addf %get3A_470, %get3A_474 : vector<16xf32>
          %max3A_476 = arith.constant 0.000000e+00 : f32
          %max3A_477 = vector.broadcast %max3A_476 : f32 to vector<16xf32>
          %max3A_478 = arith.maximumf %add3A_475, %max3A_477 : vector<16xf32>
          %swap3A_479 = arith.index_cast %scan3A_435 : i32 to index
          %swap3A_480 = arith.constant 32 : index
          %swap3A_481 = tpu.vector_load %arg18[%swap3A_479, %swap3A_480] {strides = array<i32>} : memref<40x128xf32, #tpu.memory_space<vmem>>, vector<1x16xf32>,
          %swap3A_482 = vector.shape_cast %swap3A_481 : vector<1x16xf32> to vector<16xf32>
          %swap3A_483 = vector.shape_cast %max3A_478 : vector<16xf32> to vector<1x16xf32>
          tpu.vector_store %arg18[%swap3A_479, %swap3A_480], %swap3A_483 {strides = array<i32>} : memref<40x128xf32, #tpu.memory_space<vmem>>, vector<1x16xf32>,
          %get3A_484 = arith.index_cast %scan3A_435 : i32 to index
          %get3A_485 = arith.constant 48 : index
          %get3A_486 = tpu.vector_load %arg14[%get3A_484, %get3A_485] {strides = array<i32>} : memref<40x128xf32, #tpu.memory_space<vmem>>, vector<1x16xf32>,
          %get3A_487 = vector.shape_cast %get3A_486 : vector<1x16xf32> to vector<16xf32>
          %get3A_488 = arith.index_cast %scan3A_435 : i32 to index
          %get3A_489 = arith.constant 48 : index
          %get3A_490 = tpu.vector_load %arg16[%get3A_488, %get3A_489] {strides = array<i32>} : memref<40x128xf32, #tpu.memory_space<vmem>>, vector<1x16xf32>,
          %get3A_491 = vector.shape_cast %get3A_490 : vector<1x16xf32> to vector<16xf32>
          %add3A_492 = arith.addf %get3A_487, %get3A_491 : vector<16xf32>
          %max3A_493 = arith.constant 0.000000e+00 : f32
          %max3A_494 = vector.broadcast %max3A_493 : f32 to vector<16xf32>
          %max3A_495 = arith.maximumf %add3A_492, %max3A_494 : vector<16xf32>
          %swap3A_496 = arith.index_cast %scan3A_435 : i32 to index
          %swap3A_497 = arith.constant 48 : index
          %swap3A_498 = tpu.vector_load %arg18[%swap3A_496, %swap3A_497] {strides = array<i32>} : memref<40x128xf32, #tpu.memory_space<vmem>>, vector<1x16xf32>,
          %swap3A_499 = vector.shape_cast %swap3A_498 : vector<1x16xf32> to vector<16xf32>
          %swap3A_500 = vector.shape_cast %max3A_495 : vector<16xf32> to vector<1x16xf32>
          tpu.vector_store %arg18[%swap3A_496, %swap3A_497], %swap3A_500 {strides = array<i32>} : memref<40x128xf32, #tpu.memory_space<vmem>>, vector<1x16xf32>,
          %get3A_501 = arith.index_cast %scan3A_435 : i32 to index
          %get3A_502 = arith.constant 64 : index
          %get3A_503 = tpu.vector_load %arg14[%get3A_501, %get3A_502] {strides = array<i32>} : memref<40x128xf32, #tpu.memory_space<vmem>>, vector<1x16xf32>,
          %get3A_504 = vector.shape_cast %get3A_503 : vector<1x16xf32> to vector<16xf32>
          %get3A_505 = arith.index_cast %scan3A_435 : i32 to index
          %get3A_506 = arith.constant 64 : index
          %get3A_507 = tpu.vector_load %arg16[%get3A_505, %get3A_506] {strides = array<i32>} : memref<40x128xf32, #tpu.memory_space<vmem>>, vector<1x16xf32>,
          %get3A_508 = vector.shape_cast %get3A_507 : vector<1x16xf32> to vector<16xf32>
          %add3A_509 = arith.addf %get3A_504, %get3A_508 : vector<16xf32>
          %max3A_510 = arith.constant 0.000000e+00 : f32
          %max3A_511 = vector.broadcast %max3A_510 : f32 to vector<16xf32>
          %max3A_512 = arith.maximumf %add3A_509, %max3A_511 : vector<16xf32>
          %swap3A_513 = arith.index_cast %scan3A_435 : i32 to index
          %swap3A_514 = arith.constant 64 : index
          %swap3A_515 = tpu.vector_load %arg18[%swap3A_513, %swap3A_514] {strides = array<i32>} : memref<40x128xf32, #tpu.memory_space<vmem>>, vector<1x16xf32>,
          %swap3A_516 = vector.shape_cast %swap3A_515 : vector<1x16xf32> to vector<16xf32>
          %swap3A_517 = vector.shape_cast %max3A_512 : vector<16xf32> to vector<1x16xf32>
          tpu.vector_store %arg18[%swap3A_513, %swap3A_514], %swap3A_517 {strides = array<i32>} : memref<40x128xf32, #tpu.memory_space<vmem>>, vector<1x16xf32>,
          %get3A_518 = arith.index_cast %scan3A_435 : i32 to index
          %get3A_519 = arith.constant 80 : index
          %get3A_520 = tpu.vector_load %arg14[%get3A_518, %get3A_519] {strides = array<i32>} : memref<40x128xf32, #tpu.memory_space<vmem>>, vector<1x16xf32>,
          %get3A_521 = vector.shape_cast %get3A_520 : vector<1x16xf32> to vector<16xf32>
          %get3A_522 = arith.index_cast %scan3A_435 : i32 to index
          %get3A_523 = arith.constant 80 : index
          %get3A_524 = tpu.vector_load %arg16[%get3A_522, %get3A_523] {strides = array<i32>} : memref<40x128xf32, #tpu.memory_space<vmem>>, vector<1x16xf32>,
          %get3A_525 = vector.shape_cast %get3A_524 : vector<1x16xf32> to vector<16xf32>
          %add3A_526 = arith.addf %get3A_521, %get3A_525 : vector<16xf32>
          %max3A_527 = arith.constant 0.000000e+00 : f32
          %max3A_528 = vector.broadcast %max3A_527 : f32 to vector<16xf32>
          %max3A_529 = arith.maximumf %add3A_526, %max3A_528 : vector<16xf32>
          %swap3A_530 = arith.index_cast %scan3A_435 : i32 to index
          %swap3A_531 = arith.constant 80 : index
          %swap3A_532 = tpu.vector_load %arg18[%swap3A_530, %swap3A_531] {strides = array<i32>} : memref<40x128xf32, #tpu.memory_space<vmem>>, vector<1x16xf32>,
          %swap3A_533 = vector.shape_cast %swap3A_532 : vector<1x16xf32> to vector<16xf32>
          %swap3A_534 = vector.shape_cast %max3A_529 : vector<16xf32> to vector<1x16xf32>
          tpu.vector_store %arg18[%swap3A_530, %swap3A_531], %swap3A_534 {strides = array<i32>} : memref<40x128xf32, #tpu.memory_space<vmem>>, vector<1x16xf32>,
          %get3A_535 = arith.index_cast %scan3A_435 : i32 to index
          %get3A_536 = arith.constant 96 : index
          %get3A_537 = tpu.vector_load %arg14[%get3A_535, %get3A_536] {strides = array<i32>} : memref<40x128xf32, #tpu.memory_space<vmem>>, vector<1x16xf32>,
          %get3A_538 = vector.shape_cast %get3A_537 : vector<1x16xf32> to vector<16xf32>
          %get3A_539 = arith.index_cast %scan3A_435 : i32 to index
          %get3A_540 = arith.constant 96 : index
          %get3A_541 = tpu.vector_load %arg16[%get3A_539, %get3A_540] {strides = array<i32>} : memref<40x128xf32, #tpu.memory_space<vmem>>, vector<1x16xf32>,
          %get3A_542 = vector.shape_cast %get3A_541 : vector<1x16xf32> to vector<16xf32>
          %add3A_543 = arith.addf %get3A_538, %get3A_542 : vector<16xf32>
          %max3A_544 = arith.constant 0.000000e+00 : f32
          %max3A_545 = vector.broadcast %max3A_544 : f32 to vector<16xf32>
          %max3A_546 = arith.maximumf %add3A_543, %max3A_545 : vector<16xf32>
          %swap3A_547 = arith.index_cast %scan3A_435 : i32 to index
          %swap3A_548 = arith.constant 96 : index
          %swap3A_549 = tpu.vector_load %arg18[%swap3A_547, %swap3A_548] {strides = array<i32>} : memref<40x128xf32, #tpu.memory_space<vmem>>, vector<1x16xf32>,
          %swap3A_550 = vector.shape_cast %swap3A_549 : vector<1x16xf32> to vector<16xf32>
          %swap3A_551 = vector.shape_cast %max3A_546 : vector<16xf32> to vector<1x16xf32>
          tpu.vector_store %arg18[%swap3A_547, %swap3A_548], %swap3A_551 {strides = array<i32>} : memref<40x128xf32, #tpu.memory_space<vmem>>, vector<1x16xf32>,
          %get3A_552 = arith.index_cast %scan3A_435 : i32 to index
          %get3A_553 = arith.constant 112 : index
          %get3A_554 = tpu.vector_load %arg14[%get3A_552, %get3A_553] {strides = array<i32>} : memref<40x128xf32, #tpu.memory_space<vmem>>, vector<1x16xf32>,
          %get3A_555 = vector.shape_cast %get3A_554 : vector<1x16xf32> to vector<16xf32>
          %get3A_556 = arith.index_cast %scan3A_435 : i32 to index
          %get3A_557 = arith.constant 112 : index
          %get3A_558 = tpu.vector_load %arg16[%get3A_556, %get3A_557] {strides = array<i32>} : memref<40x128xf32, #tpu.memory_space<vmem>>, vector<1x16xf32>,
          %get3A_559 = vector.shape_cast %get3A_558 : vector<1x16xf32> to vector<16xf32>
          %add3A_560 = arith.addf %get3A_555, %get3A_559 : vector<16xf32>
          %max3A_561 = arith.constant 0.000000e+00 : f32
          %max3A_562 = vector.broadcast %max3A_561 : f32 to vector<16xf32>
          %max3A_563 = arith.maximumf %add3A_560, %max3A_562 : vector<16xf32>
          %swap3A_564 = arith.index_cast %scan3A_435 : i32 to index
          %swap3A_565 = arith.constant 112 : index
          %swap3A_566 = tpu.vector_load %arg18[%swap3A_564, %swap3A_565] {strides = array<i32>} : memref<40x128xf32, #tpu.memory_space<vmem>>, vector<1x16xf32>,
          %swap3A_567 = vector.shape_cast %swap3A_566 : vector<1x16xf32> to vector<16xf32>
          %swap3A_568 = vector.shape_cast %max3A_563 : vector<16xf32> to vector<1x16xf32>
          tpu.vector_store %arg18[%swap3A_564, %swap3A_565], %swap3A_568 {strides = array<i32>} : memref<40x128xf32, #tpu.memory_space<vmem>>, vector<1x16xf32>,
        }
        %scan3A_431 = arith.constant 40 : i32
        %dma_start3A_432 = arith.constant 0 : i32
        %dma_start3A_433 = arith.constant 0 : i32
        %dma_start3A_434 = tpu.memref_slice %arg19[%dma_start3A_432, %dma_start3A_433] : memref<10000x128xf32, #tpu.memory_space<vmem_shared>> -> memref<10000x128xf32, #tpu.memory_space<vmem_shared>>
        tpu.enqueue_indirect_dma source(%arg18 : memref<40x128xf32, #tpu.memory_space<vmem>>) target(%dma_start3A_434 : memref<10000x128xf32, #tpu.memory_space<vmem_shared>>) offsets(%arg11 : memref<40xi32, #tpu.memory_space<vmem>>) semaphore(%arg28 : memref<!tpu.dma_semaphore, #tpu.memory_space<semaphore_mem>>) {add = true}
      } else {
      }
      %jit3A_353 = arith.constant 2 : i32
      %eq3A_354 = arith.constant 0 : i32
      %eq3A_355 = arith.cmpi eq, %jit3A_353, %eq3A_354 : i32
      %jit3A_356 = arith.constant 1 : i32
      %select_n3A_357 = arith.select %eq3A_355, %jit3A_356, %jit3A_353 : i32
      %rem3A_358 = arith.remsi %scan3A_158, %select_n3A_357 : i32
      %ne3A_359 = arith.constant 0 : i32
      %ne3A_360 = arith.cmpi ne, %rem3A_358, %ne3A_359 : i32
      %lt3A_361 = arith.constant 0 : i32
      %lt3A_362 = arith.cmpi slt, %rem3A_358, %lt3A_361 : i32
      %lt3A_363 = arith.constant 0 : i32
      %lt3A_364 = arith.cmpi slt, %select_n3A_357, %lt3A_363 : i32
      %ne3A_365 = arith.xori %lt3A_362, %lt3A_364 : i1
      %and3A_366 = arith.andi %ne3A_365, %ne3A_360 : i1
      %add3A_367 = arith.addi %rem3A_358, %select_n3A_357 : i32
      %select_n3A_368 = arith.select %and3A_366, %add3A_367, %rem3A_358 : i32
      %eq3A_369 = arith.constant 1 : i32
      %eq3A_370 = arith.cmpi eq, %select_n3A_368, %eq3A_369 : i32
      %jit3A_371 = arith.constant 3 : i32
      %eq3A_372 = arith.constant 0 : i32
      %eq3A_373 = arith.cmpi eq, %jit3A_371, %eq3A_372 : i32
      %jit3A_374 = arith.constant 1 : i32
      %select_n3A_375 = arith.select %eq3A_373, %jit3A_374, %jit3A_371 : i32
      %rem3A_376 = arith.remsi %scan3A_158, %select_n3A_375 : i32
      %ne3A_377 = arith.constant 0 : i32
      %ne3A_378 = arith.cmpi ne, %rem3A_376, %ne3A_377 : i32
      %lt3A_379 = arith.constant 0 : i32
      %lt3A_380 = arith.cmpi slt, %rem3A_376, %lt3A_379 : i32
      %lt3A_381 = arith.constant 0 : i32
      %lt3A_382 = arith.cmpi slt, %select_n3A_375, %lt3A_381 : i32
      %ne3A_383 = arith.xori %lt3A_380, %lt3A_382 : i1
      %and3A_384 = arith.andi %ne3A_383, %ne3A_378 : i1
      %add3A_385 = arith.addi %rem3A_376, %select_n3A_375 : i32
      %select_n3A_386 = arith.select %and3A_384, %add3A_385, %rem3A_376 : i32
      %eq3A_387 = arith.constant 2 : i32
      %eq3A_388 = arith.cmpi eq, %select_n3A_386, %eq3A_387 : i32
      %and3A_389 = arith.andi %eq3A_370, %eq3A_388 : i1
      %convert_element_type3A_390 = arith.extui %and3A_389 : i1 to i32
      %cond3A_391 = arith.constant 0 : i32
      %cond3A_392 = arith.cmpi ne, %convert_element_type3A_390, %cond3A_391 : i32
      scf.if %cond3A_392 {
        %ge3A = arith.constant 1 : i32
        %ge3A_393 = arith.cmpi sge, %scan3A_158, %ge3A : i32
        %convert_element_type3A_394 = arith.extui %ge3A_393 : i1 to i32
        %cond3A_395 = arith.constant 0 : i32
        %cond3A_396 = arith.cmpi ne, %convert_element_type3A_394, %cond3A_395 : i32
        scf.if %cond3A_396 {
          %dma_wait3A_435 = arith.constant 0 : i32
          %dma_wait3A_436 = arith.constant 0 : i32
          %dma_wait3A_437 = tpu.memref_slice %arg19[%dma_wait3A_435, %dma_wait3A_436] : memref<10000x128xf32, #tpu.memory_space<vmem_shared>> -> memref<10000x128xf32, #tpu.memory_space<vmem_shared>>
          tpu.wait_indirect_dma semaphore(%arg27 : memref<!tpu.dma_semaphore, #tpu.memory_space<semaphore_mem>>) src(%arg17 : memref<40x128xf32, #tpu.memory_space<vmem>>) dst(%dma_wait3A_437 : memref<10000x128xf32, #tpu.memory_space<vmem_shared>>)
        } else {
        }
        %add3A_397 = arith.constant 2 : i32
        %add3A_398 = arith.addi %scan3A_158, %add3A_397 : i32
        %lt3A_399 = arith.constant 250 : i32
        %lt3A_400 = arith.cmpi slt, %add3A_398, %lt3A_399 : i32
        %convert_element_type3A_401 = arith.extui %lt3A_400 : i1 to i32
        %cond3A_402 = arith.constant 0 : i32
        %cond3A_403 = arith.cmpi ne, %convert_element_type3A_401, %cond3A_402 : i32
        scf.if %cond3A_403 {
          %add3A_435 = arith.constant 2 : i32
          %add3A_436 = arith.addi %scan3A_158, %add3A_435 : i32
          %add3A_437 = arith.addi %mul3A_2, %add3A_436 : i32
          %dma_start3A_438 = arith.constant 0 : i32
          %dma_start3A_439 = tpu.memref_slice %arg4[%add3A_437, %dma_start3A_438] : memref<8000x40xi32, #tpu.memory_space<hbm>> -> memref<1x40xi32, #tpu.memory_space<hbm>>
          %dma_start3A_440 = tpu.memref_squeeze %dma_start3A_439 : memref<1x40xi32, #tpu.memory_space<hbm>> -> memref<40xi32, #tpu.memory_space<hbm>>
          %dma_start3A_441 = arith.constant 0 : i32
          %dma_start3A_442 = tpu.memref_slice %arg4[%add3A_437, %dma_start3A_441] : memref<8000x40xi32, #tpu.memory_space<hbm>> -> memref<1x40xi32, #tpu.memory_space<hbm>>
          %dma_start3A_443 = tpu.memref_squeeze %dma_start3A_442 : memref<1x40xi32, #tpu.memory_space<hbm>> -> memref<40xi32, #tpu.memory_space<hbm>>
          tpu.enqueue_dma source(%dma_start3A_443 : memref<40xi32, #tpu.memory_space<hbm>>) target(%arg8 : memref<40xi32, #tpu.memory_space<vmem>>) target_semaphore(%arg21 : memref<!tpu.dma_semaphore, #tpu.memory_space<semaphore_mem>>)
          %add3A_444 = arith.addi %mul3A_4, %add3A_436 : i32
          %dma_start3A_445 = arith.constant 0 : i32
          %dma_start3A_446 = tpu.memref_slice %arg5[%add3A_444, %dma_start3A_445] : memref<4000x40xi32, #tpu.memory_space<hbm>> -> memref<1x40xi32, #tpu.memory_space<hbm>>
          %dma_start3A_447 = tpu.memref_squeeze %dma_start3A_446 : memref<1x40xi32, #tpu.memory_space<hbm>> -> memref<40xi32, #tpu.memory_space<hbm>>
          %dma_start3A_448 = arith.constant 0 : i32
          %dma_start3A_449 = tpu.memref_slice %arg5[%add3A_444, %dma_start3A_448] : memref<4000x40xi32, #tpu.memory_space<hbm>> -> memref<1x40xi32, #tpu.memory_space<hbm>>
          %dma_start3A_450 = tpu.memref_squeeze %dma_start3A_449 : memref<1x40xi32, #tpu.memory_space<hbm>> -> memref<40xi32, #tpu.memory_space<hbm>>
          tpu.enqueue_dma source(%dma_start3A_450 : memref<40xi32, #tpu.memory_space<hbm>>) target(%arg11 : memref<40xi32, #tpu.memory_space<vmem>>) target_semaphore(%arg21 : memref<!tpu.dma_semaphore, #tpu.memory_space<semaphore_mem>>)
        } else {
        }
        %add3A_404 = arith.constant 1 : i32
        %add3A_405 = arith.addi %scan3A_158, %add3A_404 : i32
        %lt3A_406 = arith.constant 250 : i32
        %lt3A_407 = arith.cmpi slt, %add3A_405, %lt3A_406 : i32
        %convert_element_type3A_408 = arith.extui %lt3A_407 : i1 to i32
        %cond3A_409 = arith.constant 0 : i32
        %cond3A_410 = arith.cmpi ne, %convert_element_type3A_408, %cond3A_409 : i32
        scf.if %cond3A_410 {
          %add3A_435 = arith.constant 1 : i32
          %add3A_436 = arith.addi %scan3A_158, %add3A_435 : i32
          %add3A_437 = arith.addi %mul3A_2, %add3A_436 : i32
          %dma_wait3A_438 = arith.constant 0 : i32
          %dma_wait3A_439 = tpu.memref_slice %arg4[%add3A_437, %dma_wait3A_438] : memref<8000x40xi32, #tpu.memory_space<hbm>> -> memref<1x40xi32, #tpu.memory_space<hbm>>
          %dma_wait3A_440 = tpu.memref_squeeze %dma_wait3A_439 : memref<1x40xi32, #tpu.memory_space<hbm>> -> memref<40xi32, #tpu.memory_space<hbm>>
          %dma_wait3A_441 = arith.constant 0 : i32
          %dma_wait3A_442 = tpu.memref_slice %arg4[%add3A_437, %dma_wait3A_441] : memref<8000x40xi32, #tpu.memory_space<hbm>> -> memref<1x40xi32, #tpu.memory_space<hbm>>
          %dma_wait3A_443 = tpu.memref_squeeze %dma_wait3A_442 : memref<1x40xi32, #tpu.memory_space<hbm>> -> memref<40xi32, #tpu.memory_space<hbm>>
          tpu.wait_dma2 semaphore(%arg20 : memref<!tpu.dma_semaphore, #tpu.memory_space<semaphore_mem>>) src(%dma_wait3A_443 : memref<40xi32, #tpu.memory_space<hbm>>) dst(%arg7 : memref<40xi32, #tpu.memory_space<vmem>>)
          %add3A_444 = arith.addi %mul3A_4, %add3A_436 : i32
          %dma_wait3A_445 = arith.constant 0 : i32
          %dma_wait3A_446 = tpu.memref_slice %arg5[%add3A_444, %dma_wait3A_445] : memref<4000x40xi32, #tpu.memory_space<hbm>> -> memref<1x40xi32, #tpu.memory_space<hbm>>
          %dma_wait3A_447 = tpu.memref_squeeze %dma_wait3A_446 : memref<1x40xi32, #tpu.memory_space<hbm>> -> memref<40xi32, #tpu.memory_space<hbm>>
          %dma_wait3A_448 = arith.constant 0 : i32
          %dma_wait3A_449 = tpu.memref_slice %arg5[%add3A_444, %dma_wait3A_448] : memref<4000x40xi32, #tpu.memory_space<hbm>> -> memref<1x40xi32, #tpu.memory_space<hbm>>
          %dma_wait3A_450 = tpu.memref_squeeze %dma_wait3A_449 : memref<1x40xi32, #tpu.memory_space<hbm>> -> memref<40xi32, #tpu.memory_space<hbm>>
          tpu.wait_dma2 semaphore(%arg20 : memref<!tpu.dma_semaphore, #tpu.memory_space<semaphore_mem>>) src(%dma_wait3A_450 : memref<40xi32, #tpu.memory_space<hbm>>) dst(%arg10 : memref<40xi32, #tpu.memory_space<vmem>>)
          %add3A_451 = arith.constant 1 : i32
          %add3A_452 = arith.addi %scan3A_158, %add3A_451 : i32
          %dma_start3A_453 = arith.constant 0 : i32
          %dma_start3A_454 = arith.constant 0 : i32
          %dma_start3A_455 = tpu.memref_slice %arg2[%dma_start3A_453, %dma_start3A_454] : memref<20000x128xf32, #tpu.memory_space<hbm>> -> memref<20000x128xf32, #tpu.memory_space<hbm>>
          tpu.enqueue_indirect_dma source(%dma_start3A_455 : memref<20000x128xf32, #tpu.memory_space<hbm>>) target(%arg13 : memref<40x128xf32, #tpu.memory_space<vmem>>) offsets(%arg7 : memref<40xi32, #tpu.memory_space<vmem>>) semaphore(%arg23 : memref<!tpu.dma_semaphore, #tpu.memory_space<semaphore_mem>>)
          %mul3A_456 = arith.constant 160000 : i32
          %mul3A_457 = arith.muli %arg0, %mul3A_456 : i32
          %mul3A_458 = arith.constant 10000 : i32
          %mul3A_459 = arith.muli %arg1, %mul3A_458 : i32
          %add3A_460 = arith.addi %mul3A_457, %mul3A_459 : i32
          %mul3A_461 = arith.constant 40 : i32
          %mul3A_462 = arith.muli %add3A_452, %mul3A_461 : i32
          %add3A_463 = arith.addi %add3A_460, %mul3A_462 : i32
          %dma_start3A_464 = arith.constant 0 : i32
          %dma_start3A_465 = tpu.memref_slice %arg3[%add3A_463, %dma_start3A_464] : memref<320000x128xf32, #tpu.memory_space<hbm>> -> memref<40x128xf32, #tpu.memory_space<hbm>>
          %dma_start3A_466 = arith.constant 0 : i32
          %dma_start3A_467 = tpu.memref_slice %arg3[%add3A_463, %dma_start3A_466] : memref<320000x128xf32, #tpu.memory_space<hbm>> -> memref<40x128xf32, #tpu.memory_space<hbm>>
          tpu.enqueue_dma source(%dma_start3A_467 : memref<40x128xf32, #tpu.memory_space<hbm>>) target(%arg15 : memref<40x128xf32, #tpu.memory_space<vmem>>) target_semaphore(%arg25 : memref<!tpu.dma_semaphore, #tpu.memory_space<semaphore_mem>>)
        } else {
        }
        %dma_wait3A_411 = arith.constant 0 : i32
        %dma_wait3A_412 = arith.constant 0 : i32
        %dma_wait3A_413 = tpu.memref_slice %arg2[%dma_wait3A_411, %dma_wait3A_412] : memref<20000x128xf32, #tpu.memory_space<hbm>> -> memref<20000x128xf32, #tpu.memory_space<hbm>>
        tpu.wait_indirect_dma semaphore(%arg24 : memref<!tpu.dma_semaphore, #tpu.memory_space<semaphore_mem>>) src(%dma_wait3A_413 : memref<20000x128xf32, #tpu.memory_space<hbm>>) dst(%arg14 : memref<40x128xf32, #tpu.memory_space<vmem>>)
        %mul3A_414 = arith.constant 160000 : i32
        %mul3A_415 = arith.muli %arg0, %mul3A_414 : i32
        %mul3A_416 = arith.constant 10000 : i32
        %mul3A_417 = arith.muli %arg1, %mul3A_416 : i32
        %add3A_418 = arith.addi %mul3A_415, %mul3A_417 : i32
        %mul3A_419 = arith.constant 40 : i32
        %mul3A_420 = arith.muli %scan3A_158, %mul3A_419 : i32
        %add3A_421 = arith.addi %add3A_418, %mul3A_420 : i32
        %dma_wait3A_422 = arith.constant 0 : i32
        %dma_wait3A_423 = tpu.memref_slice %arg3[%add3A_421, %dma_wait3A_422] : memref<320000x128xf32, #tpu.memory_space<hbm>> -> memref<40x128xf32, #tpu.memory_space<hbm>>
        %dma_wait3A_424 = arith.constant 0 : i32
        %dma_wait3A_425 = tpu.memref_slice %arg3[%add3A_421, %dma_wait3A_424] : memref<320000x128xf32, #tpu.memory_space<hbm>> -> memref<40x128xf32, #tpu.memory_space<hbm>>
        tpu.wait_dma2 semaphore(%arg26 : memref<!tpu.dma_semaphore, #tpu.memory_space<semaphore_mem>>) src(%dma_wait3A_425 : memref<40x128xf32, #tpu.memory_space<hbm>>) dst(%arg16 : memref<40x128xf32, #tpu.memory_space<vmem>>)
        %scan3A_426 = arith.constant 0 : i32
        %scan3A_427 = arith.constant 0 : i32
        %scan3A_428 = arith.constant 40 : i32
        %scan3A_429 = arith.addi %scan3A_427, %scan3A_428 : i32
        %scan3A_430 = arith.constant 1 : i32
        scf.for %scan3A_435 = %scan3A_427 to %scan3A_429 step %scan3A_430  : i32 {
          %get3A = arith.index_cast %scan3A_435 : i32 to index
          %get3A_436 = arith.constant 0 : index
          %get3A_437 = tpu.vector_load %arg14[%get3A, %get3A_436] {strides = array<i32>} : memref<40x128xf32, #tpu.memory_space<vmem>>, vector<1x16xf32>,
          %get3A_438 = vector.shape_cast %get3A_437 : vector<1x16xf32> to vector<16xf32>
          %get3A_439 = arith.index_cast %scan3A_435 : i32 to index
          %get3A_440 = arith.constant 0 : index
          %get3A_441 = tpu.vector_load %arg16[%get3A_439, %get3A_440] {strides = array<i32>} : memref<40x128xf32, #tpu.memory_space<vmem>>, vector<1x16xf32>,
          %get3A_442 = vector.shape_cast %get3A_441 : vector<1x16xf32> to vector<16xf32>
          %add3A_443 = arith.addf %get3A_438, %get3A_442 : vector<16xf32>
          %max3A = arith.constant 0.000000e+00 : f32
          %max3A_444 = vector.broadcast %max3A : f32 to vector<16xf32>
          %max3A_445 = arith.maximumf %add3A_443, %max3A_444 : vector<16xf32>
          %swap3A = arith.index_cast %scan3A_435 : i32 to index
          %swap3A_446 = arith.constant 0 : index
          %swap3A_447 = tpu.vector_load %arg18[%swap3A, %swap3A_446] {strides = array<i32>} : memref<40x128xf32, #tpu.memory_space<vmem>>, vector<1x16xf32>,
          %swap3A_448 = vector.shape_cast %swap3A_447 : vector<1x16xf32> to vector<16xf32>
          %swap3A_449 = vector.shape_cast %max3A_445 : vector<16xf32> to vector<1x16xf32>
          tpu.vector_store %arg18[%swap3A, %swap3A_446], %swap3A_449 {strides = array<i32>} : memref<40x128xf32, #tpu.memory_space<vmem>>, vector<1x16xf32>,
          %get3A_450 = arith.index_cast %scan3A_435 : i32 to index
          %get3A_451 = arith.constant 16 : index
          %get3A_452 = tpu.vector_load %arg14[%get3A_450, %get3A_451] {strides = array<i32>} : memref<40x128xf32, #tpu.memory_space<vmem>>, vector<1x16xf32>,
          %get3A_453 = vector.shape_cast %get3A_452 : vector<1x16xf32> to vector<16xf32>
          %get3A_454 = arith.index_cast %scan3A_435 : i32 to index
          %get3A_455 = arith.constant 16 : index
          %get3A_456 = tpu.vector_load %arg16[%get3A_454, %get3A_455] {strides = array<i32>} : memref<40x128xf32, #tpu.memory_space<vmem>>, vector<1x16xf32>,
          %get3A_457 = vector.shape_cast %get3A_456 : vector<1x16xf32> to vector<16xf32>
          %add3A_458 = arith.addf %get3A_453, %get3A_457 : vector<16xf32>
          %max3A_459 = arith.constant 0.000000e+00 : f32
          %max3A_460 = vector.broadcast %max3A_459 : f32 to vector<16xf32>
          %max3A_461 = arith.maximumf %add3A_458, %max3A_460 : vector<16xf32>
          %swap3A_462 = arith.index_cast %scan3A_435 : i32 to index
          %swap3A_463 = arith.constant 16 : index
          %swap3A_464 = tpu.vector_load %arg18[%swap3A_462, %swap3A_463] {strides = array<i32>} : memref<40x128xf32, #tpu.memory_space<vmem>>, vector<1x16xf32>,
          %swap3A_465 = vector.shape_cast %swap3A_464 : vector<1x16xf32> to vector<16xf32>
          %swap3A_466 = vector.shape_cast %max3A_461 : vector<16xf32> to vector<1x16xf32>
          tpu.vector_store %arg18[%swap3A_462, %swap3A_463], %swap3A_466 {strides = array<i32>} : memref<40x128xf32, #tpu.memory_space<vmem>>, vector<1x16xf32>,
          %get3A_467 = arith.index_cast %scan3A_435 : i32 to index
          %get3A_468 = arith.constant 32 : index
          %get3A_469 = tpu.vector_load %arg14[%get3A_467, %get3A_468] {strides = array<i32>} : memref<40x128xf32, #tpu.memory_space<vmem>>, vector<1x16xf32>,
          %get3A_470 = vector.shape_cast %get3A_469 : vector<1x16xf32> to vector<16xf32>
          %get3A_471 = arith.index_cast %scan3A_435 : i32 to index
          %get3A_472 = arith.constant 32 : index
          %get3A_473 = tpu.vector_load %arg16[%get3A_471, %get3A_472] {strides = array<i32>} : memref<40x128xf32, #tpu.memory_space<vmem>>, vector<1x16xf32>,
          %get3A_474 = vector.shape_cast %get3A_473 : vector<1x16xf32> to vector<16xf32>
          %add3A_475 = arith.addf %get3A_470, %get3A_474 : vector<16xf32>
          %max3A_476 = arith.constant 0.000000e+00 : f32
          %max3A_477 = vector.broadcast %max3A_476 : f32 to vector<16xf32>
          %max3A_478 = arith.maximumf %add3A_475, %max3A_477 : vector<16xf32>
          %swap3A_479 = arith.index_cast %scan3A_435 : i32 to index
          %swap3A_480 = arith.constant 32 : index
          %swap3A_481 = tpu.vector_load %arg18[%swap3A_479, %swap3A_480] {strides = array<i32>} : memref<40x128xf32, #tpu.memory_space<vmem>>, vector<1x16xf32>,
          %swap3A_482 = vector.shape_cast %swap3A_481 : vector<1x16xf32> to vector<16xf32>
          %swap3A_483 = vector.shape_cast %max3A_478 : vector<16xf32> to vector<1x16xf32>
          tpu.vector_store %arg18[%swap3A_479, %swap3A_480], %swap3A_483 {strides = array<i32>} : memref<40x128xf32, #tpu.memory_space<vmem>>, vector<1x16xf32>,
          %get3A_484 = arith.index_cast %scan3A_435 : i32 to index
          %get3A_485 = arith.constant 48 : index
          %get3A_486 = tpu.vector_load %arg14[%get3A_484, %get3A_485] {strides = array<i32>} : memref<40x128xf32, #tpu.memory_space<vmem>>, vector<1x16xf32>,
          %get3A_487 = vector.shape_cast %get3A_486 : vector<1x16xf32> to vector<16xf32>
          %get3A_488 = arith.index_cast %scan3A_435 : i32 to index
          %get3A_489 = arith.constant 48 : index
          %get3A_490 = tpu.vector_load %arg16[%get3A_488, %get3A_489] {strides = array<i32>} : memref<40x128xf32, #tpu.memory_space<vmem>>, vector<1x16xf32>,
          %get3A_491 = vector.shape_cast %get3A_490 : vector<1x16xf32> to vector<16xf32>
          %add3A_492 = arith.addf %get3A_487, %get3A_491 : vector<16xf32>
          %max3A_493 = arith.constant 0.000000e+00 : f32
          %max3A_494 = vector.broadcast %max3A_493 : f32 to vector<16xf32>
          %max3A_495 = arith.maximumf %add3A_492, %max3A_494 : vector<16xf32>
          %swap3A_496 = arith.index_cast %scan3A_435 : i32 to index
          %swap3A_497 = arith.constant 48 : index
          %swap3A_498 = tpu.vector_load %arg18[%swap3A_496, %swap3A_497] {strides = array<i32>} : memref<40x128xf32, #tpu.memory_space<vmem>>, vector<1x16xf32>,
          %swap3A_499 = vector.shape_cast %swap3A_498 : vector<1x16xf32> to vector<16xf32>
          %swap3A_500 = vector.shape_cast %max3A_495 : vector<16xf32> to vector<1x16xf32>
          tpu.vector_store %arg18[%swap3A_496, %swap3A_497], %swap3A_500 {strides = array<i32>} : memref<40x128xf32, #tpu.memory_space<vmem>>, vector<1x16xf32>,
          %get3A_501 = arith.index_cast %scan3A_435 : i32 to index
          %get3A_502 = arith.constant 64 : index
          %get3A_503 = tpu.vector_load %arg14[%get3A_501, %get3A_502] {strides = array<i32>} : memref<40x128xf32, #tpu.memory_space<vmem>>, vector<1x16xf32>,
          %get3A_504 = vector.shape_cast %get3A_503 : vector<1x16xf32> to vector<16xf32>
          %get3A_505 = arith.index_cast %scan3A_435 : i32 to index
          %get3A_506 = arith.constant 64 : index
          %get3A_507 = tpu.vector_load %arg16[%get3A_505, %get3A_506] {strides = array<i32>} : memref<40x128xf32, #tpu.memory_space<vmem>>, vector<1x16xf32>,
          %get3A_508 = vector.shape_cast %get3A_507 : vector<1x16xf32> to vector<16xf32>
          %add3A_509 = arith.addf %get3A_504, %get3A_508 : vector<16xf32>
          %max3A_510 = arith.constant 0.000000e+00 : f32
          %max3A_511 = vector.broadcast %max3A_510 : f32 to vector<16xf32>
          %max3A_512 = arith.maximumf %add3A_509, %max3A_511 : vector<16xf32>
          %swap3A_513 = arith.index_cast %scan3A_435 : i32 to index
          %swap3A_514 = arith.constant 64 : index
          %swap3A_515 = tpu.vector_load %arg18[%swap3A_513, %swap3A_514] {strides = array<i32>} : memref<40x128xf32, #tpu.memory_space<vmem>>, vector<1x16xf32>,
          %swap3A_516 = vector.shape_cast %swap3A_515 : vector<1x16xf32> to vector<16xf32>
          %swap3A_517 = vector.shape_cast %max3A_512 : vector<16xf32> to vector<1x16xf32>
          tpu.vector_store %arg18[%swap3A_513, %swap3A_514], %swap3A_517 {strides = array<i32>} : memref<40x128xf32, #tpu.memory_space<vmem>>, vector<1x16xf32>,
          %get3A_518 = arith.index_cast %scan3A_435 : i32 to index
          %get3A_519 = arith.constant 80 : index
          %get3A_520 = tpu.vector_load %arg14[%get3A_518, %get3A_519] {strides = array<i32>} : memref<40x128xf32, #tpu.memory_space<vmem>>, vector<1x16xf32>,
          %get3A_521 = vector.shape_cast %get3A_520 : vector<1x16xf32> to vector<16xf32>
          %get3A_522 = arith.index_cast %scan3A_435 : i32 to index
          %get3A_523 = arith.constant 80 : index
          %get3A_524 = tpu.vector_load %arg16[%get3A_522, %get3A_523] {strides = array<i32>} : memref<40x128xf32, #tpu.memory_space<vmem>>, vector<1x16xf32>,
          %get3A_525 = vector.shape_cast %get3A_524 : vector<1x16xf32> to vector<16xf32>
          %add3A_526 = arith.addf %get3A_521, %get3A_525 : vector<16xf32>
          %max3A_527 = arith.constant 0.000000e+00 : f32
          %max3A_528 = vector.broadcast %max3A_527 : f32 to vector<16xf32>
          %max3A_529 = arith.maximumf %add3A_526, %max3A_528 : vector<16xf32>
          %swap3A_530 = arith.index_cast %scan3A_435 : i32 to index
          %swap3A_531 = arith.constant 80 : index
          %swap3A_532 = tpu.vector_load %arg18[%swap3A_530, %swap3A_531] {strides = array<i32>} : memref<40x128xf32, #tpu.memory_space<vmem>>, vector<1x16xf32>,
          %swap3A_533 = vector.shape_cast %swap3A_532 : vector<1x16xf32> to vector<16xf32>
          %swap3A_534 = vector.shape_cast %max3A_529 : vector<16xf32> to vector<1x16xf32>
          tpu.vector_store %arg18[%swap3A_530, %swap3A_531], %swap3A_534 {strides = array<i32>} : memref<40x128xf32, #tpu.memory_space<vmem>>, vector<1x16xf32>,
          %get3A_535 = arith.index_cast %scan3A_435 : i32 to index
          %get3A_536 = arith.constant 96 : index
          %get3A_537 = tpu.vector_load %arg14[%get3A_535, %get3A_536] {strides = array<i32>} : memref<40x128xf32, #tpu.memory_space<vmem>>, vector<1x16xf32>,
          %get3A_538 = vector.shape_cast %get3A_537 : vector<1x16xf32> to vector<16xf32>
          %get3A_539 = arith.index_cast %scan3A_435 : i32 to index
          %get3A_540 = arith.constant 96 : index
          %get3A_541 = tpu.vector_load %arg16[%get3A_539, %get3A_540] {strides = array<i32>} : memref<40x128xf32, #tpu.memory_space<vmem>>, vector<1x16xf32>,
          %get3A_542 = vector.shape_cast %get3A_541 : vector<1x16xf32> to vector<16xf32>
          %add3A_543 = arith.addf %get3A_538, %get3A_542 : vector<16xf32>
          %max3A_544 = arith.constant 0.000000e+00 : f32
          %max3A_545 = vector.broadcast %max3A_544 : f32 to vector<16xf32>
          %max3A_546 = arith.maximumf %add3A_543, %max3A_545 : vector<16xf32>
          %swap3A_547 = arith.index_cast %scan3A_435 : i32 to index
          %swap3A_548 = arith.constant 96 : index
          %swap3A_549 = tpu.vector_load %arg18[%swap3A_547, %swap3A_548] {strides = array<i32>} : memref<40x128xf32, #tpu.memory_space<vmem>>, vector<1x16xf32>,
          %swap3A_550 = vector.shape_cast %swap3A_549 : vector<1x16xf32> to vector<16xf32>
          %swap3A_551 = vector.shape_cast %max3A_546 : vector<16xf32> to vector<1x16xf32>
          tpu.vector_store %arg18[%swap3A_547, %swap3A_548], %swap3A_551 {strides = array<i32>} : memref<40x128xf32, #tpu.memory_space<vmem>>, vector<1x16xf32>,
          %get3A_552 = arith.index_cast %scan3A_435 : i32 to index
          %get3A_553 = arith.constant 112 : index
          %get3A_554 = tpu.vector_load %arg14[%get3A_552, %get3A_553] {strides = array<i32>} : memref<40x128xf32, #tpu.memory_space<vmem>>, vector<1x16xf32>,
          %get3A_555 = vector.shape_cast %get3A_554 : vector<1x16xf32> to vector<16xf32>
          %get3A_556 = arith.index_cast %scan3A_435 : i32 to index
          %get3A_557 = arith.constant 112 : index
          %get3A_558 = tpu.vector_load %arg16[%get3A_556, %get3A_557] {strides = array<i32>} : memref<40x128xf32, #tpu.memory_space<vmem>>, vector<1x16xf32>,
          %get3A_559 = vector.shape_cast %get3A_558 : vector<1x16xf32> to vector<16xf32>
          %add3A_560 = arith.addf %get3A_555, %get3A_559 : vector<16xf32>
          %max3A_561 = arith.constant 0.000000e+00 : f32
          %max3A_562 = vector.broadcast %max3A_561 : f32 to vector<16xf32>
          %max3A_563 = arith.maximumf %add3A_560, %max3A_562 : vector<16xf32>
          %swap3A_564 = arith.index_cast %scan3A_435 : i32 to index
          %swap3A_565 = arith.constant 112 : index
          %swap3A_566 = tpu.vector_load %arg18[%swap3A_564, %swap3A_565] {strides = array<i32>} : memref<40x128xf32, #tpu.memory_space<vmem>>, vector<1x16xf32>,
          %swap3A_567 = vector.shape_cast %swap3A_566 : vector<1x16xf32> to vector<16xf32>
          %swap3A_568 = vector.shape_cast %max3A_563 : vector<16xf32> to vector<1x16xf32>
          tpu.vector_store %arg18[%swap3A_564, %swap3A_565], %swap3A_568 {strides = array<i32>} : memref<40x128xf32, #tpu.memory_space<vmem>>, vector<1x16xf32>,
        }
        %scan3A_431 = arith.constant 40 : i32
        %dma_start3A_432 = arith.constant 0 : i32
        %dma_start3A_433 = arith.constant 0 : i32
        %dma_start3A_434 = tpu.memref_slice %arg19[%dma_start3A_432, %dma_start3A_433] : memref<10000x128xf32, #tpu.memory_space<vmem_shared>> -> memref<10000x128xf32, #tpu.memory_space<vmem_shared>>
        tpu.enqueue_indirect_dma source(%arg18 : memref<40x128xf32, #tpu.memory_space<vmem>>) target(%dma_start3A_434 : memref<10000x128xf32, #tpu.memory_space<vmem_shared>>) offsets(%arg12 : memref<40xi32, #tpu.memory_space<vmem>>) semaphore(%arg28 : memref<!tpu.dma_semaphore, #tpu.memory_space<semaphore_mem>>) {add = true}
      } else {
      }
    }
    %scan3A_141 = arith.constant 250 : i32
    %dma_wait3A_142 = arith.constant 0 : i32
    %dma_wait3A_143 = arith.constant 0 : i32
    %dma_wait3A_144 = tpu.memref_slice %arg19[%dma_wait3A_142, %dma_wait3A_143] : memref<10000x128xf32, #tpu.memory_space<vmem_shared>> -> memref<10000x128xf32, #tpu.memory_space<vmem_shared>>
    tpu.wait_indirect_dma semaphore(%arg28 : memref<!tpu.dma_semaphore, #tpu.memory_space<semaphore_mem>>) src(%arg18 : memref<40x128xf32, #tpu.memory_space<vmem>>) dst(%dma_wait3A_144 : memref<10000x128xf32, #tpu.memory_space<vmem_shared>>)
    %barrier3A_145 = arith.constant 0 : index
    tpu.barrier barrier_id(%barrier3A_145)
    %mul3A_146 = arith.constant 624 : i32
    %mul3A_147 = arith.muli %arg1, %mul3A_146 : i32
    %mul3A_148 = arith.constant 10000 : i32
    %mul3A_149 = arith.muli %arg0, %mul3A_148 : i32
    %mul3A_150 = arith.constant 624 : i32
    %mul3A_151 = arith.muli %arg1, %mul3A_150 : i32
    %add3A_152 = arith.addi %mul3A_149, %mul3A_151 : i32
    "tpu.region"() ({
      %run_scoped3A = tpu.sem_alloc : memref<!tpu.dma_semaphore, #tpu.memory_space<semaphore_mem>>
      %dma_start3A_158 = arith.constant 0 : i32
      %dma_start3A_159 = tpu.memref_slice %arg6[%add3A_152, %dma_start3A_158] : memref<20000x128xf32, #tpu.memory_space<hbm>> -> memref<624x128xf32, #tpu.memory_space<hbm>>
      %dma_start3A_160 = arith.constant 0 : i32
      %dma_start3A_161 = tpu.memref_slice %arg19[%mul3A_147, %dma_start3A_160] : memref<10000x128xf32, #tpu.memory_space<vmem_shared>> -> memref<624x128xf32, #tpu.memory_space<vmem_shared>>
      tpu.enqueue_dma source(%dma_start3A_161 : memref<624x128xf32, #tpu.memory_space<vmem_shared>>) target(%dma_start3A_159 : memref<624x128xf32, #tpu.memory_space<hbm>>) target_semaphore(%run_scoped3A : memref<!tpu.dma_semaphore, #tpu.memory_space<semaphore_mem>>)
      %dma_wait3A_162 = arith.constant 0 : i32
      %dma_wait3A_163 = tpu.memref_slice %arg6[%add3A_152, %dma_wait3A_162] : memref<20000x128xf32, #tpu.memory_space<hbm>> -> memref<624x128xf32, #tpu.memory_space<hbm>>
      %dma_wait3A_164 = arith.constant 0 : i32
      %dma_wait3A_165 = tpu.memref_slice %arg19[%mul3A_147, %dma_wait3A_164] : memref<10000x128xf32, #tpu.memory_space<vmem_shared>> -> memref<624x128xf32, #tpu.memory_space<vmem_shared>>
      tpu.wait_dma2 semaphore(%run_scoped3A : memref<!tpu.dma_semaphore, #tpu.memory_space<semaphore_mem>>) src(%dma_wait3A_165 : memref<624x128xf32, #tpu.memory_space<vmem_shared>>) dst(%dma_wait3A_163 : memref<624x128xf32, #tpu.memory_space<hbm>>)
      tpu.yield
    }) : () -> ()
    %eq3A_153 = arith.constant 15 : i32
    %eq3A_154 = arith.cmpi eq, %arg1, %eq3A_153 : i32
    %convert_element_type3A_155 = arith.extui %eq3A_154 : i1 to i32
    %cond3A_156 = arith.constant 0 : i32
    %cond3A_157 = arith.cmpi ne, %convert_element_type3A_155, %cond3A_156 : i32
    scf.if %cond3A_157 {
      %mul3A_158 = arith.constant 10000 : i32
      %mul3A_159 = arith.muli %arg0, %mul3A_158 : i32
      %add3A_160 = arith.constant 9984 : i32
      %add3A_161 = arith.addi %mul3A_159, %add3A_160 : i32
      "tpu.region"() ({
        %run_scoped3A = tpu.sem_alloc : memref<!tpu.dma_semaphore, #tpu.memory_space<semaphore_mem>>
        %dma_start3A_162 = arith.constant 0 : i32
        %dma_start3A_163 = tpu.memref_slice %arg6[%add3A_161, %dma_start3A_162] : memref<20000x128xf32, #tpu.memory_space<hbm>> -> memref<16x128xf32, #tpu.memory_space<hbm>>
        %dma_start3A_164 = arith.constant 9984 : i32
        %dma_start3A_165 = arith.constant 0 : i32
        %dma_start3A_166 = tpu.memref_slice %arg19[%dma_start3A_164, %dma_start3A_165] : memref<10000x128xf32, #tpu.memory_space<vmem_shared>> -> memref<16x128xf32, #tpu.memory_space<vmem_shared>>
        tpu.enqueue_dma source(%dma_start3A_166 : memref<16x128xf32, #tpu.memory_space<vmem_shared>>) target(%dma_start3A_163 : memref<16x128xf32, #tpu.memory_space<hbm>>) target_semaphore(%run_scoped3A : memref<!tpu.dma_semaphore, #tpu.memory_space<semaphore_mem>>)
        %dma_wait3A_167 = arith.constant 0 : i32
        %dma_wait3A_168 = tpu.memref_slice %arg6[%add3A_161, %dma_wait3A_167] : memref<20000x128xf32, #tpu.memory_space<hbm>> -> memref<16x128xf32, #tpu.memory_space<hbm>>
        %dma_wait3A_169 = arith.constant 9984 : i32
        %dma_wait3A_170 = arith.constant 0 : i32
        %dma_wait3A_171 = tpu.memref_slice %arg19[%dma_wait3A_169, %dma_wait3A_170] : memref<10000x128xf32, #tpu.memory_space<vmem_shared>> -> memref<16x128xf32, #tpu.memory_space<vmem_shared>>
        tpu.wait_dma2 semaphore(%run_scoped3A : memref<!tpu.dma_semaphore, #tpu.memory_space<semaphore_mem>>) src(%dma_wait3A_171 : memref<16x128xf32, #tpu.memory_space<vmem_shared>>) dst(%dma_wait3A_168 : memref<16x128xf32, #tpu.memory_space<hbm>>)
        tpu.yield
      }) : () -> ()
    } else {
    }
    return
  }
}

module attributes {stable_mosaic.version = 14 : i64} {
  func.func @_xsplit_body(%arg0: i32, %arg1: memref<2000x256xf32, #tpu.memory_space<vmem>>, %arg2: memref<2x2000x128xf32, #tpu.memory_space<vmem>>) attributes {dimension_semantics = [#tpu.dimension_semantics<arbitrary>], iteration_bounds = array<i64: 5>, scalar_prefetch = 0 : i64, scratch_operands = 0 : i64, tpu.core_type = #tpu.core_type<tc>, window_params = [{transform_indices = @transform_0, window_bounds = array<i64: 2000, 256>}, {transform_indices = @transform_1, window_bounds = array<i64: 2, 2000, 128>}]} {
    %get3A = arith.constant 0 : index
    %get3A_0 = arith.constant 0 : index
    %get3A_1 = vector.load %arg1[%get3A, %get3A_0] : memref<2000x256xf32, #tpu.memory_space<vmem>>, vector<2000x256xf32>
    %slice3A = vector.extract_strided_slice %get3A_1 {offsets = [0, 0], sizes = [2000, 128], strides = [1, 1]} : vector<2000x256xf32> to vector<2000x128xf32>
    %swap3A = arith.constant 0 : index
    %swap3A_2 = arith.constant 0 : index
    %swap3A_3 = arith.constant 0 : index
    %swap3A_4 = vector.load %arg2[%swap3A, %swap3A_2, %swap3A_3] : memref<2x2000x128xf32, #tpu.memory_space<vmem>>, vector<1x2000x128xf32>
    %swap3A_5 = vector.shape_cast %swap3A_4 : vector<1x2000x128xf32> to vector<2000x128xf32>
    %swap3A_6 = vector.shape_cast %slice3A : vector<2000x128xf32> to vector<1x2000x128xf32>
    tpu.vector_store %arg2[%swap3A, %swap3A_2, %swap3A_3], %swap3A_6 {strides = array<i32>} : memref<2x2000x128xf32, #tpu.memory_space<vmem>>, vector<1x2000x128xf32>,
    %slice3A_7 = vector.extract_strided_slice %get3A_1 {offsets = [0, 128], sizes = [2000, 128], strides = [1, 1]} : vector<2000x256xf32> to vector<2000x128xf32>
    %swap3A_8 = arith.constant 1 : index
    %swap3A_9 = arith.constant 0 : index
    %swap3A_10 = arith.constant 0 : index
    %swap3A_11 = vector.load %arg2[%swap3A_8, %swap3A_9, %swap3A_10] : memref<2x2000x128xf32, #tpu.memory_space<vmem>>, vector<1x2000x128xf32>
    %swap3A_12 = vector.shape_cast %swap3A_11 : vector<1x2000x128xf32> to vector<2000x128xf32>
    %swap3A_13 = vector.shape_cast %slice3A_7 : vector<2000x128xf32> to vector<1x2000x128xf32>
    tpu.vector_store %arg2[%swap3A_8, %swap3A_9, %swap3A_10], %swap3A_13 {strides = array<i32>} : memref<2x2000x128xf32, #tpu.memory_space<vmem>>, vector<1x2000x128xf32>,
    return
  }
  func.func @transform_0(%arg0: i32) -> (i32, i32) {
    %c0_i32 = arith.constant 0 : i32
    %c0_i32_0 = arith.constant 0 : i32
    return %arg0, %c0_i32 : i32, i32
  }
  func.func @transform_1(%arg0: i32) -> (i32, i32, i32) {
    %c0_i32 = arith.constant 0 : i32
    %c0_i32_0 = arith.constant 0 : i32
    %c0_i32_1 = arith.constant 0 : i32
    return %c0_i32, %arg0, %c0_i32_0 : i32, i32, i32
  }
}

module attributes {stable_mosaic.version = 14 : i64} {
  func.func @_edge_mlp_body(%arg0: i32, %arg1: memref<2000x16xf32, #tpu.memory_space<vmem>>, %arg2: memref<16x256xf32, #tpu.memory_space<vmem>>, %arg3: memref<1x256xf32, #tpu.memory_space<vmem>>, %arg4: memref<2x2000x128xf32, #tpu.memory_space<vmem>>) attributes {dimension_semantics = [#tpu.dimension_semantics<arbitrary>], iteration_bounds = array<i64: 80>, scalar_prefetch = 0 : i64, scratch_operands = 0 : i64, tpu.core_type = #tpu.core_type<tc>, window_params = [{transform_indices = @transform_0, window_bounds = array<i64: 2000, 16>}, {pipeline_mode = #tpu.pipeline_mode<synchronous>, transform_indices = @transform_1, window_bounds = array<i64: 16, 256>}, {pipeline_mode = #tpu.pipeline_mode<synchronous>, transform_indices = @transform_2, window_bounds = array<i64: 1, 256>}, {transform_indices = @transform_3, window_bounds = array<i64: 2, 2000, 128>}]} {
    %get3A = arith.constant 0 : index
    %get3A_0 = arith.constant 0 : index
    %get3A_1 = vector.load %arg1[%get3A, %get3A_0] : memref<2000x16xf32, #tpu.memory_space<vmem>>, vector<2000x16xf32>
    %get3A_2 = arith.constant 0 : index
    %get3A_3 = arith.constant 0 : index
    %get3A_4 = vector.load %arg2[%get3A_2, %get3A_3] : memref<16x256xf32, #tpu.memory_space<vmem>>, vector<16x256xf32>
    %dot_general3A = arith.constant dense<0.000000e+00> : vector<2000x256xf32>
    %dot_general3A_5 = tpu.matmul %get3A_1, %get3A_4, %dot_general3A {dimension_numbers = #tpu.dot_dimension_numbers<[1], [0], [0], [1], [0, 0, 1, 1], [], []>, transpose_lhs_hint = false} : vector<2000x16xf32>, vector<16x256xf32>, vector<2000x256xf32> -> vector<2000x256xf32>
    %get3A_6 = arith.constant 0 : index
    %get3A_7 = arith.constant 0 : index
    %get3A_8 = vector.load %arg3[%get3A_6, %get3A_7] : memref<1x256xf32, #tpu.memory_space<vmem>>, vector<1x256xf32>
    %add3A = vector.broadcast %get3A_8 : vector<1x256xf32> to vector<2000x256xf32>
    %add3A_9 = arith.addf %dot_general3A_5, %add3A : vector<2000x256xf32>
    %logistic3A = arith.negf %add3A_9 : vector<2000x256xf32>
    %logistic3A_10 = math.exp %logistic3A : vector<2000x256xf32>
    %logistic3A_11 = arith.constant 1.000000e+00 : f32
    %logistic3A_12 = vector.broadcast %logistic3A_11 : f32 to vector<2000x256xf32>
    %logistic3A_13 = arith.addf %logistic3A_12, %logistic3A_10 : vector<2000x256xf32>
    %logistic3A_14 = arith.divf %logistic3A_12, %logistic3A_13 : vector<2000x256xf32>
    %mul3A = arith.mulf %add3A_9, %logistic3A_14 : vector<2000x256xf32>
    %slice3A = vector.extract_strided_slice %mul3A {offsets = [0, 0], sizes = [2000, 128], strides = [1, 1]} : vector<2000x256xf32> to vector<2000x128xf32>
    %swap3A = arith.constant 0 : index
    %swap3A_15 = arith.constant 0 : index
    %swap3A_16 = arith.constant 0 : index
    %swap3A_17 = vector.load %arg4[%swap3A, %swap3A_15, %swap3A_16] : memref<2x2000x128xf32, #tpu.memory_space<vmem>>, vector<1x2000x128xf32>
    %swap3A_18 = vector.shape_cast %swap3A_17 : vector<1x2000x128xf32> to vector<2000x128xf32>
    %swap3A_19 = vector.shape_cast %slice3A : vector<2000x128xf32> to vector<1x2000x128xf32>
    tpu.vector_store %arg4[%swap3A, %swap3A_15, %swap3A_16], %swap3A_19 {strides = array<i32>} : memref<2x2000x128xf32, #tpu.memory_space<vmem>>, vector<1x2000x128xf32>,
    %slice3A_20 = vector.extract_strided_slice %mul3A {offsets = [0, 128], sizes = [2000, 128], strides = [1, 1]} : vector<2000x256xf32> to vector<2000x128xf32>
    %swap3A_21 = arith.constant 1 : index
    %swap3A_22 = arith.constant 0 : index
    %swap3A_23 = arith.constant 0 : index
    %swap3A_24 = vector.load %arg4[%swap3A_21, %swap3A_22, %swap3A_23] : memref<2x2000x128xf32, #tpu.memory_space<vmem>>, vector<1x2000x128xf32>
    %swap3A_25 = vector.shape_cast %swap3A_24 : vector<1x2000x128xf32> to vector<2000x128xf32>
    %swap3A_26 = vector.shape_cast %slice3A_20 : vector<2000x128xf32> to vector<1x2000x128xf32>
    tpu.vector_store %arg4[%swap3A_21, %swap3A_22, %swap3A_23], %swap3A_26 {strides = array<i32>} : memref<2x2000x128xf32, #tpu.memory_space<vmem>>, vector<1x2000x128xf32>,
    return
  }
  func.func @transform_0(%arg0: i32) -> (i32, i32) {
    %c0_i32 = arith.constant 0 : i32
    %c0_i32_0 = arith.constant 0 : i32
    return %arg0, %c0_i32 : i32, i32
  }
  func.func @transform_1(%arg0: i32) -> (i32, i32) {
    %c0_i32 = arith.constant 0 : i32
    %c0_i32_0 = arith.constant 0 : i32
    %c0_i32_1 = arith.constant 0 : i32
    return %c0_i32, %c0_i32_0 : i32, i32
  }
  func.func @transform_2(%arg0: i32) -> (i32, i32) {
    %c0_i32 = arith.constant 0 : i32
    %c0_i32_0 = arith.constant 0 : i32
    %c0_i32_1 = arith.constant 0 : i32
    return %c0_i32, %c0_i32_0 : i32, i32
  }
  func.func @transform_3(%arg0: i32) -> (i32, i32, i32) {
    %c0_i32 = arith.constant 0 : i32
    %c0_i32_0 = arith.constant 0 : i32
    %c0_i32_1 = arith.constant 0 : i32
    return %c0_i32, %arg0, %c0_i32_0 : i32, i32, i32
  }
}

module attributes {stable_mosaic.version = 14 : i64} {
  func.func @_node_body(%arg0: i32, %arg1: memref<2000x128xf32, #tpu.memory_space<vmem>>, %arg2: memref<2000x128xf32, #tpu.memory_space<vmem>>, %arg3: memref<2000x256xf32, #tpu.memory_space<vmem>>, %arg4: memref<1x1xf32, #tpu.memory_space<vmem>>, %arg5: memref<256x256xf32, #tpu.memory_space<vmem>>, %arg6: memref<1x256xf32, #tpu.memory_space<vmem>>, %arg7: memref<256x256xf32, #tpu.memory_space<vmem>>, %arg8: memref<1x256xf32, #tpu.memory_space<vmem>>, %arg9: memref<1x1x2000xi32, #tpu.memory_space<vmem>>, %arg10: memref<1x256xf32, #tpu.memory_space<vmem>>, %arg11: memref<1x256xf32, #tpu.memory_space<vmem>>, %arg12: memref<2000x256xf32, #tpu.memory_space<vmem>>, %arg13: memref<10000x256xf32, #tpu.memory_space<vmem>>, %arg14: memref<8x128xf32, #tpu.memory_space<vmem>>) attributes {dimension_semantics = [#tpu.dimension_semantics<arbitrary>], iteration_bounds = array<i64: 10>, scalar_prefetch = 0 : i64, scratch_operands = 2 : i64, tpu.core_type = #tpu.core_type<tc>, window_params = [{transform_indices = @transform_0, window_bounds = array<i64: 2000, 128>}, {transform_indices = @transform_1, window_bounds = array<i64: 2000, 128>}, {transform_indices = @transform_2, window_bounds = array<i64: 2000, 256>}, {pipeline_mode = #tpu.pipeline_mode<synchronous>, transform_indices = @transform_3, window_bounds = array<i64: 1, 1>}, {pipeline_mode = #tpu.pipeline_mode<synchronous>, transform_indices = @transform_4, window_bounds = array<i64: 256, 256>}, {pipeline_mode = #tpu.pipeline_mode<synchronous>, transform_indices = @transform_5, window_bounds = array<i64: 1, 256>}, {pipeline_mode = #tpu.pipeline_mode<synchronous>, transform_indices = @transform_6, window_bounds = array<i64: 256, 256>}, {pipeline_mode = #tpu.pipeline_mode<synchronous>, transform_indices = @transform_7, window_bounds = array<i64: 1, 256>}, {transform_indices = @transform_8, window_bounds = array<i64: 1, 1, 2000>}, {pipeline_mode = #tpu.pipeline_mode<synchronous>, transform_indices = @transform_9, window_bounds = array<i64: 1, 256>}, {pipeline_mode = #tpu.pipeline_mode<synchronous>, transform_indices = @transform_10, window_bounds = array<i64: 1, 256>}, {transform_indices = @transform_11, window_bounds = array<i64: 2000, 256>}]} {
    %lt3A = arith.constant 5 : i32
    %lt3A_0 = arith.cmpi slt, %arg0, %lt3A : i32
    %convert_element_type3A = arith.extui %lt3A_0 : i1 to i32
    %cond3A = arith.constant 0 : i32
    %cond3A_1 = arith.cmpi ne, %convert_element_type3A, %cond3A : i32
    scf.if %cond3A_1 {
      %get3A = arith.constant 0 : index
      %get3A_6 = arith.constant 0 : index
      %get3A_7 = vector.load %arg1[%get3A, %get3A_6] : memref<2000x128xf32, #tpu.memory_space<vmem>>, vector<2000x128xf32>
      %get3A_8 = arith.constant 0 : index
      %get3A_9 = arith.constant 0 : index
      %get3A_10 = vector.load %arg2[%get3A_8, %get3A_9] : memref<2000x128xf32, #tpu.memory_space<vmem>>, vector<2000x128xf32>
      %concatenate3A = tpu.concatenate %get3A_7, %get3A_10 in 1 : vector<2000x128xf32>, vector<2000x128xf32> -> vector<2000x256xf32>
      %get3A_11 = arith.constant 0 : index
      %get3A_12 = arith.constant 0 : index
      %get3A_13 = vector.load %arg4[%get3A_11, %get3A_12] : memref<1x1xf32, #tpu.memory_space<vmem>>, vector<1x1xf32>
      %get3A_14 = vector.extract %get3A_13[0, 0] : f32 from vector<1x1xf32>
      %get3A_15 = arith.constant 0 : index
      %get3A_16 = arith.constant 0 : index
      %get3A_17 = vector.load %arg3[%get3A_15, %get3A_16] : memref<2000x256xf32, #tpu.memory_space<vmem>>, vector<2000x256xf32>
      %mul3A = vector.broadcast %get3A_14 : f32 to vector<2000x256xf32>
      %mul3A_18 = arith.mulf %mul3A, %get3A_17 : vector<2000x256xf32>
      %add3A = arith.addf %concatenate3A, %mul3A_18 : vector<2000x256xf32>
      %get3A_19 = arith.constant 0 : index
      %get3A_20 = arith.constant 0 : index
      %get3A_21 = vector.load %arg5[%get3A_19, %get3A_20] : memref<256x256xf32, #tpu.memory_space<vmem>>, vector<256x256xf32>
      %dot_general3A = arith.constant dense<0.000000e+00> : vector<2000x256xf32>
      %dot_general3A_22 = tpu.matmul %add3A, %get3A_21, %dot_general3A {dimension_numbers = #tpu.dot_dimension_numbers<[1], [0], [0], [1], [0, 0, 1, 1], [], []>, transpose_lhs_hint = false} : vector<2000x256xf32>, vector<256x256xf32>, vector<2000x256xf32> -> vector<2000x256xf32>
      %get3A_23 = arith.constant 0 : index
      %get3A_24 = arith.constant 0 : index
      %get3A_25 = vector.load %arg6[%get3A_23, %get3A_24] : memref<1x256xf32, #tpu.memory_space<vmem>>, vector<1x256xf32>
      %add3A_26 = vector.broadcast %get3A_25 : vector<1x256xf32> to vector<2000x256xf32>
      %add3A_27 = arith.addf %dot_general3A_22, %add3A_26 : vector<2000x256xf32>
      %logistic3A = arith.negf %add3A_27 : vector<2000x256xf32>
      %logistic3A_28 = math.exp %logistic3A : vector<2000x256xf32>
      %logistic3A_29 = arith.constant 1.000000e+00 : f32
      %logistic3A_30 = vector.broadcast %logistic3A_29 : f32 to vector<2000x256xf32>
      %logistic3A_31 = arith.addf %logistic3A_30, %logistic3A_28 : vector<2000x256xf32>
      %logistic3A_32 = arith.divf %logistic3A_30, %logistic3A_31 : vector<2000x256xf32>
      %mul3A_33 = arith.mulf %add3A_27, %logistic3A_32 : vector<2000x256xf32>
      %get3A_34 = arith.constant 0 : index
      %get3A_35 = arith.constant 0 : index
      %get3A_36 = vector.load %arg7[%get3A_34, %get3A_35] : memref<256x256xf32, #tpu.memory_space<vmem>>, vector<256x256xf32>
      %dot_general3A_37 = arith.constant dense<0.000000e+00> : vector<2000x256xf32>
      %dot_general3A_38 = tpu.matmul %mul3A_33, %get3A_36, %dot_general3A_37 {dimension_numbers = #tpu.dot_dimension_numbers<[1], [0], [0], [1], [0, 0, 1, 1], [], []>, transpose_lhs_hint = false} : vector<2000x256xf32>, vector<256x256xf32>, vector<2000x256xf32> -> vector<2000x256xf32>
      %get3A_39 = arith.constant 0 : index
      %get3A_40 = arith.constant 0 : index
      %get3A_41 = vector.load %arg8[%get3A_39, %get3A_40] : memref<1x256xf32, #tpu.memory_space<vmem>>, vector<1x256xf32>
      %add3A_42 = vector.broadcast %get3A_41 : vector<1x256xf32> to vector<2000x256xf32>
      %add3A_43 = arith.addf %dot_general3A_38, %add3A_42 : vector<2000x256xf32>
      %logistic3A_44 = arith.negf %add3A_43 : vector<2000x256xf32>
      %logistic3A_45 = math.exp %logistic3A_44 : vector<2000x256xf32>
      %logistic3A_46 = arith.constant 1.000000e+00 : f32
      %logistic3A_47 = vector.broadcast %logistic3A_46 : f32 to vector<2000x256xf32>
      %logistic3A_48 = arith.addf %logistic3A_47, %logistic3A_45 : vector<2000x256xf32>
      %logistic3A_49 = arith.divf %logistic3A_47, %logistic3A_48 : vector<2000x256xf32>
      %mul3A_50 = arith.mulf %add3A_43, %logistic3A_49 : vector<2000x256xf32>
      %mul3A_51 = arith.constant 2000 : i32
      %mul3A_52 = arith.muli %arg0, %mul3A_51 : i32
      %swap3A = arith.index_cast %mul3A_52 : i32 to index
      %swap3A_53 = arith.constant 0 : index
      %swap3A_54 = vector.load %arg13[%swap3A, %swap3A_53] : memref<10000x256xf32, #tpu.memory_space<vmem>>, vector<2000x256xf32>
      tpu.vector_store %arg13[%swap3A, %swap3A_53], %mul3A_50 {strides = array<i32>} : memref<10000x256xf32, #tpu.memory_space<vmem>>, vector<2000x256xf32>,
      %swap3A_55 = arith.constant 0 : index
      %swap3A_56 = arith.constant 0 : index
      %swap3A_57 = vector.load %arg12[%swap3A_55, %swap3A_56] : memref<2000x256xf32, #tpu.memory_space<vmem>>, vector<2000x256xf32>
      tpu.vector_store %arg12[%swap3A_55, %swap3A_56], %mul3A_50 {strides = array<i32>} : memref<2000x256xf32, #tpu.memory_space<vmem>>, vector<2000x256xf32>,
      %reduce_sum3A = arith.constant dense<0.000000e+00> : vector<2000xf32>
      %reduce_sum3A_58 = vector.multi_reduction <add>, %mul3A_50, %reduce_sum3A [1] : vector<2000x256xf32> to vector<2000xf32>
      %mul3A_59 = arith.mulf %mul3A_50, %mul3A_50 : vector<2000x256xf32>
      %reduce_sum3A_60 = arith.constant dense<0.000000e+00> : vector<2000xf32>
      %reduce_sum3A_61 = vector.multi_reduction <add>, %mul3A_59, %reduce_sum3A_60 [1] : vector<2000x256xf32> to vector<2000xf32>
      %broadcast_in_dim3A = vector.shape_cast %reduce_sum3A_58 : vector<2000xf32> to vector<1x2000xf32>
      %broadcast_in_dim3A_62 = vector.shape_cast %reduce_sum3A_61 : vector<2000xf32> to vector<1x2000xf32>
      %broadcast_in_dim3A_63 = arith.constant 1.000000e+00 : f32
      %broadcast_in_dim3A_64 = vector.broadcast %broadcast_in_dim3A_63 : f32 to vector<1x2000xf32>
      %broadcast_in_dim3A_65 = arith.constant 0.000000e+00 : f32
      %broadcast_in_dim3A_66 = vector.broadcast %broadcast_in_dim3A_65 : f32 to vector<5x2000xf32>
      %concatenate3A_67 = tpu.concatenate %broadcast_in_dim3A, %broadcast_in_dim3A_62, %broadcast_in_dim3A_64, %broadcast_in_dim3A_66 in 0 : vector<1x2000xf32>, vector<1x2000xf32>, vector<1x2000xf32>, vector<5x2000xf32> -> vector<8x2000xf32>
      %get3A_68 = arith.constant 0 : index
      %get3A_69 = arith.constant 0 : index
      %get3A_70 = arith.constant 0 : index
      %get3A_71 = vector.load %arg9[%get3A_68, %get3A_69, %get3A_70] : memref<1x1x2000xi32, #tpu.memory_space<vmem>>, vector<1x1x2000xi32>
      %get3A_72 = vector.shape_cast %get3A_71 : vector<1x1x2000xi32> to vector<2000xi32>
      %iota3A = tpu.iota {dimensions = array<i32: 1>} : vector<2000x128xi32>
      %broadcast_in_dim3A_73 = vector.shape_cast %get3A_72 : vector<2000xi32> to vector<2000x1xi32>
      %eq3A = vector.broadcast %broadcast_in_dim3A_73 : vector<2000x1xi32> to vector<2000x128xi32>
      %eq3A_74 = arith.cmpi eq, %eq3A, %iota3A : vector<2000x128xi32>
      %convert_element_type3A_75 = arith.extui %eq3A_74 : vector<2000x128xi1> to vector<2000x128xi32>
      %convert_element_type3A_76 = arith.sitofp %convert_element_type3A_75 : vector<2000x128xi32> to vector<2000x128xf32>
      %dot_general3A_77 = arith.constant dense<0.000000e+00> : vector<8x128xf32>
      %dot_general3A_78 = tpu.matmul %concatenate3A_67, %convert_element_type3A_76, %dot_general3A_77 {dimension_numbers = #tpu.dot_dimension_numbers<[1], [0], [0], [1], [0, 0, 1, 1], [], []>, precision = #tpu.contract_precision<fp32>, transpose_lhs_hint = false} : vector<8x2000xf32>, vector<2000x128xf32>, vector<8x128xf32> -> vector<8x128xf32>
      %eq3A_79 = arith.constant 0 : i32
      %eq3A_80 = arith.cmpi eq, %arg0, %eq3A_79 : i32
      %convert_element_type3A_81 = arith.extui %eq3A_80 : i1 to i32
      %cond3A_82 = arith.constant 0 : i32
      %cond3A_83 = arith.cmpi ne, %convert_element_type3A_81, %cond3A_82 : i32
      scf.if %cond3A_83 {
        %swap3A_88 = arith.constant 0 : index
        %swap3A_89 = arith.constant 0 : index
        %swap3A_90 = vector.load %arg14[%swap3A_88, %swap3A_89] : memref<8x128xf32, #tpu.memory_space<vmem>>, vector<8x128xf32>
        tpu.vector_store %arg14[%swap3A_88, %swap3A_89], %dot_general3A_78 {strides = array<i32>} : memref<8x128xf32, #tpu.memory_space<vmem>>, vector<8x128xf32>,
      } else {
      }
      %gt3A = arith.constant 0 : i32
      %gt3A_84 = arith.cmpi sgt, %arg0, %gt3A : i32
      %convert_element_type3A_85 = arith.extui %gt3A_84 : i1 to i32
      %cond3A_86 = arith.constant 0 : i32
      %cond3A_87 = arith.cmpi ne, %convert_element_type3A_85, %cond3A_86 : i32
      scf.if %cond3A_87 {
        %get3A_88 = arith.constant 0 : index
        %get3A_89 = arith.constant 0 : index
        %get3A_90 = vector.load %arg14[%get3A_88, %get3A_89] : memref<8x128xf32, #tpu.memory_space<vmem>>, vector<8x128xf32>
        %add3A_91 = arith.addf %get3A_90, %dot_general3A_78 : vector<8x128xf32>
        %swap3A_92 = arith.constant 0 : index
        %swap3A_93 = arith.constant 0 : index
        %swap3A_94 = vector.load %arg14[%swap3A_92, %swap3A_93] : memref<8x128xf32, #tpu.memory_space<vmem>>, vector<8x128xf32>
        tpu.vector_store %arg14[%swap3A_92, %swap3A_93], %add3A_91 {strides = array<i32>} : memref<8x128xf32, #tpu.memory_space<vmem>>, vector<8x128xf32>,
      } else {
      }
    } else {
    }
    %ge3A = arith.constant 5 : i32
    %ge3A_2 = arith.cmpi sge, %arg0, %ge3A : i32
    %convert_element_type3A_3 = arith.extui %ge3A_2 : i1 to i32
    %cond3A_4 = arith.constant 0 : i32
    %cond3A_5 = arith.cmpi ne, %convert_element_type3A_3, %cond3A_4 : i32
    scf.if %cond3A_5 {
      %sub3A = arith.constant 5 : i32
      %sub3A_6 = arith.subi %arg0, %sub3A : i32
      %get3A = arith.constant 0 : index
      %get3A_7 = arith.constant 0 : index
      %get3A_8 = vector.load %arg14[%get3A, %get3A_7] : memref<8x128xf32, #tpu.memory_space<vmem>>, vector<8x128xf32>
      %slice3A = vector.extract_strided_slice %get3A_8 {offsets = [2, 0], sizes = [1, 128], strides = [1, 1]} : vector<8x128xf32> to vector<1x128xf32>
      %max3A = arith.constant 1.000000e+00 : f32
      %max3A_9 = vector.broadcast %max3A : f32 to vector<1x128xf32>
      %max3A_10 = arith.maximumf %slice3A, %max3A_9 : vector<1x128xf32>
      %mul3A = arith.constant 2.560000e+02 : f32
      %mul3A_11 = vector.broadcast %mul3A : f32 to vector<1x128xf32>
      %mul3A_12 = arith.mulf %max3A_10, %mul3A_11 : vector<1x128xf32>
      %slice3A_13 = vector.extract_strided_slice %get3A_8 {offsets = [0, 0], sizes = [1, 128], strides = [1, 1]} : vector<8x128xf32> to vector<1x128xf32>
      %div3A = arith.divf %slice3A_13, %mul3A_12 : vector<1x128xf32>
      %slice3A_14 = vector.extract_strided_slice %get3A_8 {offsets = [1, 0], sizes = [1, 128], strides = [1, 1]} : vector<8x128xf32> to vector<1x128xf32>
      %div3A_15 = arith.divf %slice3A_14, %mul3A_12 : vector<1x128xf32>
      %mul3A_16 = arith.mulf %div3A, %div3A : vector<1x128xf32>
      %sub3A_17 = arith.subf %div3A_15, %mul3A_16 : vector<1x128xf32>
      %add3A = arith.constant 9.99999974E-6 : f32
      %add3A_18 = vector.broadcast %add3A : f32 to vector<1x128xf32>
      %add3A_19 = arith.addf %sub3A_17, %add3A_18 : vector<1x128xf32>
      %rsqrt3A = math.rsqrt %add3A_19 : vector<1x128xf32>
      %get3A_20 = arith.constant 0 : index
      %get3A_21 = arith.constant 0 : index
      %get3A_22 = arith.constant 0 : index
      %get3A_23 = vector.load %arg9[%get3A_20, %get3A_21, %get3A_22] : memref<1x1x2000xi32, #tpu.memory_space<vmem>>, vector<1x1x2000xi32>
      %get3A_24 = vector.shape_cast %get3A_23 : vector<1x1x2000xi32> to vector<2000xi32>
      %iota3A = tpu.iota {dimensions = array<i32: 1>} : vector<2000x128xi32>
      %broadcast_in_dim3A = vector.shape_cast %get3A_24 : vector<2000xi32> to vector<2000x1xi32>
      %eq3A = vector.broadcast %broadcast_in_dim3A : vector<2000x1xi32> to vector<2000x128xi32>
      %eq3A_25 = arith.cmpi eq, %eq3A, %iota3A : vector<2000x128xi32>
      %convert_element_type3A_26 = arith.extui %eq3A_25 : vector<2000x128xi1> to vector<2000x128xi32>
      %convert_element_type3A_27 = arith.sitofp %convert_element_type3A_26 : vector<2000x128xi32> to vector<2000x128xf32>
      %dot_general3A = arith.constant dense<0.000000e+00> : vector<2000x1xf32>
      %dot_general3A_28 = tpu.matmul %convert_element_type3A_27, %div3A, %dot_general3A {dimension_numbers = #tpu.dot_dimension_numbers<[1], [1], [0], [0], [0, 0, 1, 0], [], []>, precision = #tpu.contract_precision<fp32>, transpose_lhs_hint = false} : vector<2000x128xf32>, vector<1x128xf32>, vector<2000x1xf32> -> vector<2000x1xf32>
      %dot_general3A_29 = arith.constant dense<0.000000e+00> : vector<2000x1xf32>
      %dot_general3A_30 = tpu.matmul %convert_element_type3A_27, %rsqrt3A, %dot_general3A_29 {dimension_numbers = #tpu.dot_dimension_numbers<[1], [1], [0], [0], [0, 0, 1, 0], [], []>, precision = #tpu.contract_precision<fp32>, transpose_lhs_hint = false} : vector<2000x128xf32>, vector<1x128xf32>, vector<2000x1xf32> -> vector<2000x1xf32>
      %mul3A_31 = arith.constant 2000 : i32
      %mul3A_32 = arith.muli %sub3A_6, %mul3A_31 : i32
      %get3A_33 = arith.index_cast %mul3A_32 : i32 to index
      %get3A_34 = arith.constant 0 : index
      %get3A_35 = vector.load %arg13[%get3A_33, %get3A_34] : memref<10000x256xf32, #tpu.memory_space<vmem>>, vector<2000x256xf32>
      %sub3A_36 = vector.broadcast %dot_general3A_28 : vector<2000x1xf32> to vector<2000x256xf32>
      %sub3A_37 = arith.subf %get3A_35, %sub3A_36 : vector<2000x256xf32>
      %mul3A_38 = vector.broadcast %dot_general3A_30 : vector<2000x1xf32> to vector<2000x256xf32>
      %mul3A_39 = arith.mulf %sub3A_37, %mul3A_38 : vector<2000x256xf32>
      %get3A_40 = arith.constant 0 : index
      %get3A_41 = arith.constant 0 : index
      %get3A_42 = vector.load %arg10[%get3A_40, %get3A_41] : memref<1x256xf32, #tpu.memory_space<vmem>>, vector<1x256xf32>
      %mul3A_43 = vector.broadcast %get3A_42 : vector<1x256xf32> to vector<2000x256xf32>
      %mul3A_44 = arith.mulf %mul3A_39, %mul3A_43 : vector<2000x256xf32>
      %get3A_45 = arith.constant 0 : index
      %get3A_46 = arith.constant 0 : index
      %get3A_47 = vector.load %arg11[%get3A_45, %get3A_46] : memref<1x256xf32, #tpu.memory_space<vmem>>, vector<1x256xf32>
      %add3A_48 = vector.broadcast %get3A_47 : vector<1x256xf32> to vector<2000x256xf32>
      %add3A_49 = arith.addf %mul3A_44, %add3A_48 : vector<2000x256xf32>
      %get3A_50 = arith.constant 0 : index
      %get3A_51 = arith.constant 0 : index
      %get3A_52 = vector.load %arg3[%get3A_50, %get3A_51] : memref<2000x256xf32, #tpu.memory_space<vmem>>, vector<2000x256xf32>
      %add3A_53 = arith.addf %add3A_49, %get3A_52 : vector<2000x256xf32>
      %mul3A_54 = arith.constant 5.000000e-01 : f32
      %mul3A_55 = vector.broadcast %mul3A_54 : f32 to vector<2000x256xf32>
      %mul3A_56 = arith.mulf %add3A_53, %mul3A_55 : vector<2000x256xf32>
      %max3A_57 = arith.constant 0.000000e+00 : f32
      %max3A_58 = vector.broadcast %max3A_57 : f32 to vector<2000x256xf32>
      %max3A_59 = arith.maximumf %mul3A_56, %max3A_58 : vector<2000x256xf32>
      %swap3A = arith.constant 0 : index
      %swap3A_60 = arith.constant 0 : index
      %swap3A_61 = vector.load %arg12[%swap3A, %swap3A_60] : memref<2000x256xf32, #tpu.memory_space<vmem>>, vector<2000x256xf32>
      tpu.vector_store %arg12[%swap3A, %swap3A_60], %max3A_59 {strides = array<i32>} : memref<2000x256xf32, #tpu.memory_space<vmem>>, vector<2000x256xf32>,
    } else {
    }
    return
  }
  func.func @transform_0(%arg0: i32) -> (i32, i32) {
    %jit3A = arith.constant 5 : i32
    %eq3A = arith.constant 0 : i32
    %eq3A_0 = arith.cmpi eq, %jit3A, %eq3A : i32
    %jit3A_1 = arith.constant 1 : i32
    %select_n3A = arith.select %eq3A_0, %jit3A_1, %jit3A : i32
    %rem3A = arith.remsi %arg0, %select_n3A : i32
    %ne3A = arith.constant 0 : i32
    %ne3A_2 = arith.cmpi ne, %rem3A, %ne3A : i32
    %lt3A = arith.constant 0 : i32
    %lt3A_3 = arith.cmpi slt, %rem3A, %lt3A : i32
    %lt3A_4 = arith.constant 0 : i32
    %lt3A_5 = arith.cmpi slt, %select_n3A, %lt3A_4 : i32
    %ne3A_6 = arith.xori %lt3A_3, %lt3A_5 : i1
    %and3A = arith.andi %ne3A_6, %ne3A_2 : i1
    %add3A = arith.addi %rem3A, %select_n3A : i32
    %select_n3A_7 = arith.select %and3A, %add3A, %rem3A : i32
    %c0_i32 = arith.constant 0 : i32
    %c0_i32_8 = arith.constant 0 : i32
    return %select_n3A_7, %c0_i32 : i32, i32
  }
  func.func @transform_1(%arg0: i32) -> (i32, i32) {
    %jit3A = arith.constant 5 : i32
    %eq3A = arith.constant 0 : i32
    %eq3A_0 = arith.cmpi eq, %jit3A, %eq3A : i32
    %jit3A_1 = arith.constant 1 : i32
    %select_n3A = arith.select %eq3A_0, %jit3A_1, %jit3A : i32
    %rem3A = arith.remsi %arg0, %select_n3A : i32
    %ne3A = arith.constant 0 : i32
    %ne3A_2 = arith.cmpi ne, %rem3A, %ne3A : i32
    %lt3A = arith.constant 0 : i32
    %lt3A_3 = arith.cmpi slt, %rem3A, %lt3A : i32
    %lt3A_4 = arith.constant 0 : i32
    %lt3A_5 = arith.cmpi slt, %select_n3A, %lt3A_4 : i32
    %ne3A_6 = arith.xori %lt3A_3, %lt3A_5 : i1
    %and3A = arith.andi %ne3A_6, %ne3A_2 : i1
    %add3A = arith.addi %rem3A, %select_n3A : i32
    %select_n3A_7 = arith.select %and3A, %add3A, %rem3A : i32
    %add3A_8 = arith.constant 5 : i32
    %add3A_9 = arith.addi %add3A_8, %select_n3A_7 : i32
    %c0_i32 = arith.constant 0 : i32
    %c0_i32_10 = arith.constant 0 : i32
    return %add3A_9, %c0_i32 : i32, i32
  }
  func.func @transform_2(%arg0: i32) -> (i32, i32) {
    %jit3A = arith.constant 5 : i32
    %eq3A = arith.constant 0 : i32
    %eq3A_0 = arith.cmpi eq, %jit3A, %eq3A : i32
    %jit3A_1 = arith.constant 1 : i32
    %select_n3A = arith.select %eq3A_0, %jit3A_1, %jit3A : i32
    %rem3A = arith.remsi %arg0, %select_n3A : i32
    %ne3A = arith.constant 0 : i32
    %ne3A_2 = arith.cmpi ne, %rem3A, %ne3A : i32
    %lt3A = arith.constant 0 : i32
    %lt3A_3 = arith.cmpi slt, %rem3A, %lt3A : i32
    %lt3A_4 = arith.constant 0 : i32
    %lt3A_5 = arith.cmpi slt, %select_n3A, %lt3A_4 : i32
    %ne3A_6 = arith.xori %lt3A_3, %lt3A_5 : i1
    %and3A = arith.andi %ne3A_6, %ne3A_2 : i1
    %add3A = arith.addi %rem3A, %select_n3A : i32
    %select_n3A_7 = arith.select %and3A, %add3A, %rem3A : i32
    %c0_i32 = arith.constant 0 : i32
    %c0_i32_8 = arith.constant 0 : i32
    return %select_n3A_7, %c0_i32 : i32, i32
  }
  func.func @transform_3(%arg0: i32) -> (i32, i32) {
    %c0_i32 = arith.constant 0 : i32
    %c0_i32_0 = arith.constant 0 : i32
    %c0_i32_1 = arith.constant 0 : i32
    return %c0_i32, %c0_i32_0 : i32, i32
  }
  func.func @transform_4(%arg0: i32) -> (i32, i32) {
    %c0_i32 = arith.constant 0 : i32
    %c0_i32_0 = arith.constant 0 : i32
    %c0_i32_1 = arith.constant 0 : i32
    return %c0_i32, %c0_i32_0 : i32, i32
  }
  func.func @transform_5(%arg0: i32) -> (i32, i32) {
    %c0_i32 = arith.constant 0 : i32
    %c0_i32_0 = arith.constant 0 : i32
    %c0_i32_1 = arith.constant 0 : i32
    return %c0_i32, %c0_i32_0 : i32, i32
  }
  func.func @transform_6(%arg0: i32) -> (i32, i32) {
    %c0_i32 = arith.constant 0 : i32
    %c0_i32_0 = arith.constant 0 : i32
    %c0_i32_1 = arith.constant 0 : i32
    return %c0_i32, %c0_i32_0 : i32, i32
  }
  func.func @transform_7(%arg0: i32) -> (i32, i32) {
    %c0_i32 = arith.constant 0 : i32
    %c0_i32_0 = arith.constant 0 : i32
    %c0_i32_1 = arith.constant 0 : i32
    return %c0_i32, %c0_i32_0 : i32, i32
  }
  func.func @transform_8(%arg0: i32) -> (i32, i32, i32) {
    %jit3A = arith.constant 5 : i32
    %eq3A = arith.constant 0 : i32
    %eq3A_0 = arith.cmpi eq, %jit3A, %eq3A : i32
    %jit3A_1 = arith.constant 1 : i32
    %select_n3A = arith.select %eq3A_0, %jit3A_1, %jit3A : i32
    %rem3A = arith.remsi %arg0, %select_n3A : i32
    %ne3A = arith.constant 0 : i32
    %ne3A_2 = arith.cmpi ne, %rem3A, %ne3A : i32
    %lt3A = arith.constant 0 : i32
    %lt3A_3 = arith.cmpi slt, %rem3A, %lt3A : i32
    %lt3A_4 = arith.constant 0 : i32
    %lt3A_5 = arith.cmpi slt, %select_n3A, %lt3A_4 : i32
    %ne3A_6 = arith.xori %lt3A_3, %lt3A_5 : i1
    %and3A = arith.andi %ne3A_6, %ne3A_2 : i1
    %add3A = arith.addi %rem3A, %select_n3A : i32
    %select_n3A_7 = arith.select %and3A, %add3A, %rem3A : i32
    %c0_i32 = arith.constant 0 : i32
    %c0_i32_8 = arith.constant 0 : i32
    %c0_i32_9 = arith.constant 0 : i32
    return %select_n3A_7, %c0_i32, %c0_i32_8 : i32, i32, i32
  }
  func.func @transform_9(%arg0: i32) -> (i32, i32) {
    %c0_i32 = arith.constant 0 : i32
    %c0_i32_0 = arith.constant 0 : i32
    %c0_i32_1 = arith.constant 0 : i32
    return %c0_i32, %c0_i32_0 : i32, i32
  }
  func.func @transform_10(%arg0: i32) -> (i32, i32) {
    %c0_i32 = arith.constant 0 : i32
    %c0_i32_0 = arith.constant 0 : i32
    %c0_i32_1 = arith.constant 0 : i32
    return %c0_i32, %c0_i32_0 : i32, i32
  }
  func.func @transform_11(%arg0: i32) -> (i32, i32) {
    %jit3A = arith.constant 5 : i32
    %eq3A = arith.constant 0 : i32
    %eq3A_0 = arith.cmpi eq, %jit3A, %eq3A : i32
    %jit3A_1 = arith.constant 1 : i32
    %select_n3A = arith.select %eq3A_0, %jit3A_1, %jit3A : i32
    %rem3A = arith.remsi %arg0, %select_n3A : i32
    %ne3A = arith.constant 0 : i32
    %ne3A_2 = arith.cmpi ne, %rem3A, %ne3A : i32
    %lt3A = arith.constant 0 : i32
    %lt3A_3 = arith.cmpi slt, %rem3A, %lt3A : i32
    %lt3A_4 = arith.constant 0 : i32
    %lt3A_5 = arith.cmpi slt, %select_n3A, %lt3A_4 : i32
    %ne3A_6 = arith.xori %lt3A_3, %lt3A_5 : i1
    %and3A = arith.andi %ne3A_6, %ne3A_2 : i1
    %add3A = arith.addi %rem3A, %select_n3A : i32
    %select_n3A_7 = arith.select %and3A, %add3A, %rem3A : i32
    %c0_i32 = arith.constant 0 : i32
    %c0_i32_8 = arith.constant 0 : i32
    return %select_n3A_7, %c0_i32 : i32, i32
  }
}

</mosaic_0001>

<sc_bundles>
// kernel: kernel.6.cloned.1.call-start
scs
__scs_entry_jumppad:
0x0: {  	(pc) =	sbr.rel $0x88, $3  }
0x1: {  	(tag) =	ssettag $0x0;
	lr =	simm.s32 $0x1  }
0x2: {  	[smem:$0x3F94] =	sst lr;
	_ =	strace $0xD0000000  }
0x3: {  	_ = 	snop  }
0x4: {  	_ = 	snop  }
0x5: {  	_ = 	snop  }
0x6: {  	_ = 	snop  }
0x7: {  	_ = 	snop  }
__scs_overlays_trampoline_lowered:
0x8: {  	[smem:$0x3FA3] =	sst s0  }
0x9: {  	[smem:$0x3FA4] =	sst s1  }
0xa: {  	[smem:$0x3FA5] =	sst s2  }
0xb: {  	[smem:$0x3FA6] =	sst s3  }
0xc: {  	[smem:$0x3FA7] =	sst s4  }
0xd: {  	[smem:$0x3FA8] =	sst s5  }
0xe: {  	[smem:$0x3FA9] =	sst s6  }
0xf: {  	[smem:$0x3FAA] =	sst s7  }
0x10: {  	[smem:$0x3FAB] =	sst s8  }
0x11: {  	[smem:$0x3FAC] =	sst s9;
	s0 =	simm.s32 @!p0 $0x0  }
0x12: {  	s1 =	sld [smem:$0x3F92];
	s0 =	simm.s32 @p0 $0x1  }
0x13: {  	[smem:$0x3FAD] =	sst s0;
	s0 =	simm.s32 @!p1 $0x0  }
0x14: {  	s2 =	sld [smem:$0x3F91];
	s0 =	simm.s32 @p1 $0x1  }
0x15: {  	[smem:$0x3FAE] =	sst s0;
	s0 =	simm.s32 @!p2 $0x0  }
0x16: {  	s3 =	sld [smem:$0x3FDB];
	s0 =	simm.s32 @p2 $0x1  }
0x17: {  	s4 =	simm.s32 $0x1BF5;
	[smem:$0x3FB0] =	sst s0  }
0x18: {  	s0 =	sld [smem:$0x3F93];
	_ =	swait.ge [sflag:s4], $0x0  }
0x19: {  	s7 =	sld [smem:$0x3F94]  }
0x1a: {  	s8 =	sadd.s32 $0xFFFFE003, lr  }
0x1b: {  	s9 =	sadd.s32 $0xFFFFFEF7, lr;
	s5 =	simm.s32 $0xFFFFFFFF;
	p2 =	slt.u32 s8, $0xFFFFF086  }
0x1c: {  	p1 =	slt.u32 s9, $0xF7A;
	s5 =	simm.s32 @!p2 $0x0  }
0x1d: {  	s5 =	simm.s32 @p1 $0x1;
	p0 =	seq.s32 s7, s2  }
0x1e: {  	s7 =	smul.u32 @!p0 $0xF7A, s2;
	p2 =	seq.s32 @!p0 s5, $0x0  }
0x1f: {  	s9 =	smul.u32 $0xF7A, s1;
	s8 =	simm.s32 @!p0 $0x1BF5;
	p2 =	por !p2, p0  }
0x20: {  	[sflag:s8] =	ssyncset.s32 @!p0 $0xFFFFF086;
	s6 =	sadd.s32 @!p0 s3, s7;
	s7 =	simm.s32 @!p0 $0x108  }
0x21: {  	s3 =	sadd.s32 s3, s9;
	s6 =	sadd.s32 @!p0 $0x88, s6;
	s7 =	simm.s32 @p2 $0x1082  }
0x22: {  	[simem:s7], [sflag:s8] =	dma.local @!p0 [hbm:s6], $0xF7A  }
0x23: {  	s9 =	sor.u32 $0xD0000000, s2;
	s6 =	simm.s32 $0x108;
	_ =	swait.ge @!p0 [sflag:s8], $0x0  }
0x24: {  	s3 =	sadd.s32 $0x88, s3;
	s6 =	simm.s32 @!p1 $0x1082;
	[sflag:s4] =	ssyncset.s32 $0xFFFFF086  }
0x25: {  	[simem:s6], [sflag:s4] =	dma.local [hbm:s3], $0xF7A  }
0x26: {  	[smem:$0x3F94] =	sst s1;
	(tag) =	ssettag s2;
	_ =	strace s9  }
0x27: {  	s1 =	sld [smem:$0x3FA4]  }
0x28: {  	s2 =	sld [smem:$0x3FA5]  }
0x29: {  	s4 =	sld [smem:$0x3FA7]  }
0x2a: {  	p0 =	seq.s32 s5, $0x0;
	s5 =	sld [smem:$0x3FA8]  }
0x2b: {  	s6 =	sld [smem:$0x3FA9]  }
0x2c: {  	s7 =	sld [smem:$0x3FAA]  }
0x2d: {  	s3 =	simm.s32 $0x108;
	s8 =	sld [smem:$0x3FAB]  }
0x2e: {  	s3 =	simm.s32 @!p0 $0x1082;
	s9 =	sld [smem:$0x3FAC]  }
0x2f: {  	lr =	sadd.s32 s0, s3;
	s0 =	sld [smem:$0x3FA3]  }
0x30: {  	s3 =	sld [smem:$0x3FA6]  }
0x31: {  	[smem:$0x3FAF] =	sst s10  }
0x32: {  	s10 =	sld [smem:$0x3FAD];
	_ =	sdelay $0x3  }
0x33: {  	p0 =	seq.s32 s10, $0x1;
	s10 =	sld [smem:$0x3FAF];
	_ =	sdelay $0x3  }
0x34: {  	[smem:$0x3FAF] =	sst s10  }
0x35: {  	s10 =	sld [smem:$0x3FAE];
	_ =	sdelay $0x3  }
0x36: {  	p1 =	seq.s32 s10, $0x1;
	s10 =	sld [smem:$0x3FAF];
	_ =	sdelay $0x3  }
0x37: {  	[smem:$0x3FAF] =	sst s10  }
0x38: {  	s10 =	sld [smem:$0x3FB0]  }
0x39: {  	_ = 	snop;
	(pc) =	sbr.ind lr, $3  }
0x3a: {  	_ = 	snop  }
0x3b: {  	_ = 	snop  }
0x3c: {  	p2 =	seq.s32 s10, $0x1;
	s10 =	sld [smem:$0x3FAF]  }
0x3d: {  	_ =	shalt  }
0x3e: {  	_ =	shalt  }
0x3f: {  	_ =	shalt  }
0x40: {  	_ =	shalt  }
0x41: {  	_ =	shalt  }
0x42: {  	_ =	shalt  }
0x43: {  	_ =	shalt  }
0x44: {  	_ =	shalt  }
0x45: {  	_ =	shalt  }
0x46: {  	_ =	shalt  }
0x47: {  	_ =	shalt  }
0x48: {  	_ =	shalt  }
0x49: {  	_ =	shalt  }
0x4a: {  	_ =	shalt  }
0x4b: {  	_ =	shalt  }
0x4c: {  	_ =	shalt  }
0x4d: {  	_ =	shalt  }
0x4e: {  	_ =	shalt  }
0x4f: {  	_ =	shalt  }
0x50: {  	_ =	shalt  }
0x51: {  	_ =	shalt  }
0x52: {  	_ =	shalt  }
0x53: {  	_ =	shalt  }
0x54: {  	_ =	shalt  }
0x55: {  	_ =	shalt  }
0x56: {  	_ =	shalt  }
0x57: {  	_ =	shalt  }
0x58: {  	_ =	shalt  }
0x59: {  	_ =	shalt  }
0x5a: {  	_ =	shalt  }
0x5b: {  	_ =	shalt  }
0x5c: {  	_ =	shalt  }
0x5d: {  	_ =	shalt  }
0x5e: {  	_ =	shalt  }
0x5f: {  	_ =	shalt  }
0x60: {  	_ =	shalt  }
0x61: {  	_ =	shalt  }
0x62: {  	_ =	shalt  }
0x63: {  	_ =	shalt  }
0x64: {  	_ =	shalt  }
0x65: {  	_ =	shalt  }
0x66: {  	_ =	shalt  }
0x67: {  	_ =	shalt  }
0x68: {  	_ =	shalt  }
0x69: {  	_ =	shalt  }
0x6a: {  	_ =	shalt  }
0x6b: {  	_ =	shalt  }
0x6c: {  	_ =	shalt  }
0x6d: {  	_ =	shalt  }
0x6e: {  	_ =	shalt  }
0x6f: {  	_ =	shalt  }
0x70: {  	_ =	shalt  }
0x71: {  	_ =	shalt  }
0x72: {  	_ =	shalt  }
0x73: {  	_ =	shalt  }
0x74: {  	_ =	shalt  }
0x75: {  	_ =	shalt  }
0x76: {  	_ =	shalt  }
0x77: {  	_ =	shalt  }
0x78: {  	_ =	shalt  }
0x79: {  	_ =	shalt  }
0x7a: {  	_ =	shalt  }
0x7b: {  	_ =	shalt  }
0x7c: {  	_ =	shalt  }
0x7d: {  	_ =	shalt  }
0x7e: {  	_ =	shalt  }
0x7f: {  	_ =	shalt  }
0x80: {  	_ =	shalt  }
0x81: {  	_ =	shalt  }
0x82: {  	_ =	shalt  }
0x83: {  	_ =	shalt  }
0x84: {  	_ =	shalt  }
0x85: {  	_ =	shalt  }
0x86: {  	_ =	shalt  }
0x87: {  	_ =	shalt  }
.Lfunc_end0:
.L_simem_size_0:
called_computation_lowered:
.L_overlay_start_0:
0x88: {  	s2 =	sld [smem:$0x3FD9]  }
0x89: {  	s3 =	sld [smem:$0x3FFE];
	_ =	sdelay $0x1  }
0x8a: {  	s1 =	srdreg.scid  }
0x8b: {  	s0 =	sand.u32 $0x1, s1  }
0x8c: {  	s17 =	sshll.u32 s0, $0xA;
	s2 =	sadd.s32 s3, s2  }
0x8d: {  	s2 =	sadd.s32 s2, s17  }
0x8e: {  	[smem:$0x3FBB] =	sst s2  }
0x8f: {  	_ = 	snop  }
0x90: {  	s2 =	sld [smem:$0x3FD0];
	(tm) =	ssettm $0x1  }
0x91: {  	s18 =	sld [smem:$0x3FFB];
	_ =	sdelay $0x3  }
0x92: {  	_ =	strace s18  }
0x93: {  	s3 =	sld [smem:$0x3FFC];
	_ =	sdelay $0x3  }
0x94: {  	_ =	strace s3  }
0x95: {  	s3 =	sld [smem:$0x3FFD];
	_ =	sdelay $0x3  }
0x96: {  	_ =	strace s3  }
0x97: {  	_ =	strace $0x8FFFFFFF  }
0x98: {  	s19 =	sld [smem:$0x3FDB];
	_ =	sdelay $0x1  }
0x99: {  	s4 =	simm.s32 $_scs_section_size  }
0x9a: {  	s5 =	simm.s32 $_size__tile_overlayer_lowered;
	s6 =	simm.s32 $_tile_overlayer_lowered  }
0x9b: {  	s22 =	simm.s32 $0x1BFF;
	s21 =	sshll.u32 s6, $0x1;
	s3 =	sadd.s32 s4, s19  }
0x9c: {  	s7 =	simm.s32 $0x0;
	s20 =	sshll.u32 s5, $0x1;
	s5 =	sadd.s32 s21, s3  }
0x9d: {  	[timem:s7], [sflag:s22] =	dma.local [hbm:s5], s20  }
0x9e: {  	_ =	swait.ge [sflag:s22], s20  }
0x9f: {  	s4 =	ssub.s32 $0x0, s20;
	[sflag:s22] =	ssyncset.done $0x0  }
0xa0: {  	[sflag:s22] =	ssyncadd.s32 s4;
	_ =	sdelay $0x1  }
0xa1: {  	s23 =	simm.s32 $0x1B8B  }
0xa2: {  	_ =	swait.ge [sflag:s23], $0x1  }
0xa3: {  	[sflag:s23] =	ssyncset.done $0x0  }
0xa4: {  	s25 =	simm.s32 $0x1B8E;
	s24 =	sld [smem:$0x3FFE];
	[sflag:s23] =	ssyncadd.s32 $0xFFFFFFFF  }
0xa5: {  	s26 =	simm.s32 $execute0_lowered;
	[smem:$0x3FD2] =	sst s25  }
0xa6: {  	s5 =	sshll.u32 s26, $0x1;
	_ =	strace $0x80000046;
	[dreg:$0x1] =	wrdreg $0xFFFFFFFF  }
0xa7: {  	s28 =	simm.s32 $_size_execute0_lowered;
	s3 =	sadd.s32 s3, s5;
	[dreg:$0x0] =	wrdreg $0x0  }
0xa8: {  	s5 =	sshll.u32 s28, $0x1;
	[dreg:$0x2] =	wrdreg s3  }
0xa9: {  	[dreg:$0x3] =	wrdreg s5  }
0xaa: {  	[dreg:$0x4] =	wrdreg $0xC0  }
0xab: {  	_ =	task [dreg:s7], $0x5FFFF  }
0xac: {  	[dreg:$0x1] =	wrdreg $0xFFFFFFFF  }
0xad: {  	[dreg:$0x0] =	wrdreg $0x60  }
0xae: {  	[dreg:$0x2] =	wrdreg s2  }
0xaf: {  	[dreg:$0x3] =	wrdreg s24  }
0xb0: {  	[dreg:$0x4] =	wrdreg $0x7B000  }
0xb1: {  	[dreg:$0x5] =	wrdreg $0x9  }
0xb2: {  	_ =	task.clear_ibuf [dreg:s7], $0x6FFFF;
	_ =	strace $0x90000046  }
0xb3: {  	s29 =	simm.s32 $0x9;
	_ =	strace $0x80000048  }
0xb4: {  	_ =	swait.ge [sflag:s29], $0x1  }
0xb5: {  	[sflag:s29] =	ssyncadd.s32 $0xFFFFFFFF  }
0xb6: {  	_ =	strace $0x90000048  }
0xb7: {  	_ =	sfence  }
0xb8: {  	s30 =	sld [smem:$0x0];
	_ =	sdelay $0x2  }
0xb9: {  	s31 =	sshll.u32 s1, $0xD;
	s1 =	sshrl.u32 s1, $0x2  }
0xba: {  	s3 =	sand.u32 $0x4000, s31;
	s1 =	sadd.s32 s1, s30  }
0xbb: {  	s0 =	sor.u32 s3, s0;
	s1 =	sshll.u32 s1, $0x11  }
0xbc: {  	s0 =	sor.u32 s1, s0  }
0xbd: {  	s0 =	sadd.s32 $0x8F2B, s0  }
0xbe: {  	[sflag:s0] =	ssyncadd.remote.s32 $0x1  }
0xbf: {  	_ =	sfence.sel $0xFFFF  }
0xc0: {  	[dreg:$0x0] =	wrdreg $0xFFFFFFFF;
	(pc) =	sbr.abs _section_cstart, $3  }
0xc1: {  	[dreg:$0x1] =	wrdreg $0xFFFFFFFF  }
0xc2: {  	_ =	task.clear_ibuf [dreg:s7], $0x2FFFF;
	_ =	strace $0x9FFFFFFF  }
0xc3: {  	(tm) =	ssettm $0x7FFFFFFF  }
tec
execute0_lowered:
.L_overlay_start_1:
0x0: {  	(tag) =	ssettag $0x1  }
0x1: {  	s1 =	rddreg [dreg:$0x0]  }
0x2: {  	s0 =	rddreg [dreg:$0x1]  }
0x3: {  	s2 =	rddreg [dreg:$0x2];
	s3 =	simm.s32 $0x0  }
0x4: {  	s4 =	srdreg.scid;
	s16 =	stileid.u32;
	s29 =	simm.s32 $0x3F00  }
0x5: {  	s30 =	simm.s32 $0x4;
	[smem:$0x7FF] =	sst s3;
	s12 =	smul.u32 $0x7D00, s16  }
0x6: {  	s5 =	sadd.s32 $0x2A2000, s0;
	s4 =	sand.u32 $0x1, s4;
	s17 =	smul.u32 $0x4E000, s16  }
0x7: {  	s6 =	sadd.s32 $0x2200, s0;
	s19 =	smul.u32 $0x2700, s16;
	s8 =	sshll.u32 s4, $0x4  }
0x8: {  	s7 =	sadd.s32 $0x21600, s0;
	s21 =	smul.u32 $0x27100, s4;
	s8 =	sor.u32 s16, s8  }
0x9: {  	s0 =	sadd.s32 $0x31000, s0;
	s14 =	sshll.u32 s16, $0x8;
	s11 =	smul.u32 $0x7D00, s8  }
0xa: {  	_ =	strace $0x80000047;
	s9 =	ssub.s32 $0x2, s4;
	s4 =	smul.u32 $0x138800, s4  }
0xb: {  	s13 =	sand.u32 $0x300, s14;
	s12 =	sand.u32 $0x7FC00, s12;
	s11 =	sand.u32 $0xFFC00, s11  }
0xc: {  	s15 =	sor.u32 s13, s12;
	s4 =	sshrl.u32 s4, $0x3;
	s14 =	sor.u32 s13, s11  }
0xd: {  	s15 =	sshrl.u32 s15, $0x3;
	s13 =	sor.u32 $0x80, s13;
	s14 =	sshrl.u32 s14, $0x3  }
0xe: {  	s18 =	sor.u32 s12, s13;
	s12 =	sadd.s32 s19, s21;
	s14 =	sadd.s32 s6, s14  }
0xf: {  	s11 =	sor.u32 s13, s11;
	s12 =	sadd.s32 s0, s12;
	[dreg:$0x4] =	wrdreg s14  }
0x10: {  	s11 =	sshrl.u32 s11, $0x3;
	s14 =	sadd.s32 s7, s15;
	[dreg:$0xe] =	wrdreg s12  }
0x11: {  	s0 =	sadd.s32 s0, s4;
	s11 =	sadd.s32 s6, s11;
	[dreg:$0x5] =	wrdreg s14  }
0x12: {  	s20 =	sshrl.u32 s17, $0x2;
	s0 =	sadd.s32 $0x27000, s0;
	[dreg:$0x6] =	wrdreg s11  }
0x13: {  	s31 =	simm.s32 $0x6;
	s15 =	sadd.s32 s20, s2;
	[dreg:$0x11] =	wrdreg s0  }
0x14: {  	s22 =	smul.u32 $0x2710, s16;
	s13 =	sadd.s32 $0x1400, s15;
	[dreg:$0x8] =	wrdreg s15  }
0x15: {  	p0 =	sne.s32 s16, $0xF;
	s23 =	sadd.s32 $0x2800, s15;
	[dreg:$0x9] =	wrdreg s13  }
0x16: {  	s10 =	sshrl.u32 s9, $0x1;
	s24 =	sadd.s32 $0x3C00, s15;
	[dreg:$0xa] =	wrdreg s23  }
0x17: {  	s10 =	ssub.s32 s9, s10;
	s25 =	sadd.s32 $0x5000, s15;
	[dreg:$0xb] =	wrdreg s24  }
0x18: {  	s8 =	smul.u32 $0xFA, s8;
	s26 =	sadd.s32 $0x6400, s15;
	[dreg:$0xc] =	wrdreg s25  }
0x19: {  	s9 =	smul.u32 $0xFA, s16;
	s12 =	sadd.s32 $0x7800, s15;
	[dreg:$0xd] =	wrdreg s26  }
0x1a: {  	s16 =	simm.s32 $0x0;
	s14 =	smax.u32 s10, $0x1;
	[dreg:$0xf] =	wrdreg s12  }
0x1b: {  	s4 =	simm.s32 $0x3;
	s17 =	sadd.s32 $0x8C00, s15;
	[dreg:$0x12] =	wrdreg s14  }
0x1c: {  	s11 =	sshrl.u32 s18, $0x3;
	s18 =	sadd.s32 $0xA000, s15;
	[dreg:$0x13] =	wrdreg s17  }
0x1d: {  	s19 =	sadd.s32 $0xB400, s15;
	s20 =	sadd.s32 $0xC800, s15;
	[dreg:$0x14] =	wrdreg s18  }
0x1e: {  	s0 =	simm.s32 $0x9;
	s10 =	simm.s32 $0x8;
	[dreg:$0x15] =	wrdreg s19  }
0x1f: {  	s11 =	sadd.s32 s7, s11;
	[dreg:$0x16] =	wrdreg s20;
	s24 =	sadd.s32 $0x10400, s15  }
0x20: {  	s25 =	sadd.s32 $0x11800, s15;
	s26 =	sadd.s32 $0x12C00, s15;
	s17 =	simm.s32 $0x5300  }
0x21: {  	s18 =	simm.s32 $0xA;
	s19 =	simm.s32 $0x1;
	[dreg:$0x7] =	wrdreg s11  }
0x22: {  	s20 =	simm.s32 $0x28;
	s12 =	simm.s32 $0x7;
	[dreg:$0x19] =	wrdreg s24  }
0x23: {  	s14 =	simm.s32 $0x6700;
	s11 =	sadd.s32 s22, s21;
	[dreg:$0x1a] =	wrdreg s25  }
.Ltmp0:
0x24: {  	s21 =	sadd.s32 $0xDC00, s15;
	[dreg:$0x1b] =	wrdreg s26;
	(pc) =	sbr.rel .LBB2_1-.Ltmp0, $4  }
0x25: {  	s22 =	sadd.s32 $0xF000, s15;
	s28 =	sshll.u32 s11, $0x4;
	[dreg:$0x17] =	wrdreg s21  }
0x26: {  	s24 =	simm.s32 $0x2;
	[dreg:$0x18] =	wrdreg s22;
	s13 =	sadd.s32 s5, s28  }
0x27: {  	s25 =	simm.s32 $0x100;
	s28 =	sadd.s32 $0x138000, s2;
	[dreg:$0x10] =	wrdreg s13  }
0x28: {  	v0 =	vimm.f32 $0.0e+00;
	s23 =	sadd.s32 $0x28, s11;
	s11 =	simm.s32 $0x5;
	[dreg:$0x1c] =	wrdreg s28  }
.LBB2_53:
0x29: {  	_ =	swait.ge [sflag:s0], $0x1400  }
0x2a: {  	[sflag:s0] =	ssyncset.done $0x0  }
0x2b: {  	[sflag:s0] =	ssyncadd.s32 $0xFFFFEC00  }
0x2c: {  	s13 =	stileid.u32;
	[bflag:$0x0] =	sbarrier.arrive $0xFFFF  }
0x2d: {  	s13 =	sshll.u32 s13, $0x6;
	s15 =	rddreg [dreg:$0x8]  }
0x2e: {  	s13 =	sor.u32 $0x1C0A, s13;
	s16 =	rddreg [dreg:$0xe];
	s15 =	sshrl.u32 s15, $0x3  }
0x2f: {  	[hbm:s16], [sflag:s13] =	dma.local [spmem:s15], $0x2700  }
0x30: {  	_ =	swait.ge [sflag:s18], $0x2700  }
0x31: {  	[sflag:s18] =	ssyncset.done $0x0;
	s15 =	rddreg [dreg:$0x1c]  }
0x32: {  	s16 =	rddreg [dreg:$0x11];
	[sflag:s18] =	ssyncadd.s32 $0xFFFFD900;
	s15 =	sshrl.u32 @!p0 s15, $0x3  }
0x33: {  	[hbm:s16], [sflag:s13] =	dma.local @!p0 [spmem:s15], $0x100  }
0x34: {  	s13 =	simm.s32 @!p0 $0xA  }
0x35: {  	_ =	swait.ge @!p0 [sflag:s13], $0x100  }
0x36: {  	s26 =	rddreg [dreg:$0x1d]  }
0x37: {  	s28 =	rddreg [dreg:$0x12];
	s16 =	sadd.s32 $0x1, s26  }
0x38: {  	p1 =	sne.s32 s16, s28  }
.Ltmp1:
0x39: {  	_ = 	snop;
	(pc) =	sbr.rel @!p1 .LBB2_54-.Ltmp1, $3  }
0x3a: {  	_ =	sdelay $0x1  }
0x3b: {  	[sflag:s13] =	ssyncset.done @!p0 $0x0  }
0x3c: {  	[sflag:s13] =	ssyncadd.s32 @!p0 $0xFFFFFF00  }
.LBB2_1:
0x3d: {  	[dreg:$0x1d] =	wrdreg s16  }
0x3e: {  	s13 =	rddreg [dreg:$0x4]  }
0x3f: {  	s16 =	rddreg [dreg:$0x5]  }
0x40: {  	[tilespmem:s3], [sflag:$0x1] =	stream.linear.gather [hbm4b:s13+s3], $0x80, $0x38;
	[tilespmem:$0x1B380] =	vst v63  }
0x41: {  	s15 =	simm.s32 $0x180;
	s21 =	rddreg [dreg:$0x6]  }
0x42: {  	[tilespmem:s15], [sflag:$0x1] =	stream.linear.gather [hbm4b:s16+s3], $0x80, $0x38;
	[tilespmem:$0x1B380] =	vst v63  }
0x43: {  	s22 =	simm.s32 $0x80;
	s26 =	rddreg [dreg:$0x7]  }
0x44: {  	[tilespmem:s22], [sflag:$0x2] =	stream.linear.gather [hbm4b:s21+s3], $0x80, $0x38;
	[tilespmem:$0x1B380] =	vst v63  }
0x45: {  	s28 =	simm.s32 $0x200;
	s13 =	simm.s32 $0x0;
	s15 =	simm.s32 $0x200  }
0x46: {  	[tilespmem:s28], [sflag:$0x2] =	stream.linear.gather [hbm4b:s26+s3], $0x80, $0x38;
	[tilespmem:$0x1B380] =	vst v63  }
.LBB2_2:
0x47: {  	p1 =	sne.s32 s15, $0x4E00;
	[tilespmem:s13+$0x5370] =	vst v0  }
0x48: {  	[tilespmem:s13+$0x5300] =	vst v0  }
0x49: {  	[tilespmem:s13+$0x5310] =	vst v0  }
.Ltmp2:
0x4a: {  	[tilespmem:s13+$0x5320] =	vst v0;
	(pc) =	sbr.rel @p1 .LBB2_2-.Ltmp2, $4  }
0x4b: {  	[tilespmem:s13+$0x5330] =	vst v0  }
0x4c: {  	[tilespmem:s13+$0x5340] =	vst v0  }
0x4d: {  	[tilespmem:s13+$0x5350] =	vst v0  }
0x4e: {  	[tilespmem:s13+$0x5360] =	vst v0;
	s13 =	sshra.s32 s15, $0x2;
	s15 =	sadd.s32 $0x200, s15  }
0x4f: {  	[tilespmem:s13+$0x5370] =	vst v0  }
0x50: {  	[tilespmem:s13+$0x5300] =	vst v0  }
0x51: {  	[tilespmem:s13+$0x5310] =	vst v0  }
0x52: {  	[tilespmem:s13+$0x5320] =	vst v0  }
0x53: {  	[tilespmem:s13+$0x5330] =	vst v0  }
0x54: {  	[tilespmem:s13+$0x5340] =	vst v0  }
0x55: {  	[tilespmem:s13+$0x5350] =	vst v0  }
0x56: {  	[tilespmem:s13+$0x5360] =	vst v0;
	s28 =	rddreg [dreg:$0x8]  }
0x57: {  	[spmem:s28] =	stream.linear.scatter [tilespmem:s17], [sflag:$0xA], $0x1400, $0x38;
	[tilespmem:$0x1B380] =	vst v63  }
0x58: {  	_ =	swait.ge [sflag:s18], $0x1400  }
0x59: {  	[sflag:s18] =	ssyncset.done $0x0  }
0x5a: {  	s15 =	rddreg [dreg:$0x9];
	[sflag:s18] =	ssyncadd.s32 $0xFFFFEC00  }
0x5b: {  	[spmem:s15] =	stream.linear.scatter [tilespmem:s17], [sflag:$0xA], $0x1400, $0x38;
	[tilespmem:$0x1B380] =	vst v63  }
0x5c: {  	_ =	swait.ge [sflag:s18], $0x1400  }
0x5d: {  	[sflag:s18] =	ssyncset.done $0x0  }
0x5e: {  	s16 =	rddreg [dreg:$0xa];
	[sflag:s18] =	ssyncadd.s32 $0xFFFFEC00  }
0x5f: {  	[spmem:s16] =	stream.linear.scatter [tilespmem:s17], [sflag:$0xA], $0x1400, $0x38;
	[tilespmem:$0x1B380] =	vst v63  }
0x60: {  	_ =	swait.ge [sflag:s18], $0x1400  }
0x61: {  	[sflag:s18] =	ssyncset.done $0x0  }
0x62: {  	s21 =	rddreg [dreg:$0xb];
	[sflag:s18] =	ssyncadd.s32 $0xFFFFEC00  }
0x63: {  	[spmem:s21] =	stream.linear.scatter [tilespmem:s17], [sflag:$0xA], $0x1400, $0x38;
	[tilespmem:$0x1B380] =	vst v63  }
0x64: {  	_ =	swait.ge [sflag:s18], $0x1400  }
0x65: {  	[sflag:s18] =	ssyncset.done $0x0  }
0x66: {  	s22 =	rddreg [dreg:$0xc];
	[sflag:s18] =	ssyncadd.s32 $0xFFFFEC00  }
0x67: {  	[spmem:s22] =	stream.linear.scatter [tilespmem:s17], [sflag:$0xA], $0x1400, $0x38;
	[tilespmem:$0x1B380] =	vst v63  }
0x68: {  	_ =	swait.ge [sflag:s18], $0x1400  }
0x69: {  	[sflag:s18] =	ssyncset.done $0x0  }
0x6a: {  	s26 =	rddreg [dreg:$0xd];
	[sflag:s18] =	ssyncadd.s32 $0xFFFFEC00  }
0x6b: {  	[spmem:s26] =	stream.linear.scatter [tilespmem:s17], [sflag:$0xA], $0x1400, $0x38;
	[tilespmem:$0x1B380] =	vst v63  }
0x6c: {  	_ =	swait.ge [sflag:s18], $0x1400  }
0x6d: {  	[sflag:s18] =	ssyncset.done $0x0  }
0x6e: {  	s28 =	rddreg [dreg:$0xf];
	[sflag:s18] =	ssyncadd.s32 $0xFFFFEC00  }
0x6f: {  	[spmem:s28] =	stream.linear.scatter [tilespmem:s17], [sflag:$0xA], $0x1400, $0x38;
	[tilespmem:$0x1B380] =	vst v63  }
0x70: {  	_ =	swait.ge [sflag:s18], $0x1400  }
0x71: {  	[sflag:s18] =	ssyncset.done $0x0  }
0x72: {  	s15 =	rddreg [dreg:$0x13];
	[sflag:s18] =	ssyncadd.s32 $0xFFFFEC00  }
0x73: {  	[spmem:s15] =	stream.linear.scatter [tilespmem:s17], [sflag:$0xA], $0x1400, $0x38;
	[tilespmem:$0x1B380] =	vst v63  }
0x74: {  	_ =	swait.ge [sflag:s18], $0x1400  }
0x75: {  	[sflag:s18] =	ssyncset.done $0x0  }
0x76: {  	s16 =	rddreg [dreg:$0x14];
	[sflag:s18] =	ssyncadd.s32 $0xFFFFEC00  }
0x77: {  	[spmem:s16] =	stream.linear.scatter [tilespmem:s17], [sflag:$0xA], $0x1400, $0x38;
	[tilespmem:$0x1B380] =	vst v63  }
0x78: {  	_ =	swait.ge [sflag:s18], $0x1400  }
0x79: {  	[sflag:s18] =	ssyncset.done $0x0  }
0x7a: {  	s21 =	rddreg [dreg:$0x15];
	[sflag:s18] =	ssyncadd.s32 $0xFFFFEC00  }
0x7b: {  	[spmem:s21] =	stream.linear.scatter [tilespmem:s17], [sflag:$0xA], $0x1400, $0x38;
	[tilespmem:$0x1B380] =	vst v63  }
0x7c: {  	_ =	swait.ge [sflag:s18], $0x1400  }
0x7d: {  	[sflag:s18] =	ssyncset.done $0x0  }
0x7e: {  	s22 =	rddreg [dreg:$0x16];
	[sflag:s18] =	ssyncadd.s32 $0xFFFFEC00  }
0x7f: {  	[spmem:s22] =	stream.linear.scatter [tilespmem:s17], [sflag:$0xA], $0x1400, $0x38;
	[tilespmem:$0x1B380] =	vst v63  }
0x80: {  	_ =	swait.ge [sflag:s18], $0x1400  }
0x81: {  	[sflag:s18] =	ssyncset.done $0x0  }
0x82: {  	s26 =	rddreg [dreg:$0x17];
	[sflag:s18] =	ssyncadd.s32 $0xFFFFEC00  }
0x83: {  	[spmem:s26] =	stream.linear.scatter [tilespmem:s17], [sflag:$0xA], $0x1400, $0x38;
	[tilespmem:$0x1B380] =	vst v63  }
0x84: {  	_ =	swait.ge [sflag:s18], $0x1400  }
0x85: {  	[sflag:s18] =	ssyncset.done $0x0  }
0x86: {  	s28 =	rddreg [dreg:$0x18];
	[sflag:s18] =	ssyncadd.s32 $0xFFFFEC00  }
0x87: {  	[spmem:s28] =	stream.linear.scatter [tilespmem:s17], [sflag:$0xA], $0x1400, $0x38;
	[tilespmem:$0x1B380] =	vst v63  }
0x88: {  	_ =	swait.ge [sflag:s18], $0x1400  }
0x89: {  	[sflag:s18] =	ssyncset.done $0x0  }
0x8a: {  	s15 =	rddreg [dreg:$0x19];
	[sflag:s18] =	ssyncadd.s32 $0xFFFFEC00  }
0x8b: {  	[spmem:s15] =	stream.linear.scatter [tilespmem:s17], [sflag:$0xA], $0x1400, $0x38;
	[tilespmem:$0x1B380] =	vst v63  }
0x8c: {  	_ =	swait.ge [sflag:s18], $0x1400  }
0x8d: {  	[sflag:s18] =	ssyncset.done $0x0  }
0x8e: {  	s16 =	rddreg [dreg:$0x1a];
	[sflag:s18] =	ssyncadd.s32 $0xFFFFEC00  }
0x8f: {  	[spmem:s16] =	stream.linear.scatter [tilespmem:s17], [sflag:$0xA], $0x1400, $0x38;
	[tilespmem:$0x1B380] =	vst v63  }
0x90: {  	_ =	swait.ge [sflag:s18], $0x1400  }
0x91: {  	[sflag:s18] =	ssyncset.done $0x0  }
0x92: {  	s21 =	rddreg [dreg:$0x1b];
	[sflag:s18] =	ssyncadd.s32 $0xFFFFEC00  }
0x93: {  	[spmem:s21] =	stream.linear.scatter [tilespmem:s17], [sflag:$0xA], $0xC00, $0x38;
	[tilespmem:$0x1B380] =	vst v63  }
0x94: {  	_ =	swait.ge [sflag:s18], $0xC00  }
0x95: {  	[sflag:s18] =	ssyncset.done $0x0  }
0x96: {  	s13 =	simm.s32 @!p0 $0x5300;
	s15 =	rddreg [dreg:$0x1c];
	[sflag:s18] =	ssyncadd.s32 $0xFFFFF400  }
0x97: {  	[spmem:s15] =	stream.linear.scatter @!p0 [tilespmem:s13], [sflag:$0xA], $0x800, $0x38;
	[tilespmem:$0x1B380] =	vst v63  }
0x98: {  	s13 =	simm.s32 @!p0 $0xA  }
0x99: {  	_ =	swait.ge @!p0 [sflag:s13], $0x800  }
0x9a: {  	[sflag:s13] =	ssyncset.done @!p0 $0x0  }
0x9b: {  	[sflag:s13] =	ssyncadd.s32 @!p0 $0xFFFFF800  }
0x9c: {  	[bflag:$0x0] =	sbarrier.arrive $0xFFFF  }
0x9d: {  	_ =	swait.ge [sflag:s19], $0x80  }
0x9e: {  	[sflag:s19] =	ssyncset.done $0x0  }
0x9f: {  	[sflag:s19] =	ssyncadd.s32 $0xFFFFFF80  }
0xa0: {  	_ =	swait.ge [sflag:s19], $0x80  }
.Ltmp3:
0xa1: {  	[sflag:s19] =	ssyncset.done $0x0;
	(pc) =	sbr.rel .LBB2_4-.Ltmp3, $4  }
0xa2: {  	s22 =	simm.s32 $0x300;
	s16 =	simm.s32 $0x0;
	[sflag:s19] =	ssyncadd.s32 $0xFFFFFF80  }
0xa3: {  	[tilespmem:s22], [sflag:$0x4] =	stream.indirect.gather [hbm4b:s1+s20], $0x80, s16, s20, $0xb8;
	[tilespmem:$0x1B380] =	vst v63  }
0xa4: {  	s28 =	simm.s32 $0x2B00;
	s26 =	rddreg [dreg:$0x10]  }
0xa5: {  	[tilespmem:s28], [sflag:$0x6] =	stream.linear.gather [hbm4b:s26+s16], $0x1400, $0x38;
	[tilespmem:$0x1B380] =	vst v63  }
.LBB2_52:
0xa6: {  	s16 =	sadd.s32 $0x1, s16  }
0xa7: {  	p1 =	sne.s32 s16, $0xFA  }
.Ltmp4:
0xa8: {  	_ = 	snop;
	(pc) =	sbr.rel @!p1 .LBB2_53-.Ltmp4, $1  }
0xa9: {  	_ =	sdelay $0x3  }
.LBB2_4:
0xaa: {  	s13 =	smul.u32 $0xAB, s16;
	_ =	sdelay $0x1  }
0xab: {  	s13 =	sshrl.u32 s13, $0x9  }
0xac: {  	s13 =	sand.u32 $0x7F, s13  }
0xad: {  	s13 =	smul.u32 $0x3, s13;
	_ =	sdelay $0x1  }
0xae: {  	s26 =	ssub.s32 s16, s13  }
0xaf: {  	s15 =	sand.u32 $0x1, s16;
	s13 =	sand.u32 $0xFF, s26  }
0xb0: {  	s21 =	sor.u32 s13, s15  }
0xb1: {  	p1 =	sne.s32 s21, $0x0  }
.Ltmp5:
0xb2: {  	_ = 	snop;
	(pc) =	sbr.rel @p1 .LBB2_12-.Ltmp5, $1  }
0xb3: {  	_ =	sdelay $0x3  }
0xb4: {  	p1 =	seq.s32 s16, $0x0  }
0xb5: {  	p2 =	sgt.u32 @!p1 s16, $0xF7  }
0xb6: {  	p2 =	por p1, !p2  }
.Ltmp6:
0xb7: {  	_ = 	snop;
	(pc) =	sbr.rel @!p2 .LBB2_7-.Ltmp6, $4  }
0xb8: {  	s21 =	simm.s32 @!p1 $0x9  }
0xb9: {  	_ =	swait.ge @!p1 [sflag:s21], $0x1400  }
0xba: {  	[sflag:s21] =	ssyncset.done @!p1 $0x0  }
0xbb: {  	[sflag:s21] =	ssyncadd.s32 @!p1 $0xFFFFEC00  }
0xbc: {  	s21 =	sadd.s32 @!p1 $0x2, s16  }
0xbd: {  	s21 =	simm.s32 @p1 $0x2  }
0xbe: {  	s22 =	sadd.s32 s8, s21  }
0xbf: {  	s22 =	sshll.u32 s22, $0x4  }
.Ltmp7:
0xc0: {  	s21 =	sadd.s32 s9, s21;
	s22 =	sand.u32 $0xFFFFFF0, s22;
	(pc) =	sbr.rel .LBB2_8-.Ltmp7, $4  }
0xc1: {  	s21 =	sshll.u32 s21, $0x4;
	s22 =	sadd.s32 s6, s22  }
0xc2: {  	[tilespmem:s25], [sflag:$0x3] =	stream.linear.gather [hbm4b:s22+s3], $0x80, $0x38;
	[tilespmem:$0x1B380] =	vst v63  }
0xc3: {  	s28 =	simm.s32 $0x280;
	s21 =	sadd.s32 s7, s21  }
0xc4: {  	[tilespmem:s28], [sflag:$0x3] =	stream.linear.gather [hbm4b:s21+s3], $0x80, $0x38;
	[tilespmem:$0x1B380] =	vst v63  }
.LBB2_7:
0xc5: {  	p1 =	seq.s32 s16, $0xF9  }
.Ltmp8:
0xc6: {  	_ = 	snop;
	(pc) =	sbr.rel @p1 .LBB2_9-.Ltmp8, $1  }
0xc7: {  	_ =	sdelay $0x3  }
.LBB2_8:
0xc8: {  	_ =	swait.ge [sflag:s24], $0x80  }
0xc9: {  	[sflag:s24] =	ssyncset.done $0x0  }
0xca: {  	s21 =	smul.u32 $0x28, s16;
	[sflag:s24] =	ssyncadd.s32 $0xFFFFFF80  }
0xcb: {  	_ =	swait.ge [sflag:s24], $0x80  }
0xcc: {  	s22 =	simm.s32 $0x80;
	s21 =	sadd.s32 s21, s23;
	[sflag:s24] =	ssyncset.done $0x0  }
0xcd: {  	s28 =	simm.s32 $0x1700;
	s21 =	sshll.u32 s21, $0x4;
	[sflag:s24] =	ssyncadd.s32 $0xFFFFFF80  }
0xce: {  	[tilespmem:s28], [sflag:$0x5] =	stream.indirect.gather [hbm4b:s1+s20], $0x80, s22, s20, $0xb8;
	[tilespmem:$0x1B380] =	vst v63  }
0xcf: {  	s21 =	sadd.s32 s5, s21  }
0xd0: {  	[tilespmem:s29], [sflag:$0x7] =	stream.linear.gather [hbm4b:s21+s3], $0x1400, $0x38;
	[tilespmem:$0x1B380] =	vst v63  }
.LBB2_9:
0xd1: {  	_ =	swait.ge [sflag:s30], $0x1400  }
0xd2: {  	[sflag:s30] =	ssyncset.done $0x0  }
0xd3: {  	[sflag:s30] =	ssyncadd.s32 $0xFFFFEC00  }
0xd4: {  	_ =	swait.ge [sflag:s31], $0x1400  }
0xd5: {  	[sflag:s31] =	ssyncset.done $0x0  }
0xd6: {  	s21 =	simm.s32 $0x0;
	[sflag:s31] =	ssyncadd.s32 $0xFFFFEC00  }
0xd7: {  	v1 =	vld [tilespmem:s21+$0x370]  }
0xd8: {  	v2 =	vld [tilespmem:s21+$0x2B70]  }
0xd9: {  	v3 =	vld [tilespmem:s21+$0x300]  }
0xda: {  	v4 =	vld [tilespmem:s21+$0x2B00]  }
0xdb: {  	v5 =	vld [tilespmem:s21+$0x310]  }
0xdc: {  	v6 =	vld [tilespmem:s21+$0x2B10]  }
0xdd: {  	v7 =	vld [tilespmem:s21+$0x320]  }
0xde: {  	v1 =	vadd.f32 v2, v1;
	v2 =	vld [tilespmem:s21+$0x2B20]  }
0xdf: {  	v8 =	vld [tilespmem:s21+$0x330]  }
0xe0: {  	v9 =	vld [tilespmem:s21+$0x2B30];
	v3 =	vadd.f32 v4, v3  }
0xe1: {  	v10 =	vld [tilespmem:s21+$0x340];
	v1 =	vmax.f32 v1, $0.0e+00  }
0xe2: {  	[tilespmem:s21+$0x5370] =	vst v1;
	v1 =	vmax.f32 v3, $0.0e+00;
	v3 =	vadd.f32 v6, v5;
	v6 =	vld [tilespmem:s21+$0x2B40]  }
0xe3: {  	v4 =	vld [tilespmem:s21+$0x2B50];
	v2 =	vadd.f32 v2, v7  }
0xe4: {  	[tilespmem:s21+$0x5300] =	vst v1;
	v1 =	vld [tilespmem:s21+$0x350];
	v3 =	vmax.f32 v3, $0.0e+00  }
0xe5: {  	v5 =	vld [tilespmem:s21+$0x2B60];
	v7 =	vadd.f32 v9, v8;
	[tilespmem:s21+$0x5310] =	vst v3;
	v3 =	vmax.f32 v2, $0.0e+00  }
0xe6: {  	s22 =	simm.s32 $0x80;
	v2 =	vld [tilespmem:s21+$0x360];
	[tilespmem:s21+$0x5320] =	vst v3  }
0xe7: {  	s28 =	simm.s32 $0x400;
	v7 =	vmax.f32 v7, $0.0e+00;
	v6 =	vadd.f32 v6, v10;
	v3 =	vld [tilespmem:s22+$0x370]  }
.LBB2_10:
0xe8: {  	p1 =	sne.s32 s28, $0x4E00;
	v8 =	vld [tilespmem:s22+$0x2B70];
	[tilespmem:s21+$0x5330] =	vst v7  }
0xe9: {  	v7 =	vld [tilespmem:s22+$0x300];
	v6 =	vmax.f32 v6, $0.0e+00;
	v1 =	vadd.f32 v4, v1  }
0xea: {  	v4 =	vld [tilespmem:s22+$0x2B00];
	[tilespmem:s21+$0x5340] =	vst v6  }
0xeb: {  	v6 =	vld [tilespmem:s22+$0x310];
	v1 =	vmax.f32 v1, $0.0e+00;
	v2 =	vadd.f32 v5, v2  }
0xec: {  	v5 =	vld [tilespmem:s22+$0x2B10];
	[tilespmem:s21+$0x5350] =	vst v1  }
0xed: {  	v1 =	vld [tilespmem:s22+$0x320];
	v3 =	vadd.f32 v8, v3;
	v2 =	vmax.f32 v2, $0.0e+00  }
0xee: {  	v8 =	vld [tilespmem:s22+$0x2B20];
	[tilespmem:s21+$0x5360] =	vst v2;
	s21 =	smov.u32 s22  }
0xef: {  	v2 =	vadd.f32 v4, v7;
	v7 =	vld [tilespmem:s21+$0x330];
	v3 =	vmax.f32 v3, $0.0e+00  }
0xf0: {  	v9 =	vld [tilespmem:s21+$0x2B30];
	[tilespmem:s21+$0x5370] =	vst v3  }
0xf1: {  	v2 =	vmax.f32 v2, $0.0e+00;
	v3 =	vadd.f32 v5, v6;
	v6 =	vld [tilespmem:s21+$0x340]  }
0xf2: {  	[tilespmem:s21+$0x5300] =	vst v2;
	v10 =	vld [tilespmem:s21+$0x2B40]  }
.Ltmp9:
0xf3: {  	v2 =	vmax.f32 v3, $0.0e+00;
	v3 =	vadd.f32 v8, v1;
	v1 =	vld [tilespmem:s21+$0x350];
	(pc) =	sbr.rel @p1 .LBB2_10-.Ltmp9, $4  }
0xf4: {  	[tilespmem:s21+$0x5310] =	vst v2;
	v4 =	vld [tilespmem:s21+$0x2B50]  }
0xf5: {  	v3 =	vmax.f32 v3, $0.0e+00;
	v7 =	vadd.f32 v9, v7;
	v2 =	vld [tilespmem:s21+$0x360]  }
0xf6: {  	s22 =	sshra.s32 s28, $0x2;
	[tilespmem:s21+$0x5320] =	vst v3;
	v5 =	vld [tilespmem:s21+$0x2B60]  }
0xf7: {  	s28 =	sadd.s32 $0x200, s28;
	v3 =	vld [tilespmem:s22+$0x370];
	v7 =	vmax.f32 v7, $0.0e+00;
	v6 =	vadd.f32 v10, v6  }
0xf8: {  	v8 =	vld [tilespmem:s22+$0x2B70];
	[tilespmem:s21+$0x5330] =	vst v7  }
0xf9: {  	v7 =	vld [tilespmem:s22+$0x300];
	v6 =	vmax.f32 v6, $0.0e+00;
	v1 =	vadd.f32 v4, v1  }
0xfa: {  	v9 =	vld [tilespmem:s22+$0x2B00];
	[tilespmem:s21+$0x5340] =	vst v6  }
0xfb: {  	v57 =	vld [tilespmem:s22+$0x310];
	v1 =	vmax.f32 v1, $0.0e+00;
	v2 =	vadd.f32 v5, v2  }
0xfc: {  	v6 =	vld [tilespmem:s22+$0x2B10];
	[tilespmem:s21+$0x5350] =	vst v1  }
0xfd: {  	v1 =	vld [tilespmem:s22+$0x320];
	v2 =	vmax.f32 v2, $0.0e+00  }
0xfe: {  	v58 =	vld [tilespmem:s22+$0x2B20];
	[tilespmem:s21+$0x5360] =	vst v2  }
0xff: {  	v2 =	vld [tilespmem:s22+$0x330]  }
0x100: {  	v3 =	vadd.f32 v8, v3;
	v59 =	vld [tilespmem:s22+$0x2B30]  }
0x101: {  	v7 =	vadd.f32 v9, v7;
	v60 =	vld [tilespmem:s22+$0x340]  }
0x102: {  	v3 =	vmax.f32 v3, $0.0e+00;
	v61 =	vld [tilespmem:s22+$0x350]  }
0x103: {  	v62 =	vld [tilespmem:s22+$0x2B50];
	[tilespmem:s22+$0x5370] =	vst v3;
	v3 =	vmax.f32 v7, $0.0e+00;
	v1 =	vadd.f32 v58, v1  }
0x104: {  	[tilespmem:s22+$0x5300] =	vst v3;
	v3 =	vld [tilespmem:s22+$0x2B40]  }
0x105: {  	v63 =	vld [tilespmem:s22+$0x360];
	v1 =	vmax.f32 v1, $0.0e+00  }
0x106: {  	[tilespmem:s22+$0x5320] =	vst v1;
	v1 =	vld [tilespmem:s22+$0x2B60]  }
0x107: {  	v4 =	vadd.f32 v6, v57  }
0x108: {  	v2 =	vadd.f32 v59, v2  }
0x109: {  	v4 =	vmax.f32 v4, $0.0e+00;
	v3 =	vadd.f32 v3, v60  }
0x10a: {  	[tilespmem:s22+$0x5310] =	vst v4;
	v4 =	vadd.f32 v62, v61;
	v2 =	vmax.f32 v2, $0.0e+00  }
0x10b: {  	[tilespmem:s22+$0x5330] =	vst v2;
	v2 =	vmax.f32 v3, $0.0e+00;
	v1 =	vadd.f32 v1, v63  }
0x10c: {  	[tilespmem:s22+$0x5340] =	vst v2;
	v2 =	vmax.f32 v4, $0.0e+00  }
0x10d: {  	[tilespmem:s22+$0x5350] =	vst v2;
	v1 =	vmax.f32 v1, $0.0e+00  }
0x10e: {  	s28 =	simm.s32 $0x180;
	[tilespmem:s22+$0x5360] =	vst v1  }
0x10f: {  	[spmem:s2] =	stream.indirect.scatter.add.f32 [tilespmem:s17], [sflag:$0x8], $0x80, s28, s20, $0xb8;
	[tilespmem:$0x1B380] =	vst v63  }
.LBB2_12:
0x110: {  	p1 =	seq.s32 s15, $0x0;
	p2 =	seq.s32 s13, $0x1  }
0x111: {  	p1 =	por !p1, !p2  }
0x112: {  	p1 =	por !p1, !p1  }
.Ltmp10:
0x113: {  	_ = 	snop;
	(pc) =	sbr.rel @!p1 .LBB2_18-.Ltmp10, $1  }
0x114: {  	_ =	sdelay $0x3  }
0x115: {  	p2 =	sgt.u32 s16, $0xF7  }
0x116: {  	s21 =	sadd.s32 @!p2 $0x2, s16  }
0x117: {  	_ =	swait.ge [sflag:s0], $0x1400;
	s22 =	sadd.s32 @!p2 s8, s21  }
0x118: {  	[sflag:s0] =	ssyncset.done $0x0;
	s22 =	sshll.u32 @!p2 s22, $0x4  }
0x119: {  	s26 =	simm.s32 @!p2 $0x0;
	s21 =	sadd.s32 @!p2 s9, s21;
	s22 =	sand.u32 @!p2 $0xFFFFFE0, s22  }
0x11a: {  	[sflag:s0] =	ssyncadd.s32 $0xFFFFEC00;
	s21 =	sshll.u32 @!p2 s21, $0x4;
	s22 =	sadd.s32 @!p2 s6, s22  }
0x11b: {  	[tilespmem:s26], [sflag:$0x1] =	stream.linear.gather @!p2 [hbm4b:s22+s26], $0x80, $0x38;
	[tilespmem:$0x1B380] =	vst v63  }
0x11c: {  	s21 =	sadd.s32 @!p2 s7, s21;
	s22 =	simm.s32 @!p2 $0x180  }
0x11d: {  	[tilespmem:s22], [sflag:$0x1] =	stream.linear.gather @!p2 [hbm4b:s21+s26], $0x80, $0x38;
	[tilespmem:$0x1B380] =	vst v63  }
0x11e: {  	_ =	swait.ge [sflag:s4], $0x80  }
0x11f: {  	[sflag:s4] =	ssyncset.done $0x0  }
0x120: {  	s28 =	smul.u32 $0x28, s16;
	[sflag:s4] =	ssyncadd.s32 $0xFFFFFF80  }
0x121: {  	_ =	swait.ge [sflag:s4], $0x80  }
0x122: {  	s21 =	sadd.s32 s28, s23;
	[sflag:s4] =	ssyncset.done $0x0  }
0x123: {  	s26 =	simm.s32 $0x1700;
	s21 =	sshll.u32 s21, $0x4;
	[sflag:s4] =	ssyncadd.s32 $0xFFFFFF80  }
0x124: {  	[tilespmem:s26], [sflag:$0x5] =	stream.indirect.gather [hbm4b:s1+s20], $0x80, s25, s20, $0xb8;
	[tilespmem:$0x1B380] =	vst v63  }
0x125: {  	s28 =	simm.s32 $0x0;
	s21 =	sadd.s32 s5, s21  }
0x126: {  	[tilespmem:s29], [sflag:$0x7] =	stream.linear.gather [hbm4b:s21+s28], $0x1400, $0x38;
	[tilespmem:$0x1B380] =	vst v63  }
0x127: {  	_ =	swait.ge [sflag:s30], $0x1400  }
0x128: {  	p3 =	por $0x0, $0x0;
	[sflag:s30] =	ssyncset.done $0x0  }
.Ltmp11:
0x129: {  	[sflag:s30] =	ssyncadd.s32 $0xFFFFEC00;
	(pc) =	sbr.rel @p3 .LBB2_14-.Ltmp11, $4  }
0x12a: {  	_ =	swait.ge [sflag:s31], $0x1400  }
0x12b: {  	[sflag:s31] =	ssyncset.done $0x0  }
0x12c: {  	s26 =	simm.s32 $0x0;
	[sflag:s31] =	ssyncadd.s32 $0xFFFFEC00  }
0x12d: {  	p2 =	por $0x0, $0x0;
	v1 =	vld [tilespmem:s26+$0x370]  }
0x12e: {  	v2 =	vld [tilespmem:s26+$0x2B70]  }
0x12f: {  	v3 =	vld [tilespmem:s26+$0x300]  }
0x130: {  	v4 =	vld [tilespmem:s26+$0x2B00]  }
0x131: {  	v5 =	vld [tilespmem:s26+$0x310]  }
0x132: {  	v6 =	vld [tilespmem:s26+$0x2B10]  }
0x133: {  	v7 =	vld [tilespmem:s26+$0x320]  }
0x134: {  	v8 =	vld [tilespmem:s26+$0x2B20]  }
0x135: {  	v9 =	vld [tilespmem:s26+$0x330];
	v1 =	vadd.f32 v2, v1  }
0x136: {  	v10 =	vld [tilespmem:s26+$0x2B30];
	v2 =	vadd.f32 v4, v3  }
0x137: {  	v11 =	vld [tilespmem:s26+$0x340];
	v1 =	vmax.f32 v1, $0.0e+00  }
0x138: {  	p3 =	por $0x0, $0x0;
	[tilespmem:s26+$0x5370] =	vst v1;
	v1 =	vmax.f32 v2, $0.0e+00;
	v2 =	vadd.f32 v6, v5;
	v6 =	vld [tilespmem:s26+$0x2B40]  }
.Ltmp12:
0x139: {  	v3 =	vadd.f32 v8, v7;
	v4 =	vld [tilespmem:s26+$0x2B50];
	(pc) =	sbr.rel @p3 .LBB2_17-.Ltmp12, $4  }
0x13a: {  	[tilespmem:s26+$0x5300] =	vst v1;
	v1 =	vmax.f32 v2, $0.0e+00;
	v2 =	vld [tilespmem:s26+$0x350]  }
0x13b: {  	v7 =	vadd.f32 v10, v9;
	v5 =	vld [tilespmem:s26+$0x2B60];
	[tilespmem:s26+$0x5310] =	vst v1;
	v1 =	vmax.f32 v3, $0.0e+00  }
0x13c: {  	s21 =	simm.s32 $0x80;
	v3 =	vld [tilespmem:s26+$0x360];
	[tilespmem:s26+$0x5320] =	vst v1  }
0x13d: {  	s22 =	simm.s32 $0x400;
	p2 =	por $0x1, $0x1;
	v7 =	vmax.f32 v7, $0.0e+00;
	v1 =	vld [tilespmem:s21+$0x370];
	v6 =	vadd.f32 v6, v11  }
.LBB2_16:
0x13e: {  	p3 =	seq.s32 s22, $0x4E00;
	v8 =	vld [tilespmem:s21+$0x2B70];
	[tilespmem:s26+$0x5330] =	vst v7  }
0x13f: {  	v7 =	vld [tilespmem:s21+$0x300];
	v6 =	vmax.f32 v6, $0.0e+00;
	v2 =	vadd.f32 v4, v2  }
0x140: {  	v4 =	vld [tilespmem:s21+$0x2B00];
	[tilespmem:s26+$0x5340] =	vst v6  }
0x141: {  	v6 =	vld [tilespmem:s21+$0x310];
	v2 =	vmax.f32 v2, $0.0e+00;
	v3 =	vadd.f32 v5, v3  }
0x142: {  	v5 =	vld [tilespmem:s21+$0x2B10];
	[tilespmem:s26+$0x5350] =	vst v2  }
0x143: {  	v2 =	vld [tilespmem:s21+$0x320];
	v1 =	vadd.f32 v8, v1;
	v3 =	vmax.f32 v3, $0.0e+00  }
0x144: {  	v8 =	vld [tilespmem:s21+$0x2B20];
	[tilespmem:s26+$0x5360] =	vst v3;
	s26 =	smov.u32 s21  }
0x145: {  	v3 =	vadd.f32 v4, v7;
	v7 =	vld [tilespmem:s26+$0x330];
	v1 =	vmax.f32 v1, $0.0e+00  }
0x146: {  	v9 =	vld [tilespmem:s26+$0x2B30];
	[tilespmem:s26+$0x5370] =	vst v1  }
0x147: {  	v1 =	vmax.f32 v3, $0.0e+00;
	v3 =	vadd.f32 v5, v6;
	v6 =	vld [tilespmem:s26+$0x340]  }
0x148: {  	[tilespmem:s26+$0x5300] =	vst v1;
	v10 =	vld [tilespmem:s26+$0x2B40]  }
.Ltmp13:
0x149: {  	v1 =	vmax.f32 v3, $0.0e+00;
	v3 =	vadd.f32 v8, v2;
	v2 =	vld [tilespmem:s26+$0x350];
	(pc) =	sbr.rel @!p3 .LBB2_16-.Ltmp13, $4  }
0x14a: {  	[tilespmem:s26+$0x5310] =	vst v1;
	v4 =	vld [tilespmem:s26+$0x2B50]  }
0x14b: {  	v1 =	vmax.f32 v3, $0.0e+00;
	v7 =	vadd.f32 v9, v7;
	v3 =	vld [tilespmem:s26+$0x360]  }
0x14c: {  	s21 =	sshra.s32 s22, $0x2;
	[tilespmem:s26+$0x5320] =	vst v1;
	v5 =	vld [tilespmem:s26+$0x2B60]  }
0x14d: {  	s22 =	sadd.s32 $0x200, s22;
	v1 =	vld [tilespmem:s21+$0x370];
	v7 =	vmax.f32 v7, $0.0e+00;
	v6 =	vadd.f32 v10, v6  }
.LBB2_17:
0x14e: {  	v8 =	vld [tilespmem:s21+$0x2B70];
	[tilespmem:s26+$0x5330] =	vst @p2 v7  }
0x14f: {  	v7 =	vld [tilespmem:s21+$0x300];
	v6 =	vmax.f32 @p2 v6, $0.0e+00;
	v2 =	vadd.f32 @p2 v4, v2  }
0x150: {  	v9 =	vld [tilespmem:s21+$0x2B00];
	[tilespmem:s26+$0x5340] =	vst @p2 v6  }
0x151: {  	v57 =	vld [tilespmem:s21+$0x310];
	v2 =	vmax.f32 @p2 v2, $0.0e+00;
	v3 =	vadd.f32 @p2 v5, v3  }
0x152: {  	v6 =	vld [tilespmem:s21+$0x2B10];
	[tilespmem:s26+$0x5350] =	vst @p2 v2  }
0x153: {  	v2 =	vld [tilespmem:s21+$0x320];
	v3 =	vmax.f32 @p2 v3, $0.0e+00  }
0x154: {  	v58 =	vld [tilespmem:s21+$0x2B20];
	[tilespmem:s26+$0x5360] =	vst @p2 v3  }
0x155: {  	v3 =	vld [tilespmem:s21+$0x330]  }
0x156: {  	v1 =	vadd.f32 v8, v1;
	v59 =	vld [tilespmem:s21+$0x2B30]  }
0x157: {  	v7 =	vadd.f32 v9, v7;
	v60 =	vld [tilespmem:s21+$0x340]  }
0x158: {  	v1 =	vmax.f32 v1, $0.0e+00;
	v61 =	vld [tilespmem:s21+$0x350]  }
0x159: {  	v62 =	vld [tilespmem:s21+$0x2B50];
	[tilespmem:s21+$0x5370] =	vst v1;
	v1 =	vmax.f32 v7, $0.0e+00;
	v2 =	vadd.f32 v58, v2  }
0x15a: {  	[tilespmem:s21+$0x5300] =	vst v1;
	v1 =	vld [tilespmem:s21+$0x2B40]  }
0x15b: {  	v63 =	vld [tilespmem:s21+$0x360];
	v2 =	vmax.f32 v2, $0.0e+00  }
0x15c: {  	[tilespmem:s21+$0x5320] =	vst v2;
	v2 =	vld [tilespmem:s21+$0x2B60]  }
0x15d: {  	v4 =	vadd.f32 v6, v57  }
0x15e: {  	v3 =	vadd.f32 v59, v3  }
0x15f: {  	v4 =	vmax.f32 v4, $0.0e+00;
	v1 =	vadd.f32 v1, v60  }
.Ltmp14:
0x160: {  	[tilespmem:s21+$0x5310] =	vst v4;
	v4 =	vadd.f32 v62, v61;
	v3 =	vmax.f32 v3, $0.0e+00;
	(pc) =	sbr.rel .LBB2_22-.Ltmp14, $4  }
0x161: {  	[tilespmem:s21+$0x5330] =	vst v3;
	v1 =	vmax.f32 v1, $0.0e+00;
	v2 =	vadd.f32 v2, v63  }
0x162: {  	[tilespmem:s21+$0x5340] =	vst v1;
	v1 =	vmax.f32 v4, $0.0e+00  }
0x163: {  	[tilespmem:s21+$0x5350] =	vst v1;
	v1 =	vmax.f32 v2, $0.0e+00  }
0x164: {  	[tilespmem:s21+$0x5360] =	vst v1;
	s21 =	simm.s32 $0x200  }
.LBB2_18:
0x165: {  	p2 =	sne.s32 s15, $0x0  }
0x166: {  	s21 =	sand.u32 @!p2 $0xFF, s26  }
0x167: {  	p3 =	sne.s32 @!p2 s21, $0x2  }
0x168: {  	p2 =	por p2, p3  }
.Ltmp15:
0x169: {  	_ = 	snop;
	(pc) =	sbr.rel @p2 .LBB2_25-.Ltmp15, $1  }
0x16a: {  	_ =	sdelay $0x3  }
0x16b: {  	p2 =	sgt.u32 s16, $0xF7  }
0x16c: {  	s21 =	sadd.s32 @!p2 $0x2, s16  }
0x16d: {  	_ =	swait.ge [sflag:s0], $0x1400;
	s22 =	sadd.s32 @!p2 s8, s21  }
0x16e: {  	[sflag:s0] =	ssyncset.done $0x0;
	s26 =	simm.s32 @!p2 $0x0;
	s22 =	sshll.u32 @!p2 s22, $0x4  }
0x16f: {  	s28 =	simm.s32 @!p2 $0x80;
	s21 =	sadd.s32 @!p2 s9, s21;
	s22 =	sand.u32 @!p2 $0xFFFFFE0, s22  }
0x170: {  	[sflag:s0] =	ssyncadd.s32 $0xFFFFEC00;
	s21 =	sshll.u32 @!p2 s21, $0x4;
	s22 =	sadd.s32 @!p2 s6, s22  }
0x171: {  	[tilespmem:s28], [sflag:$0x2] =	stream.linear.gather @!p2 [hbm4b:s22+s26], $0x80, $0x38;
	[tilespmem:$0x1B380] =	vst v63  }
0x172: {  	s21 =	sadd.s32 @!p2 s7, s21;
	s22 =	simm.s32 @!p2 $0x200  }
0x173: {  	[tilespmem:s22], [sflag:$0x2] =	stream.linear.gather @!p2 [hbm4b:s21+s26], $0x80, $0x38;
	[tilespmem:$0x1B380] =	vst v63  }
0x174: {  	_ =	swait.ge [sflag:s19], $0x80  }
0x175: {  	[sflag:s19] =	ssyncset.done $0x0  }
0x176: {  	s22 =	smul.u32 $0x28, s16;
	[sflag:s19] =	ssyncadd.s32 $0xFFFFFF80  }
0x177: {  	_ =	swait.ge [sflag:s19], $0x80  }
0x178: {  	s28 =	simm.s32 $0x1700;
	s22 =	sadd.s32 s22, s23;
	[sflag:s19] =	ssyncset.done $0x0  }
0x179: {  	s21 =	simm.s32 $0x0;
	s22 =	sshll.u32 s22, $0x4;
	[sflag:s19] =	ssyncadd.s32 $0xFFFFFF80  }
0x17a: {  	[tilespmem:s28], [sflag:$0x5] =	stream.indirect.gather [hbm4b:s1+s20], $0x80, s21, s20, $0xb8;
	[tilespmem:$0x1B380] =	vst v63  }
0x17b: {  	s22 =	sadd.s32 s5, s22  }
0x17c: {  	[tilespmem:s29], [sflag:$0x7] =	stream.linear.gather [hbm4b:s22+s21], $0x1400, $0x38;
	[tilespmem:$0x1B380] =	vst v63  }
0x17d: {  	_ =	swait.ge [sflag:s30], $0x1400  }
0x17e: {  	[sflag:s30] =	ssyncset.done $0x0  }
0x17f: {  	[sflag:s30] =	ssyncadd.s32 $0xFFFFEC00  }
0x180: {  	_ =	swait.ge [sflag:s31], $0x1400  }
0x181: {  	[sflag:s31] =	ssyncset.done $0x0  }
0x182: {  	s21 =	simm.s32 $0x0;
	[sflag:s31] =	ssyncadd.s32 $0xFFFFEC00  }
0x183: {  	v1 =	vld [tilespmem:s21+$0x370]  }
0x184: {  	v2 =	vld [tilespmem:s21+$0x2B70]  }
0x185: {  	v3 =	vld [tilespmem:s21+$0x300]  }
0x186: {  	v4 =	vld [tilespmem:s21+$0x2B00]  }
0x187: {  	v5 =	vld [tilespmem:s21+$0x310]  }
0x188: {  	v6 =	vld [tilespmem:s21+$0x2B10]  }
0x189: {  	v7 =	vld [tilespmem:s21+$0x320]  }
0x18a: {  	v1 =	vadd.f32 v2, v1;
	v2 =	vld [tilespmem:s21+$0x2B20]  }
0x18b: {  	v8 =	vld [tilespmem:s21+$0x330]  }
0x18c: {  	v9 =	vld [tilespmem:s21+$0x2B30];
	v3 =	vadd.f32 v4, v3  }
0x18d: {  	v10 =	vld [tilespmem:s21+$0x340];
	v1 =	vmax.f32 v1, $0.0e+00  }
0x18e: {  	[tilespmem:s21+$0x5370] =	vst v1;
	v1 =	vmax.f32 v3, $0.0e+00;
	v3 =	vadd.f32 v6, v5;
	v6 =	vld [tilespmem:s21+$0x2B40]  }
0x18f: {  	v4 =	vld [tilespmem:s21+$0x2B50];
	v2 =	vadd.f32 v2, v7  }
0x190: {  	[tilespmem:s21+$0x5300] =	vst v1;
	v1 =	vld [tilespmem:s21+$0x350];
	v3 =	vmax.f32 v3, $0.0e+00  }
0x191: {  	v5 =	vld [tilespmem:s21+$0x2B60];
	v7 =	vadd.f32 v9, v8;
	[tilespmem:s21+$0x5310] =	vst v3;
	v3 =	vmax.f32 v2, $0.0e+00  }
0x192: {  	s22 =	simm.s32 $0x80;
	v2 =	vld [tilespmem:s21+$0x360];
	[tilespmem:s21+$0x5320] =	vst v3  }
0x193: {  	s26 =	simm.s32 $0x400;
	v7 =	vmax.f32 v7, $0.0e+00;
	v6 =	vadd.f32 v6, v10;
	v3 =	vld [tilespmem:s22+$0x370]  }
.LBB2_20:
0x194: {  	p2 =	sne.s32 s26, $0x4E00;
	v8 =	vld [tilespmem:s22+$0x2B70];
	[tilespmem:s21+$0x5330] =	vst v7  }
0x195: {  	v7 =	vld [tilespmem:s22+$0x300];
	v6 =	vmax.f32 v6, $0.0e+00;
	v1 =	vadd.f32 v4, v1  }
0x196: {  	v4 =	vld [tilespmem:s22+$0x2B00];
	[tilespmem:s21+$0x5340] =	vst v6  }
0x197: {  	v6 =	vld [tilespmem:s22+$0x310];
	v1 =	vmax.f32 v1, $0.0e+00;
	v2 =	vadd.f32 v5, v2  }
0x198: {  	v5 =	vld [tilespmem:s22+$0x2B10];
	[tilespmem:s21+$0x5350] =	vst v1  }
0x199: {  	v1 =	vld [tilespmem:s22+$0x320];
	v3 =	vadd.f32 v8, v3;
	v2 =	vmax.f32 v2, $0.0e+00  }
0x19a: {  	v8 =	vld [tilespmem:s22+$0x2B20];
	[tilespmem:s21+$0x5360] =	vst v2;
	s21 =	smov.u32 s22  }
0x19b: {  	v2 =	vadd.f32 v4, v7;
	v7 =	vld [tilespmem:s21+$0x330];
	v3 =	vmax.f32 v3, $0.0e+00  }
0x19c: {  	v9 =	vld [tilespmem:s21+$0x2B30];
	[tilespmem:s21+$0x5370] =	vst v3  }
0x19d: {  	v2 =	vmax.f32 v2, $0.0e+00;
	v3 =	vadd.f32 v5, v6;
	v6 =	vld [tilespmem:s21+$0x340]  }
0x19e: {  	[tilespmem:s21+$0x5300] =	vst v2;
	v10 =	vld [tilespmem:s21+$0x2B40]  }
.Ltmp16:
0x19f: {  	v2 =	vmax.f32 v3, $0.0e+00;
	v3 =	vadd.f32 v8, v1;
	v1 =	vld [tilespmem:s21+$0x350];
	(pc) =	sbr.rel @p2 .LBB2_20-.Ltmp16, $4  }
0x1a0: {  	[tilespmem:s21+$0x5310] =	vst v2;
	v4 =	vld [tilespmem:s21+$0x2B50]  }
0x1a1: {  	v3 =	vmax.f32 v3, $0.0e+00;
	v7 =	vadd.f32 v9, v7;
	v2 =	vld [tilespmem:s21+$0x360]  }
0x1a2: {  	s22 =	sshra.s32 s26, $0x2;
	[tilespmem:s21+$0x5320] =	vst v3;
	v5 =	vld [tilespmem:s21+$0x2B60]  }
0x1a3: {  	s26 =	sadd.s32 $0x200, s26;
	v3 =	vld [tilespmem:s22+$0x370];
	v7 =	vmax.f32 v7, $0.0e+00;
	v6 =	vadd.f32 v10, v6  }
0x1a4: {  	v8 =	vld [tilespmem:s22+$0x2B70];
	[tilespmem:s21+$0x5330] =	vst v7  }
0x1a5: {  	v7 =	vld [tilespmem:s22+$0x300];
	v6 =	vmax.f32 v6, $0.0e+00;
	v1 =	vadd.f32 v4, v1  }
0x1a6: {  	v9 =	vld [tilespmem:s22+$0x2B00];
	[tilespmem:s21+$0x5340] =	vst v6  }
0x1a7: {  	v57 =	vld [tilespmem:s22+$0x310];
	v1 =	vmax.f32 v1, $0.0e+00;
	v2 =	vadd.f32 v5, v2  }
0x1a8: {  	v6 =	vld [tilespmem:s22+$0x2B10];
	[tilespmem:s21+$0x5350] =	vst v1  }
0x1a9: {  	v1 =	vld [tilespmem:s22+$0x320];
	v2 =	vmax.f32 v2, $0.0e+00  }
0x1aa: {  	v58 =	vld [tilespmem:s22+$0x2B20];
	[tilespmem:s21+$0x5360] =	vst v2  }
0x1ab: {  	v2 =	vld [tilespmem:s22+$0x330]  }
0x1ac: {  	v3 =	vadd.f32 v8, v3;
	v59 =	vld [tilespmem:s22+$0x2B30]  }
0x1ad: {  	v7 =	vadd.f32 v9, v7;
	v60 =	vld [tilespmem:s22+$0x340]  }
0x1ae: {  	v3 =	vmax.f32 v3, $0.0e+00;
	v61 =	vld [tilespmem:s22+$0x350]  }
0x1af: {  	v62 =	vld [tilespmem:s22+$0x2B50];
	[tilespmem:s22+$0x5370] =	vst v3;
	v3 =	vmax.f32 v7, $0.0e+00;
	v1 =	vadd.f32 v58, v1  }
0x1b0: {  	[tilespmem:s22+$0x5300] =	vst v3;
	v3 =	vld [tilespmem:s22+$0x2B40]  }
0x1b1: {  	v63 =	vld [tilespmem:s22+$0x360];
	v1 =	vmax.f32 v1, $0.0e+00  }
0x1b2: {  	[tilespmem:s22+$0x5320] =	vst v1;
	v1 =	vld [tilespmem:s22+$0x2B60]  }
0x1b3: {  	v4 =	vadd.f32 v6, v57  }
0x1b4: {  	v2 =	vadd.f32 v59, v2  }
0x1b5: {  	v4 =	vmax.f32 v4, $0.0e+00;
	v3 =	vadd.f32 v3, v60  }
0x1b6: {  	[tilespmem:s22+$0x5310] =	vst v4;
	v4 =	vadd.f32 v62, v61;
	v2 =	vmax.f32 v2, $0.0e+00  }
0x1b7: {  	[tilespmem:s22+$0x5330] =	vst v2;
	v2 =	vmax.f32 v3, $0.0e+00;
	v1 =	vadd.f32 v1, v63  }
0x1b8: {  	[tilespmem:s22+$0x5340] =	vst v2;
	v2 =	vmax.f32 v4, $0.0e+00  }
0x1b9: {  	[tilespmem:s22+$0x5350] =	vst v2;
	v1 =	vmax.f32 v1, $0.0e+00  }
0x1ba: {  	s21 =	simm.s32 $0x280;
	[tilespmem:s22+$0x5360] =	vst v1  }
.LBB2_22:
0x1bb: {  	[spmem:s2] =	stream.indirect.scatter.add.f32 [tilespmem:s17], [sflag:$0x8], $0x80, s21, s20, $0xb8;
	[tilespmem:$0x1B380] =	vst v63  }
0x1bc: {  	p1 =	por !p1, !p1;
	p2 =	seq.s32 s15, $0x1  }
.LBB2_23:
0x1bd: {  	p3 =	sne.s32 s13, $0x1  }
0x1be: {  	p4 =	por p3, !p2  }
.Ltmp17:
0x1bf: {  	_ = 	snop;
	(pc) =	sbr.rel @p4 .LBB2_24-.Ltmp17, $1  }
0x1c0: {  	_ =	sdelay $0x3  }
0x1c1: {  	p3 =	sgt.u32 s16, $0xF7  }
.Ltmp18:
0x1c2: {  	_ = 	snop;
	(pc) =	sbr.rel @p3 .LBB2_38-.Ltmp18, $4  }
0x1c3: {  	_ = 	snop  }
0x1c4: {  	_ =	swait.ge [sflag:s10], $0x1400  }
0x1c5: {  	[sflag:s10] =	ssyncset.done $0x0  }
0x1c6: {  	[sflag:s10] =	ssyncadd.s32 $0xFFFFEC00  }
0x1c7: {  	s13 =	sadd.s32 $0x2, s16  }
0x1c8: {  	s15 =	sadd.s32 s8, s13  }
0x1c9: {  	s15 =	sshll.u32 s15, $0x4  }
.Ltmp19:
0x1ca: {  	s13 =	sadd.s32 s9, s13;
	s15 =	sand.u32 $0xFFFFFF0, s15;
	(pc) =	sbr.rel .LBB2_39-.Ltmp19, $4  }
0x1cb: {  	s13 =	sshll.u32 s13, $0x4;
	s15 =	sadd.s32 s6, s15  }
0x1cc: {  	[tilespmem:s3], [sflag:$0x1] =	stream.linear.gather [hbm4b:s15+s3], $0x80, $0x38;
	[tilespmem:$0x1B380] =	vst v63  }
0x1cd: {  	s28 =	simm.s32 $0x180;
	s13 =	sadd.s32 s7, s13  }
0x1ce: {  	[tilespmem:s28], [sflag:$0x1] =	stream.linear.gather [hbm4b:s13+s3], $0x80, $0x38;
	[tilespmem:$0x1B380] =	vst v63  }
.LBB2_24:
.Ltmp20:
0x1cf: {  	(pc) =	sbr.rel .LBB2_44-.Ltmp20, $2  }
0x1d0: {  	_ =	sdelay $0x2  }
0x1d1: {  	p1 =	por @!p3 p1, p1;
	p2 =	por @!p3 p2, p2  }
.LBB2_38:
0x1d2: {  	p3 =	seq.s32 s16, $0xF9  }
.Ltmp21:
0x1d3: {  	_ = 	snop;
	(pc) =	sbr.rel @p3 .LBB2_40-.Ltmp21, $1  }
0x1d4: {  	_ =	sdelay $0x3  }
.LBB2_39:
0x1d5: {  	_ =	swait.ge [sflag:s4], $0x80  }
0x1d6: {  	[sflag:s4] =	ssyncset.done $0x0  }
0x1d7: {  	s13 =	smul.u32 $0x28, s16;
	[sflag:s4] =	ssyncadd.s32 $0xFFFFFF80  }
0x1d8: {  	_ =	swait.ge [sflag:s4], $0x80  }
0x1d9: {  	s13 =	sadd.s32 s13, s23;
	[sflag:s4] =	ssyncset.done $0x0  }
0x1da: {  	s15 =	simm.s32 $0x300;
	s13 =	sshll.u32 s13, $0x4;
	[sflag:s4] =	ssyncadd.s32 $0xFFFFFF80  }
0x1db: {  	[tilespmem:s15], [sflag:$0x4] =	stream.indirect.gather [hbm4b:s1+s20], $0x80, s25, s20, $0xb8;
	[tilespmem:$0x1B380] =	vst v63  }
0x1dc: {  	s28 =	simm.s32 $0x2B00;
	s13 =	sadd.s32 s5, s13  }
0x1dd: {  	[tilespmem:s28], [sflag:$0x6] =	stream.linear.gather [hbm4b:s13+s3], $0x1400, $0x38;
	[tilespmem:$0x1B380] =	vst v63  }
.LBB2_40:
0x1de: {  	_ =	swait.ge [sflag:s11], $0x1400  }
0x1df: {  	[sflag:s11] =	ssyncset.done $0x0  }
0x1e0: {  	[sflag:s11] =	ssyncadd.s32 $0xFFFFEC00  }
0x1e1: {  	_ =	swait.ge [sflag:s12], $0x1400  }
0x1e2: {  	[sflag:s12] =	ssyncset.done $0x0  }
0x1e3: {  	s13 =	simm.s32 $0x0;
	[sflag:s12] =	ssyncadd.s32 $0xFFFFEC00  }
0x1e4: {  	v1 =	vld [tilespmem:s13+$0x1770]  }
0x1e5: {  	v2 =	vld [tilespmem:s13+$0x3F70]  }
0x1e6: {  	v3 =	vld [tilespmem:s13+$0x1700]  }
0x1e7: {  	v4 =	vld [tilespmem:s13+$0x3F00]  }
0x1e8: {  	v5 =	vld [tilespmem:s13+$0x1710]  }
0x1e9: {  	v6 =	vld [tilespmem:s13+$0x3F10]  }
0x1ea: {  	v7 =	vld [tilespmem:s13+$0x1720]  }
0x1eb: {  	v1 =	vadd.f32 v2, v1;
	v2 =	vld [tilespmem:s13+$0x3F20]  }
0x1ec: {  	v8 =	vld [tilespmem:s13+$0x1730]  }
0x1ed: {  	v9 =	vld [tilespmem:s13+$0x3F30];
	v3 =	vadd.f32 v4, v3  }
0x1ee: {  	v10 =	vld [tilespmem:s13+$0x1740];
	v1 =	vmax.f32 v1, $0.0e+00  }
0x1ef: {  	[tilespmem:s13+$0x6770] =	vst v1;
	v1 =	vmax.f32 v3, $0.0e+00;
	v3 =	vadd.f32 v6, v5;
	v6 =	vld [tilespmem:s13+$0x3F40]  }
0x1f0: {  	v4 =	vld [tilespmem:s13+$0x3F50];
	v2 =	vadd.f32 v2, v7  }
0x1f1: {  	[tilespmem:s13+$0x6700] =	vst v1;
	v1 =	vld [tilespmem:s13+$0x1750];
	v3 =	vmax.f32 v3, $0.0e+00  }
0x1f2: {  	v5 =	vld [tilespmem:s13+$0x3F60];
	v7 =	vadd.f32 v9, v8;
	[tilespmem:s13+$0x6710] =	vst v3;
	v3 =	vmax.f32 v2, $0.0e+00  }
0x1f3: {  	s15 =	simm.s32 $0x80;
	v2 =	vld [tilespmem:s13+$0x1760];
	[tilespmem:s13+$0x6720] =	vst v3  }
0x1f4: {  	s21 =	simm.s32 $0x400;
	v7 =	vmax.f32 v7, $0.0e+00;
	v6 =	vadd.f32 v6, v10;
	v3 =	vld [tilespmem:s15+$0x1770]  }
.LBB2_41:
0x1f5: {  	p3 =	sne.s32 s21, $0x4E00;
	v8 =	vld [tilespmem:s15+$0x3F70];
	[tilespmem:s13+$0x6730] =	vst v7  }
0x1f6: {  	v7 =	vld [tilespmem:s15+$0x1700];
	v6 =	vmax.f32 v6, $0.0e+00;
	v1 =	vadd.f32 v4, v1  }
0x1f7: {  	v4 =	vld [tilespmem:s15+$0x3F00];
	[tilespmem:s13+$0x6740] =	vst v6  }
0x1f8: {  	v6 =	vld [tilespmem:s15+$0x1710];
	v1 =	vmax.f32 v1, $0.0e+00;
	v2 =	vadd.f32 v5, v2  }
0x1f9: {  	v5 =	vld [tilespmem:s15+$0x3F10];
	[tilespmem:s13+$0x6750] =	vst v1  }
0x1fa: {  	v1 =	vld [tilespmem:s15+$0x1720];
	v3 =	vadd.f32 v8, v3;
	v2 =	vmax.f32 v2, $0.0e+00  }
0x1fb: {  	v8 =	vld [tilespmem:s15+$0x3F20];
	[tilespmem:s13+$0x6760] =	vst v2;
	s13 =	smov.u32 s15  }
0x1fc: {  	v2 =	vadd.f32 v4, v7;
	v7 =	vld [tilespmem:s13+$0x1730];
	v3 =	vmax.f32 v3, $0.0e+00  }
0x1fd: {  	v9 =	vld [tilespmem:s13+$0x3F30];
	[tilespmem:s13+$0x6770] =	vst v3  }
0x1fe: {  	v2 =	vmax.f32 v2, $0.0e+00;
	v3 =	vadd.f32 v5, v6;
	v6 =	vld [tilespmem:s13+$0x1740]  }
0x1ff: {  	[tilespmem:s13+$0x6700] =	vst v2;
	v10 =	vld [tilespmem:s13+$0x3F40]  }
.Ltmp22:
0x200: {  	v2 =	vmax.f32 v3, $0.0e+00;
	v3 =	vadd.f32 v8, v1;
	v1 =	vld [tilespmem:s13+$0x1750];
	(pc) =	sbr.rel @p3 .LBB2_41-.Ltmp22, $4  }
0x201: {  	[tilespmem:s13+$0x6710] =	vst v2;
	v4 =	vld [tilespmem:s13+$0x3F50]  }
0x202: {  	v3 =	vmax.f32 v3, $0.0e+00;
	v7 =	vadd.f32 v9, v7;
	v2 =	vld [tilespmem:s13+$0x1760]  }
0x203: {  	s15 =	sshra.s32 s21, $0x2;
	[tilespmem:s13+$0x6720] =	vst v3;
	v5 =	vld [tilespmem:s13+$0x3F60]  }
0x204: {  	s21 =	sadd.s32 $0x200, s21;
	v3 =	vld [tilespmem:s15+$0x1770];
	v7 =	vmax.f32 v7, $0.0e+00;
	v6 =	vadd.f32 v10, v6  }
0x205: {  	v8 =	vld [tilespmem:s15+$0x3F70];
	[tilespmem:s13+$0x6730] =	vst v7  }
0x206: {  	v7 =	vld [tilespmem:s15+$0x1700];
	v6 =	vmax.f32 v6, $0.0e+00;
	v1 =	vadd.f32 v4, v1  }
0x207: {  	v9 =	vld [tilespmem:s15+$0x3F00];
	[tilespmem:s13+$0x6740] =	vst v6  }
0x208: {  	v57 =	vld [tilespmem:s15+$0x1710];
	v1 =	vmax.f32 v1, $0.0e+00;
	v2 =	vadd.f32 v5, v2  }
0x209: {  	v6 =	vld [tilespmem:s15+$0x3F10];
	[tilespmem:s13+$0x6750] =	vst v1  }
0x20a: {  	v1 =	vld [tilespmem:s15+$0x1720];
	v2 =	vmax.f32 v2, $0.0e+00  }
0x20b: {  	v58 =	vld [tilespmem:s15+$0x3F20];
	[tilespmem:s13+$0x6760] =	vst v2  }
0x20c: {  	v2 =	vld [tilespmem:s15+$0x1730]  }
0x20d: {  	v3 =	vadd.f32 v8, v3;
	v59 =	vld [tilespmem:s15+$0x3F30]  }
0x20e: {  	v7 =	vadd.f32 v9, v7;
	v60 =	vld [tilespmem:s15+$0x1740]  }
0x20f: {  	v3 =	vmax.f32 v3, $0.0e+00;
	v61 =	vld [tilespmem:s15+$0x1750]  }
0x210: {  	v62 =	vld [tilespmem:s15+$0x3F50];
	[tilespmem:s15+$0x6770] =	vst v3;
	v3 =	vmax.f32 v7, $0.0e+00;
	v1 =	vadd.f32 v58, v1  }
0x211: {  	[tilespmem:s15+$0x6700] =	vst v3;
	v3 =	vld [tilespmem:s15+$0x3F40]  }
0x212: {  	v63 =	vld [tilespmem:s15+$0x1760];
	v1 =	vmax.f32 v1, $0.0e+00  }
0x213: {  	[tilespmem:s15+$0x6720] =	vst v1;
	v1 =	vld [tilespmem:s15+$0x3F60]  }
0x214: {  	v4 =	vadd.f32 v6, v57  }
0x215: {  	v2 =	vadd.f32 v59, v2  }
0x216: {  	v4 =	vmax.f32 v4, $0.0e+00;
	v3 =	vadd.f32 v3, v60  }
0x217: {  	[tilespmem:s15+$0x6710] =	vst v4;
	v4 =	vadd.f32 v62, v61;
	v2 =	vmax.f32 v2, $0.0e+00  }
0x218: {  	[tilespmem:s15+$0x6730] =	vst v2;
	v2 =	vmax.f32 v3, $0.0e+00;
	v1 =	vadd.f32 v1, v63  }
0x219: {  	[tilespmem:s15+$0x6740] =	vst v2;
	v2 =	vmax.f32 v4, $0.0e+00  }
0x21a: {  	[tilespmem:s15+$0x6750] =	vst v2;
	v1 =	vmax.f32 v1, $0.0e+00  }
0x21b: {  	s13 =	simm.s32 $0x200;
	[tilespmem:s15+$0x6760] =	vst v1  }
.LBB2_43:
0x21c: {  	[spmem:s2] =	stream.indirect.scatter.add.f32 [tilespmem:s14], [sflag:$0x9], $0x80, s13, s20, $0xb8;
	[tilespmem:$0x1B380] =	vst v63  }
.LBB2_44:
0x21d: {  	p1 =	por !p1, !p2  }
.Ltmp23:
0x21e: {  	_ = 	snop;
	(pc) =	sbr.rel @p1 .LBB2_52-.Ltmp23, $1  }
0x21f: {  	_ =	sdelay $0x3  }
0x220: {  	p1 =	sgt.u32 s16, $0xF7  }
.Ltmp24:
0x221: {  	_ = 	snop;
	(pc) =	sbr.rel @p1 .LBB2_47-.Ltmp24, $4  }
0x222: {  	_ = 	snop  }
0x223: {  	_ =	swait.ge [sflag:s10], $0x1400  }
0x224: {  	[sflag:s10] =	ssyncset.done $0x0  }
0x225: {  	[sflag:s10] =	ssyncadd.s32 $0xFFFFEC00  }
0x226: {  	s13 =	sadd.s32 $0x2, s16  }
0x227: {  	s15 =	sadd.s32 s8, s13  }
0x228: {  	s15 =	sshll.u32 s15, $0x4  }
.Ltmp25:
0x229: {  	s13 =	sadd.s32 s9, s13;
	s15 =	sand.u32 $0xFFFFFF0, s15;
	(pc) =	sbr.rel .LBB2_48-.Ltmp25, $4  }
0x22a: {  	s21 =	simm.s32 $0x80;
	s13 =	sshll.u32 s13, $0x4;
	s15 =	sadd.s32 s6, s15  }
0x22b: {  	[tilespmem:s21], [sflag:$0x2] =	stream.linear.gather [hbm4b:s15+s3], $0x80, $0x38;
	[tilespmem:$0x1B380] =	vst v63  }
0x22c: {  	s28 =	simm.s32 $0x200;
	s13 =	sadd.s32 s7, s13  }
0x22d: {  	[tilespmem:s28], [sflag:$0x2] =	stream.linear.gather [hbm4b:s13+s3], $0x80, $0x38;
	[tilespmem:$0x1B380] =	vst v63  }
.LBB2_47:
0x22e: {  	p1 =	seq.s32 s16, $0xF9  }
.Ltmp26:
0x22f: {  	_ = 	snop;
	(pc) =	sbr.rel @p1 .LBB2_49-.Ltmp26, $1  }
0x230: {  	_ =	sdelay $0x3  }
.LBB2_48:
0x231: {  	_ =	swait.ge [sflag:s19], $0x80  }
0x232: {  	[sflag:s19] =	ssyncset.done $0x0  }
0x233: {  	s13 =	smul.u32 $0x28, s16;
	[sflag:s19] =	ssyncadd.s32 $0xFFFFFF80  }
0x234: {  	_ =	swait.ge [sflag:s19], $0x80  }
0x235: {  	s13 =	sadd.s32 s13, s23;
	[sflag:s19] =	ssyncset.done $0x0  }
0x236: {  	s15 =	simm.s32 $0x300;
	s13 =	sshll.u32 s13, $0x4;
	[sflag:s19] =	ssyncadd.s32 $0xFFFFFF80  }
0x237: {  	[tilespmem:s15], [sflag:$0x4] =	stream.indirect.gather [hbm4b:s1+s20], $0x80, s3, s20, $0xb8;
	[tilespmem:$0x1B380] =	vst v63  }
0x238: {  	s28 =	simm.s32 $0x2B00;
	s13 =	sadd.s32 s5, s13  }
0x239: {  	[tilespmem:s28], [sflag:$0x6] =	stream.linear.gather [hbm4b:s13+s3], $0x1400, $0x38;
	[tilespmem:$0x1B380] =	vst v63  }
.LBB2_49:
0x23a: {  	_ =	swait.ge [sflag:s11], $0x1400  }
0x23b: {  	[sflag:s11] =	ssyncset.done $0x0  }
0x23c: {  	[sflag:s11] =	ssyncadd.s32 $0xFFFFEC00  }
0x23d: {  	_ =	swait.ge [sflag:s12], $0x1400  }
0x23e: {  	[sflag:s12] =	ssyncset.done $0x0  }
0x23f: {  	s13 =	simm.s32 $0x0;
	[sflag:s12] =	ssyncadd.s32 $0xFFFFEC00  }
0x240: {  	v1 =	vld [tilespmem:s13+$0x1770]  }
0x241: {  	v2 =	vld [tilespmem:s13+$0x3F70]  }
0x242: {  	v3 =	vld [tilespmem:s13+$0x1700]  }
0x243: {  	v4 =	vld [tilespmem:s13+$0x3F00]  }
0x244: {  	v5 =	vld [tilespmem:s13+$0x1710]  }
0x245: {  	v6 =	vld [tilespmem:s13+$0x3F10]  }
0x246: {  	v7 =	vld [tilespmem:s13+$0x1720]  }
0x247: {  	v1 =	vadd.f32 v2, v1;
	v2 =	vld [tilespmem:s13+$0x3F20]  }
0x248: {  	v8 =	vld [tilespmem:s13+$0x1730]  }
0x249: {  	v9 =	vld [tilespmem:s13+$0x3F30];
	v3 =	vadd.f32 v4, v3  }
0x24a: {  	v10 =	vld [tilespmem:s13+$0x1740];
	v1 =	vmax.f32 v1, $0.0e+00  }
0x24b: {  	[tilespmem:s13+$0x6770] =	vst v1;
	v1 =	vmax.f32 v3, $0.0e+00;
	v3 =	vadd.f32 v6, v5;
	v6 =	vld [tilespmem:s13+$0x3F40]  }
0x24c: {  	v4 =	vld [tilespmem:s13+$0x3F50];
	v2 =	vadd.f32 v2, v7  }
0x24d: {  	[tilespmem:s13+$0x6700] =	vst v1;
	v1 =	vld [tilespmem:s13+$0x1750];
	v3 =	vmax.f32 v3, $0.0e+00  }
0x24e: {  	v5 =	vld [tilespmem:s13+$0x3F60];
	v7 =	vadd.f32 v9, v8;
	[tilespmem:s13+$0x6710] =	vst v3;
	v3 =	vmax.f32 v2, $0.0e+00  }
0x24f: {  	s15 =	simm.s32 $0x80;
	v2 =	vld [tilespmem:s13+$0x1760];
	[tilespmem:s13+$0x6720] =	vst v3  }
0x250: {  	s21 =	simm.s32 $0x400;
	v7 =	vmax.f32 v7, $0.0e+00;
	v6 =	vadd.f32 v6, v10;
	v3 =	vld [tilespmem:s15+$0x1770]  }
.LBB2_50:
0x251: {  	p1 =	sne.s32 s21, $0x4E00;
	v8 =	vld [tilespmem:s15+$0x3F70];
	[tilespmem:s13+$0x6730] =	vst v7  }
0x252: {  	v7 =	vld [tilespmem:s15+$0x1700];
	v6 =	vmax.f32 v6, $0.0e+00;
	v1 =	vadd.f32 v4, v1  }
0x253: {  	v4 =	vld [tilespmem:s15+$0x3F00];
	[tilespmem:s13+$0x6740] =	vst v6  }
0x254: {  	v6 =	vld [tilespmem:s15+$0x1710];
	v1 =	vmax.f32 v1, $0.0e+00;
	v2 =	vadd.f32 v5, v2  }
0x255: {  	v5 =	vld [tilespmem:s15+$0x3F10];
	[tilespmem:s13+$0x6750] =	vst v1  }
0x256: {  	v1 =	vld [tilespmem:s15+$0x1720];
	v3 =	vadd.f32 v8, v3;
	v2 =	vmax.f32 v2, $0.0e+00  }
0x257: {  	v8 =	vld [tilespmem:s15+$0x3F20];
	[tilespmem:s13+$0x6760] =	vst v2;
	s13 =	smov.u32 s15  }
0x258: {  	v2 =	vadd.f32 v4, v7;
	v7 =	vld [tilespmem:s13+$0x1730];
	v3 =	vmax.f32 v3, $0.0e+00  }
0x259: {  	v9 =	vld [tilespmem:s13+$0x3F30];
	[tilespmem:s13+$0x6770] =	vst v3  }
0x25a: {  	v2 =	vmax.f32 v2, $0.0e+00;
	v3 =	vadd.f32 v5, v6;
	v6 =	vld [tilespmem:s13+$0x1740]  }
0x25b: {  	[tilespmem:s13+$0x6700] =	vst v2;
	v10 =	vld [tilespmem:s13+$0x3F40]  }
.Ltmp27:
0x25c: {  	v2 =	vmax.f32 v3, $0.0e+00;
	v3 =	vadd.f32 v8, v1;
	v1 =	vld [tilespmem:s13+$0x1750];
	(pc) =	sbr.rel @p1 .LBB2_50-.Ltmp27, $4  }
0x25d: {  	[tilespmem:s13+$0x6710] =	vst v2;
	v4 =	vld [tilespmem:s13+$0x3F50]  }
0x25e: {  	v3 =	vmax.f32 v3, $0.0e+00;
	v7 =	vadd.f32 v9, v7;
	v2 =	vld [tilespmem:s13+$0x1760]  }
0x25f: {  	s15 =	sshra.s32 s21, $0x2;
	[tilespmem:s13+$0x6720] =	vst v3;
	v5 =	vld [tilespmem:s13+$0x3F60]  }
0x260: {  	s21 =	sadd.s32 $0x200, s21;
	v3 =	vld [tilespmem:s15+$0x1770];
	v7 =	vmax.f32 v7, $0.0e+00;
	v6 =	vadd.f32 v10, v6  }
0x261: {  	v8 =	vld [tilespmem:s15+$0x3F70];
	[tilespmem:s13+$0x6730] =	vst v7  }
0x262: {  	v7 =	vld [tilespmem:s15+$0x1700];
	v6 =	vmax.f32 v6, $0.0e+00;
	v1 =	vadd.f32 v4, v1  }
0x263: {  	v9 =	vld [tilespmem:s15+$0x3F00];
	[tilespmem:s13+$0x6740] =	vst v6  }
0x264: {  	v57 =	vld [tilespmem:s15+$0x1710];
	v1 =	vmax.f32 v1, $0.0e+00;
	v2 =	vadd.f32 v5, v2  }
0x265: {  	v6 =	vld [tilespmem:s15+$0x3F10];
	[tilespmem:s13+$0x6750] =	vst v1  }
0x266: {  	v1 =	vld [tilespmem:s15+$0x1720];
	v2 =	vmax.f32 v2, $0.0e+00  }
0x267: {  	v58 =	vld [tilespmem:s15+$0x3F20];
	[tilespmem:s13+$0x6760] =	vst v2  }
0x268: {  	v2 =	vld [tilespmem:s15+$0x1730]  }
0x269: {  	v3 =	vadd.f32 v8, v3;
	v59 =	vld [tilespmem:s15+$0x3F30]  }
0x26a: {  	v7 =	vadd.f32 v9, v7;
	v60 =	vld [tilespmem:s15+$0x1740]  }
0x26b: {  	v3 =	vmax.f32 v3, $0.0e+00;
	v61 =	vld [tilespmem:s15+$0x1750]  }
0x26c: {  	v62 =	vld [tilespmem:s15+$0x3F50];
	[tilespmem:s15+$0x6770] =	vst v3;
	v3 =	vmax.f32 v7, $0.0e+00;
	v1 =	vadd.f32 v58, v1  }
0x26d: {  	[tilespmem:s15+$0x6700] =	vst v3;
	v3 =	vld [tilespmem:s15+$0x3F40]  }
0x26e: {  	v63 =	vld [tilespmem:s15+$0x1760];
	v1 =	vmax.f32 v1, $0.0e+00  }
0x26f: {  	[tilespmem:s15+$0x6720] =	vst v1;
	v1 =	vld [tilespmem:s15+$0x3F60]  }
0x270: {  	v4 =	vadd.f32 v6, v57  }
0x271: {  	v2 =	vadd.f32 v59, v2  }
0x272: {  	v4 =	vmax.f32 v4, $0.0e+00;
	v3 =	vadd.f32 v3, v60  }
0x273: {  	[tilespmem:s15+$0x6710] =	vst v4;
	v4 =	vadd.f32 v62, v61;
	v2 =	vmax.f32 v2, $0.0e+00  }
.Ltmp28:
0x274: {  	[tilespmem:s15+$0x6730] =	vst v2;
	v2 =	vmax.f32 v3, $0.0e+00;
	v1 =	vadd.f32 v1, v63;
	(pc) =	sbr.rel .LBB2_52-.Ltmp28, $4  }
0x275: {  	[tilespmem:s15+$0x6740] =	vst v2;
	v2 =	vmax.f32 v4, $0.0e+00  }
0x276: {  	[tilespmem:s15+$0x6750] =	vst v2;
	v1 =	vmax.f32 v1, $0.0e+00  }
0x277: {  	s28 =	simm.s32 $0x280;
	[tilespmem:s15+$0x6760] =	vst v1  }
0x278: {  	[spmem:s2] =	stream.indirect.scatter.add.f32 [tilespmem:s14], [sflag:$0x9], $0x80, s28, s20, $0xb8;
	[tilespmem:$0x1B380] =	vst v63  }
.LBB2_25:
0x279: {  	p3 =	sne.s32 s13, $0x0;
	p2 =	seq.s32 s15, $0x1  }
0x27a: {  	p4 =	por p3, !p2  }
.Ltmp29:
0x27b: {  	_ = 	snop;
	(pc) =	sbr.rel @p4 .LBB2_26-.Ltmp29, $2  }
0x27c: {  	_ =	sdelay $0x2  }
0x27d: {  	p1 =	seq.s32 s13, $0x2  }
0x27e: {  	p2 =	sgt.u32 s16, $0xF7  }
.Ltmp30:
0x27f: {  	_ = 	snop;
	(pc) =	sbr.rel @p2 .LBB2_29-.Ltmp30, $4  }
0x280: {  	_ = 	snop  }
0x281: {  	_ =	swait.ge [sflag:s10], $0x1400  }
0x282: {  	[sflag:s10] =	ssyncset.done $0x0  }
0x283: {  	[sflag:s10] =	ssyncadd.s32 $0xFFFFEC00  }
0x284: {  	s13 =	sadd.s32 $0x2, s16  }
0x285: {  	s15 =	sadd.s32 s8, s13  }
0x286: {  	s15 =	sshll.u32 s15, $0x4  }
.Ltmp31:
0x287: {  	s13 =	sadd.s32 s9, s13;
	s15 =	sand.u32 $0xFFFFFF0, s15;
	(pc) =	sbr.rel .LBB2_30-.Ltmp31, $4  }
0x288: {  	s13 =	sshll.u32 s13, $0x4;
	s15 =	sadd.s32 s6, s15  }
0x289: {  	[tilespmem:s25], [sflag:$0x3] =	stream.linear.gather [hbm4b:s15+s3], $0x80, $0x38;
	[tilespmem:$0x1B380] =	vst v63  }
0x28a: {  	s28 =	simm.s32 $0x280;
	s13 =	sadd.s32 s7, s13  }
0x28b: {  	[tilespmem:s28], [sflag:$0x3] =	stream.linear.gather [hbm4b:s13+s3], $0x80, $0x38;
	[tilespmem:$0x1B380] =	vst v63  }
.LBB2_26:
.Ltmp32:
0x28c: {  	(pc) =	sbr.rel .LBB2_23-.Ltmp32, $2  }
0x28d: {  	_ =	sdelay $0x2  }
0x28e: {  	p2 =	por @!p3 p2, p2;
	p1 =	por @!p3 p1, p1  }
.LBB2_29:
0x28f: {  	p2 =	seq.s32 s16, $0xF9  }
.Ltmp33:
0x290: {  	_ = 	snop;
	(pc) =	sbr.rel @p2 .LBB2_31-.Ltmp33, $1  }
0x291: {  	_ =	sdelay $0x3  }
.LBB2_30:
0x292: {  	_ =	swait.ge [sflag:s24], $0x80  }
0x293: {  	[sflag:s24] =	ssyncset.done $0x0  }
0x294: {  	s13 =	smul.u32 $0x28, s16;
	[sflag:s24] =	ssyncadd.s32 $0xFFFFFF80  }
0x295: {  	_ =	swait.ge [sflag:s24], $0x80  }
0x296: {  	s15 =	simm.s32 $0x80;
	s13 =	sadd.s32 s13, s23;
	[sflag:s24] =	ssyncset.done $0x0  }
0x297: {  	s21 =	simm.s32 $0x300;
	s13 =	sshll.u32 s13, $0x4;
	[sflag:s24] =	ssyncadd.s32 $0xFFFFFF80  }
0x298: {  	[tilespmem:s21], [sflag:$0x4] =	stream.indirect.gather [hbm4b:s1+s20], $0x80, s15, s20, $0xb8;
	[tilespmem:$0x1B380] =	vst v63  }
0x299: {  	s28 =	simm.s32 $0x2B00;
	s13 =	sadd.s32 s5, s13  }
0x29a: {  	[tilespmem:s28], [sflag:$0x6] =	stream.linear.gather [hbm4b:s13+s3], $0x1400, $0x38;
	[tilespmem:$0x1B380] =	vst v63  }
.LBB2_31:
0x29b: {  	_ =	swait.ge [sflag:s11], $0x1400  }
0x29c: {  	p3 =	por $0x0, $0x0;
	[sflag:s11] =	ssyncset.done $0x0  }
.Ltmp34:
0x29d: {  	[sflag:s11] =	ssyncadd.s32 $0xFFFFEC00;
	(pc) =	sbr.rel @p3 .LBB2_32-.Ltmp34, $4  }
0x29e: {  	_ =	swait.ge [sflag:s12], $0x1400  }
0x29f: {  	[sflag:s12] =	ssyncset.done $0x0  }
0x2a0: {  	s13 =	simm.s32 $0x0;
	[sflag:s12] =	ssyncadd.s32 $0xFFFFEC00  }
0x2a1: {  	p2 =	por $0x0, $0x0;
	v1 =	vld [tilespmem:s13+$0x1770]  }
0x2a2: {  	v2 =	vld [tilespmem:s13+$0x3F70]  }
0x2a3: {  	v3 =	vld [tilespmem:s13+$0x1700]  }
0x2a4: {  	v4 =	vld [tilespmem:s13+$0x3F00]  }
0x2a5: {  	v5 =	vld [tilespmem:s13+$0x1710]  }
0x2a6: {  	v6 =	vld [tilespmem:s13+$0x3F10]  }
0x2a7: {  	v7 =	vld [tilespmem:s13+$0x1720]  }
0x2a8: {  	v8 =	vld [tilespmem:s13+$0x3F20]  }
0x2a9: {  	v9 =	vld [tilespmem:s13+$0x1730];
	v1 =	vadd.f32 v2, v1  }
0x2aa: {  	v10 =	vld [tilespmem:s13+$0x3F30];
	v2 =	vadd.f32 v4, v3  }
0x2ab: {  	v11 =	vld [tilespmem:s13+$0x1740];
	v1 =	vmax.f32 v1, $0.0e+00  }
0x2ac: {  	p3 =	por $0x0, $0x0;
	[tilespmem:s13+$0x6770] =	vst v1;
	v1 =	vmax.f32 v2, $0.0e+00;
	v2 =	vadd.f32 v6, v5;
	v6 =	vld [tilespmem:s13+$0x3F40]  }
.Ltmp35:
0x2ad: {  	v3 =	vadd.f32 v8, v7;
	v4 =	vld [tilespmem:s13+$0x3F50];
	(pc) =	sbr.rel @p3 .LBB2_35-.Ltmp35, $4  }
0x2ae: {  	[tilespmem:s13+$0x6700] =	vst v1;
	v1 =	vmax.f32 v2, $0.0e+00;
	v2 =	vld [tilespmem:s13+$0x1750]  }
0x2af: {  	v7 =	vadd.f32 v10, v9;
	v5 =	vld [tilespmem:s13+$0x3F60];
	[tilespmem:s13+$0x6710] =	vst v1;
	v1 =	vmax.f32 v3, $0.0e+00  }
0x2b0: {  	s15 =	simm.s32 $0x80;
	v3 =	vld [tilespmem:s13+$0x1760];
	[tilespmem:s13+$0x6720] =	vst v1  }
0x2b1: {  	s21 =	simm.s32 $0x400;
	p2 =	por $0x1, $0x1;
	v7 =	vmax.f32 v7, $0.0e+00;
	v1 =	vld [tilespmem:s15+$0x1770];
	v6 =	vadd.f32 v6, v11  }
.LBB2_34:
0x2b2: {  	p3 =	seq.s32 s21, $0x4E00;
	v8 =	vld [tilespmem:s15+$0x3F70];
	[tilespmem:s13+$0x6730] =	vst v7  }
0x2b3: {  	v7 =	vld [tilespmem:s15+$0x1700];
	v6 =	vmax.f32 v6, $0.0e+00;
	v2 =	vadd.f32 v4, v2  }
0x2b4: {  	v4 =	vld [tilespmem:s15+$0x3F00];
	[tilespmem:s13+$0x6740] =	vst v6  }
0x2b5: {  	v6 =	vld [tilespmem:s15+$0x1710];
	v2 =	vmax.f32 v2, $0.0e+00;
	v3 =	vadd.f32 v5, v3  }
0x2b6: {  	v5 =	vld [tilespmem:s15+$0x3F10];
	[tilespmem:s13+$0x6750] =	vst v2  }
0x2b7: {  	v2 =	vld [tilespmem:s15+$0x1720];
	v1 =	vadd.f32 v8, v1;
	v3 =	vmax.f32 v3, $0.0e+00  }
0x2b8: {  	v8 =	vld [tilespmem:s15+$0x3F20];
	[tilespmem:s13+$0x6760] =	vst v3;
	s13 =	smov.u32 s15  }
0x2b9: {  	v3 =	vadd.f32 v4, v7;
	v7 =	vld [tilespmem:s13+$0x1730];
	v1 =	vmax.f32 v1, $0.0e+00  }
0x2ba: {  	v9 =	vld [tilespmem:s13+$0x3F30];
	[tilespmem:s13+$0x6770] =	vst v1  }
0x2bb: {  	v1 =	vmax.f32 v3, $0.0e+00;
	v3 =	vadd.f32 v5, v6;
	v6 =	vld [tilespmem:s13+$0x1740]  }
0x2bc: {  	[tilespmem:s13+$0x6700] =	vst v1;
	v10 =	vld [tilespmem:s13+$0x3F40]  }
.Ltmp36:
0x2bd: {  	v1 =	vmax.f32 v3, $0.0e+00;
	v3 =	vadd.f32 v8, v2;
	v2 =	vld [tilespmem:s13+$0x1750];
	(pc) =	sbr.rel @!p3 .LBB2_34-.Ltmp36, $4  }
0x2be: {  	[tilespmem:s13+$0x6710] =	vst v1;
	v4 =	vld [tilespmem:s13+$0x3F50]  }
0x2bf: {  	v1 =	vmax.f32 v3, $0.0e+00;
	v7 =	vadd.f32 v9, v7;
	v3 =	vld [tilespmem:s13+$0x1760]  }
0x2c0: {  	s15 =	sshra.s32 s21, $0x2;
	[tilespmem:s13+$0x6720] =	vst v1;
	v5 =	vld [tilespmem:s13+$0x3F60]  }
0x2c1: {  	s21 =	sadd.s32 $0x200, s21;
	v1 =	vld [tilespmem:s15+$0x1770];
	v7 =	vmax.f32 v7, $0.0e+00;
	v6 =	vadd.f32 v10, v6  }
.LBB2_35:
0x2c2: {  	v8 =	vld [tilespmem:s15+$0x3F70];
	[tilespmem:s13+$0x6730] =	vst @p2 v7  }
0x2c3: {  	v7 =	vld [tilespmem:s15+$0x1700];
	v6 =	vmax.f32 @p2 v6, $0.0e+00;
	v2 =	vadd.f32 @p2 v4, v2  }
0x2c4: {  	v9 =	vld [tilespmem:s15+$0x3F00];
	[tilespmem:s13+$0x6740] =	vst @p2 v6  }
0x2c5: {  	v57 =	vld [tilespmem:s15+$0x1710];
	v2 =	vmax.f32 @p2 v2, $0.0e+00;
	v3 =	vadd.f32 @p2 v5, v3  }
0x2c6: {  	v6 =	vld [tilespmem:s15+$0x3F10];
	[tilespmem:s13+$0x6750] =	vst @p2 v2  }
0x2c7: {  	v2 =	vld [tilespmem:s15+$0x1720];
	v3 =	vmax.f32 @p2 v3, $0.0e+00  }
0x2c8: {  	v58 =	vld [tilespmem:s15+$0x3F20];
	[tilespmem:s13+$0x6760] =	vst @p2 v3  }
0x2c9: {  	v3 =	vld [tilespmem:s15+$0x1730]  }
0x2ca: {  	v1 =	vadd.f32 v8, v1;
	v59 =	vld [tilespmem:s15+$0x3F30]  }
0x2cb: {  	v7 =	vadd.f32 v9, v7;
	v60 =	vld [tilespmem:s15+$0x1740]  }
0x2cc: {  	v1 =	vmax.f32 v1, $0.0e+00;
	v61 =	vld [tilespmem:s15+$0x1750]  }
0x2cd: {  	v62 =	vld [tilespmem:s15+$0x3F50];
	[tilespmem:s15+$0x6770] =	vst v1;
	v1 =	vmax.f32 v7, $0.0e+00;
	v2 =	vadd.f32 v58, v2  }
0x2ce: {  	[tilespmem:s15+$0x6700] =	vst v1;
	v1 =	vld [tilespmem:s15+$0x3F40]  }
0x2cf: {  	v63 =	vld [tilespmem:s15+$0x1760];
	v2 =	vmax.f32 v2, $0.0e+00  }
0x2d0: {  	[tilespmem:s15+$0x6720] =	vst v2;
	v2 =	vld [tilespmem:s15+$0x3F60]  }
0x2d1: {  	v4 =	vadd.f32 v6, v57  }
0x2d2: {  	v3 =	vadd.f32 v59, v3  }
0x2d3: {  	v4 =	vmax.f32 v4, $0.0e+00;
	v1 =	vadd.f32 v1, v60  }
.Ltmp37:
0x2d4: {  	[tilespmem:s15+$0x6710] =	vst v4;
	v4 =	vadd.f32 v62, v61;
	v3 =	vmax.f32 v3, $0.0e+00;
	(pc) =	sbr.rel .LBB2_43-.Ltmp37, $4  }
0x2d5: {  	[tilespmem:s15+$0x6730] =	vst v3;
	v1 =	vmax.f32 v1, $0.0e+00;
	v2 =	vadd.f32 v2, v63  }
0x2d6: {  	[tilespmem:s15+$0x6740] =	vst v1;
	v1 =	vmax.f32 v4, $0.0e+00  }
0x2d7: {  	[tilespmem:s15+$0x6750] =	vst v1;
	v1 =	vmax.f32 v2, $0.0e+00  }
0x2d8: {  	p2 =	por $0x1, $0x1;
	s13 =	simm.s32 $0x180;
	[tilespmem:s15+$0x6760] =	vst v1  }
.LBB2_14:
.Ltmp38:
0x2d9: {  	(pc) =	sbr.rel .LBB2_17-.Ltmp38, $2  }
0x2da: {  	_ =	sdelay $0x2  }
0x2db: {  	s21 =	simm.s32 $0x0  }
.LBB2_32:
.Ltmp39:
0x2dc: {  	(pc) =	sbr.rel .LBB2_35-.Ltmp39, $2  }
0x2dd: {  	_ =	sdelay $0x2  }
0x2de: {  	s15 =	simm.s32 $0x0  }
.LBB2_54:
0x2df: {  	_ =	sfence.sel $0x180000  }
0x2e0: {  	[bflag:$0x0] =	sbarrier.arrive $0xFFFF  }
0x2e1: {  	_ =	strace $0x90000047  }
0x2e2: {  	s0 =	stileid.u32;
	[bflag:$0x2] =	sbarrier.arrive $0xFFFF  }
0x2e3: {  	p0 =	sne.s32 s0, $0x0;
	s0 =	rddreg [dreg:$0x3]  }
0x2e4: {  	s0 =	sadd.s32 @!p0 $0x100000, s0  }
0x2e5: {  	[sflag:s0] =	ssyncadd.tile.s32 @!p0 $0x1;
	_ =	shalt  }
.Lfunc_end2:
_tile_overlayer_lowered:
.L_overlay_start_2:
0x2e6: {  	(tag) =	ssettag $0x2  }
0x2e7: {  	s0 =	rddreg [dreg:$0x0];
	s2 =	stileid.u32  }
0x2e8: {  	s1 =	rddreg [dreg:$0x1];
	p0 =	sne.s32 s2, $0x0  }
0x2e9: {  	s3 =	rddreg [dreg:$0x2];
	[bflag:$0x3] =	sbarrier.arrive $0xFFFF;
	s2 =	simm.s32 @!p0 $0x1C0A  }
0x2ea: {  	[timem:s3], [sflag:s2] =	dma.local @!p0 [hbm:s0], s1  }
0x2eb: {  	s0 =	simm.s32 @!p0 $0xA  }
0x2ec: {  	_ =	swait.ge @!p0 [sflag:s0], s1  }
0x2ed: {  	s1 =	ssub.s32 @!p0 $0x0, s1;
	[sflag:s0] =	ssyncset.done @!p0 $0x0  }
0x2ee: {  	[sflag:s0] =	ssyncadd.s32 @!p0 s1  }
0x2ef: {  	[bflag:$0x3] =	sbarrier.arrive $0xFFFF  }
0x2f0: {  	_ =	shalt  }

</sc_bundles>
